<compile_context>
chip_gen: v7x
topology: tpu7x:2x2x1
jax: 0.10.2.dev20260603
libtpu: 0.0.44.dev20260713+nightly
codegen_flags: <defaults>
</compile_context>

<pallas_src>
import functools

import jax
import jax.numpy as jnp
import numpy as np
from jax import lax
from jax.experimental import pallas as pl
from jax.experimental.pallas import tpu as pltpu
from jax.experimental.pallas import tpu_sc as plsc

A = 8
B = 1024
OBS = 512
H = 512
D = 64
CAP = 100000
K = 50
DELTA = 1e-3

CHUNK = 128
CT = 2048
CPB = CT // CHUNK
NCB = (CAP + CT - 1) // CT
CAPP = NCB * CT
NC = CAPP // CHUNK
NCP = 896
ROWS = A * B
BIG = 1e10

NWORKERS = 32
RPW = ROWS // NWORKERS
CHUNK_CAP = 64
CAND_CAP = 128
IMIN = np.int32(-2147483648)
IMAXP = np.int32(2147483647)


def _mlp_body(obs, w1, b1, w2, b2, keys_out, qsq_out):
    h = jnp.maximum(
        jnp.dot(obs[...], w1[...], preferred_element_type=jnp.float32) + b1[...],
        0.0)
    kk = jnp.dot(h, w2[...], preferred_element_type=jnp.float32) + b2[...]
    keys_out[...] = kk
    qsq_out[...] = jnp.sum(kk * kk, axis=1, keepdims=True)


def _dist_body(keys, qsq, memk, d2_out, min_out, min_acc):
    mk = memk[0]
    m_sq = jnp.sum(mk * mk, axis=1)
    g = lax.dot_general(keys[...], mk, (((1,), (1,)), ((), ())),
                        preferred_element_type=jnp.float32)
    d2 = qsq[...] + m_sq[None, :] - 2.0 * g
    c = pl.program_id(1)
    for k in range(CPB):
        d2_out[:, 0, pl.ds(k * 8, 8), :] = (
            d2[:, k * CHUNK:(k + 1) * CHUNK].reshape(B // 8, 8, CHUNK))
    mins = [jnp.min(d2[:, k * CHUNK:(k + 1) * CHUNK], axis=1, keepdims=True)
            for k in range(CPB)]
    mins16 = jnp.concatenate(mins, axis=1)
    nslot = 128 // CPB
    tiled = jnp.concatenate([mins16] * nslot, axis=1)
    slotlane = lax.broadcasted_iota(jnp.int32, (B, 128), 1) // CPB
    min_acc[...] = jnp.where(slotlane == c % nslot, tiled, min_acc[...])

    @pl.when(c % nslot == nslot - 1)
    def _():
        off = pl.multiple_of((c // nslot) * 128, 128)
        min_out[0, :, pl.ds(off, 128)] = min_acc[...]

    @pl.when(c == NCB - 1)
    def _():
        off = pl.multiple_of((c // nslot) * 128, 128)
        pad = lax.broadcasted_iota(jnp.int32, (B, 128), 1) // CPB > c % nslot
        min_out[0, :, pl.ds(off, 128)] = jnp.where(pad, BIG, min_acc[...])


def _mono(b):
    return jnp.where(b < 0, b ^ IMAXP, b)


def _tau_body(min_in, tau_out):
    mm = min_in[0]
    mono = _mono(lax.bitcast_convert_type(mm, jnp.int32))
    p_u = jnp.zeros((B, 1), jnp.int32)
    for bit in range(31, -1, -1):
        bitpat = IMIN if bit == 31 else np.int32(1 << bit)
        cand_u = p_u | bitpat
        cand_s = cand_u ^ IMIN
        cnt = jnp.sum((mono < cand_s).astype(jnp.int32), axis=1, keepdims=True)
        p_u = jnp.where(cnt >= K, p_u, cand_u)
    t_s = p_u ^ IMIN
    tau = lax.bitcast_convert_type(_mono(t_s), jnp.float32)
    tau_out[0] = jnp.broadcast_to(tau, (B, 16))


_SC_MESH = plsc.VectorSubcoreMesh(core_axis_name="c", subcore_axis_name="s")


@functools.partial(
    pl.kernel,
    out_type=jax.ShapeDtypeStruct((ROWS,), jnp.float32),
    mesh=_SC_MESH,
    compiler_params=pltpu.CompilerParams(needs_layout_passes=False),
    scratch_types=[
        pltpu.VMEM((NCP,), jnp.float32),
        pltpu.VMEM((NCP,), jnp.float32),
        pltpu.VMEM((32,), jnp.float32),
        pltpu.VMEM((CHUNK_CAP + 16,), jnp.int32),
        pltpu.VMEM((CHUNK_CAP + 16,), jnp.int32),
        pltpu.VMEM((CHUNK_CAP,), jnp.int32),
        pltpu.VMEM((CHUNK_CAP,), jnp.int32),
        pltpu.VMEM((CHUNK_CAP,), jnp.int32),
        pltpu.VMEM((CHUNK_CAP,), jnp.int32),
        pltpu.VMEM((CHUNK_CAP, CHUNK), jnp.float32),
        pltpu.VMEM((CHUNK_CAP, CHUNK), jnp.float32),
        pltpu.VMEM((CHUNK_CAP, CHUNK), jnp.float32),
        pltpu.VMEM((CHUNK_CAP, CHUNK), jnp.float32),
        pltpu.VMEM((CAND_CAP + 16,), jnp.float32),
        pltpu.VMEM((CAND_CAP + 16,), jnp.float32),
        pltpu.VMEM((CAND_CAP,), jnp.int32),
        pltpu.VMEM((RPW + 16,), jnp.float32),
        pltpu.SemaphoreType.DMA,
        pltpu.SemaphoreType.DMA,
        pltpu.SemaphoreType.DMA,
        pltpu.SemaphoreType.DMA,
        pltpu.SemaphoreType.DMA,
        pltpu.SemaphoreType.DMA,
    ],
)
def _sc_select(d2tab, vtab, mintab, tautab, out_hbm,
               min_buf0, min_buf1, tau_buf, cid_buf0, cid_buf1,
               gid_buf0, gid_buf1, vid_buf0, vid_buf1,
               d2g0, d2g1, vg0, vg1, cd2, cv, mono_buf, out_buf,
               semm0, semm1, semd0, semd1, semv0, semv1):
    wid = lax.axis_index("s") * 2 + lax.axis_index("c")
    base_row = wid * RPW
    lane = lax.broadcasted_iota(jnp.int32, (16,), 0)

    def scan_and_gather(r, min_buf, tau_vec, cid_buf, gid_buf, vid_buf,
                        d2g, vg, semd, semv):
        padv = jnp.int32(NC - 2) + lane % 2
        for j in range(CHUNK_CAP // 16 + 1):
            cid_buf[pl.ds(j * 16, 16)] = padv

        def scan_fn(j, cur):
            m = min_buf[pl.ds(j * 16, 16)]
            msk = m <= tau_vec
            ids = lane + j * 16
            plsc.store_compressed(cid_buf.at[pl.ds(cur, 16)], ids, mask=msk)
            return jnp.minimum(cur + jnp.sum(msk.astype(jnp.int32)),
                               CHUNK_CAP)

        lax.fori_loop(0, NCP // 16, scan_fn, jnp.int32(0))

        a = r // B
        b = r % B
        dbase = (a * 128 + b // 8) * (NCB * CPB * 8) + b % 8
        abase = a * NC
        for j in range(CHUNK_CAP // 16):
            cidv = cid_buf[pl.ds(j * 16, 16)]
            gid_buf[pl.ds(j * 16, 16)] = (dbase + (cidv // CPB) * (CPB * 8)
                                          + (cidv % CPB) * 8)
            vid_buf[pl.ds(j * 16, 16)] = cidv + abase
        cp1 = pltpu.async_copy(d2tab.at[gid_buf], d2g, semd)
        cp2 = pltpu.async_copy(vtab.at[vid_buf], vg, semv)
        return cp1, cp2

    def select_row(i, tau_vec, d2g, vg):
        inf16 = jnp.full((16,), 3e38, jnp.float32)
        z16 = jnp.zeros((16,), jnp.float32)
        for j in range(CAND_CAP // 16 + 1):
            cd2[pl.ds(j * 16, 16)] = inf16
            cv[pl.ds(j * 16, 16)] = z16

        def filt_fn(jj, cur):
            c2 = cur
            for kk in range(CHUNK // 16):
                dv = d2g[jj, pl.ds(kk * 16, 16)]
                vv = vg[jj, pl.ds(kk * 16, 16)]
                msk = dv <= tau_vec
                plsc.store_compressed(cd2.at[pl.ds(c2, 16)], dv, mask=msk)
                plsc.store_compressed(cv.at[pl.ds(c2, 16)], vv, mask=msk)
                c2 = jnp.minimum(c2 + jnp.sum(msk.astype(jnp.int32)), CAND_CAP)
            return c2

        lax.fori_loop(0, CHUNK_CAP, filt_fn, jnp.int32(0))

        for j in range(CAND_CAP // 16):
            bb = plsc.bitcast(cd2[pl.ds(j * 16, 16)], jnp.int32)
            mono_buf[pl.ds(j * 16, 16)] = jnp.where(bb < 0, bb ^ IMAXP, bb)

        def bit_fn(t, p_u):
            cand_u = p_u | (jnp.int32(1) << (31 - t))
            cs = jnp.full((16,), cand_u ^ IMIN, jnp.int32)
            cnt = jnp.int32(0)
            for j in range(CAND_CAP // 16):
                mv = mono_buf[pl.ds(j * 16, 16)]
                cnt = cnt + jnp.sum((mv < cs).astype(jnp.int32))
            return jnp.where(cnt >= K, p_u, cand_u)

        p_u = lax.fori_loop(0, 32, bit_fn, jnp.int32(0))
        t50v = jnp.full((16,), p_u ^ IMIN, jnp.int32)

        c_less = jnp.int32(0)
        for j in range(CAND_CAP // 16):
            mv = mono_buf[pl.ds(j * 16, 16)]
            c_less = c_less + jnp.sum((mv < t50v).astype(jnp.int32))
        need = jnp.full((16,), K - c_less, jnp.int32)

        sv = jnp.zeros((16,), jnp.float32)
        wv = jnp.zeros((16,), jnp.float32)
        ceq = jnp.int32(0)
        for j in range(CAND_CAP // 16):
            mv = mono_buf[pl.ds(j * 16, 16)]
            dv = cd2[pl.ds(j * 16, 16)]
            vv = cv[pl.ds(j * 16, 16)]
            lt = mv < t50v
            eq = mv == t50v
            pr = plsc.cumsum(eq.astype(jnp.int32)) + ceq
            inc = lt | (eq & (pr <= need))
            w = 1.0 / (jnp.maximum(dv, 0.0) + DELTA)
            sv = sv + jnp.where(inc, w * vv, 0.0)
            wv = wv + jnp.where(inc, w, 0.0)
            ceq = ceq + jnp.sum(eq.astype(jnp.int32))
        res = (jnp.full((16,), jnp.sum(sv), jnp.float32)
               / jnp.full((16,), jnp.sum(wv), jnp.float32))
        plsc.store_compressed(out_buf.at[pl.ds(i, 16)], res, mask=lane == 0)

    def pair_fn(ip, carry):
        i0 = 2 * ip
        r0 = base_row + i0
        cpm0 = pltpu.async_copy(mintab.at[pl.ds(r0 * NCP, NCP)], min_buf0,
                                semm0)
        cpm1 = pltpu.async_copy(mintab.at[pl.ds((r0 + 1) * NCP, NCP)],
                                min_buf1, semm1)
        pltpu.sync_copy(tautab.at[pl.ds(r0 * 16, 32)], tau_buf)
        tau0 = tau_buf[pl.ds(0, 16)]
        tau1 = tau_buf[pl.ds(16, 16)]
        cpm0.wait()
        g0a, g0b = scan_and_gather(r0, min_buf0, tau0, cid_buf0, gid_buf0,
                                   vid_buf0, d2g0, vg0, semd0, semv0)
        cpm1.wait()
        g1a, g1b = scan_and_gather(r0 + 1, min_buf1, tau1, cid_buf1, gid_buf1,
                                   vid_buf1, d2g1, vg1, semd1, semv1)
        g0a.wait()
        g0b.wait()
        select_row(i0, tau0, d2g0, vg0)
        g1a.wait()
        g1b.wait()
        select_row(i0 + 1, tau1, d2g1, vg1)
        return carry

    lax.fori_loop(0, RPW // 2, pair_fn, jnp.int32(0))
    pltpu.sync_copy(out_buf.at[pl.ds(0, RPW)], out_hbm.at[pl.ds(base_row, RPW)])


def kernel(observations, W1, b1, W2, b2, dnd_keys, dnd_values):
    keys, qsq = pl.pallas_call(
        _mlp_body,
        out_shape=(jax.ShapeDtypeStruct((B, D), jnp.float32),
                   jax.ShapeDtypeStruct((B, 1), jnp.float32)),
    )(observations, W1, b1.reshape(1, H), W2, b2.reshape(1, D))

    d2, minima = pl.pallas_call(
        _dist_body,
        grid=(A, NCB),
        in_specs=[
            pl.BlockSpec((B, D), lambda a, c: (0, 0)),
            pl.BlockSpec((B, 1), lambda a, c: (0, 0)),
            pl.BlockSpec((1, CT, D), lambda a, c: (a, c, 0)),
        ],
        out_specs=[
            pl.BlockSpec((B // 8, 1, CPB * 8, CHUNK), lambda a, c: (a, c, 0, 0)),
            pl.BlockSpec((1, B, NCP), lambda a, c: (a, 0, 0)),
        ],
        out_shape=(jax.ShapeDtypeStruct((A * B // 8, NCB, CPB * 8, CHUNK),
                                        jnp.float32),
                   jax.ShapeDtypeStruct((A, B, NCP), jnp.float32)),
        scratch_shapes=[pltpu.VMEM((B, 128), jnp.float32)],
        compiler_params=pltpu.CompilerParams(
            dimension_semantics=("parallel", "arbitrary")),
    )(keys, qsq,
      jnp.pad(dnd_keys, ((0, 0), (0, CAPP - CAP), (0, 0)),
              constant_values=1e5))

    tau = pl.pallas_call(
        _tau_body,
        grid=(A,),
        in_specs=[pl.BlockSpec((1, B, NCP), lambda a: (a, 0, 0))],
        out_specs=pl.BlockSpec((1, B, 16), lambda a: (a, 0, 0)),
        out_shape=jax.ShapeDtypeStruct((A, B, 16), jnp.float32),
        compiler_params=pltpu.CompilerParams(
            dimension_semantics=("parallel",)),
    )(minima)

    vals_tab = jnp.pad(dnd_values, ((0, 0), (0, CAPP - CAP))).reshape(
        A * NC, CHUNK)
    out_flat = _sc_select(
        d2.reshape(ROWS * NC, CHUNK), vals_tab,
        minima.reshape(ROWS * NCP), tau.reshape(ROWS * 16))
    return out_flat.reshape(A, B).T

# --- scband reference (transcript-rebuilt; emitter-appended) ---
"""Pipeline reference for scband-nec-38259568673027 (READ-ONLY COPY).

The authoritative reference and input builder live on the scoring server;
editing this copy changes nothing except your own understanding.
"""

import jax, jax.numpy as jnp
import numpy as np

A = 8          # num_actions
B = 1024       # batch of observations
OBS = 512      # observation dim
H = 512        # embedding net hidden dim
D = 64         # key size
CAP = 100000   # DND capacity per action
K = 50         # num_neighbors
DELTA = 1e-3   # kernel delta


def setup_inputs(seed: int = 0) -> dict:
    key = jax.random.key(seed)
    ks = jax.random.split(key, 8)
    observations = jax.random.normal(ks[0], (B, OBS), dtype=jnp.float32)
    W1 = jax.random.normal(ks[1], (OBS, H), dtype=jnp.float32) * (1.0 / np.sqrt(OBS))
    b1 = jnp.zeros((H,), dtype=jnp.float32)
    W2 = jax.random.normal(ks[2], (H, D), dtype=jnp.float32) * (1.0 / np.sqrt(H))
    b2 = jnp.zeros((D,), dtype=jnp.float32)
    dnd_keys = jax.random.normal(ks[3], (A, CAP, D), dtype=jnp.float32)
    dnd_values = jax.random.normal(ks[4], (A, CAP), dtype=jnp.float32)
    return {
        "observations": observations,
        "W1": W1, "b1": b1, "W2": W2, "b2": b2,
        "dnd_keys": dnd_keys, "dnd_values": dnd_values,
    }


def reference(observations, W1, b1, W2, b2, dnd_keys, dnd_values):
    # embedding_net: 2-layer MLP producing lookup keys
    h = jnp.maximum(observations @ W1 + b1, 0.0)
    keys = h @ W2 + b2                       # [B, D]
    q_sq = jnp.sum(keys * keys, axis=1)      # [B]

    def dnd(mem_k, mem_v):
        # mem_k: [CAP, D], mem_v: [CAP]
        m_sq = jnp.sum(mem_k * mem_k, axis=1)                    # [CAP]
        d2 = q_sq[:, None] + m_sq[None, :] - 2.0 * (keys @ mem_k.T)  # [B, CAP]
        neg_top, idx = jax.lax.top_k(-d2, K)                     # nearest K
        dist = jnp.maximum(-neg_top, 0.0)                        # [B, K]
        kern = 1.0 / (dist + DELTA)                              # inverse-distance kernel
        w = kern / jnp.sum(kern, axis=1, keepdims=True)          # [B, K]
        v = mem_v[idx]                                           # [B, K] gather
        return jnp.sum(w * v, axis=1)                            # [B]

    qs = jax.vmap(dnd)(dnd_keys, dnd_values)  # [A, B] (stack over dnds)
    return qs.T                                # [B, A] (.T as in torch forward)

if __name__ == "__main__":
    import jax
    _d = setup_inputs()
    print(jax.jit(kernel)(*tuple(_d.values())))

</pallas_src>

<mosaic_0001>
#map = affine_map<(d0, d1) -> (0, 0)>
#map1 = affine_map<(d0, d1) -> (0)>
module attributes {stable_mosaic.version = 14 : i64} {
  func.func @_sc_select(%arg0: i32, %arg1: i32, %arg2: memref<6422528x128xf32, #tpu.memory_space<hbm>>, %arg3: memref<6272x128xf32, #tpu.memory_space<hbm>>, %arg4: memref<7340032xf32, #tpu.memory_space<hbm>>, %arg5: memref<131072xf32, #tpu.memory_space<hbm>>, %arg6: memref<8192xf32, #tpu.memory_space<hbm>>, %arg7: memref<896xf32, #tpu.memory_space<vmem>>, %arg8: memref<896xf32, #tpu.memory_space<vmem>>, %arg9: memref<32xf32, #tpu.memory_space<vmem>>, %arg10: memref<80xi32, #tpu.memory_space<vmem>>, %arg11: memref<80xi32, #tpu.memory_space<vmem>>, %arg12: memref<64xi32, #tpu.memory_space<vmem>>, %arg13: memref<64xi32, #tpu.memory_space<vmem>>, %arg14: memref<64xi32, #tpu.memory_space<vmem>>, %arg15: memref<64xi32, #tpu.memory_space<vmem>>, %arg16: memref<64x128xf32, #tpu.memory_space<vmem>>, %arg17: memref<64x128xf32, #tpu.memory_space<vmem>>, %arg18: memref<64x128xf32, #tpu.memory_space<vmem>>, %arg19: memref<64x128xf32, #tpu.memory_space<vmem>>, %arg20: memref<144xf32, #tpu.memory_space<vmem>>, %arg21: memref<144xf32, #tpu.memory_space<vmem>>, %arg22: memref<128xi32, #tpu.memory_space<vmem>>, %arg23: memref<272xf32, #tpu.memory_space<vmem>>, %arg24: memref<!tpu.dma_semaphore, #tpu.memory_space<semaphore_mem>>, %arg25: memref<!tpu.dma_semaphore, #tpu.memory_space<semaphore_mem>>, %arg26: memref<!tpu.dma_semaphore, #tpu.memory_space<semaphore_mem>>, %arg27: memref<!tpu.dma_semaphore, #tpu.memory_space<semaphore_mem>>, %arg28: memref<!tpu.dma_semaphore, #tpu.memory_space<semaphore_mem>>, %arg29: memref<!tpu.dma_semaphore, #tpu.memory_space<semaphore_mem>>) attributes {dimension_semantics = [#tpu.dimension_semantics<core_parallel>, #tpu.dimension_semantics<subcore_parallel>], iteration_bounds = array<i64: 2, 16>, scalar_prefetch = 0 : i64, scratch_operands = 23 : i64, tpu.core_type = #tpu.core_type<sc_vector_subcore>, window_params = [{transform_indices = #map}, {transform_indices = #map}, {transform_indices = #map1}, {transform_indices = #map1}, {transform_indices = #map1}]} {
    %mul3A = arith.constant 2 : i32
    %mul3A_0 = arith.muli %arg1, %mul3A : i32
    %add3A = arith.addi %mul3A_0, %arg0 : i32
    %mul3A_1 = arith.constant 256 : i32
    %mul3A_2 = arith.muli %add3A, %mul3A_1 : i32
    %iota3A = tpu.iota {dimensions = array<i32: 0>} : vector<16xi32>
    %scan3A = arith.constant 0 : i32
    %scan3A_3 = arith.constant 0 : i32
    %scan3A_4 = arith.constant 128 : i32
    %scan3A_5 = arith.addi %scan3A_3, %scan3A_4 : i32
    %scan3A_6 = arith.constant 1 : i32
    scf.for %scan3A_8 = %scan3A_3 to %scan3A_5 step %scan3A_6  : i32 {
      %mul3A_9 = arith.constant 2 : i32
      %mul3A_10 = arith.muli %mul3A_9, %scan3A_8 : i32
      %add3A_11 = arith.addi %mul3A_2, %mul3A_10 : i32
      %mul3A_12 = arith.constant 896 : i32
      %mul3A_13 = arith.muli %add3A_11, %mul3A_12 : i32
      %dma_start3A = tpu.memref_slice %arg4[%mul3A_13] : memref<7340032xf32, #tpu.memory_space<hbm>> -> memref<896xf32, #tpu.memory_space<hbm>>
      %dma_start3A_14 = tpu.memref_slice %arg4[%mul3A_13] : memref<7340032xf32, #tpu.memory_space<hbm>> -> memref<896xf32, #tpu.memory_space<hbm>>
      tpu.enqueue_dma source(%dma_start3A_14 : memref<896xf32, #tpu.memory_space<hbm>>) target(%arg7 : memref<896xf32, #tpu.memory_space<vmem>>) target_semaphore(%arg24 : memref<!tpu.dma_semaphore, #tpu.memory_space<semaphore_mem>>)
      %add3A_15 = arith.constant 1 : i32
      %add3A_16 = arith.addi %add3A_11, %add3A_15 : i32
      %mul3A_17 = arith.constant 896 : i32
      %mul3A_18 = arith.muli %add3A_16, %mul3A_17 : i32
      %dma_start3A_19 = tpu.memref_slice %arg4[%mul3A_18] : memref<7340032xf32, #tpu.memory_space<hbm>> -> memref<896xf32, #tpu.memory_space<hbm>>
      %dma_start3A_20 = tpu.memref_slice %arg4[%mul3A_18] : memref<7340032xf32, #tpu.memory_space<hbm>> -> memref<896xf32, #tpu.memory_space<hbm>>
      tpu.enqueue_dma source(%dma_start3A_20 : memref<896xf32, #tpu.memory_space<hbm>>) target(%arg8 : memref<896xf32, #tpu.memory_space<vmem>>) target_semaphore(%arg25 : memref<!tpu.dma_semaphore, #tpu.memory_space<semaphore_mem>>)
      %mul3A_21 = arith.constant 16 : i32
      %mul3A_22 = arith.muli %add3A_11, %mul3A_21 : i32
      "tpu.region"() ({
        %run_scoped3A = tpu.sem_alloc : memref<!tpu.dma_semaphore, #tpu.memory_space<semaphore_mem>>
        %dma_start3A_2015 = tpu.memref_slice %arg5[%mul3A_22] : memref<131072xf32, #tpu.memory_space<hbm>> -> memref<32xf32, #tpu.memory_space<hbm>>
        %dma_start3A_2016 = tpu.memref_slice %arg5[%mul3A_22] : memref<131072xf32, #tpu.memory_space<hbm>> -> memref<32xf32, #tpu.memory_space<hbm>>
        tpu.enqueue_dma source(%dma_start3A_2016 : memref<32xf32, #tpu.memory_space<hbm>>) target(%arg9 : memref<32xf32, #tpu.memory_space<vmem>>) target_semaphore(%run_scoped3A : memref<!tpu.dma_semaphore, #tpu.memory_space<semaphore_mem>>)
        %dma_wait3A_2017 = tpu.memref_slice %arg5[%mul3A_22] : memref<131072xf32, #tpu.memory_space<hbm>> -> memref<32xf32, #tpu.memory_space<hbm>>
        %dma_wait3A_2018 = tpu.memref_slice %arg5[%mul3A_22] : memref<131072xf32, #tpu.memory_space<hbm>> -> memref<32xf32, #tpu.memory_space<hbm>>
        tpu.wait_dma2 semaphore(%run_scoped3A : memref<!tpu.dma_semaphore, #tpu.memory_space<semaphore_mem>>) src(%dma_wait3A_2018 : memref<32xf32, #tpu.memory_space<hbm>>) dst(%arg9 : memref<32xf32, #tpu.memory_space<vmem>>)
        tpu.yield
      }) : () -> ()
      %get3A = arith.constant 0 : index
      %get3A_23 = tpu.vector_load %arg9[%get3A] {strides = array<i32>} : memref<32xf32, #tpu.memory_space<vmem>>, vector<16xf32>,
      %get3A_24 = arith.constant 16 : index
      %get3A_25 = tpu.vector_load %arg9[%get3A_24] {strides = array<i32>} : memref<32xf32, #tpu.memory_space<vmem>>, vector<16xf32>,
      %dma_wait3A = tpu.memref_slice %arg4[%mul3A_13] : memref<7340032xf32, #tpu.memory_space<hbm>> -> memref<896xf32, #tpu.memory_space<hbm>>
      %dma_wait3A_26 = tpu.memref_slice %arg4[%mul3A_13] : memref<7340032xf32, #tpu.memory_space<hbm>> -> memref<896xf32, #tpu.memory_space<hbm>>
      tpu.wait_dma2 semaphore(%arg24 : memref<!tpu.dma_semaphore, #tpu.memory_space<semaphore_mem>>) src(%dma_wait3A_26 : memref<896xf32, #tpu.memory_space<hbm>>) dst(%arg7 : memref<896xf32, #tpu.memory_space<vmem>>)
      %jit3A = arith.constant 2 : i32
      %eq3A = arith.constant 0 : i32
      %eq3A_27 = arith.cmpi eq, %jit3A, %eq3A : i32
      %jit3A_28 = arith.constant 1 : i32
      %select_n3A = arith.select %eq3A_27, %jit3A_28, %jit3A : i32
      %rem3A = vector.broadcast %select_n3A : i32 to vector<16xi32>
      %rem3A_29 = arith.remsi %iota3A, %rem3A : vector<16xi32>
      %ne3A = arith.constant 0 : i32
      %ne3A_30 = vector.broadcast %ne3A : i32 to vector<16xi32>
      %ne3A_31 = arith.cmpi ne, %rem3A_29, %ne3A_30 : vector<16xi32>
      %lt3A = arith.constant 0 : i32
      %lt3A_32 = vector.broadcast %lt3A : i32 to vector<16xi32>
      %lt3A_33 = arith.cmpi slt, %rem3A_29, %lt3A_32 : vector<16xi32>
      %lt3A_34 = arith.constant 0 : i32
      %lt3A_35 = arith.cmpi slt, %select_n3A, %lt3A_34 : i32
      %ne3A_36 = vector.broadcast %lt3A_35 : i1 to vector<16xi1>
      %ne3A_37 = vector.broadcast %ne3A_36 : vector<16xi1> to vector<16xi1>
      %ne3A_38 = arith.xori %lt3A_33, %ne3A_37 : vector<16xi1>
      %and3A = arith.andi %ne3A_38, %ne3A_31 : vector<16xi1>
      %add3A_39 = vector.broadcast %select_n3A : i32 to vector<16xi32>
      %add3A_40 = arith.addi %rem3A_29, %add3A_39 : vector<16xi32>
      %select_n3A_41 = arith.select %and3A, %add3A_40, %rem3A_29 : vector<16xi1>, vector<16xi32>
      %add3A_42 = arith.constant 782 : i32
      %add3A_43 = vector.broadcast %add3A_42 : i32 to vector<16xi32>
      %add3A_44 = arith.addi %add3A_43, %select_n3A_41 : vector<16xi32>
      %swap3A = arith.constant 0 : index
      %swap3A_45 = tpu.vector_load %arg10[%swap3A] {strides = array<i32>} : memref<80xi32, #tpu.memory_space<vmem>>, vector<16xi32>,
      tpu.vector_store %arg10[%swap3A], %add3A_44 {strides = array<i32>} : memref<80xi32, #tpu.memory_space<vmem>>, vector<16xi32>,
      %swap3A_46 = arith.constant 16 : index
      %swap3A_47 = tpu.vector_load %arg10[%swap3A_46] {strides = array<i32>} : memref<80xi32, #tpu.memory_space<vmem>>, vector<16xi32>,
      tpu.vector_store %arg10[%swap3A_46], %add3A_44 {strides = array<i32>} : memref<80xi32, #tpu.memory_space<vmem>>, vector<16xi32>,
      %swap3A_48 = arith.constant 32 : index
      %swap3A_49 = tpu.vector_load %arg10[%swap3A_48] {strides = array<i32>} : memref<80xi32, #tpu.memory_space<vmem>>, vector<16xi32>,
      tpu.vector_store %arg10[%swap3A_48], %add3A_44 {strides = array<i32>} : memref<80xi32, #tpu.memory_space<vmem>>, vector<16xi32>,
      %swap3A_50 = arith.constant 48 : index
      %swap3A_51 = tpu.vector_load %arg10[%swap3A_50] {strides = array<i32>} : memref<80xi32, #tpu.memory_space<vmem>>, vector<16xi32>,
      tpu.vector_store %arg10[%swap3A_50], %add3A_44 {strides = array<i32>} : memref<80xi32, #tpu.memory_space<vmem>>, vector<16xi32>,
      %swap3A_52 = arith.constant 64 : index
      %swap3A_53 = tpu.vector_load %arg10[%swap3A_52] {strides = array<i32>} : memref<80xi32, #tpu.memory_space<vmem>>, vector<16xi32>,
      tpu.vector_store %arg10[%swap3A_52], %add3A_44 {strides = array<i32>} : memref<80xi32, #tpu.memory_space<vmem>>, vector<16xi32>,
      %scan3A_54 = arith.constant 0 : i32
      %scan3A_55 = arith.constant 0 : i32
      %scan3A_56 = arith.constant 56 : i32
      %scan3A_57 = arith.addi %scan3A_55, %scan3A_56 : i32
      %scan3A_58 = arith.constant 1 : i32
      %scan3A_59 = scf.for %scan3A_2015 = %scan3A_55 to %scan3A_57 step %scan3A_58 iter_args(%scan3A_2016 = %scan3A_54) -> (i32)  : i32 {
        %mul3A_2017 = arith.constant 16 : i32
        %mul3A_2018 = arith.muli %scan3A_2015, %mul3A_2017 : i32
        %get3A_2019 = arith.index_cast %mul3A_2018 : i32 to index
        %get3A_2020 = tpu.vector_load %arg7[%get3A_2019] {strides = array<i32>} : memref<896xf32, #tpu.memory_space<vmem>>, vector<16xf32>,
        %le3A_2021 = arith.cmpf ole, %get3A_2020, %get3A_23 : vector<16xf32>
        %mul3A_2022 = arith.constant 16 : i32
        %mul3A_2023 = arith.muli %scan3A_2015, %mul3A_2022 : i32
        %add3A_2024 = vector.broadcast %mul3A_2023 : i32 to vector<16xi32>
        %add3A_2025 = arith.addi %iota3A, %add3A_2024 : vector<16xi32>
        %swap3A_2026 = arith.index_cast %scan3A_2016 : i32 to index
        %swap3A_2027 = tpu.vector_load %arg10[%swap3A_2026] masked %le3A_2021 {strides = array<i32>} : memref<80xi32, #tpu.memory_space<vmem>>, vector<16xi32>, vector<16xi1>
        tpu.vector_store %arg10[%swap3A_2026], %add3A_2025 masked %le3A_2021 {strides = array<i32>} : memref<80xi32, #tpu.memory_space<vmem>>, vector<16xi32>, vector<16xi1>
        %convert_element_type3A_2028 = arith.extui %le3A_2021 : vector<16xi1> to vector<16xi32>
        %reduce_sum3A_2029 = arith.constant true
        %reduce_sum3A_2030 = vector.broadcast %reduce_sum3A_2029 : i1 to vector<16xi1>
        %reduce_sum3A_2031 = tpu.scan <sum>, %convert_element_type3A_2028 masked %reduce_sum3A_2030 : vector<16xi32>, vector<16xi1> -> vector<16xi32>
        %reduce_sum3A_2032 = vector.extract %reduce_sum3A_2031[15] : i32 from vector<16xi32>
        %add3A_2033 = arith.addi %scan3A_2016, %reduce_sum3A_2032 : i32
        %min3A = arith.constant 64 : i32
        %min3A_2034 = arith.minsi %add3A_2033, %min3A : i32
        scf.yield %min3A_2034 : i32
      }
      %scan3A_60 = arith.constant 56 : i32
      %jit3A_61 = arith.constant 1024 : i32
      %div3A = arith.divsi %add3A_11, %jit3A_61 : i32
      %sign3A = arith.constant 0 : i32
      %sign3A_62 = arith.cmpi sgt, %add3A_11, %sign3A : i32
      %sign3A_63 = arith.extui %sign3A_62 : i1 to i32
      %sign3A_64 = arith.constant 0 : i32
      %sign3A_65 = arith.cmpi slt, %add3A_11, %sign3A_64 : i32
      %sign3A_66 = arith.extui %sign3A_65 : i1 to i32
      %sign3A_67 = arith.subi %sign3A_63, %sign3A_66 : i32
      %sign3A_68 = arith.constant 0 : i32
      %sign3A_69 = arith.cmpi sgt, %jit3A_61, %sign3A_68 : i32
      %sign3A_70 = arith.extui %sign3A_69 : i1 to i32
      %sign3A_71 = arith.constant 0 : i32
      %sign3A_72 = arith.cmpi slt, %jit3A_61, %sign3A_71 : i32
      %sign3A_73 = arith.extui %sign3A_72 : i1 to i32
      %sign3A_74 = arith.subi %sign3A_70, %sign3A_73 : i32
      %ne3A_75 = arith.cmpi ne, %sign3A_67, %sign3A_74 : i32
      %rem3A_76 = arith.remsi %add3A_11, %jit3A_61 : i32
      %ne3A_77 = arith.constant 0 : i32
      %ne3A_78 = arith.cmpi ne, %rem3A_76, %ne3A_77 : i32
      %and3A_79 = arith.andi %ne3A_75, %ne3A_78 : i1
      %sub3A = arith.constant 1 : i32
      %sub3A_80 = arith.subi %div3A, %sub3A : i32
      %select_n3A_81 = arith.select %and3A_79, %sub3A_80, %div3A : i32
      %jit3A_82 = arith.constant 1024 : i32
      %eq3A_83 = arith.constant 0 : i32
      %eq3A_84 = arith.cmpi eq, %jit3A_82, %eq3A_83 : i32
      %jit3A_85 = arith.constant 1 : i32
      %select_n3A_86 = arith.select %eq3A_84, %jit3A_85, %jit3A_82 : i32
      %rem3A_87 = arith.remsi %add3A_11, %select_n3A_86 : i32
      %ne3A_88 = arith.constant 0 : i32
      %ne3A_89 = arith.cmpi ne, %rem3A_87, %ne3A_88 : i32
      %lt3A_90 = arith.constant 0 : i32
      %lt3A_91 = arith.cmpi slt, %rem3A_87, %lt3A_90 : i32
      %lt3A_92 = arith.constant 0 : i32
      %lt3A_93 = arith.cmpi slt, %select_n3A_86, %lt3A_92 : i32
      %ne3A_94 = arith.xori %lt3A_91, %lt3A_93 : i1
      %and3A_95 = arith.andi %ne3A_94, %ne3A_89 : i1
      %add3A_96 = arith.addi %rem3A_87, %select_n3A_86 : i32
      %select_n3A_97 = arith.select %and3A_95, %add3A_96, %rem3A_87 : i32
      %mul3A_98 = arith.constant 128 : i32
      %mul3A_99 = arith.muli %select_n3A_81, %mul3A_98 : i32
      %jit3A_100 = arith.constant 8 : i32
      %div3A_101 = arith.divsi %select_n3A_97, %jit3A_100 : i32
      %sign3A_102 = arith.constant 0 : i32
      %sign3A_103 = arith.cmpi sgt, %select_n3A_97, %sign3A_102 : i32
      %sign3A_104 = arith.extui %sign3A_103 : i1 to i32
      %sign3A_105 = arith.constant 0 : i32
      %sign3A_106 = arith.cmpi slt, %select_n3A_97, %sign3A_105 : i32
      %sign3A_107 = arith.extui %sign3A_106 : i1 to i32
      %sign3A_108 = arith.subi %sign3A_104, %sign3A_107 : i32
      %sign3A_109 = arith.constant 0 : i32
      %sign3A_110 = arith.cmpi sgt, %jit3A_100, %sign3A_109 : i32
      %sign3A_111 = arith.extui %sign3A_110 : i1 to i32
      %sign3A_112 = arith.constant 0 : i32
      %sign3A_113 = arith.cmpi slt, %jit3A_100, %sign3A_112 : i32
      %sign3A_114 = arith.extui %sign3A_113 : i1 to i32
      %sign3A_115 = arith.subi %sign3A_111, %sign3A_114 : i32
      %ne3A_116 = arith.cmpi ne, %sign3A_108, %sign3A_115 : i32
      %rem3A_117 = arith.remsi %select_n3A_97, %jit3A_100 : i32
      %ne3A_118 = arith.constant 0 : i32
      %ne3A_119 = arith.cmpi ne, %rem3A_117, %ne3A_118 : i32
      %and3A_120 = arith.andi %ne3A_116, %ne3A_119 : i1
      %sub3A_121 = arith.constant 1 : i32
      %sub3A_122 = arith.subi %div3A_101, %sub3A_121 : i32
      %select_n3A_123 = arith.select %and3A_120, %sub3A_122, %div3A_101 : i32
      %add3A_124 = arith.addi %mul3A_99, %select_n3A_123 : i32
      %mul3A_125 = arith.constant 6272 : i32
      %mul3A_126 = arith.muli %add3A_124, %mul3A_125 : i32
      %jit3A_127 = arith.constant 8 : i32
      %eq3A_128 = arith.constant 0 : i32
      %eq3A_129 = arith.cmpi eq, %jit3A_127, %eq3A_128 : i32
      %jit3A_130 = arith.constant 1 : i32
      %select_n3A_131 = arith.select %eq3A_129, %jit3A_130, %jit3A_127 : i32
      %rem3A_132 = arith.remsi %select_n3A_97, %select_n3A_131 : i32
      %ne3A_133 = arith.constant 0 : i32
      %ne3A_134 = arith.cmpi ne, %rem3A_132, %ne3A_133 : i32
      %lt3A_135 = arith.constant 0 : i32
      %lt3A_136 = arith.cmpi slt, %rem3A_132, %lt3A_135 : i32
      %lt3A_137 = arith.constant 0 : i32
      %lt3A_138 = arith.cmpi slt, %select_n3A_131, %lt3A_137 : i32
      %ne3A_139 = arith.xori %lt3A_136, %lt3A_138 : i1
      %and3A_140 = arith.andi %ne3A_139, %ne3A_134 : i1
      %add3A_141 = arith.addi %rem3A_132, %select_n3A_131 : i32
      %select_n3A_142 = arith.select %and3A_140, %add3A_141, %rem3A_132 : i32
      %add3A_143 = arith.addi %mul3A_126, %select_n3A_142 : i32
      %mul3A_144 = arith.constant 784 : i32
      %mul3A_145 = arith.muli %select_n3A_81, %mul3A_144 : i32
      %get3A_146 = arith.constant 0 : index
      %get3A_147 = tpu.vector_load %arg10[%get3A_146] {strides = array<i32>} : memref<80xi32, #tpu.memory_space<vmem>>, vector<16xi32>,
      %jit3A_148 = arith.constant 16 : i32
      %div3A_149 = vector.broadcast %jit3A_148 : i32 to vector<16xi32>
      %div3A_150 = arith.divsi %get3A_147, %div3A_149 : vector<16xi32>
      %sign3A_151 = arith.constant 0 : i32
      %sign3A_152 = vector.broadcast %sign3A_151 : i32 to vector<16xi32>
      %sign3A_153 = arith.cmpi sgt, %get3A_147, %sign3A_152 : vector<16xi32>
      %sign3A_154 = arith.extui %sign3A_153 : vector<16xi1> to vector<16xi32>
      %sign3A_155 = arith.constant 0 : i32
      %sign3A_156 = vector.broadcast %sign3A_155 : i32 to vector<16xi32>
      %sign3A_157 = arith.cmpi slt, %get3A_147, %sign3A_156 : vector<16xi32>
      %sign3A_158 = arith.extui %sign3A_157 : vector<16xi1> to vector<16xi32>
      %sign3A_159 = arith.subi %sign3A_154, %sign3A_158 : vector<16xi32>
      %sign3A_160 = arith.constant 0 : i32
      %sign3A_161 = arith.cmpi sgt, %jit3A_148, %sign3A_160 : i32
      %sign3A_162 = arith.extui %sign3A_161 : i1 to i32
      %sign3A_163 = arith.constant 0 : i32
      %sign3A_164 = arith.cmpi slt, %jit3A_148, %sign3A_163 : i32
      %sign3A_165 = arith.extui %sign3A_164 : i1 to i32
      %sign3A_166 = arith.subi %sign3A_162, %sign3A_165 : i32
      %ne3A_167 = vector.broadcast %sign3A_166 : i32 to vector<16xi32>
      %ne3A_168 = arith.cmpi ne, %sign3A_159, %ne3A_167 : vector<16xi32>
      %rem3A_169 = vector.broadcast %jit3A_148 : i32 to vector<16xi32>
      %rem3A_170 = arith.remsi %get3A_147, %rem3A_169 : vector<16xi32>
      %ne3A_171 = arith.constant 0 : i32
      %ne3A_172 = vector.broadcast %ne3A_171 : i32 to vector<16xi32>
      %ne3A_173 = arith.cmpi ne, %rem3A_170, %ne3A_172 : vector<16xi32>
      %and3A_174 = arith.andi %ne3A_168, %ne3A_173 : vector<16xi1>
      %sub3A_175 = arith.constant 1 : i32
      %sub3A_176 = vector.broadcast %sub3A_175 : i32 to vector<16xi32>
      %sub3A_177 = arith.subi %div3A_150, %sub3A_176 : vector<16xi32>
      %select_n3A_178 = arith.select %and3A_174, %sub3A_177, %div3A_150 : vector<16xi1>, vector<16xi32>
      %mul3A_179 = arith.constant 128 : i32
      %mul3A_180 = vector.broadcast %mul3A_179 : i32 to vector<16xi32>
      %mul3A_181 = arith.muli %select_n3A_178, %mul3A_180 : vector<16xi32>
      %add3A_182 = vector.broadcast %add3A_143 : i32 to vector<16xi32>
      %add3A_183 = arith.addi %add3A_182, %mul3A_181 : vector<16xi32>
      %jit3A_184 = arith.constant 16 : i32
      %eq3A_185 = arith.constant 0 : i32
      %eq3A_186 = arith.cmpi eq, %jit3A_184, %eq3A_185 : i32
      %jit3A_187 = arith.constant 1 : i32
      %select_n3A_188 = arith.select %eq3A_186, %jit3A_187, %jit3A_184 : i32
      %rem3A_189 = vector.broadcast %select_n3A_188 : i32 to vector<16xi32>
      %rem3A_190 = arith.remsi %get3A_147, %rem3A_189 : vector<16xi32>
      %ne3A_191 = arith.constant 0 : i32
      %ne3A_192 = vector.broadcast %ne3A_191 : i32 to vector<16xi32>
      %ne3A_193 = arith.cmpi ne, %rem3A_190, %ne3A_192 : vector<16xi32>
      %lt3A_194 = arith.constant 0 : i32
      %lt3A_195 = vector.broadcast %lt3A_194 : i32 to vector<16xi32>
      %lt3A_196 = arith.cmpi slt, %rem3A_190, %lt3A_195 : vector<16xi32>
      %lt3A_197 = arith.constant 0 : i32
      %lt3A_198 = arith.cmpi slt, %select_n3A_188, %lt3A_197 : i32
      %ne3A_199 = vector.broadcast %lt3A_198 : i1 to vector<16xi1>
      %ne3A_200 = vector.broadcast %ne3A_199 : vector<16xi1> to vector<16xi1>
      %ne3A_201 = arith.xori %lt3A_196, %ne3A_200 : vector<16xi1>
      %and3A_202 = arith.andi %ne3A_201, %ne3A_193 : vector<16xi1>
      %add3A_203 = vector.broadcast %select_n3A_188 : i32 to vector<16xi32>
      %add3A_204 = arith.addi %rem3A_190, %add3A_203 : vector<16xi32>
      %select_n3A_205 = arith.select %and3A_202, %add3A_204, %rem3A_190 : vector<16xi1>, vector<16xi32>
      %mul3A_206 = arith.constant 8 : i32
      %mul3A_207 = vector.broadcast %mul3A_206 : i32 to vector<16xi32>
      %mul3A_208 = arith.muli %select_n3A_205, %mul3A_207 : vector<16xi32>
      %add3A_209 = arith.addi %add3A_183, %mul3A_208 : vector<16xi32>
      %swap3A_210 = arith.constant 0 : index
      %swap3A_211 = tpu.vector_load %arg12[%swap3A_210] {strides = array<i32>} : memref<64xi32, #tpu.memory_space<vmem>>, vector<16xi32>,
      tpu.vector_store %arg12[%swap3A_210], %add3A_209 {strides = array<i32>} : memref<64xi32, #tpu.memory_space<vmem>>, vector<16xi32>,
      %add3A_212 = vector.broadcast %mul3A_145 : i32 to vector<16xi32>
      %add3A_213 = arith.addi %get3A_147, %add3A_212 : vector<16xi32>
      %swap3A_214 = arith.constant 0 : index
      %swap3A_215 = tpu.vector_load %arg14[%swap3A_214] {strides = array<i32>} : memref<64xi32, #tpu.memory_space<vmem>>, vector<16xi32>,
      tpu.vector_store %arg14[%swap3A_214], %add3A_213 {strides = array<i32>} : memref<64xi32, #tpu.memory_space<vmem>>, vector<16xi32>,
      %get3A_216 = arith.constant 16 : index
      %get3A_217 = tpu.vector_load %arg10[%get3A_216] {strides = array<i32>} : memref<80xi32, #tpu.memory_space<vmem>>, vector<16xi32>,
      %jit3A_218 = arith.constant 16 : i32
      %div3A_219 = vector.broadcast %jit3A_218 : i32 to vector<16xi32>
      %div3A_220 = arith.divsi %get3A_217, %div3A_219 : vector<16xi32>
      %sign3A_221 = arith.constant 0 : i32
      %sign3A_222 = vector.broadcast %sign3A_221 : i32 to vector<16xi32>
      %sign3A_223 = arith.cmpi sgt, %get3A_217, %sign3A_222 : vector<16xi32>
      %sign3A_224 = arith.extui %sign3A_223 : vector<16xi1> to vector<16xi32>
      %sign3A_225 = arith.constant 0 : i32
      %sign3A_226 = vector.broadcast %sign3A_225 : i32 to vector<16xi32>
      %sign3A_227 = arith.cmpi slt, %get3A_217, %sign3A_226 : vector<16xi32>
      %sign3A_228 = arith.extui %sign3A_227 : vector<16xi1> to vector<16xi32>
      %sign3A_229 = arith.subi %sign3A_224, %sign3A_228 : vector<16xi32>
      %sign3A_230 = arith.constant 0 : i32
      %sign3A_231 = arith.cmpi sgt, %jit3A_218, %sign3A_230 : i32
      %sign3A_232 = arith.extui %sign3A_231 : i1 to i32
      %sign3A_233 = arith.constant 0 : i32
      %sign3A_234 = arith.cmpi slt, %jit3A_218, %sign3A_233 : i32
      %sign3A_235 = arith.extui %sign3A_234 : i1 to i32
      %sign3A_236 = arith.subi %sign3A_232, %sign3A_235 : i32
      %ne3A_237 = vector.broadcast %sign3A_236 : i32 to vector<16xi32>
      %ne3A_238 = arith.cmpi ne, %sign3A_229, %ne3A_237 : vector<16xi32>
      %rem3A_239 = vector.broadcast %jit3A_218 : i32 to vector<16xi32>
      %rem3A_240 = arith.remsi %get3A_217, %rem3A_239 : vector<16xi32>
      %ne3A_241 = arith.constant 0 : i32
      %ne3A_242 = vector.broadcast %ne3A_241 : i32 to vector<16xi32>
      %ne3A_243 = arith.cmpi ne, %rem3A_240, %ne3A_242 : vector<16xi32>
      %and3A_244 = arith.andi %ne3A_238, %ne3A_243 : vector<16xi1>
      %sub3A_245 = arith.constant 1 : i32
      %sub3A_246 = vector.broadcast %sub3A_245 : i32 to vector<16xi32>
      %sub3A_247 = arith.subi %div3A_220, %sub3A_246 : vector<16xi32>
      %select_n3A_248 = arith.select %and3A_244, %sub3A_247, %div3A_220 : vector<16xi1>, vector<16xi32>
      %mul3A_249 = arith.constant 128 : i32
      %mul3A_250 = vector.broadcast %mul3A_249 : i32 to vector<16xi32>
      %mul3A_251 = arith.muli %select_n3A_248, %mul3A_250 : vector<16xi32>
      %add3A_252 = vector.broadcast %add3A_143 : i32 to vector<16xi32>
      %add3A_253 = arith.addi %add3A_252, %mul3A_251 : vector<16xi32>
      %jit3A_254 = arith.constant 16 : i32
      %eq3A_255 = arith.constant 0 : i32
      %eq3A_256 = arith.cmpi eq, %jit3A_254, %eq3A_255 : i32
      %jit3A_257 = arith.constant 1 : i32
      %select_n3A_258 = arith.select %eq3A_256, %jit3A_257, %jit3A_254 : i32
      %rem3A_259 = vector.broadcast %select_n3A_258 : i32 to vector<16xi32>
      %rem3A_260 = arith.remsi %get3A_217, %rem3A_259 : vector<16xi32>
      %ne3A_261 = arith.constant 0 : i32
      %ne3A_262 = vector.broadcast %ne3A_261 : i32 to vector<16xi32>
      %ne3A_263 = arith.cmpi ne, %rem3A_260, %ne3A_262 : vector<16xi32>
      %lt3A_264 = arith.constant 0 : i32
      %lt3A_265 = vector.broadcast %lt3A_264 : i32 to vector<16xi32>
      %lt3A_266 = arith.cmpi slt, %rem3A_260, %lt3A_265 : vector<16xi32>
      %lt3A_267 = arith.constant 0 : i32
      %lt3A_268 = arith.cmpi slt, %select_n3A_258, %lt3A_267 : i32
      %ne3A_269 = vector.broadcast %lt3A_268 : i1 to vector<16xi1>
      %ne3A_270 = vector.broadcast %ne3A_269 : vector<16xi1> to vector<16xi1>
      %ne3A_271 = arith.xori %lt3A_266, %ne3A_270 : vector<16xi1>
      %and3A_272 = arith.andi %ne3A_271, %ne3A_263 : vector<16xi1>
      %add3A_273 = vector.broadcast %select_n3A_258 : i32 to vector<16xi32>
      %add3A_274 = arith.addi %rem3A_260, %add3A_273 : vector<16xi32>
      %select_n3A_275 = arith.select %and3A_272, %add3A_274, %rem3A_260 : vector<16xi1>, vector<16xi32>
      %mul3A_276 = arith.constant 8 : i32
      %mul3A_277 = vector.broadcast %mul3A_276 : i32 to vector<16xi32>
      %mul3A_278 = arith.muli %select_n3A_275, %mul3A_277 : vector<16xi32>
      %add3A_279 = arith.addi %add3A_253, %mul3A_278 : vector<16xi32>
      %swap3A_280 = arith.constant 16 : index
      %swap3A_281 = tpu.vector_load %arg12[%swap3A_280] {strides = array<i32>} : memref<64xi32, #tpu.memory_space<vmem>>, vector<16xi32>,
      tpu.vector_store %arg12[%swap3A_280], %add3A_279 {strides = array<i32>} : memref<64xi32, #tpu.memory_space<vmem>>, vector<16xi32>,
      %add3A_282 = vector.broadcast %mul3A_145 : i32 to vector<16xi32>
      %add3A_283 = arith.addi %get3A_217, %add3A_282 : vector<16xi32>
      %swap3A_284 = arith.constant 16 : index
      %swap3A_285 = tpu.vector_load %arg14[%swap3A_284] {strides = array<i32>} : memref<64xi32, #tpu.memory_space<vmem>>, vector<16xi32>,
      tpu.vector_store %arg14[%swap3A_284], %add3A_283 {strides = array<i32>} : memref<64xi32, #tpu.memory_space<vmem>>, vector<16xi32>,
      %get3A_286 = arith.constant 32 : index
      %get3A_287 = tpu.vector_load %arg10[%get3A_286] {strides = array<i32>} : memref<80xi32, #tpu.memory_space<vmem>>, vector<16xi32>,
      %jit3A_288 = arith.constant 16 : i32
      %div3A_289 = vector.broadcast %jit3A_288 : i32 to vector<16xi32>
      %div3A_290 = arith.divsi %get3A_287, %div3A_289 : vector<16xi32>
      %sign3A_291 = arith.constant 0 : i32
      %sign3A_292 = vector.broadcast %sign3A_291 : i32 to vector<16xi32>
      %sign3A_293 = arith.cmpi sgt, %get3A_287, %sign3A_292 : vector<16xi32>
      %sign3A_294 = arith.extui %sign3A_293 : vector<16xi1> to vector<16xi32>
      %sign3A_295 = arith.constant 0 : i32
      %sign3A_296 = vector.broadcast %sign3A_295 : i32 to vector<16xi32>
      %sign3A_297 = arith.cmpi slt, %get3A_287, %sign3A_296 : vector<16xi32>
      %sign3A_298 = arith.extui %sign3A_297 : vector<16xi1> to vector<16xi32>
      %sign3A_299 = arith.subi %sign3A_294, %sign3A_298 : vector<16xi32>
      %sign3A_300 = arith.constant 0 : i32
      %sign3A_301 = arith.cmpi sgt, %jit3A_288, %sign3A_300 : i32
      %sign3A_302 = arith.extui %sign3A_301 : i1 to i32
      %sign3A_303 = arith.constant 0 : i32
      %sign3A_304 = arith.cmpi slt, %jit3A_288, %sign3A_303 : i32
      %sign3A_305 = arith.extui %sign3A_304 : i1 to i32
      %sign3A_306 = arith.subi %sign3A_302, %sign3A_305 : i32
      %ne3A_307 = vector.broadcast %sign3A_306 : i32 to vector<16xi32>
      %ne3A_308 = arith.cmpi ne, %sign3A_299, %ne3A_307 : vector<16xi32>
      %rem3A_309 = vector.broadcast %jit3A_288 : i32 to vector<16xi32>
      %rem3A_310 = arith.remsi %get3A_287, %rem3A_309 : vector<16xi32>
      %ne3A_311 = arith.constant 0 : i32
      %ne3A_312 = vector.broadcast %ne3A_311 : i32 to vector<16xi32>
      %ne3A_313 = arith.cmpi ne, %rem3A_310, %ne3A_312 : vector<16xi32>
      %and3A_314 = arith.andi %ne3A_308, %ne3A_313 : vector<16xi1>
      %sub3A_315 = arith.constant 1 : i32
      %sub3A_316 = vector.broadcast %sub3A_315 : i32 to vector<16xi32>
      %sub3A_317 = arith.subi %div3A_290, %sub3A_316 : vector<16xi32>
      %select_n3A_318 = arith.select %and3A_314, %sub3A_317, %div3A_290 : vector<16xi1>, vector<16xi32>
      %mul3A_319 = arith.constant 128 : i32
      %mul3A_320 = vector.broadcast %mul3A_319 : i32 to vector<16xi32>
      %mul3A_321 = arith.muli %select_n3A_318, %mul3A_320 : vector<16xi32>
      %add3A_322 = vector.broadcast %add3A_143 : i32 to vector<16xi32>
      %add3A_323 = arith.addi %add3A_322, %mul3A_321 : vector<16xi32>
      %jit3A_324 = arith.constant 16 : i32
      %eq3A_325 = arith.constant 0 : i32
      %eq3A_326 = arith.cmpi eq, %jit3A_324, %eq3A_325 : i32
      %jit3A_327 = arith.constant 1 : i32
      %select_n3A_328 = arith.select %eq3A_326, %jit3A_327, %jit3A_324 : i32
      %rem3A_329 = vector.broadcast %select_n3A_328 : i32 to vector<16xi32>
      %rem3A_330 = arith.remsi %get3A_287, %rem3A_329 : vector<16xi32>
      %ne3A_331 = arith.constant 0 : i32
      %ne3A_332 = vector.broadcast %ne3A_331 : i32 to vector<16xi32>
      %ne3A_333 = arith.cmpi ne, %rem3A_330, %ne3A_332 : vector<16xi32>
      %lt3A_334 = arith.constant 0 : i32
      %lt3A_335 = vector.broadcast %lt3A_334 : i32 to vector<16xi32>
      %lt3A_336 = arith.cmpi slt, %rem3A_330, %lt3A_335 : vector<16xi32>
      %lt3A_337 = arith.constant 0 : i32
      %lt3A_338 = arith.cmpi slt, %select_n3A_328, %lt3A_337 : i32
      %ne3A_339 = vector.broadcast %lt3A_338 : i1 to vector<16xi1>
      %ne3A_340 = vector.broadcast %ne3A_339 : vector<16xi1> to vector<16xi1>
      %ne3A_341 = arith.xori %lt3A_336, %ne3A_340 : vector<16xi1>
      %and3A_342 = arith.andi %ne3A_341, %ne3A_333 : vector<16xi1>
      %add3A_343 = vector.broadcast %select_n3A_328 : i32 to vector<16xi32>
      %add3A_344 = arith.addi %rem3A_330, %add3A_343 : vector<16xi32>
      %select_n3A_345 = arith.select %and3A_342, %add3A_344, %rem3A_330 : vector<16xi1>, vector<16xi32>
      %mul3A_346 = arith.constant 8 : i32
      %mul3A_347 = vector.broadcast %mul3A_346 : i32 to vector<16xi32>
      %mul3A_348 = arith.muli %select_n3A_345, %mul3A_347 : vector<16xi32>
      %add3A_349 = arith.addi %add3A_323, %mul3A_348 : vector<16xi32>
      %swap3A_350 = arith.constant 32 : index
      %swap3A_351 = tpu.vector_load %arg12[%swap3A_350] {strides = array<i32>} : memref<64xi32, #tpu.memory_space<vmem>>, vector<16xi32>,
      tpu.vector_store %arg12[%swap3A_350], %add3A_349 {strides = array<i32>} : memref<64xi32, #tpu.memory_space<vmem>>, vector<16xi32>,
      %add3A_352 = vector.broadcast %mul3A_145 : i32 to vector<16xi32>
      %add3A_353 = arith.addi %get3A_287, %add3A_352 : vector<16xi32>
      %swap3A_354 = arith.constant 32 : index
      %swap3A_355 = tpu.vector_load %arg14[%swap3A_354] {strides = array<i32>} : memref<64xi32, #tpu.memory_space<vmem>>, vector<16xi32>,
      tpu.vector_store %arg14[%swap3A_354], %add3A_353 {strides = array<i32>} : memref<64xi32, #tpu.memory_space<vmem>>, vector<16xi32>,
      %get3A_356 = arith.constant 48 : index
      %get3A_357 = tpu.vector_load %arg10[%get3A_356] {strides = array<i32>} : memref<80xi32, #tpu.memory_space<vmem>>, vector<16xi32>,
      %jit3A_358 = arith.constant 16 : i32
      %div3A_359 = vector.broadcast %jit3A_358 : i32 to vector<16xi32>
      %div3A_360 = arith.divsi %get3A_357, %div3A_359 : vector<16xi32>
      %sign3A_361 = arith.constant 0 : i32
      %sign3A_362 = vector.broadcast %sign3A_361 : i32 to vector<16xi32>
      %sign3A_363 = arith.cmpi sgt, %get3A_357, %sign3A_362 : vector<16xi32>
      %sign3A_364 = arith.extui %sign3A_363 : vector<16xi1> to vector<16xi32>
      %sign3A_365 = arith.constant 0 : i32
      %sign3A_366 = vector.broadcast %sign3A_365 : i32 to vector<16xi32>
      %sign3A_367 = arith.cmpi slt, %get3A_357, %sign3A_366 : vector<16xi32>
      %sign3A_368 = arith.extui %sign3A_367 : vector<16xi1> to vector<16xi32>
      %sign3A_369 = arith.subi %sign3A_364, %sign3A_368 : vector<16xi32>
      %sign3A_370 = arith.constant 0 : i32
      %sign3A_371 = arith.cmpi sgt, %jit3A_358, %sign3A_370 : i32
      %sign3A_372 = arith.extui %sign3A_371 : i1 to i32
      %sign3A_373 = arith.constant 0 : i32
      %sign3A_374 = arith.cmpi slt, %jit3A_358, %sign3A_373 : i32
      %sign3A_375 = arith.extui %sign3A_374 : i1 to i32
      %sign3A_376 = arith.subi %sign3A_372, %sign3A_375 : i32
      %ne3A_377 = vector.broadcast %sign3A_376 : i32 to vector<16xi32>
      %ne3A_378 = arith.cmpi ne, %sign3A_369, %ne3A_377 : vector<16xi32>
      %rem3A_379 = vector.broadcast %jit3A_358 : i32 to vector<16xi32>
      %rem3A_380 = arith.remsi %get3A_357, %rem3A_379 : vector<16xi32>
      %ne3A_381 = arith.constant 0 : i32
      %ne3A_382 = vector.broadcast %ne3A_381 : i32 to vector<16xi32>
      %ne3A_383 = arith.cmpi ne, %rem3A_380, %ne3A_382 : vector<16xi32>
      %and3A_384 = arith.andi %ne3A_378, %ne3A_383 : vector<16xi1>
      %sub3A_385 = arith.constant 1 : i32
      %sub3A_386 = vector.broadcast %sub3A_385 : i32 to vector<16xi32>
      %sub3A_387 = arith.subi %div3A_360, %sub3A_386 : vector<16xi32>
      %select_n3A_388 = arith.select %and3A_384, %sub3A_387, %div3A_360 : vector<16xi1>, vector<16xi32>
      %mul3A_389 = arith.constant 128 : i32
      %mul3A_390 = vector.broadcast %mul3A_389 : i32 to vector<16xi32>
      %mul3A_391 = arith.muli %select_n3A_388, %mul3A_390 : vector<16xi32>
      %add3A_392 = vector.broadcast %add3A_143 : i32 to vector<16xi32>
      %add3A_393 = arith.addi %add3A_392, %mul3A_391 : vector<16xi32>
      %jit3A_394 = arith.constant 16 : i32
      %eq3A_395 = arith.constant 0 : i32
      %eq3A_396 = arith.cmpi eq, %jit3A_394, %eq3A_395 : i32
      %jit3A_397 = arith.constant 1 : i32
      %select_n3A_398 = arith.select %eq3A_396, %jit3A_397, %jit3A_394 : i32
      %rem3A_399 = vector.broadcast %select_n3A_398 : i32 to vector<16xi32>
      %rem3A_400 = arith.remsi %get3A_357, %rem3A_399 : vector<16xi32>
      %ne3A_401 = arith.constant 0 : i32
      %ne3A_402 = vector.broadcast %ne3A_401 : i32 to vector<16xi32>
      %ne3A_403 = arith.cmpi ne, %rem3A_400, %ne3A_402 : vector<16xi32>
      %lt3A_404 = arith.constant 0 : i32
      %lt3A_405 = vector.broadcast %lt3A_404 : i32 to vector<16xi32>
      %lt3A_406 = arith.cmpi slt, %rem3A_400, %lt3A_405 : vector<16xi32>
      %lt3A_407 = arith.constant 0 : i32
      %lt3A_408 = arith.cmpi slt, %select_n3A_398, %lt3A_407 : i32
      %ne3A_409 = vector.broadcast %lt3A_408 : i1 to vector<16xi1>
      %ne3A_410 = vector.broadcast %ne3A_409 : vector<16xi1> to vector<16xi1>
      %ne3A_411 = arith.xori %lt3A_406, %ne3A_410 : vector<16xi1>
      %and3A_412 = arith.andi %ne3A_411, %ne3A_403 : vector<16xi1>
      %add3A_413 = vector.broadcast %select_n3A_398 : i32 to vector<16xi32>
      %add3A_414 = arith.addi %rem3A_400, %add3A_413 : vector<16xi32>
      %select_n3A_415 = arith.select %and3A_412, %add3A_414, %rem3A_400 : vector<16xi1>, vector<16xi32>
      %mul3A_416 = arith.constant 8 : i32
      %mul3A_417 = vector.broadcast %mul3A_416 : i32 to vector<16xi32>
      %mul3A_418 = arith.muli %select_n3A_415, %mul3A_417 : vector<16xi32>
      %add3A_419 = arith.addi %add3A_393, %mul3A_418 : vector<16xi32>
      %swap3A_420 = arith.constant 48 : index
      %swap3A_421 = tpu.vector_load %arg12[%swap3A_420] {strides = array<i32>} : memref<64xi32, #tpu.memory_space<vmem>>, vector<16xi32>,
      tpu.vector_store %arg12[%swap3A_420], %add3A_419 {strides = array<i32>} : memref<64xi32, #tpu.memory_space<vmem>>, vector<16xi32>,
      %add3A_422 = vector.broadcast %mul3A_145 : i32 to vector<16xi32>
      %add3A_423 = arith.addi %get3A_357, %add3A_422 : vector<16xi32>
      %swap3A_424 = arith.constant 48 : index
      %swap3A_425 = tpu.vector_load %arg14[%swap3A_424] {strides = array<i32>} : memref<64xi32, #tpu.memory_space<vmem>>, vector<16xi32>,
      tpu.vector_store %arg14[%swap3A_424], %add3A_423 {strides = array<i32>} : memref<64xi32, #tpu.memory_space<vmem>>, vector<16xi32>,
      %dma_start3A_426 = arith.constant 0 : i32
      %dma_start3A_427 = arith.constant 0 : i32
      %dma_start3A_428 = tpu.memref_slice %arg2[%dma_start3A_426, %dma_start3A_427] : memref<6422528x128xf32, #tpu.memory_space<hbm>> -> memref<6422528x128xf32, #tpu.memory_space<hbm>>
      tpu.enqueue_indirect_dma source(%dma_start3A_428 : memref<6422528x128xf32, #tpu.memory_space<hbm>>) target(%arg16 : memref<64x128xf32, #tpu.memory_space<vmem>>) offsets(%arg12 : memref<64xi32, #tpu.memory_space<vmem>>) semaphore(%arg26 : memref<!tpu.dma_semaphore, #tpu.memory_space<semaphore_mem>>)
      %dma_start3A_429 = arith.constant 0 : i32
      %dma_start3A_430 = arith.constant 0 : i32
      %dma_start3A_431 = tpu.memref_slice %arg3[%dma_start3A_429, %dma_start3A_430] : memref<6272x128xf32, #tpu.memory_space<hbm>> -> memref<6272x128xf32, #tpu.memory_space<hbm>>
      tpu.enqueue_indirect_dma source(%dma_start3A_431 : memref<6272x128xf32, #tpu.memory_space<hbm>>) target(%arg18 : memref<64x128xf32, #tpu.memory_space<vmem>>) offsets(%arg14 : memref<64xi32, #tpu.memory_space<vmem>>) semaphore(%arg28 : memref<!tpu.dma_semaphore, #tpu.memory_space<semaphore_mem>>)
      %dma_wait3A_432 = tpu.memref_slice %arg4[%mul3A_18] : memref<7340032xf32, #tpu.memory_space<hbm>> -> memref<896xf32, #tpu.memory_space<hbm>>
      %dma_wait3A_433 = tpu.memref_slice %arg4[%mul3A_18] : memref<7340032xf32, #tpu.memory_space<hbm>> -> memref<896xf32, #tpu.memory_space<hbm>>
      tpu.wait_dma2 semaphore(%arg25 : memref<!tpu.dma_semaphore, #tpu.memory_space<semaphore_mem>>) src(%dma_wait3A_433 : memref<896xf32, #tpu.memory_space<hbm>>) dst(%arg8 : memref<896xf32, #tpu.memory_space<vmem>>)
      %add3A_434 = arith.constant 1 : i32
      %add3A_435 = arith.addi %add3A_11, %add3A_434 : i32
      %jit3A_436 = arith.constant 2 : i32
      %eq3A_437 = arith.constant 0 : i32
      %eq3A_438 = arith.cmpi eq, %jit3A_436, %eq3A_437 : i32
      %jit3A_439 = arith.constant 1 : i32
      %select_n3A_440 = arith.select %eq3A_438, %jit3A_439, %jit3A_436 : i32
      %rem3A_441 = vector.broadcast %select_n3A_440 : i32 to vector<16xi32>
      %rem3A_442 = arith.remsi %iota3A, %rem3A_441 : vector<16xi32>
      %ne3A_443 = arith.constant 0 : i32
      %ne3A_444 = vector.broadcast %ne3A_443 : i32 to vector<16xi32>
      %ne3A_445 = arith.cmpi ne, %rem3A_442, %ne3A_444 : vector<16xi32>
      %lt3A_446 = arith.constant 0 : i32
      %lt3A_447 = vector.broadcast %lt3A_446 : i32 to vector<16xi32>
      %lt3A_448 = arith.cmpi slt, %rem3A_442, %lt3A_447 : vector<16xi32>
      %lt3A_449 = arith.constant 0 : i32
      %lt3A_450 = arith.cmpi slt, %select_n3A_440, %lt3A_449 : i32
      %ne3A_451 = vector.broadcast %lt3A_450 : i1 to vector<16xi1>
      %ne3A_452 = vector.broadcast %ne3A_451 : vector<16xi1> to vector<16xi1>
      %ne3A_453 = arith.xori %lt3A_448, %ne3A_452 : vector<16xi1>
      %and3A_454 = arith.andi %ne3A_453, %ne3A_445 : vector<16xi1>
      %add3A_455 = vector.broadcast %select_n3A_440 : i32 to vector<16xi32>
      %add3A_456 = arith.addi %rem3A_442, %add3A_455 : vector<16xi32>
      %select_n3A_457 = arith.select %and3A_454, %add3A_456, %rem3A_442 : vector<16xi1>, vector<16xi32>
      %add3A_458 = arith.constant 782 : i32
      %add3A_459 = vector.broadcast %add3A_458 : i32 to vector<16xi32>
      %add3A_460 = arith.addi %add3A_459, %select_n3A_457 : vector<16xi32>
      %swap3A_461 = arith.constant 0 : index
      %swap3A_462 = tpu.vector_load %arg11[%swap3A_461] {strides = array<i32>} : memref<80xi32, #tpu.memory_space<vmem>>, vector<16xi32>,
      tpu.vector_store %arg11[%swap3A_461], %add3A_460 {strides = array<i32>} : memref<80xi32, #tpu.memory_space<vmem>>, vector<16xi32>,
      %swap3A_463 = arith.constant 16 : index
      %swap3A_464 = tpu.vector_load %arg11[%swap3A_463] {strides = array<i32>} : memref<80xi32, #tpu.memory_space<vmem>>, vector<16xi32>,
      tpu.vector_store %arg11[%swap3A_463], %add3A_460 {strides = array<i32>} : memref<80xi32, #tpu.memory_space<vmem>>, vector<16xi32>,
      %swap3A_465 = arith.constant 32 : index
      %swap3A_466 = tpu.vector_load %arg11[%swap3A_465] {strides = array<i32>} : memref<80xi32, #tpu.memory_space<vmem>>, vector<16xi32>,
      tpu.vector_store %arg11[%swap3A_465], %add3A_460 {strides = array<i32>} : memref<80xi32, #tpu.memory_space<vmem>>, vector<16xi32>,
      %swap3A_467 = arith.constant 48 : index
      %swap3A_468 = tpu.vector_load %arg11[%swap3A_467] {strides = array<i32>} : memref<80xi32, #tpu.memory_space<vmem>>, vector<16xi32>,
      tpu.vector_store %arg11[%swap3A_467], %add3A_460 {strides = array<i32>} : memref<80xi32, #tpu.memory_space<vmem>>, vector<16xi32>,
      %swap3A_469 = arith.constant 64 : index
      %swap3A_470 = tpu.vector_load %arg11[%swap3A_469] {strides = array<i32>} : memref<80xi32, #tpu.memory_space<vmem>>, vector<16xi32>,
      tpu.vector_store %arg11[%swap3A_469], %add3A_460 {strides = array<i32>} : memref<80xi32, #tpu.memory_space<vmem>>, vector<16xi32>,
      %scan3A_471 = arith.constant 0 : i32
      %scan3A_472 = arith.constant 0 : i32
      %scan3A_473 = arith.constant 56 : i32
      %scan3A_474 = arith.addi %scan3A_472, %scan3A_473 : i32
      %scan3A_475 = arith.constant 1 : i32
      %scan3A_476 = scf.for %scan3A_2015 = %scan3A_472 to %scan3A_474 step %scan3A_475 iter_args(%scan3A_2016 = %scan3A_471) -> (i32)  : i32 {
        %mul3A_2017 = arith.constant 16 : i32
        %mul3A_2018 = arith.muli %scan3A_2015, %mul3A_2017 : i32
        %get3A_2019 = arith.index_cast %mul3A_2018 : i32 to index
        %get3A_2020 = tpu.vector_load %arg8[%get3A_2019] {strides = array<i32>} : memref<896xf32, #tpu.memory_space<vmem>>, vector<16xf32>,
        %le3A_2021 = arith.cmpf ole, %get3A_2020, %get3A_25 : vector<16xf32>
        %mul3A_2022 = arith.constant 16 : i32
        %mul3A_2023 = arith.muli %scan3A_2015, %mul3A_2022 : i32
        %add3A_2024 = vector.broadcast %mul3A_2023 : i32 to vector<16xi32>
        %add3A_2025 = arith.addi %iota3A, %add3A_2024 : vector<16xi32>
        %swap3A_2026 = arith.index_cast %scan3A_2016 : i32 to index
        %swap3A_2027 = tpu.vector_load %arg11[%swap3A_2026] masked %le3A_2021 {strides = array<i32>} : memref<80xi32, #tpu.memory_space<vmem>>, vector<16xi32>, vector<16xi1>
        tpu.vector_store %arg11[%swap3A_2026], %add3A_2025 masked %le3A_2021 {strides = array<i32>} : memref<80xi32, #tpu.memory_space<vmem>>, vector<16xi32>, vector<16xi1>
        %convert_element_type3A_2028 = arith.extui %le3A_2021 : vector<16xi1> to vector<16xi32>
        %reduce_sum3A_2029 = arith.constant true
        %reduce_sum3A_2030 = vector.broadcast %reduce_sum3A_2029 : i1 to vector<16xi1>
        %reduce_sum3A_2031 = tpu.scan <sum>, %convert_element_type3A_2028 masked %reduce_sum3A_2030 : vector<16xi32>, vector<16xi1> -> vector<16xi32>
        %reduce_sum3A_2032 = vector.extract %reduce_sum3A_2031[15] : i32 from vector<16xi32>
        %add3A_2033 = arith.addi %scan3A_2016, %reduce_sum3A_2032 : i32
        %min3A = arith.constant 64 : i32
        %min3A_2034 = arith.minsi %add3A_2033, %min3A : i32
        scf.yield %min3A_2034 : i32
      }
      %scan3A_477 = arith.constant 56 : i32
      %jit3A_478 = arith.constant 1024 : i32
      %div3A_479 = arith.divsi %add3A_435, %jit3A_478 : i32
      %sign3A_480 = arith.constant 0 : i32
      %sign3A_481 = arith.cmpi sgt, %add3A_435, %sign3A_480 : i32
      %sign3A_482 = arith.extui %sign3A_481 : i1 to i32
      %sign3A_483 = arith.constant 0 : i32
      %sign3A_484 = arith.cmpi slt, %add3A_435, %sign3A_483 : i32
      %sign3A_485 = arith.extui %sign3A_484 : i1 to i32
      %sign3A_486 = arith.subi %sign3A_482, %sign3A_485 : i32
      %sign3A_487 = arith.constant 0 : i32
      %sign3A_488 = arith.cmpi sgt, %jit3A_478, %sign3A_487 : i32
      %sign3A_489 = arith.extui %sign3A_488 : i1 to i32
      %sign3A_490 = arith.constant 0 : i32
      %sign3A_491 = arith.cmpi slt, %jit3A_478, %sign3A_490 : i32
      %sign3A_492 = arith.extui %sign3A_491 : i1 to i32
      %sign3A_493 = arith.subi %sign3A_489, %sign3A_492 : i32
      %ne3A_494 = arith.cmpi ne, %sign3A_486, %sign3A_493 : i32
      %rem3A_495 = arith.remsi %add3A_435, %jit3A_478 : i32
      %ne3A_496 = arith.constant 0 : i32
      %ne3A_497 = arith.cmpi ne, %rem3A_495, %ne3A_496 : i32
      %and3A_498 = arith.andi %ne3A_494, %ne3A_497 : i1
      %sub3A_499 = arith.constant 1 : i32
      %sub3A_500 = arith.subi %div3A_479, %sub3A_499 : i32
      %select_n3A_501 = arith.select %and3A_498, %sub3A_500, %div3A_479 : i32
      %jit3A_502 = arith.constant 1024 : i32
      %eq3A_503 = arith.constant 0 : i32
      %eq3A_504 = arith.cmpi eq, %jit3A_502, %eq3A_503 : i32
      %jit3A_505 = arith.constant 1 : i32
      %select_n3A_506 = arith.select %eq3A_504, %jit3A_505, %jit3A_502 : i32
      %rem3A_507 = arith.remsi %add3A_435, %select_n3A_506 : i32
      %ne3A_508 = arith.constant 0 : i32
      %ne3A_509 = arith.cmpi ne, %rem3A_507, %ne3A_508 : i32
      %lt3A_510 = arith.constant 0 : i32
      %lt3A_511 = arith.cmpi slt, %rem3A_507, %lt3A_510 : i32
      %lt3A_512 = arith.constant 0 : i32
      %lt3A_513 = arith.cmpi slt, %select_n3A_506, %lt3A_512 : i32
      %ne3A_514 = arith.xori %lt3A_511, %lt3A_513 : i1
      %and3A_515 = arith.andi %ne3A_514, %ne3A_509 : i1
      %add3A_516 = arith.addi %rem3A_507, %select_n3A_506 : i32
      %select_n3A_517 = arith.select %and3A_515, %add3A_516, %rem3A_507 : i32
      %mul3A_518 = arith.constant 128 : i32
      %mul3A_519 = arith.muli %select_n3A_501, %mul3A_518 : i32
      %jit3A_520 = arith.constant 8 : i32
      %div3A_521 = arith.divsi %select_n3A_517, %jit3A_520 : i32
      %sign3A_522 = arith.constant 0 : i32
      %sign3A_523 = arith.cmpi sgt, %select_n3A_517, %sign3A_522 : i32
      %sign3A_524 = arith.extui %sign3A_523 : i1 to i32
      %sign3A_525 = arith.constant 0 : i32
      %sign3A_526 = arith.cmpi slt, %select_n3A_517, %sign3A_525 : i32
      %sign3A_527 = arith.extui %sign3A_526 : i1 to i32
      %sign3A_528 = arith.subi %sign3A_524, %sign3A_527 : i32
      %sign3A_529 = arith.constant 0 : i32
      %sign3A_530 = arith.cmpi sgt, %jit3A_520, %sign3A_529 : i32
      %sign3A_531 = arith.extui %sign3A_530 : i1 to i32
      %sign3A_532 = arith.constant 0 : i32
      %sign3A_533 = arith.cmpi slt, %jit3A_520, %sign3A_532 : i32
      %sign3A_534 = arith.extui %sign3A_533 : i1 to i32
      %sign3A_535 = arith.subi %sign3A_531, %sign3A_534 : i32
      %ne3A_536 = arith.cmpi ne, %sign3A_528, %sign3A_535 : i32
      %rem3A_537 = arith.remsi %select_n3A_517, %jit3A_520 : i32
      %ne3A_538 = arith.constant 0 : i32
      %ne3A_539 = arith.cmpi ne, %rem3A_537, %ne3A_538 : i32
      %and3A_540 = arith.andi %ne3A_536, %ne3A_539 : i1
      %sub3A_541 = arith.constant 1 : i32
      %sub3A_542 = arith.subi %div3A_521, %sub3A_541 : i32
      %select_n3A_543 = arith.select %and3A_540, %sub3A_542, %div3A_521 : i32
      %add3A_544 = arith.addi %mul3A_519, %select_n3A_543 : i32
      %mul3A_545 = arith.constant 6272 : i32
      %mul3A_546 = arith.muli %add3A_544, %mul3A_545 : i32
      %jit3A_547 = arith.constant 8 : i32
      %eq3A_548 = arith.constant 0 : i32
      %eq3A_549 = arith.cmpi eq, %jit3A_547, %eq3A_548 : i32
      %jit3A_550 = arith.constant 1 : i32
      %select_n3A_551 = arith.select %eq3A_549, %jit3A_550, %jit3A_547 : i32
      %rem3A_552 = arith.remsi %select_n3A_517, %select_n3A_551 : i32
      %ne3A_553 = arith.constant 0 : i32
      %ne3A_554 = arith.cmpi ne, %rem3A_552, %ne3A_553 : i32
      %lt3A_555 = arith.constant 0 : i32
      %lt3A_556 = arith.cmpi slt, %rem3A_552, %lt3A_555 : i32
      %lt3A_557 = arith.constant 0 : i32
      %lt3A_558 = arith.cmpi slt, %select_n3A_551, %lt3A_557 : i32
      %ne3A_559 = arith.xori %lt3A_556, %lt3A_558 : i1
      %and3A_560 = arith.andi %ne3A_559, %ne3A_554 : i1
      %add3A_561 = arith.addi %rem3A_552, %select_n3A_551 : i32
      %select_n3A_562 = arith.select %and3A_560, %add3A_561, %rem3A_552 : i32
      %add3A_563 = arith.addi %mul3A_546, %select_n3A_562 : i32
      %mul3A_564 = arith.constant 784 : i32
      %mul3A_565 = arith.muli %select_n3A_501, %mul3A_564 : i32
      %get3A_566 = arith.constant 0 : index
      %get3A_567 = tpu.vector_load %arg11[%get3A_566] {strides = array<i32>} : memref<80xi32, #tpu.memory_space<vmem>>, vector<16xi32>,
      %jit3A_568 = arith.constant 16 : i32
      %div3A_569 = vector.broadcast %jit3A_568 : i32 to vector<16xi32>
      %div3A_570 = arith.divsi %get3A_567, %div3A_569 : vector<16xi32>
      %sign3A_571 = arith.constant 0 : i32
      %sign3A_572 = vector.broadcast %sign3A_571 : i32 to vector<16xi32>
      %sign3A_573 = arith.cmpi sgt, %get3A_567, %sign3A_572 : vector<16xi32>
      %sign3A_574 = arith.extui %sign3A_573 : vector<16xi1> to vector<16xi32>
      %sign3A_575 = arith.constant 0 : i32
      %sign3A_576 = vector.broadcast %sign3A_575 : i32 to vector<16xi32>
      %sign3A_577 = arith.cmpi slt, %get3A_567, %sign3A_576 : vector<16xi32>
      %sign3A_578 = arith.extui %sign3A_577 : vector<16xi1> to vector<16xi32>
      %sign3A_579 = arith.subi %sign3A_574, %sign3A_578 : vector<16xi32>
      %sign3A_580 = arith.constant 0 : i32
      %sign3A_581 = arith.cmpi sgt, %jit3A_568, %sign3A_580 : i32
      %sign3A_582 = arith.extui %sign3A_581 : i1 to i32
      %sign3A_583 = arith.constant 0 : i32
      %sign3A_584 = arith.cmpi slt, %jit3A_568, %sign3A_583 : i32
      %sign3A_585 = arith.extui %sign3A_584 : i1 to i32
      %sign3A_586 = arith.subi %sign3A_582, %sign3A_585 : i32
      %ne3A_587 = vector.broadcast %sign3A_586 : i32 to vector<16xi32>
      %ne3A_588 = arith.cmpi ne, %sign3A_579, %ne3A_587 : vector<16xi32>
      %rem3A_589 = vector.broadcast %jit3A_568 : i32 to vector<16xi32>
      %rem3A_590 = arith.remsi %get3A_567, %rem3A_589 : vector<16xi32>
      %ne3A_591 = arith.constant 0 : i32
      %ne3A_592 = vector.broadcast %ne3A_591 : i32 to vector<16xi32>
      %ne3A_593 = arith.cmpi ne, %rem3A_590, %ne3A_592 : vector<16xi32>
      %and3A_594 = arith.andi %ne3A_588, %ne3A_593 : vector<16xi1>
      %sub3A_595 = arith.constant 1 : i32
      %sub3A_596 = vector.broadcast %sub3A_595 : i32 to vector<16xi32>
      %sub3A_597 = arith.subi %div3A_570, %sub3A_596 : vector<16xi32>
      %select_n3A_598 = arith.select %and3A_594, %sub3A_597, %div3A_570 : vector<16xi1>, vector<16xi32>
      %mul3A_599 = arith.constant 128 : i32
      %mul3A_600 = vector.broadcast %mul3A_599 : i32 to vector<16xi32>
      %mul3A_601 = arith.muli %select_n3A_598, %mul3A_600 : vector<16xi32>
      %add3A_602 = vector.broadcast %add3A_563 : i32 to vector<16xi32>
      %add3A_603 = arith.addi %add3A_602, %mul3A_601 : vector<16xi32>
      %jit3A_604 = arith.constant 16 : i32
      %eq3A_605 = arith.constant 0 : i32
      %eq3A_606 = arith.cmpi eq, %jit3A_604, %eq3A_605 : i32
      %jit3A_607 = arith.constant 1 : i32
      %select_n3A_608 = arith.select %eq3A_606, %jit3A_607, %jit3A_604 : i32
      %rem3A_609 = vector.broadcast %select_n3A_608 : i32 to vector<16xi32>
      %rem3A_610 = arith.remsi %get3A_567, %rem3A_609 : vector<16xi32>
      %ne3A_611 = arith.constant 0 : i32
      %ne3A_612 = vector.broadcast %ne3A_611 : i32 to vector<16xi32>
      %ne3A_613 = arith.cmpi ne, %rem3A_610, %ne3A_612 : vector<16xi32>
      %lt3A_614 = arith.constant 0 : i32
      %lt3A_615 = vector.broadcast %lt3A_614 : i32 to vector<16xi32>
      %lt3A_616 = arith.cmpi slt, %rem3A_610, %lt3A_615 : vector<16xi32>
      %lt3A_617 = arith.constant 0 : i32
      %lt3A_618 = arith.cmpi slt, %select_n3A_608, %lt3A_617 : i32
      %ne3A_619 = vector.broadcast %lt3A_618 : i1 to vector<16xi1>
      %ne3A_620 = vector.broadcast %ne3A_619 : vector<16xi1> to vector<16xi1>
      %ne3A_621 = arith.xori %lt3A_616, %ne3A_620 : vector<16xi1>
      %and3A_622 = arith.andi %ne3A_621, %ne3A_613 : vector<16xi1>
      %add3A_623 = vector.broadcast %select_n3A_608 : i32 to vector<16xi32>
      %add3A_624 = arith.addi %rem3A_610, %add3A_623 : vector<16xi32>
      %select_n3A_625 = arith.select %and3A_622, %add3A_624, %rem3A_610 : vector<16xi1>, vector<16xi32>
      %mul3A_626 = arith.constant 8 : i32
      %mul3A_627 = vector.broadcast %mul3A_626 : i32 to vector<16xi32>
      %mul3A_628 = arith.muli %select_n3A_625, %mul3A_627 : vector<16xi32>
      %add3A_629 = arith.addi %add3A_603, %mul3A_628 : vector<16xi32>
      %swap3A_630 = arith.constant 0 : index
      %swap3A_631 = tpu.vector_load %arg13[%swap3A_630] {strides = array<i32>} : memref<64xi32, #tpu.memory_space<vmem>>, vector<16xi32>,
      tpu.vector_store %arg13[%swap3A_630], %add3A_629 {strides = array<i32>} : memref<64xi32, #tpu.memory_space<vmem>>, vector<16xi32>,
      %add3A_632 = vector.broadcast %mul3A_565 : i32 to vector<16xi32>
      %add3A_633 = arith.addi %get3A_567, %add3A_632 : vector<16xi32>
      %swap3A_634 = arith.constant 0 : index
      %swap3A_635 = tpu.vector_load %arg15[%swap3A_634] {strides = array<i32>} : memref<64xi32, #tpu.memory_space<vmem>>, vector<16xi32>,
      tpu.vector_store %arg15[%swap3A_634], %add3A_633 {strides = array<i32>} : memref<64xi32, #tpu.memory_space<vmem>>, vector<16xi32>,
      %get3A_636 = arith.constant 16 : index
      %get3A_637 = tpu.vector_load %arg11[%get3A_636] {strides = array<i32>} : memref<80xi32, #tpu.memory_space<vmem>>, vector<16xi32>,
      %jit3A_638 = arith.constant 16 : i32
      %div3A_639 = vector.broadcast %jit3A_638 : i32 to vector<16xi32>
      %div3A_640 = arith.divsi %get3A_637, %div3A_639 : vector<16xi32>
      %sign3A_641 = arith.constant 0 : i32
      %sign3A_642 = vector.broadcast %sign3A_641 : i32 to vector<16xi32>
      %sign3A_643 = arith.cmpi sgt, %get3A_637, %sign3A_642 : vector<16xi32>
      %sign3A_644 = arith.extui %sign3A_643 : vector<16xi1> to vector<16xi32>
      %sign3A_645 = arith.constant 0 : i32
      %sign3A_646 = vector.broadcast %sign3A_645 : i32 to vector<16xi32>
      %sign3A_647 = arith.cmpi slt, %get3A_637, %sign3A_646 : vector<16xi32>
      %sign3A_648 = arith.extui %sign3A_647 : vector<16xi1> to vector<16xi32>
      %sign3A_649 = arith.subi %sign3A_644, %sign3A_648 : vector<16xi32>
      %sign3A_650 = arith.constant 0 : i32
      %sign3A_651 = arith.cmpi sgt, %jit3A_638, %sign3A_650 : i32
      %sign3A_652 = arith.extui %sign3A_651 : i1 to i32
      %sign3A_653 = arith.constant 0 : i32
      %sign3A_654 = arith.cmpi slt, %jit3A_638, %sign3A_653 : i32
      %sign3A_655 = arith.extui %sign3A_654 : i1 to i32
      %sign3A_656 = arith.subi %sign3A_652, %sign3A_655 : i32
      %ne3A_657 = vector.broadcast %sign3A_656 : i32 to vector<16xi32>
      %ne3A_658 = arith.cmpi ne, %sign3A_649, %ne3A_657 : vector<16xi32>
      %rem3A_659 = vector.broadcast %jit3A_638 : i32 to vector<16xi32>
      %rem3A_660 = arith.remsi %get3A_637, %rem3A_659 : vector<16xi32>
      %ne3A_661 = arith.constant 0 : i32
      %ne3A_662 = vector.broadcast %ne3A_661 : i32 to vector<16xi32>
      %ne3A_663 = arith.cmpi ne, %rem3A_660, %ne3A_662 : vector<16xi32>
      %and3A_664 = arith.andi %ne3A_658, %ne3A_663 : vector<16xi1>
      %sub3A_665 = arith.constant 1 : i32
      %sub3A_666 = vector.broadcast %sub3A_665 : i32 to vector<16xi32>
      %sub3A_667 = arith.subi %div3A_640, %sub3A_666 : vector<16xi32>
      %select_n3A_668 = arith.select %and3A_664, %sub3A_667, %div3A_640 : vector<16xi1>, vector<16xi32>
      %mul3A_669 = arith.constant 128 : i32
      %mul3A_670 = vector.broadcast %mul3A_669 : i32 to vector<16xi32>
      %mul3A_671 = arith.muli %select_n3A_668, %mul3A_670 : vector<16xi32>
      %add3A_672 = vector.broadcast %add3A_563 : i32 to vector<16xi32>
      %add3A_673 = arith.addi %add3A_672, %mul3A_671 : vector<16xi32>
      %jit3A_674 = arith.constant 16 : i32
      %eq3A_675 = arith.constant 0 : i32
      %eq3A_676 = arith.cmpi eq, %jit3A_674, %eq3A_675 : i32
      %jit3A_677 = arith.constant 1 : i32
      %select_n3A_678 = arith.select %eq3A_676, %jit3A_677, %jit3A_674 : i32
      %rem3A_679 = vector.broadcast %select_n3A_678 : i32 to vector<16xi32>
      %rem3A_680 = arith.remsi %get3A_637, %rem3A_679 : vector<16xi32>
      %ne3A_681 = arith.constant 0 : i32
      %ne3A_682 = vector.broadcast %ne3A_681 : i32 to vector<16xi32>
      %ne3A_683 = arith.cmpi ne, %rem3A_680, %ne3A_682 : vector<16xi32>
      %lt3A_684 = arith.constant 0 : i32
      %lt3A_685 = vector.broadcast %lt3A_684 : i32 to vector<16xi32>
      %lt3A_686 = arith.cmpi slt, %rem3A_680, %lt3A_685 : vector<16xi32>
      %lt3A_687 = arith.constant 0 : i32
      %lt3A_688 = arith.cmpi slt, %select_n3A_678, %lt3A_687 : i32
      %ne3A_689 = vector.broadcast %lt3A_688 : i1 to vector<16xi1>
      %ne3A_690 = vector.broadcast %ne3A_689 : vector<16xi1> to vector<16xi1>
      %ne3A_691 = arith.xori %lt3A_686, %ne3A_690 : vector<16xi1>
      %and3A_692 = arith.andi %ne3A_691, %ne3A_683 : vector<16xi1>
      %add3A_693 = vector.broadcast %select_n3A_678 : i32 to vector<16xi32>
      %add3A_694 = arith.addi %rem3A_680, %add3A_693 : vector<16xi32>
      %select_n3A_695 = arith.select %and3A_692, %add3A_694, %rem3A_680 : vector<16xi1>, vector<16xi32>
      %mul3A_696 = arith.constant 8 : i32
      %mul3A_697 = vector.broadcast %mul3A_696 : i32 to vector<16xi32>
      %mul3A_698 = arith.muli %select_n3A_695, %mul3A_697 : vector<16xi32>
      %add3A_699 = arith.addi %add3A_673, %mul3A_698 : vector<16xi32>
      %swap3A_700 = arith.constant 16 : index
      %swap3A_701 = tpu.vector_load %arg13[%swap3A_700] {strides = array<i32>} : memref<64xi32, #tpu.memory_space<vmem>>, vector<16xi32>,
      tpu.vector_store %arg13[%swap3A_700], %add3A_699 {strides = array<i32>} : memref<64xi32, #tpu.memory_space<vmem>>, vector<16xi32>,
      %add3A_702 = vector.broadcast %mul3A_565 : i32 to vector<16xi32>
      %add3A_703 = arith.addi %get3A_637, %add3A_702 : vector<16xi32>
      %swap3A_704 = arith.constant 16 : index
      %swap3A_705 = tpu.vector_load %arg15[%swap3A_704] {strides = array<i32>} : memref<64xi32, #tpu.memory_space<vmem>>, vector<16xi32>,
      tpu.vector_store %arg15[%swap3A_704], %add3A_703 {strides = array<i32>} : memref<64xi32, #tpu.memory_space<vmem>>, vector<16xi32>,
      %get3A_706 = arith.constant 32 : index
      %get3A_707 = tpu.vector_load %arg11[%get3A_706] {strides = array<i32>} : memref<80xi32, #tpu.memory_space<vmem>>, vector<16xi32>,
      %jit3A_708 = arith.constant 16 : i32
      %div3A_709 = vector.broadcast %jit3A_708 : i32 to vector<16xi32>
      %div3A_710 = arith.divsi %get3A_707, %div3A_709 : vector<16xi32>
      %sign3A_711 = arith.constant 0 : i32
      %sign3A_712 = vector.broadcast %sign3A_711 : i32 to vector<16xi32>
      %sign3A_713 = arith.cmpi sgt, %get3A_707, %sign3A_712 : vector<16xi32>
      %sign3A_714 = arith.extui %sign3A_713 : vector<16xi1> to vector<16xi32>
      %sign3A_715 = arith.constant 0 : i32
      %sign3A_716 = vector.broadcast %sign3A_715 : i32 to vector<16xi32>
      %sign3A_717 = arith.cmpi slt, %get3A_707, %sign3A_716 : vector<16xi32>
      %sign3A_718 = arith.extui %sign3A_717 : vector<16xi1> to vector<16xi32>
      %sign3A_719 = arith.subi %sign3A_714, %sign3A_718 : vector<16xi32>
      %sign3A_720 = arith.constant 0 : i32
      %sign3A_721 = arith.cmpi sgt, %jit3A_708, %sign3A_720 : i32
      %sign3A_722 = arith.extui %sign3A_721 : i1 to i32
      %sign3A_723 = arith.constant 0 : i32
      %sign3A_724 = arith.cmpi slt, %jit3A_708, %sign3A_723 : i32
      %sign3A_725 = arith.extui %sign3A_724 : i1 to i32
      %sign3A_726 = arith.subi %sign3A_722, %sign3A_725 : i32
      %ne3A_727 = vector.broadcast %sign3A_726 : i32 to vector<16xi32>
      %ne3A_728 = arith.cmpi ne, %sign3A_719, %ne3A_727 : vector<16xi32>
      %rem3A_729 = vector.broadcast %jit3A_708 : i32 to vector<16xi32>
      %rem3A_730 = arith.remsi %get3A_707, %rem3A_729 : vector<16xi32>
      %ne3A_731 = arith.constant 0 : i32
      %ne3A_732 = vector.broadcast %ne3A_731 : i32 to vector<16xi32>
      %ne3A_733 = arith.cmpi ne, %rem3A_730, %ne3A_732 : vector<16xi32>
      %and3A_734 = arith.andi %ne3A_728, %ne3A_733 : vector<16xi1>
      %sub3A_735 = arith.constant 1 : i32
      %sub3A_736 = vector.broadcast %sub3A_735 : i32 to vector<16xi32>
      %sub3A_737 = arith.subi %div3A_710, %sub3A_736 : vector<16xi32>
      %select_n3A_738 = arith.select %and3A_734, %sub3A_737, %div3A_710 : vector<16xi1>, vector<16xi32>
      %mul3A_739 = arith.constant 128 : i32
      %mul3A_740 = vector.broadcast %mul3A_739 : i32 to vector<16xi32>
      %mul3A_741 = arith.muli %select_n3A_738, %mul3A_740 : vector<16xi32>
      %add3A_742 = vector.broadcast %add3A_563 : i32 to vector<16xi32>
      %add3A_743 = arith.addi %add3A_742, %mul3A_741 : vector<16xi32>
      %jit3A_744 = arith.constant 16 : i32
      %eq3A_745 = arith.constant 0 : i32
      %eq3A_746 = arith.cmpi eq, %jit3A_744, %eq3A_745 : i32
      %jit3A_747 = arith.constant 1 : i32
      %select_n3A_748 = arith.select %eq3A_746, %jit3A_747, %jit3A_744 : i32
      %rem3A_749 = vector.broadcast %select_n3A_748 : i32 to vector<16xi32>
      %rem3A_750 = arith.remsi %get3A_707, %rem3A_749 : vector<16xi32>
      %ne3A_751 = arith.constant 0 : i32
      %ne3A_752 = vector.broadcast %ne3A_751 : i32 to vector<16xi32>
      %ne3A_753 = arith.cmpi ne, %rem3A_750, %ne3A_752 : vector<16xi32>
      %lt3A_754 = arith.constant 0 : i32
      %lt3A_755 = vector.broadcast %lt3A_754 : i32 to vector<16xi32>
      %lt3A_756 = arith.cmpi slt, %rem3A_750, %lt3A_755 : vector<16xi32>
      %lt3A_757 = arith.constant 0 : i32
      %lt3A_758 = arith.cmpi slt, %select_n3A_748, %lt3A_757 : i32
      %ne3A_759 = vector.broadcast %lt3A_758 : i1 to vector<16xi1>
      %ne3A_760 = vector.broadcast %ne3A_759 : vector<16xi1> to vector<16xi1>
      %ne3A_761 = arith.xori %lt3A_756, %ne3A_760 : vector<16xi1>
      %and3A_762 = arith.andi %ne3A_761, %ne3A_753 : vector<16xi1>
      %add3A_763 = vector.broadcast %select_n3A_748 : i32 to vector<16xi32>
      %add3A_764 = arith.addi %rem3A_750, %add3A_763 : vector<16xi32>
      %select_n3A_765 = arith.select %and3A_762, %add3A_764, %rem3A_750 : vector<16xi1>, vector<16xi32>
      %mul3A_766 = arith.constant 8 : i32
      %mul3A_767 = vector.broadcast %mul3A_766 : i32 to vector<16xi32>
      %mul3A_768 = arith.muli %select_n3A_765, %mul3A_767 : vector<16xi32>
      %add3A_769 = arith.addi %add3A_743, %mul3A_768 : vector<16xi32>
      %swap3A_770 = arith.constant 32 : index
      %swap3A_771 = tpu.vector_load %arg13[%swap3A_770] {strides = array<i32>} : memref<64xi32, #tpu.memory_space<vmem>>, vector<16xi32>,
      tpu.vector_store %arg13[%swap3A_770], %add3A_769 {strides = array<i32>} : memref<64xi32, #tpu.memory_space<vmem>>, vector<16xi32>,
      %add3A_772 = vector.broadcast %mul3A_565 : i32 to vector<16xi32>
      %add3A_773 = arith.addi %get3A_707, %add3A_772 : vector<16xi32>
      %swap3A_774 = arith.constant 32 : index
      %swap3A_775 = tpu.vector_load %arg15[%swap3A_774] {strides = array<i32>} : memref<64xi32, #tpu.memory_space<vmem>>, vector<16xi32>,
      tpu.vector_store %arg15[%swap3A_774], %add3A_773 {strides = array<i32>} : memref<64xi32, #tpu.memory_space<vmem>>, vector<16xi32>,
      %get3A_776 = arith.constant 48 : index
      %get3A_777 = tpu.vector_load %arg11[%get3A_776] {strides = array<i32>} : memref<80xi32, #tpu.memory_space<vmem>>, vector<16xi32>,
      %jit3A_778 = arith.constant 16 : i32
      %div3A_779 = vector.broadcast %jit3A_778 : i32 to vector<16xi32>
      %div3A_780 = arith.divsi %get3A_777, %div3A_779 : vector<16xi32>
      %sign3A_781 = arith.constant 0 : i32
      %sign3A_782 = vector.broadcast %sign3A_781 : i32 to vector<16xi32>
      %sign3A_783 = arith.cmpi sgt, %get3A_777, %sign3A_782 : vector<16xi32>
      %sign3A_784 = arith.extui %sign3A_783 : vector<16xi1> to vector<16xi32>
      %sign3A_785 = arith.constant 0 : i32
      %sign3A_786 = vector.broadcast %sign3A_785 : i32 to vector<16xi32>
      %sign3A_787 = arith.cmpi slt, %get3A_777, %sign3A_786 : vector<16xi32>
      %sign3A_788 = arith.extui %sign3A_787 : vector<16xi1> to vector<16xi32>
      %sign3A_789 = arith.subi %sign3A_784, %sign3A_788 : vector<16xi32>
      %sign3A_790 = arith.constant 0 : i32
      %sign3A_791 = arith.cmpi sgt, %jit3A_778, %sign3A_790 : i32
      %sign3A_792 = arith.extui %sign3A_791 : i1 to i32
      %sign3A_793 = arith.constant 0 : i32
      %sign3A_794 = arith.cmpi slt, %jit3A_778, %sign3A_793 : i32
      %sign3A_795 = arith.extui %sign3A_794 : i1 to i32
      %sign3A_796 = arith.subi %sign3A_792, %sign3A_795 : i32
      %ne3A_797 = vector.broadcast %sign3A_796 : i32 to vector<16xi32>
      %ne3A_798 = arith.cmpi ne, %sign3A_789, %ne3A_797 : vector<16xi32>
      %rem3A_799 = vector.broadcast %jit3A_778 : i32 to vector<16xi32>
      %rem3A_800 = arith.remsi %get3A_777, %rem3A_799 : vector<16xi32>
      %ne3A_801 = arith.constant 0 : i32
      %ne3A_802 = vector.broadcast %ne3A_801 : i32 to vector<16xi32>
      %ne3A_803 = arith.cmpi ne, %rem3A_800, %ne3A_802 : vector<16xi32>
      %and3A_804 = arith.andi %ne3A_798, %ne3A_803 : vector<16xi1>
      %sub3A_805 = arith.constant 1 : i32
      %sub3A_806 = vector.broadcast %sub3A_805 : i32 to vector<16xi32>
      %sub3A_807 = arith.subi %div3A_780, %sub3A_806 : vector<16xi32>
      %select_n3A_808 = arith.select %and3A_804, %sub3A_807, %div3A_780 : vector<16xi1>, vector<16xi32>
      %mul3A_809 = arith.constant 128 : i32
      %mul3A_810 = vector.broadcast %mul3A_809 : i32 to vector<16xi32>
      %mul3A_811 = arith.muli %select_n3A_808, %mul3A_810 : vector<16xi32>
      %add3A_812 = vector.broadcast %add3A_563 : i32 to vector<16xi32>
      %add3A_813 = arith.addi %add3A_812, %mul3A_811 : vector<16xi32>
      %jit3A_814 = arith.constant 16 : i32
      %eq3A_815 = arith.constant 0 : i32
      %eq3A_816 = arith.cmpi eq, %jit3A_814, %eq3A_815 : i32
      %jit3A_817 = arith.constant 1 : i32
      %select_n3A_818 = arith.select %eq3A_816, %jit3A_817, %jit3A_814 : i32
      %rem3A_819 = vector.broadcast %select_n3A_818 : i32 to vector<16xi32>
      %rem3A_820 = arith.remsi %get3A_777, %rem3A_819 : vector<16xi32>
      %ne3A_821 = arith.constant 0 : i32
      %ne3A_822 = vector.broadcast %ne3A_821 : i32 to vector<16xi32>
      %ne3A_823 = arith.cmpi ne, %rem3A_820, %ne3A_822 : vector<16xi32>
      %lt3A_824 = arith.constant 0 : i32
      %lt3A_825 = vector.broadcast %lt3A_824 : i32 to vector<16xi32>
      %lt3A_826 = arith.cmpi slt, %rem3A_820, %lt3A_825 : vector<16xi32>
      %lt3A_827 = arith.constant 0 : i32
      %lt3A_828 = arith.cmpi slt, %select_n3A_818, %lt3A_827 : i32
      %ne3A_829 = vector.broadcast %lt3A_828 : i1 to vector<16xi1>
      %ne3A_830 = vector.broadcast %ne3A_829 : vector<16xi1> to vector<16xi1>
      %ne3A_831 = arith.xori %lt3A_826, %ne3A_830 : vector<16xi1>
      %and3A_832 = arith.andi %ne3A_831, %ne3A_823 : vector<16xi1>
      %add3A_833 = vector.broadcast %select_n3A_818 : i32 to vector<16xi32>
      %add3A_834 = arith.addi %rem3A_820, %add3A_833 : vector<16xi32>
      %select_n3A_835 = arith.select %and3A_832, %add3A_834, %rem3A_820 : vector<16xi1>, vector<16xi32>
      %mul3A_836 = arith.constant 8 : i32
      %mul3A_837 = vector.broadcast %mul3A_836 : i32 to vector<16xi32>
      %mul3A_838 = arith.muli %select_n3A_835, %mul3A_837 : vector<16xi32>
      %add3A_839 = arith.addi %add3A_813, %mul3A_838 : vector<16xi32>
      %swap3A_840 = arith.constant 48 : index
      %swap3A_841 = tpu.vector_load %arg13[%swap3A_840] {strides = array<i32>} : memref<64xi32, #tpu.memory_space<vmem>>, vector<16xi32>,
      tpu.vector_store %arg13[%swap3A_840], %add3A_839 {strides = array<i32>} : memref<64xi32, #tpu.memory_space<vmem>>, vector<16xi32>,
      %add3A_842 = vector.broadcast %mul3A_565 : i32 to vector<16xi32>
      %add3A_843 = arith.addi %get3A_777, %add3A_842 : vector<16xi32>
      %swap3A_844 = arith.constant 48 : index
      %swap3A_845 = tpu.vector_load %arg15[%swap3A_844] {strides = array<i32>} : memref<64xi32, #tpu.memory_space<vmem>>, vector<16xi32>,
      tpu.vector_store %arg15[%swap3A_844], %add3A_843 {strides = array<i32>} : memref<64xi32, #tpu.memory_space<vmem>>, vector<16xi32>,
      %dma_start3A_846 = arith.constant 0 : i32
      %dma_start3A_847 = arith.constant 0 : i32
      %dma_start3A_848 = tpu.memref_slice %arg2[%dma_start3A_846, %dma_start3A_847] : memref<6422528x128xf32, #tpu.memory_space<hbm>> -> memref<6422528x128xf32, #tpu.memory_space<hbm>>
      tpu.enqueue_indirect_dma source(%dma_start3A_848 : memref<6422528x128xf32, #tpu.memory_space<hbm>>) target(%arg17 : memref<64x128xf32, #tpu.memory_space<vmem>>) offsets(%arg13 : memref<64xi32, #tpu.memory_space<vmem>>) semaphore(%arg27 : memref<!tpu.dma_semaphore, #tpu.memory_space<semaphore_mem>>)
      %dma_start3A_849 = arith.constant 0 : i32
      %dma_start3A_850 = arith.constant 0 : i32
      %dma_start3A_851 = tpu.memref_slice %arg3[%dma_start3A_849, %dma_start3A_850] : memref<6272x128xf32, #tpu.memory_space<hbm>> -> memref<6272x128xf32, #tpu.memory_space<hbm>>
      tpu.enqueue_indirect_dma source(%dma_start3A_851 : memref<6272x128xf32, #tpu.memory_space<hbm>>) target(%arg19 : memref<64x128xf32, #tpu.memory_space<vmem>>) offsets(%arg15 : memref<64xi32, #tpu.memory_space<vmem>>) semaphore(%arg29 : memref<!tpu.dma_semaphore, #tpu.memory_space<semaphore_mem>>)
      %dma_wait3A_852 = arith.constant 0 : i32
      %dma_wait3A_853 = arith.constant 0 : i32
      %dma_wait3A_854 = tpu.memref_slice %arg2[%dma_wait3A_852, %dma_wait3A_853] : memref<6422528x128xf32, #tpu.memory_space<hbm>> -> memref<6422528x128xf32, #tpu.memory_space<hbm>>
      tpu.wait_indirect_dma semaphore(%arg26 : memref<!tpu.dma_semaphore, #tpu.memory_space<semaphore_mem>>) src(%dma_wait3A_854 : memref<6422528x128xf32, #tpu.memory_space<hbm>>) dst(%arg16 : memref<64x128xf32, #tpu.memory_space<vmem>>)
      %dma_wait3A_855 = arith.constant 0 : i32
      %dma_wait3A_856 = arith.constant 0 : i32
      %dma_wait3A_857 = tpu.memref_slice %arg3[%dma_wait3A_855, %dma_wait3A_856] : memref<6272x128xf32, #tpu.memory_space<hbm>> -> memref<6272x128xf32, #tpu.memory_space<hbm>>
      tpu.wait_indirect_dma semaphore(%arg28 : memref<!tpu.dma_semaphore, #tpu.memory_space<semaphore_mem>>) src(%dma_wait3A_857 : memref<6272x128xf32, #tpu.memory_space<hbm>>) dst(%arg18 : memref<64x128xf32, #tpu.memory_space<vmem>>)
      %broadcast_in_dim3A = arith.constant 3.000000e+38 : f32
      %broadcast_in_dim3A_858 = vector.broadcast %broadcast_in_dim3A : f32 to vector<16xf32>
      %broadcast_in_dim3A_859 = arith.constant 0.000000e+00 : f32
      %broadcast_in_dim3A_860 = vector.broadcast %broadcast_in_dim3A_859 : f32 to vector<16xf32>
      %swap3A_861 = arith.constant 0 : index
      %swap3A_862 = tpu.vector_load %arg20[%swap3A_861] {strides = array<i32>} : memref<144xf32, #tpu.memory_space<vmem>>, vector<16xf32>,
      tpu.vector_store %arg20[%swap3A_861], %broadcast_in_dim3A_858 {strides = array<i32>} : memref<144xf32, #tpu.memory_space<vmem>>, vector<16xf32>,
      %swap3A_863 = arith.constant 0 : index
      %swap3A_864 = tpu.vector_load %arg21[%swap3A_863] {strides = array<i32>} : memref<144xf32, #tpu.memory_space<vmem>>, vector<16xf32>,
      tpu.vector_store %arg21[%swap3A_863], %broadcast_in_dim3A_860 {strides = array<i32>} : memref<144xf32, #tpu.memory_space<vmem>>, vector<16xf32>,
      %swap3A_865 = arith.constant 16 : index
      %swap3A_866 = tpu.vector_load %arg20[%swap3A_865] {strides = array<i32>} : memref<144xf32, #tpu.memory_space<vmem>>, vector<16xf32>,
      tpu.vector_store %arg20[%swap3A_865], %broadcast_in_dim3A_858 {strides = array<i32>} : memref<144xf32, #tpu.memory_space<vmem>>, vector<16xf32>,
      %swap3A_867 = arith.constant 16 : index
      %swap3A_868 = tpu.vector_load %arg21[%swap3A_867] {strides = array<i32>} : memref<144xf32, #tpu.memory_space<vmem>>, vector<16xf32>,
      tpu.vector_store %arg21[%swap3A_867], %broadcast_in_dim3A_860 {strides = array<i32>} : memref<144xf32, #tpu.memory_space<vmem>>, vector<16xf32>,
      %swap3A_869 = arith.constant 32 : index
      %swap3A_870 = tpu.vector_load %arg20[%swap3A_869] {strides = array<i32>} : memref<144xf32, #tpu.memory_space<vmem>>, vector<16xf32>,
      tpu.vector_store %arg20[%swap3A_869], %broadcast_in_dim3A_858 {strides = array<i32>} : memref<144xf32, #tpu.memory_space<vmem>>, vector<16xf32>,
      %swap3A_871 = arith.constant 32 : index
      %swap3A_872 = tpu.vector_load %arg21[%swap3A_871] {strides = array<i32>} : memref<144xf32, #tpu.memory_space<vmem>>, vector<16xf32>,
      tpu.vector_store %arg21[%swap3A_871], %broadcast_in_dim3A_860 {strides = array<i32>} : memref<144xf32, #tpu.memory_space<vmem>>, vector<16xf32>,
      %swap3A_873 = arith.constant 48 : index
      %swap3A_874 = tpu.vector_load %arg20[%swap3A_873] {strides = array<i32>} : memref<144xf32, #tpu.memory_space<vmem>>, vector<16xf32>,
      tpu.vector_store %arg20[%swap3A_873], %broadcast_in_dim3A_858 {strides = array<i32>} : memref<144xf32, #tpu.memory_space<vmem>>, vector<16xf32>,
      %swap3A_875 = arith.constant 48 : index
      %swap3A_876 = tpu.vector_load %arg21[%swap3A_875] {strides = array<i32>} : memref<144xf32, #tpu.memory_space<vmem>>, vector<16xf32>,
      tpu.vector_store %arg21[%swap3A_875], %broadcast_in_dim3A_860 {strides = array<i32>} : memref<144xf32, #tpu.memory_space<vmem>>, vector<16xf32>,
      %swap3A_877 = arith.constant 64 : index
      %swap3A_878 = tpu.vector_load %arg20[%swap3A_877] {strides = array<i32>} : memref<144xf32, #tpu.memory_space<vmem>>, vector<16xf32>,
      tpu.vector_store %arg20[%swap3A_877], %broadcast_in_dim3A_858 {strides = array<i32>} : memref<144xf32, #tpu.memory_space<vmem>>, vector<16xf32>,
      %swap3A_879 = arith.constant 64 : index
      %swap3A_880 = tpu.vector_load %arg21[%swap3A_879] {strides = array<i32>} : memref<144xf32, #tpu.memory_space<vmem>>, vector<16xf32>,
      tpu.vector_store %arg21[%swap3A_879], %broadcast_in_dim3A_860 {strides = array<i32>} : memref<144xf32, #tpu.memory_space<vmem>>, vector<16xf32>,
      %swap3A_881 = arith.constant 80 : index
      %swap3A_882 = tpu.vector_load %arg20[%swap3A_881] {strides = array<i32>} : memref<144xf32, #tpu.memory_space<vmem>>, vector<16xf32>,
      tpu.vector_store %arg20[%swap3A_881], %broadcast_in_dim3A_858 {strides = array<i32>} : memref<144xf32, #tpu.memory_space<vmem>>, vector<16xf32>,
      %swap3A_883 = arith.constant 80 : index
      %swap3A_884 = tpu.vector_load %arg21[%swap3A_883] {strides = array<i32>} : memref<144xf32, #tpu.memory_space<vmem>>, vector<16xf32>,
      tpu.vector_store %arg21[%swap3A_883], %broadcast_in_dim3A_860 {strides = array<i32>} : memref<144xf32, #tpu.memory_space<vmem>>, vector<16xf32>,
      %swap3A_885 = arith.constant 96 : index
      %swap3A_886 = tpu.vector_load %arg20[%swap3A_885] {strides = array<i32>} : memref<144xf32, #tpu.memory_space<vmem>>, vector<16xf32>,
      tpu.vector_store %arg20[%swap3A_885], %broadcast_in_dim3A_858 {strides = array<i32>} : memref<144xf32, #tpu.memory_space<vmem>>, vector<16xf32>,
      %swap3A_887 = arith.constant 96 : index
      %swap3A_888 = tpu.vector_load %arg21[%swap3A_887] {strides = array<i32>} : memref<144xf32, #tpu.memory_space<vmem>>, vector<16xf32>,
      tpu.vector_store %arg21[%swap3A_887], %broadcast_in_dim3A_860 {strides = array<i32>} : memref<144xf32, #tpu.memory_space<vmem>>, vector<16xf32>,
      %swap3A_889 = arith.constant 112 : index
      %swap3A_890 = tpu.vector_load %arg20[%swap3A_889] {strides = array<i32>} : memref<144xf32, #tpu.memory_space<vmem>>, vector<16xf32>,
      tpu.vector_store %arg20[%swap3A_889], %broadcast_in_dim3A_858 {strides = array<i32>} : memref<144xf32, #tpu.memory_space<vmem>>, vector<16xf32>,
      %swap3A_891 = arith.constant 112 : index
      %swap3A_892 = tpu.vector_load %arg21[%swap3A_891] {strides = array<i32>} : memref<144xf32, #tpu.memory_space<vmem>>, vector<16xf32>,
      tpu.vector_store %arg21[%swap3A_891], %broadcast_in_dim3A_860 {strides = array<i32>} : memref<144xf32, #tpu.memory_space<vmem>>, vector<16xf32>,
      %swap3A_893 = arith.constant 128 : index
      %swap3A_894 = tpu.vector_load %arg20[%swap3A_893] {strides = array<i32>} : memref<144xf32, #tpu.memory_space<vmem>>, vector<16xf32>,
      tpu.vector_store %arg20[%swap3A_893], %broadcast_in_dim3A_858 {strides = array<i32>} : memref<144xf32, #tpu.memory_space<vmem>>, vector<16xf32>,
      %swap3A_895 = arith.constant 128 : index
      %swap3A_896 = tpu.vector_load %arg21[%swap3A_895] {strides = array<i32>} : memref<144xf32, #tpu.memory_space<vmem>>, vector<16xf32>,
      tpu.vector_store %arg21[%swap3A_895], %broadcast_in_dim3A_860 {strides = array<i32>} : memref<144xf32, #tpu.memory_space<vmem>>, vector<16xf32>,
      %scan3A_897 = arith.constant 0 : i32
      %scan3A_898 = arith.constant 0 : i32
      %scan3A_899 = arith.constant 64 : i32
      %scan3A_900 = arith.addi %scan3A_898, %scan3A_899 : i32
      %scan3A_901 = arith.constant 1 : i32
      %scan3A_902 = scf.for %scan3A_2015 = %scan3A_898 to %scan3A_900 step %scan3A_901 iter_args(%scan3A_2016 = %scan3A_897) -> (i32)  : i32 {
        %get3A_2017 = arith.index_cast %scan3A_2015 : i32 to index
        %get3A_2018 = arith.constant 0 : index
        %get3A_2019 = tpu.vector_load %arg16[%get3A_2017, %get3A_2018] {strides = array<i32>} : memref<64x128xf32, #tpu.memory_space<vmem>>, vector<16xf32>,
        %get3A_2020 = arith.index_cast %scan3A_2015 : i32 to index
        %get3A_2021 = arith.constant 0 : index
        %get3A_2022 = tpu.vector_load %arg18[%get3A_2020, %get3A_2021] {strides = array<i32>} : memref<64x128xf32, #tpu.memory_space<vmem>>, vector<16xf32>,
        %le3A_2023 = arith.cmpf ole, %get3A_2019, %get3A_23 : vector<16xf32>
        %swap3A_2024 = arith.index_cast %scan3A_2016 : i32 to index
        %swap3A_2025 = tpu.vector_load %arg20[%swap3A_2024] masked %le3A_2023 {strides = array<i32>} : memref<144xf32, #tpu.memory_space<vmem>>, vector<16xf32>, vector<16xi1>
        tpu.vector_store %arg20[%swap3A_2024], %get3A_2019 masked %le3A_2023 {strides = array<i32>} : memref<144xf32, #tpu.memory_space<vmem>>, vector<16xf32>, vector<16xi1>
        %swap3A_2026 = arith.index_cast %scan3A_2016 : i32 to index
        %swap3A_2027 = tpu.vector_load %arg21[%swap3A_2026] masked %le3A_2023 {strides = array<i32>} : memref<144xf32, #tpu.memory_space<vmem>>, vector<16xf32>, vector<16xi1>
        tpu.vector_store %arg21[%swap3A_2026], %get3A_2022 masked %le3A_2023 {strides = array<i32>} : memref<144xf32, #tpu.memory_space<vmem>>, vector<16xf32>, vector<16xi1>
        %convert_element_type3A_2028 = arith.extui %le3A_2023 : vector<16xi1> to vector<16xi32>
        %reduce_sum3A_2029 = arith.constant true
        %reduce_sum3A_2030 = vector.broadcast %reduce_sum3A_2029 : i1 to vector<16xi1>
        %reduce_sum3A_2031 = tpu.scan <sum>, %convert_element_type3A_2028 masked %reduce_sum3A_2030 : vector<16xi32>, vector<16xi1> -> vector<16xi32>
        %reduce_sum3A_2032 = vector.extract %reduce_sum3A_2031[15] : i32 from vector<16xi32>
        %add3A_2033 = arith.addi %scan3A_2016, %reduce_sum3A_2032 : i32
        %min3A = arith.constant 128 : i32
        %min3A_2034 = arith.minsi %add3A_2033, %min3A : i32
        %get3A_2035 = arith.index_cast %scan3A_2015 : i32 to index
        %get3A_2036 = arith.constant 16 : index
        %get3A_2037 = tpu.vector_load %arg16[%get3A_2035, %get3A_2036] {strides = array<i32>} : memref<64x128xf32, #tpu.memory_space<vmem>>, vector<16xf32>,
        %get3A_2038 = arith.index_cast %scan3A_2015 : i32 to index
        %get3A_2039 = arith.constant 16 : index
        %get3A_2040 = tpu.vector_load %arg18[%get3A_2038, %get3A_2039] {strides = array<i32>} : memref<64x128xf32, #tpu.memory_space<vmem>>, vector<16xf32>,
        %le3A_2041 = arith.cmpf ole, %get3A_2037, %get3A_23 : vector<16xf32>
        %swap3A_2042 = arith.index_cast %min3A_2034 : i32 to index
        %swap3A_2043 = tpu.vector_load %arg20[%swap3A_2042] masked %le3A_2041 {strides = array<i32>} : memref<144xf32, #tpu.memory_space<vmem>>, vector<16xf32>, vector<16xi1>
        tpu.vector_store %arg20[%swap3A_2042], %get3A_2037 masked %le3A_2041 {strides = array<i32>} : memref<144xf32, #tpu.memory_space<vmem>>, vector<16xf32>, vector<16xi1>
        %swap3A_2044 = arith.index_cast %min3A_2034 : i32 to index
        %swap3A_2045 = tpu.vector_load %arg21[%swap3A_2044] masked %le3A_2041 {strides = array<i32>} : memref<144xf32, #tpu.memory_space<vmem>>, vector<16xf32>, vector<16xi1>
        tpu.vector_store %arg21[%swap3A_2044], %get3A_2040 masked %le3A_2041 {strides = array<i32>} : memref<144xf32, #tpu.memory_space<vmem>>, vector<16xf32>, vector<16xi1>
        %convert_element_type3A_2046 = arith.extui %le3A_2041 : vector<16xi1> to vector<16xi32>
        %reduce_sum3A_2047 = arith.constant true
        %reduce_sum3A_2048 = vector.broadcast %reduce_sum3A_2047 : i1 to vector<16xi1>
        %reduce_sum3A_2049 = tpu.scan <sum>, %convert_element_type3A_2046 masked %reduce_sum3A_2048 : vector<16xi32>, vector<16xi1> -> vector<16xi32>
        %reduce_sum3A_2050 = vector.extract %reduce_sum3A_2049[15] : i32 from vector<16xi32>
        %add3A_2051 = arith.addi %min3A_2034, %reduce_sum3A_2050 : i32
        %min3A_2052 = arith.constant 128 : i32
        %min3A_2053 = arith.minsi %add3A_2051, %min3A_2052 : i32
        %get3A_2054 = arith.index_cast %scan3A_2015 : i32 to index
        %get3A_2055 = arith.constant 32 : index
        %get3A_2056 = tpu.vector_load %arg16[%get3A_2054, %get3A_2055] {strides = array<i32>} : memref<64x128xf32, #tpu.memory_space<vmem>>, vector<16xf32>,
        %get3A_2057 = arith.index_cast %scan3A_2015 : i32 to index
        %get3A_2058 = arith.constant 32 : index
        %get3A_2059 = tpu.vector_load %arg18[%get3A_2057, %get3A_2058] {strides = array<i32>} : memref<64x128xf32, #tpu.memory_space<vmem>>, vector<16xf32>,
        %le3A_2060 = arith.cmpf ole, %get3A_2056, %get3A_23 : vector<16xf32>
        %swap3A_2061 = arith.index_cast %min3A_2053 : i32 to index
        %swap3A_2062 = tpu.vector_load %arg20[%swap3A_2061] masked %le3A_2060 {strides = array<i32>} : memref<144xf32, #tpu.memory_space<vmem>>, vector<16xf32>, vector<16xi1>
        tpu.vector_store %arg20[%swap3A_2061], %get3A_2056 masked %le3A_2060 {strides = array<i32>} : memref<144xf32, #tpu.memory_space<vmem>>, vector<16xf32>, vector<16xi1>
        %swap3A_2063 = arith.index_cast %min3A_2053 : i32 to index
        %swap3A_2064 = tpu.vector_load %arg21[%swap3A_2063] masked %le3A_2060 {strides = array<i32>} : memref<144xf32, #tpu.memory_space<vmem>>, vector<16xf32>, vector<16xi1>
        tpu.vector_store %arg21[%swap3A_2063], %get3A_2059 masked %le3A_2060 {strides = array<i32>} : memref<144xf32, #tpu.memory_space<vmem>>, vector<16xf32>, vector<16xi1>
        %convert_element_type3A_2065 = arith.extui %le3A_2060 : vector<16xi1> to vector<16xi32>
        %reduce_sum3A_2066 = arith.constant true
        %reduce_sum3A_2067 = vector.broadcast %reduce_sum3A_2066 : i1 to vector<16xi1>
        %reduce_sum3A_2068 = tpu.scan <sum>, %convert_element_type3A_2065 masked %reduce_sum3A_2067 : vector<16xi32>, vector<16xi1> -> vector<16xi32>
        %reduce_sum3A_2069 = vector.extract %reduce_sum3A_2068[15] : i32 from vector<16xi32>
        %add3A_2070 = arith.addi %min3A_2053, %reduce_sum3A_2069 : i32
        %min3A_2071 = arith.constant 128 : i32
        %min3A_2072 = arith.minsi %add3A_2070, %min3A_2071 : i32
        %get3A_2073 = arith.index_cast %scan3A_2015 : i32 to index
        %get3A_2074 = arith.constant 48 : index
        %get3A_2075 = tpu.vector_load %arg16[%get3A_2073, %get3A_2074] {strides = array<i32>} : memref<64x128xf32, #tpu.memory_space<vmem>>, vector<16xf32>,
        %get3A_2076 = arith.index_cast %scan3A_2015 : i32 to index
        %get3A_2077 = arith.constant 48 : index
        %get3A_2078 = tpu.vector_load %arg18[%get3A_2076, %get3A_2077] {strides = array<i32>} : memref<64x128xf32, #tpu.memory_space<vmem>>, vector<16xf32>,
        %le3A_2079 = arith.cmpf ole, %get3A_2075, %get3A_23 : vector<16xf32>
        %swap3A_2080 = arith.index_cast %min3A_2072 : i32 to index
        %swap3A_2081 = tpu.vector_load %arg20[%swap3A_2080] masked %le3A_2079 {strides = array<i32>} : memref<144xf32, #tpu.memory_space<vmem>>, vector<16xf32>, vector<16xi1>
        tpu.vector_store %arg20[%swap3A_2080], %get3A_2075 masked %le3A_2079 {strides = array<i32>} : memref<144xf32, #tpu.memory_space<vmem>>, vector<16xf32>, vector<16xi1>
        %swap3A_2082 = arith.index_cast %min3A_2072 : i32 to index
        %swap3A_2083 = tpu.vector_load %arg21[%swap3A_2082] masked %le3A_2079 {strides = array<i32>} : memref<144xf32, #tpu.memory_space<vmem>>, vector<16xf32>, vector<16xi1>
        tpu.vector_store %arg21[%swap3A_2082], %get3A_2078 masked %le3A_2079 {strides = array<i32>} : memref<144xf32, #tpu.memory_space<vmem>>, vector<16xf32>, vector<16xi1>
        %convert_element_type3A_2084 = arith.extui %le3A_2079 : vector<16xi1> to vector<16xi32>
        %reduce_sum3A_2085 = arith.constant true
        %reduce_sum3A_2086 = vector.broadcast %reduce_sum3A_2085 : i1 to vector<16xi1>
        %reduce_sum3A_2087 = tpu.scan <sum>, %convert_element_type3A_2084 masked %reduce_sum3A_2086 : vector<16xi32>, vector<16xi1> -> vector<16xi32>
        %reduce_sum3A_2088 = vector.extract %reduce_sum3A_2087[15] : i32 from vector<16xi32>
        %add3A_2089 = arith.addi %min3A_2072, %reduce_sum3A_2088 : i32
        %min3A_2090 = arith.constant 128 : i32
        %min3A_2091 = arith.minsi %add3A_2089, %min3A_2090 : i32
        %get3A_2092 = arith.index_cast %scan3A_2015 : i32 to index
        %get3A_2093 = arith.constant 64 : index
        %get3A_2094 = tpu.vector_load %arg16[%get3A_2092, %get3A_2093] {strides = array<i32>} : memref<64x128xf32, #tpu.memory_space<vmem>>, vector<16xf32>,
        %get3A_2095 = arith.index_cast %scan3A_2015 : i32 to index
        %get3A_2096 = arith.constant 64 : index
        %get3A_2097 = tpu.vector_load %arg18[%get3A_2095, %get3A_2096] {strides = array<i32>} : memref<64x128xf32, #tpu.memory_space<vmem>>, vector<16xf32>,
        %le3A_2098 = arith.cmpf ole, %get3A_2094, %get3A_23 : vector<16xf32>
        %swap3A_2099 = arith.index_cast %min3A_2091 : i32 to index
        %swap3A_2100 = tpu.vector_load %arg20[%swap3A_2099] masked %le3A_2098 {strides = array<i32>} : memref<144xf32, #tpu.memory_space<vmem>>, vector<16xf32>, vector<16xi1>
        tpu.vector_store %arg20[%swap3A_2099], %get3A_2094 masked %le3A_2098 {strides = array<i32>} : memref<144xf32, #tpu.memory_space<vmem>>, vector<16xf32>, vector<16xi1>
        %swap3A_2101 = arith.index_cast %min3A_2091 : i32 to index
        %swap3A_2102 = tpu.vector_load %arg21[%swap3A_2101] masked %le3A_2098 {strides = array<i32>} : memref<144xf32, #tpu.memory_space<vmem>>, vector<16xf32>, vector<16xi1>
        tpu.vector_store %arg21[%swap3A_2101], %get3A_2097 masked %le3A_2098 {strides = array<i32>} : memref<144xf32, #tpu.memory_space<vmem>>, vector<16xf32>, vector<16xi1>
        %convert_element_type3A_2103 = arith.extui %le3A_2098 : vector<16xi1> to vector<16xi32>
        %reduce_sum3A_2104 = arith.constant true
        %reduce_sum3A_2105 = vector.broadcast %reduce_sum3A_2104 : i1 to vector<16xi1>
        %reduce_sum3A_2106 = tpu.scan <sum>, %convert_element_type3A_2103 masked %reduce_sum3A_2105 : vector<16xi32>, vector<16xi1> -> vector<16xi32>
        %reduce_sum3A_2107 = vector.extract %reduce_sum3A_2106[15] : i32 from vector<16xi32>
        %add3A_2108 = arith.addi %min3A_2091, %reduce_sum3A_2107 : i32
        %min3A_2109 = arith.constant 128 : i32
        %min3A_2110 = arith.minsi %add3A_2108, %min3A_2109 : i32
        %get3A_2111 = arith.index_cast %scan3A_2015 : i32 to index
        %get3A_2112 = arith.constant 80 : index
        %get3A_2113 = tpu.vector_load %arg16[%get3A_2111, %get3A_2112] {strides = array<i32>} : memref<64x128xf32, #tpu.memory_space<vmem>>, vector<16xf32>,
        %get3A_2114 = arith.index_cast %scan3A_2015 : i32 to index
        %get3A_2115 = arith.constant 80 : index
        %get3A_2116 = tpu.vector_load %arg18[%get3A_2114, %get3A_2115] {strides = array<i32>} : memref<64x128xf32, #tpu.memory_space<vmem>>, vector<16xf32>,
        %le3A_2117 = arith.cmpf ole, %get3A_2113, %get3A_23 : vector<16xf32>
        %swap3A_2118 = arith.index_cast %min3A_2110 : i32 to index
        %swap3A_2119 = tpu.vector_load %arg20[%swap3A_2118] masked %le3A_2117 {strides = array<i32>} : memref<144xf32, #tpu.memory_space<vmem>>, vector<16xf32>, vector<16xi1>
        tpu.vector_store %arg20[%swap3A_2118], %get3A_2113 masked %le3A_2117 {strides = array<i32>} : memref<144xf32, #tpu.memory_space<vmem>>, vector<16xf32>, vector<16xi1>
        %swap3A_2120 = arith.index_cast %min3A_2110 : i32 to index
        %swap3A_2121 = tpu.vector_load %arg21[%swap3A_2120] masked %le3A_2117 {strides = array<i32>} : memref<144xf32, #tpu.memory_space<vmem>>, vector<16xf32>, vector<16xi1>
        tpu.vector_store %arg21[%swap3A_2120], %get3A_2116 masked %le3A_2117 {strides = array<i32>} : memref<144xf32, #tpu.memory_space<vmem>>, vector<16xf32>, vector<16xi1>
        %convert_element_type3A_2122 = arith.extui %le3A_2117 : vector<16xi1> to vector<16xi32>
        %reduce_sum3A_2123 = arith.constant true
        %reduce_sum3A_2124 = vector.broadcast %reduce_sum3A_2123 : i1 to vector<16xi1>
        %reduce_sum3A_2125 = tpu.scan <sum>, %convert_element_type3A_2122 masked %reduce_sum3A_2124 : vector<16xi32>, vector<16xi1> -> vector<16xi32>
        %reduce_sum3A_2126 = vector.extract %reduce_sum3A_2125[15] : i32 from vector<16xi32>
        %add3A_2127 = arith.addi %min3A_2110, %reduce_sum3A_2126 : i32
        %min3A_2128 = arith.constant 128 : i32
        %min3A_2129 = arith.minsi %add3A_2127, %min3A_2128 : i32
        %get3A_2130 = arith.index_cast %scan3A_2015 : i32 to index
        %get3A_2131 = arith.constant 96 : index
        %get3A_2132 = tpu.vector_load %arg16[%get3A_2130, %get3A_2131] {strides = array<i32>} : memref<64x128xf32, #tpu.memory_space<vmem>>, vector<16xf32>,
        %get3A_2133 = arith.index_cast %scan3A_2015 : i32 to index
        %get3A_2134 = arith.constant 96 : index
        %get3A_2135 = tpu.vector_load %arg18[%get3A_2133, %get3A_2134] {strides = array<i32>} : memref<64x128xf32, #tpu.memory_space<vmem>>, vector<16xf32>,
        %le3A_2136 = arith.cmpf ole, %get3A_2132, %get3A_23 : vector<16xf32>
        %swap3A_2137 = arith.index_cast %min3A_2129 : i32 to index
        %swap3A_2138 = tpu.vector_load %arg20[%swap3A_2137] masked %le3A_2136 {strides = array<i32>} : memref<144xf32, #tpu.memory_space<vmem>>, vector<16xf32>, vector<16xi1>
        tpu.vector_store %arg20[%swap3A_2137], %get3A_2132 masked %le3A_2136 {strides = array<i32>} : memref<144xf32, #tpu.memory_space<vmem>>, vector<16xf32>, vector<16xi1>
        %swap3A_2139 = arith.index_cast %min3A_2129 : i32 to index
        %swap3A_2140 = tpu.vector_load %arg21[%swap3A_2139] masked %le3A_2136 {strides = array<i32>} : memref<144xf32, #tpu.memory_space<vmem>>, vector<16xf32>, vector<16xi1>
        tpu.vector_store %arg21[%swap3A_2139], %get3A_2135 masked %le3A_2136 {strides = array<i32>} : memref<144xf32, #tpu.memory_space<vmem>>, vector<16xf32>, vector<16xi1>
        %convert_element_type3A_2141 = arith.extui %le3A_2136 : vector<16xi1> to vector<16xi32>
        %reduce_sum3A_2142 = arith.constant true
        %reduce_sum3A_2143 = vector.broadcast %reduce_sum3A_2142 : i1 to vector<16xi1>
        %reduce_sum3A_2144 = tpu.scan <sum>, %convert_element_type3A_2141 masked %reduce_sum3A_2143 : vector<16xi32>, vector<16xi1> -> vector<16xi32>
        %reduce_sum3A_2145 = vector.extract %reduce_sum3A_2144[15] : i32 from vector<16xi32>
        %add3A_2146 = arith.addi %min3A_2129, %reduce_sum3A_2145 : i32
        %min3A_2147 = arith.constant 128 : i32
        %min3A_2148 = arith.minsi %add3A_2146, %min3A_2147 : i32
        %get3A_2149 = arith.index_cast %scan3A_2015 : i32 to index
        %get3A_2150 = arith.constant 112 : index
        %get3A_2151 = tpu.vector_load %arg16[%get3A_2149, %get3A_2150] {strides = array<i32>} : memref<64x128xf32, #tpu.memory_space<vmem>>, vector<16xf32>,
        %get3A_2152 = arith.index_cast %scan3A_2015 : i32 to index
        %get3A_2153 = arith.constant 112 : index
        %get3A_2154 = tpu.vector_load %arg18[%get3A_2152, %get3A_2153] {strides = array<i32>} : memref<64x128xf32, #tpu.memory_space<vmem>>, vector<16xf32>,
        %le3A_2155 = arith.cmpf ole, %get3A_2151, %get3A_23 : vector<16xf32>
        %swap3A_2156 = arith.index_cast %min3A_2148 : i32 to index
        %swap3A_2157 = tpu.vector_load %arg20[%swap3A_2156] masked %le3A_2155 {strides = array<i32>} : memref<144xf32, #tpu.memory_space<vmem>>, vector<16xf32>, vector<16xi1>
        tpu.vector_store %arg20[%swap3A_2156], %get3A_2151 masked %le3A_2155 {strides = array<i32>} : memref<144xf32, #tpu.memory_space<vmem>>, vector<16xf32>, vector<16xi1>
        %swap3A_2158 = arith.index_cast %min3A_2148 : i32 to index
        %swap3A_2159 = tpu.vector_load %arg21[%swap3A_2158] masked %le3A_2155 {strides = array<i32>} : memref<144xf32, #tpu.memory_space<vmem>>, vector<16xf32>, vector<16xi1>
        tpu.vector_store %arg21[%swap3A_2158], %get3A_2154 masked %le3A_2155 {strides = array<i32>} : memref<144xf32, #tpu.memory_space<vmem>>, vector<16xf32>, vector<16xi1>
        %convert_element_type3A_2160 = arith.extui %le3A_2155 : vector<16xi1> to vector<16xi32>
        %reduce_sum3A_2161 = arith.constant true
        %reduce_sum3A_2162 = vector.broadcast %reduce_sum3A_2161 : i1 to vector<16xi1>
        %reduce_sum3A_2163 = tpu.scan <sum>, %convert_element_type3A_2160 masked %reduce_sum3A_2162 : vector<16xi32>, vector<16xi1> -> vector<16xi32>
        %reduce_sum3A_2164 = vector.extract %reduce_sum3A_2163[15] : i32 from vector<16xi32>
        %add3A_2165 = arith.addi %min3A_2148, %reduce_sum3A_2164 : i32
        %min3A_2166 = arith.constant 128 : i32
        %min3A_2167 = arith.minsi %add3A_2165, %min3A_2166 : i32
        scf.yield %min3A_2167 : i32
      }
      %scan3A_903 = arith.constant 64 : i32
      %get3A_904 = arith.constant 0 : index
      %get3A_905 = tpu.vector_load %arg20[%get3A_904] {strides = array<i32>} : memref<144xf32, #tpu.memory_space<vmem>>, vector<16xf32>,
      %bitcast3A = vector.bitcast %get3A_905 : vector<16xf32> to vector<16xi32>
      %lt3A_906 = arith.constant 0 : i32
      %lt3A_907 = vector.broadcast %lt3A_906 : i32 to vector<16xi32>
      %lt3A_908 = arith.cmpi slt, %bitcast3A, %lt3A_907 : vector<16xi32>
      %xor3A = arith.constant 2147483647 : i32
      %xor3A_909 = vector.broadcast %xor3A : i32 to vector<16xi32>
      %xor3A_910 = arith.xori %bitcast3A, %xor3A_909 : vector<16xi32>
      %select_n3A_911 = arith.select %lt3A_908, %xor3A_910, %bitcast3A : vector<16xi1>, vector<16xi32>
      %swap3A_912 = arith.constant 0 : index
      %swap3A_913 = tpu.vector_load %arg22[%swap3A_912] {strides = array<i32>} : memref<128xi32, #tpu.memory_space<vmem>>, vector<16xi32>,
      tpu.vector_store %arg22[%swap3A_912], %select_n3A_911 {strides = array<i32>} : memref<128xi32, #tpu.memory_space<vmem>>, vector<16xi32>,
      %get3A_914 = arith.constant 16 : index
      %get3A_915 = tpu.vector_load %arg20[%get3A_914] {strides = array<i32>} : memref<144xf32, #tpu.memory_space<vmem>>, vector<16xf32>,
      %bitcast3A_916 = vector.bitcast %get3A_915 : vector<16xf32> to vector<16xi32>
      %lt3A_917 = arith.constant 0 : i32
      %lt3A_918 = vector.broadcast %lt3A_917 : i32 to vector<16xi32>
      %lt3A_919 = arith.cmpi slt, %bitcast3A_916, %lt3A_918 : vector<16xi32>
      %xor3A_920 = arith.constant 2147483647 : i32
      %xor3A_921 = vector.broadcast %xor3A_920 : i32 to vector<16xi32>
      %xor3A_922 = arith.xori %bitcast3A_916, %xor3A_921 : vector<16xi32>
      %select_n3A_923 = arith.select %lt3A_919, %xor3A_922, %bitcast3A_916 : vector<16xi1>, vector<16xi32>
      %swap3A_924 = arith.constant 16 : index
      %swap3A_925 = tpu.vector_load %arg22[%swap3A_924] {strides = array<i32>} : memref<128xi32, #tpu.memory_space<vmem>>, vector<16xi32>,
      tpu.vector_store %arg22[%swap3A_924], %select_n3A_923 {strides = array<i32>} : memref<128xi32, #tpu.memory_space<vmem>>, vector<16xi32>,
      %get3A_926 = arith.constant 32 : index
      %get3A_927 = tpu.vector_load %arg20[%get3A_926] {strides = array<i32>} : memref<144xf32, #tpu.memory_space<vmem>>, vector<16xf32>,
      %bitcast3A_928 = vector.bitcast %get3A_927 : vector<16xf32> to vector<16xi32>
      %lt3A_929 = arith.constant 0 : i32
      %lt3A_930 = vector.broadcast %lt3A_929 : i32 to vector<16xi32>
      %lt3A_931 = arith.cmpi slt, %bitcast3A_928, %lt3A_930 : vector<16xi32>
      %xor3A_932 = arith.constant 2147483647 : i32
      %xor3A_933 = vector.broadcast %xor3A_932 : i32 to vector<16xi32>
      %xor3A_934 = arith.xori %bitcast3A_928, %xor3A_933 : vector<16xi32>
      %select_n3A_935 = arith.select %lt3A_931, %xor3A_934, %bitcast3A_928 : vector<16xi1>, vector<16xi32>
      %swap3A_936 = arith.constant 32 : index
      %swap3A_937 = tpu.vector_load %arg22[%swap3A_936] {strides = array<i32>} : memref<128xi32, #tpu.memory_space<vmem>>, vector<16xi32>,
      tpu.vector_store %arg22[%swap3A_936], %select_n3A_935 {strides = array<i32>} : memref<128xi32, #tpu.memory_space<vmem>>, vector<16xi32>,
      %get3A_938 = arith.constant 48 : index
      %get3A_939 = tpu.vector_load %arg20[%get3A_938] {strides = array<i32>} : memref<144xf32, #tpu.memory_space<vmem>>, vector<16xf32>,
      %bitcast3A_940 = vector.bitcast %get3A_939 : vector<16xf32> to vector<16xi32>
      %lt3A_941 = arith.constant 0 : i32
      %lt3A_942 = vector.broadcast %lt3A_941 : i32 to vector<16xi32>
      %lt3A_943 = arith.cmpi slt, %bitcast3A_940, %lt3A_942 : vector<16xi32>
      %xor3A_944 = arith.constant 2147483647 : i32
      %xor3A_945 = vector.broadcast %xor3A_944 : i32 to vector<16xi32>
      %xor3A_946 = arith.xori %bitcast3A_940, %xor3A_945 : vector<16xi32>
      %select_n3A_947 = arith.select %lt3A_943, %xor3A_946, %bitcast3A_940 : vector<16xi1>, vector<16xi32>
      %swap3A_948 = arith.constant 48 : index
      %swap3A_949 = tpu.vector_load %arg22[%swap3A_948] {strides = array<i32>} : memref<128xi32, #tpu.memory_space<vmem>>, vector<16xi32>,
      tpu.vector_store %arg22[%swap3A_948], %select_n3A_947 {strides = array<i32>} : memref<128xi32, #tpu.memory_space<vmem>>, vector<16xi32>,
      %get3A_950 = arith.constant 64 : index
      %get3A_951 = tpu.vector_load %arg20[%get3A_950] {strides = array<i32>} : memref<144xf32, #tpu.memory_space<vmem>>, vector<16xf32>,
      %bitcast3A_952 = vector.bitcast %get3A_951 : vector<16xf32> to vector<16xi32>
      %lt3A_953 = arith.constant 0 : i32
      %lt3A_954 = vector.broadcast %lt3A_953 : i32 to vector<16xi32>
      %lt3A_955 = arith.cmpi slt, %bitcast3A_952, %lt3A_954 : vector<16xi32>
      %xor3A_956 = arith.constant 2147483647 : i32
      %xor3A_957 = vector.broadcast %xor3A_956 : i32 to vector<16xi32>
      %xor3A_958 = arith.xori %bitcast3A_952, %xor3A_957 : vector<16xi32>
      %select_n3A_959 = arith.select %lt3A_955, %xor3A_958, %bitcast3A_952 : vector<16xi1>, vector<16xi32>
      %swap3A_960 = arith.constant 64 : index
      %swap3A_961 = tpu.vector_load %arg22[%swap3A_960] {strides = array<i32>} : memref<128xi32, #tpu.memory_space<vmem>>, vector<16xi32>,
      tpu.vector_store %arg22[%swap3A_960], %select_n3A_959 {strides = array<i32>} : memref<128xi32, #tpu.memory_space<vmem>>, vector<16xi32>,
      %get3A_962 = arith.constant 80 : index
      %get3A_963 = tpu.vector_load %arg20[%get3A_962] {strides = array<i32>} : memref<144xf32, #tpu.memory_space<vmem>>, vector<16xf32>,
      %bitcast3A_964 = vector.bitcast %get3A_963 : vector<16xf32> to vector<16xi32>
      %lt3A_965 = arith.constant 0 : i32
      %lt3A_966 = vector.broadcast %lt3A_965 : i32 to vector<16xi32>
      %lt3A_967 = arith.cmpi slt, %bitcast3A_964, %lt3A_966 : vector<16xi32>
      %xor3A_968 = arith.constant 2147483647 : i32
      %xor3A_969 = vector.broadcast %xor3A_968 : i32 to vector<16xi32>
      %xor3A_970 = arith.xori %bitcast3A_964, %xor3A_969 : vector<16xi32>
      %select_n3A_971 = arith.select %lt3A_967, %xor3A_970, %bitcast3A_964 : vector<16xi1>, vector<16xi32>
      %swap3A_972 = arith.constant 80 : index
      %swap3A_973 = tpu.vector_load %arg22[%swap3A_972] {strides = array<i32>} : memref<128xi32, #tpu.memory_space<vmem>>, vector<16xi32>,
      tpu.vector_store %arg22[%swap3A_972], %select_n3A_971 {strides = array<i32>} : memref<128xi32, #tpu.memory_space<vmem>>, vector<16xi32>,
      %get3A_974 = arith.constant 96 : index
      %get3A_975 = tpu.vector_load %arg20[%get3A_974] {strides = array<i32>} : memref<144xf32, #tpu.memory_space<vmem>>, vector<16xf32>,
      %bitcast3A_976 = vector.bitcast %get3A_975 : vector<16xf32> to vector<16xi32>
      %lt3A_977 = arith.constant 0 : i32
      %lt3A_978 = vector.broadcast %lt3A_977 : i32 to vector<16xi32>
      %lt3A_979 = arith.cmpi slt, %bitcast3A_976, %lt3A_978 : vector<16xi32>
      %xor3A_980 = arith.constant 2147483647 : i32
      %xor3A_981 = vector.broadcast %xor3A_980 : i32 to vector<16xi32>
      %xor3A_982 = arith.xori %bitcast3A_976, %xor3A_981 : vector<16xi32>
      %select_n3A_983 = arith.select %lt3A_979, %xor3A_982, %bitcast3A_976 : vector<16xi1>, vector<16xi32>
      %swap3A_984 = arith.constant 96 : index
      %swap3A_985 = tpu.vector_load %arg22[%swap3A_984] {strides = array<i32>} : memref<128xi32, #tpu.memory_space<vmem>>, vector<16xi32>,
      tpu.vector_store %arg22[%swap3A_984], %select_n3A_983 {strides = array<i32>} : memref<128xi32, #tpu.memory_space<vmem>>, vector<16xi32>,
      %get3A_986 = arith.constant 112 : index
      %get3A_987 = tpu.vector_load %arg20[%get3A_986] {strides = array<i32>} : memref<144xf32, #tpu.memory_space<vmem>>, vector<16xf32>,
      %bitcast3A_988 = vector.bitcast %get3A_987 : vector<16xf32> to vector<16xi32>
      %lt3A_989 = arith.constant 0 : i32
      %lt3A_990 = vector.broadcast %lt3A_989 : i32 to vector<16xi32>
      %lt3A_991 = arith.cmpi slt, %bitcast3A_988, %lt3A_990 : vector<16xi32>
      %xor3A_992 = arith.constant 2147483647 : i32
      %xor3A_993 = vector.broadcast %xor3A_992 : i32 to vector<16xi32>
      %xor3A_994 = arith.xori %bitcast3A_988, %xor3A_993 : vector<16xi32>
      %select_n3A_995 = arith.select %lt3A_991, %xor3A_994, %bitcast3A_988 : vector<16xi1>, vector<16xi32>
      %swap3A_996 = arith.constant 112 : index
      %swap3A_997 = tpu.vector_load %arg22[%swap3A_996] {strides = array<i32>} : memref<128xi32, #tpu.memory_space<vmem>>, vector<16xi32>,
      tpu.vector_store %arg22[%swap3A_996], %select_n3A_995 {strides = array<i32>} : memref<128xi32, #tpu.memory_space<vmem>>, vector<16xi32>,
      %scan3A_998 = arith.constant 0 : i32
      %scan3A_999 = arith.constant 0 : i32
      %scan3A_1000 = arith.constant 32 : i32
      %scan3A_1001 = arith.addi %scan3A_999, %scan3A_1000 : i32
      %scan3A_1002 = arith.constant 1 : i32
      %scan3A_1003 = scf.for %scan3A_2015 = %scan3A_999 to %scan3A_1001 step %scan3A_1002 iter_args(%scan3A_2016 = %scan3A_998) -> (i32)  : i32 {
        %sub3A_2017 = arith.constant 31 : i32
        %sub3A_2018 = arith.subi %sub3A_2017, %scan3A_2015 : i32
        %shift_left3A = arith.constant 1 : i32
        %shift_left3A_2019 = arith.shli %shift_left3A, %sub3A_2018 : i32
        %or3A_2020 = arith.ori %scan3A_2016, %shift_left3A_2019 : i32
        %xor3A_2021 = arith.constant -2147483648 : i32
        %xor3A_2022 = arith.xori %or3A_2020, %xor3A_2021 : i32
        %broadcast_in_dim3A_2023 = vector.broadcast %xor3A_2022 : i32 to vector<16xi32>
        %get3A_2024 = arith.constant 0 : index
        %get3A_2025 = tpu.vector_load %arg22[%get3A_2024] {strides = array<i32>} : memref<128xi32, #tpu.memory_space<vmem>>, vector<16xi32>,
        %lt3A_2026 = arith.cmpi slt, %get3A_2025, %broadcast_in_dim3A_2023 : vector<16xi32>
        %convert_element_type3A_2027 = arith.extui %lt3A_2026 : vector<16xi1> to vector<16xi32>
        %reduce_sum3A_2028 = arith.constant true
        %reduce_sum3A_2029 = vector.broadcast %reduce_sum3A_2028 : i1 to vector<16xi1>
        %reduce_sum3A_2030 = tpu.scan <sum>, %convert_element_type3A_2027 masked %reduce_sum3A_2029 : vector<16xi32>, vector<16xi1> -> vector<16xi32>
        %reduce_sum3A_2031 = vector.extract %reduce_sum3A_2030[15] : i32 from vector<16xi32>
        %add3A_2032 = arith.constant 0 : i32
        %add3A_2033 = arith.addi %add3A_2032, %reduce_sum3A_2031 : i32
        %get3A_2034 = arith.constant 16 : index
        %get3A_2035 = tpu.vector_load %arg22[%get3A_2034] {strides = array<i32>} : memref<128xi32, #tpu.memory_space<vmem>>, vector<16xi32>,
        %lt3A_2036 = arith.cmpi slt, %get3A_2035, %broadcast_in_dim3A_2023 : vector<16xi32>
        %convert_element_type3A_2037 = arith.extui %lt3A_2036 : vector<16xi1> to vector<16xi32>
        %reduce_sum3A_2038 = arith.constant true
        %reduce_sum3A_2039 = vector.broadcast %reduce_sum3A_2038 : i1 to vector<16xi1>
        %reduce_sum3A_2040 = tpu.scan <sum>, %convert_element_type3A_2037 masked %reduce_sum3A_2039 : vector<16xi32>, vector<16xi1> -> vector<16xi32>
        %reduce_sum3A_2041 = vector.extract %reduce_sum3A_2040[15] : i32 from vector<16xi32>
        %add3A_2042 = arith.addi %add3A_2033, %reduce_sum3A_2041 : i32
        %get3A_2043 = arith.constant 32 : index
        %get3A_2044 = tpu.vector_load %arg22[%get3A_2043] {strides = array<i32>} : memref<128xi32, #tpu.memory_space<vmem>>, vector<16xi32>,
        %lt3A_2045 = arith.cmpi slt, %get3A_2044, %broadcast_in_dim3A_2023 : vector<16xi32>
        %convert_element_type3A_2046 = arith.extui %lt3A_2045 : vector<16xi1> to vector<16xi32>
        %reduce_sum3A_2047 = arith.constant true
        %reduce_sum3A_2048 = vector.broadcast %reduce_sum3A_2047 : i1 to vector<16xi1>
        %reduce_sum3A_2049 = tpu.scan <sum>, %convert_element_type3A_2046 masked %reduce_sum3A_2048 : vector<16xi32>, vector<16xi1> -> vector<16xi32>
        %reduce_sum3A_2050 = vector.extract %reduce_sum3A_2049[15] : i32 from vector<16xi32>
        %add3A_2051 = arith.addi %add3A_2042, %reduce_sum3A_2050 : i32
        %get3A_2052 = arith.constant 48 : index
        %get3A_2053 = tpu.vector_load %arg22[%get3A_2052] {strides = array<i32>} : memref<128xi32, #tpu.memory_space<vmem>>, vector<16xi32>,
        %lt3A_2054 = arith.cmpi slt, %get3A_2053, %broadcast_in_dim3A_2023 : vector<16xi32>
        %convert_element_type3A_2055 = arith.extui %lt3A_2054 : vector<16xi1> to vector<16xi32>
        %reduce_sum3A_2056 = arith.constant true
        %reduce_sum3A_2057 = vector.broadcast %reduce_sum3A_2056 : i1 to vector<16xi1>
        %reduce_sum3A_2058 = tpu.scan <sum>, %convert_element_type3A_2055 masked %reduce_sum3A_2057 : vector<16xi32>, vector<16xi1> -> vector<16xi32>
        %reduce_sum3A_2059 = vector.extract %reduce_sum3A_2058[15] : i32 from vector<16xi32>
        %add3A_2060 = arith.addi %add3A_2051, %reduce_sum3A_2059 : i32
        %get3A_2061 = arith.constant 64 : index
        %get3A_2062 = tpu.vector_load %arg22[%get3A_2061] {strides = array<i32>} : memref<128xi32, #tpu.memory_space<vmem>>, vector<16xi32>,
        %lt3A_2063 = arith.cmpi slt, %get3A_2062, %broadcast_in_dim3A_2023 : vector<16xi32>
        %convert_element_type3A_2064 = arith.extui %lt3A_2063 : vector<16xi1> to vector<16xi32>
        %reduce_sum3A_2065 = arith.constant true
        %reduce_sum3A_2066 = vector.broadcast %reduce_sum3A_2065 : i1 to vector<16xi1>
        %reduce_sum3A_2067 = tpu.scan <sum>, %convert_element_type3A_2064 masked %reduce_sum3A_2066 : vector<16xi32>, vector<16xi1> -> vector<16xi32>
        %reduce_sum3A_2068 = vector.extract %reduce_sum3A_2067[15] : i32 from vector<16xi32>
        %add3A_2069 = arith.addi %add3A_2060, %reduce_sum3A_2068 : i32
        %get3A_2070 = arith.constant 80 : index
        %get3A_2071 = tpu.vector_load %arg22[%get3A_2070] {strides = array<i32>} : memref<128xi32, #tpu.memory_space<vmem>>, vector<16xi32>,
        %lt3A_2072 = arith.cmpi slt, %get3A_2071, %broadcast_in_dim3A_2023 : vector<16xi32>
        %convert_element_type3A_2073 = arith.extui %lt3A_2072 : vector<16xi1> to vector<16xi32>
        %reduce_sum3A_2074 = arith.constant true
        %reduce_sum3A_2075 = vector.broadcast %reduce_sum3A_2074 : i1 to vector<16xi1>
        %reduce_sum3A_2076 = tpu.scan <sum>, %convert_element_type3A_2073 masked %reduce_sum3A_2075 : vector<16xi32>, vector<16xi1> -> vector<16xi32>
        %reduce_sum3A_2077 = vector.extract %reduce_sum3A_2076[15] : i32 from vector<16xi32>
        %add3A_2078 = arith.addi %add3A_2069, %reduce_sum3A_2077 : i32
        %get3A_2079 = arith.constant 96 : index
        %get3A_2080 = tpu.vector_load %arg22[%get3A_2079] {strides = array<i32>} : memref<128xi32, #tpu.memory_space<vmem>>, vector<16xi32>,
        %lt3A_2081 = arith.cmpi slt, %get3A_2080, %broadcast_in_dim3A_2023 : vector<16xi32>
        %convert_element_type3A_2082 = arith.extui %lt3A_2081 : vector<16xi1> to vector<16xi32>
        %reduce_sum3A_2083 = arith.constant true
        %reduce_sum3A_2084 = vector.broadcast %reduce_sum3A_2083 : i1 to vector<16xi1>
        %reduce_sum3A_2085 = tpu.scan <sum>, %convert_element_type3A_2082 masked %reduce_sum3A_2084 : vector<16xi32>, vector<16xi1> -> vector<16xi32>
        %reduce_sum3A_2086 = vector.extract %reduce_sum3A_2085[15] : i32 from vector<16xi32>
        %add3A_2087 = arith.addi %add3A_2078, %reduce_sum3A_2086 : i32
        %get3A_2088 = arith.constant 112 : index
        %get3A_2089 = tpu.vector_load %arg22[%get3A_2088] {strides = array<i32>} : memref<128xi32, #tpu.memory_space<vmem>>, vector<16xi32>,
        %lt3A_2090 = arith.cmpi slt, %get3A_2089, %broadcast_in_dim3A_2023 : vector<16xi32>
        %convert_element_type3A_2091 = arith.extui %lt3A_2090 : vector<16xi1> to vector<16xi32>
        %reduce_sum3A_2092 = arith.constant true
        %reduce_sum3A_2093 = vector.broadcast %reduce_sum3A_2092 : i1 to vector<16xi1>
        %reduce_sum3A_2094 = tpu.scan <sum>, %convert_element_type3A_2091 masked %reduce_sum3A_2093 : vector<16xi32>, vector<16xi1> -> vector<16xi32>
        %reduce_sum3A_2095 = vector.extract %reduce_sum3A_2094[15] : i32 from vector<16xi32>
        %add3A_2096 = arith.addi %add3A_2087, %reduce_sum3A_2095 : i32
        %ge3A = arith.constant 50 : i32
        %ge3A_2097 = arith.cmpi sge, %add3A_2096, %ge3A : i32
        %select_n3A_2098 = arith.select %ge3A_2097, %scan3A_2016, %or3A_2020 : i32
        scf.yield %select_n3A_2098 : i32
      }
      %scan3A_1004 = arith.constant 32 : i32
      %xor3A_1005 = arith.constant -2147483648 : i32
      %xor3A_1006 = arith.xori %scan3A_1003, %xor3A_1005 : i32
      %broadcast_in_dim3A_1007 = vector.broadcast %xor3A_1006 : i32 to vector<16xi32>
      %get3A_1008 = arith.constant 0 : index
      %get3A_1009 = tpu.vector_load %arg22[%get3A_1008] {strides = array<i32>} : memref<128xi32, #tpu.memory_space<vmem>>, vector<16xi32>,
      %lt3A_1010 = arith.cmpi slt, %get3A_1009, %broadcast_in_dim3A_1007 : vector<16xi32>
      %convert_element_type3A = arith.extui %lt3A_1010 : vector<16xi1> to vector<16xi32>
      %reduce_sum3A = arith.constant true
      %reduce_sum3A_1011 = vector.broadcast %reduce_sum3A : i1 to vector<16xi1>
      %reduce_sum3A_1012 = tpu.scan <sum>, %convert_element_type3A masked %reduce_sum3A_1011 : vector<16xi32>, vector<16xi1> -> vector<16xi32>
      %reduce_sum3A_1013 = vector.extract %reduce_sum3A_1012[15] : i32 from vector<16xi32>
      %add3A_1014 = arith.constant 0 : i32
      %add3A_1015 = arith.addi %add3A_1014, %reduce_sum3A_1013 : i32
      %get3A_1016 = arith.constant 16 : index
      %get3A_1017 = tpu.vector_load %arg22[%get3A_1016] {strides = array<i32>} : memref<128xi32, #tpu.memory_space<vmem>>, vector<16xi32>,
      %lt3A_1018 = arith.cmpi slt, %get3A_1017, %broadcast_in_dim3A_1007 : vector<16xi32>
      %convert_element_type3A_1019 = arith.extui %lt3A_1018 : vector<16xi1> to vector<16xi32>
      %reduce_sum3A_1020 = arith.constant true
      %reduce_sum3A_1021 = vector.broadcast %reduce_sum3A_1020 : i1 to vector<16xi1>
      %reduce_sum3A_1022 = tpu.scan <sum>, %convert_element_type3A_1019 masked %reduce_sum3A_1021 : vector<16xi32>, vector<16xi1> -> vector<16xi32>
      %reduce_sum3A_1023 = vector.extract %reduce_sum3A_1022[15] : i32 from vector<16xi32>
      %add3A_1024 = arith.addi %add3A_1015, %reduce_sum3A_1023 : i32
      %get3A_1025 = arith.constant 32 : index
      %get3A_1026 = tpu.vector_load %arg22[%get3A_1025] {strides = array<i32>} : memref<128xi32, #tpu.memory_space<vmem>>, vector<16xi32>,
      %lt3A_1027 = arith.cmpi slt, %get3A_1026, %broadcast_in_dim3A_1007 : vector<16xi32>
      %convert_element_type3A_1028 = arith.extui %lt3A_1027 : vector<16xi1> to vector<16xi32>
      %reduce_sum3A_1029 = arith.constant true
      %reduce_sum3A_1030 = vector.broadcast %reduce_sum3A_1029 : i1 to vector<16xi1>
      %reduce_sum3A_1031 = tpu.scan <sum>, %convert_element_type3A_1028 masked %reduce_sum3A_1030 : vector<16xi32>, vector<16xi1> -> vector<16xi32>
      %reduce_sum3A_1032 = vector.extract %reduce_sum3A_1031[15] : i32 from vector<16xi32>
      %add3A_1033 = arith.addi %add3A_1024, %reduce_sum3A_1032 : i32
      %get3A_1034 = arith.constant 48 : index
      %get3A_1035 = tpu.vector_load %arg22[%get3A_1034] {strides = array<i32>} : memref<128xi32, #tpu.memory_space<vmem>>, vector<16xi32>,
      %lt3A_1036 = arith.cmpi slt, %get3A_1035, %broadcast_in_dim3A_1007 : vector<16xi32>
      %convert_element_type3A_1037 = arith.extui %lt3A_1036 : vector<16xi1> to vector<16xi32>
      %reduce_sum3A_1038 = arith.constant true
      %reduce_sum3A_1039 = vector.broadcast %reduce_sum3A_1038 : i1 to vector<16xi1>
      %reduce_sum3A_1040 = tpu.scan <sum>, %convert_element_type3A_1037 masked %reduce_sum3A_1039 : vector<16xi32>, vector<16xi1> -> vector<16xi32>
      %reduce_sum3A_1041 = vector.extract %reduce_sum3A_1040[15] : i32 from vector<16xi32>
      %add3A_1042 = arith.addi %add3A_1033, %reduce_sum3A_1041 : i32
      %get3A_1043 = arith.constant 64 : index
      %get3A_1044 = tpu.vector_load %arg22[%get3A_1043] {strides = array<i32>} : memref<128xi32, #tpu.memory_space<vmem>>, vector<16xi32>,
      %lt3A_1045 = arith.cmpi slt, %get3A_1044, %broadcast_in_dim3A_1007 : vector<16xi32>
      %convert_element_type3A_1046 = arith.extui %lt3A_1045 : vector<16xi1> to vector<16xi32>
      %reduce_sum3A_1047 = arith.constant true
      %reduce_sum3A_1048 = vector.broadcast %reduce_sum3A_1047 : i1 to vector<16xi1>
      %reduce_sum3A_1049 = tpu.scan <sum>, %convert_element_type3A_1046 masked %reduce_sum3A_1048 : vector<16xi32>, vector<16xi1> -> vector<16xi32>
      %reduce_sum3A_1050 = vector.extract %reduce_sum3A_1049[15] : i32 from vector<16xi32>
      %add3A_1051 = arith.addi %add3A_1042, %reduce_sum3A_1050 : i32
      %get3A_1052 = arith.constant 80 : index
      %get3A_1053 = tpu.vector_load %arg22[%get3A_1052] {strides = array<i32>} : memref<128xi32, #tpu.memory_space<vmem>>, vector<16xi32>,
      %lt3A_1054 = arith.cmpi slt, %get3A_1053, %broadcast_in_dim3A_1007 : vector<16xi32>
      %convert_element_type3A_1055 = arith.extui %lt3A_1054 : vector<16xi1> to vector<16xi32>
      %reduce_sum3A_1056 = arith.constant true
      %reduce_sum3A_1057 = vector.broadcast %reduce_sum3A_1056 : i1 to vector<16xi1>
      %reduce_sum3A_1058 = tpu.scan <sum>, %convert_element_type3A_1055 masked %reduce_sum3A_1057 : vector<16xi32>, vector<16xi1> -> vector<16xi32>
      %reduce_sum3A_1059 = vector.extract %reduce_sum3A_1058[15] : i32 from vector<16xi32>
      %add3A_1060 = arith.addi %add3A_1051, %reduce_sum3A_1059 : i32
      %get3A_1061 = arith.constant 96 : index
      %get3A_1062 = tpu.vector_load %arg22[%get3A_1061] {strides = array<i32>} : memref<128xi32, #tpu.memory_space<vmem>>, vector<16xi32>,
      %lt3A_1063 = arith.cmpi slt, %get3A_1062, %broadcast_in_dim3A_1007 : vector<16xi32>
      %convert_element_type3A_1064 = arith.extui %lt3A_1063 : vector<16xi1> to vector<16xi32>
      %reduce_sum3A_1065 = arith.constant true
      %reduce_sum3A_1066 = vector.broadcast %reduce_sum3A_1065 : i1 to vector<16xi1>
      %reduce_sum3A_1067 = tpu.scan <sum>, %convert_element_type3A_1064 masked %reduce_sum3A_1066 : vector<16xi32>, vector<16xi1> -> vector<16xi32>
      %reduce_sum3A_1068 = vector.extract %reduce_sum3A_1067[15] : i32 from vector<16xi32>
      %add3A_1069 = arith.addi %add3A_1060, %reduce_sum3A_1068 : i32
      %get3A_1070 = arith.constant 112 : index
      %get3A_1071 = tpu.vector_load %arg22[%get3A_1070] {strides = array<i32>} : memref<128xi32, #tpu.memory_space<vmem>>, vector<16xi32>,
      %lt3A_1072 = arith.cmpi slt, %get3A_1071, %broadcast_in_dim3A_1007 : vector<16xi32>
      %convert_element_type3A_1073 = arith.extui %lt3A_1072 : vector<16xi1> to vector<16xi32>
      %reduce_sum3A_1074 = arith.constant true
      %reduce_sum3A_1075 = vector.broadcast %reduce_sum3A_1074 : i1 to vector<16xi1>
      %reduce_sum3A_1076 = tpu.scan <sum>, %convert_element_type3A_1073 masked %reduce_sum3A_1075 : vector<16xi32>, vector<16xi1> -> vector<16xi32>
      %reduce_sum3A_1077 = vector.extract %reduce_sum3A_1076[15] : i32 from vector<16xi32>
      %add3A_1078 = arith.addi %add3A_1069, %reduce_sum3A_1077 : i32
      %sub3A_1079 = arith.constant 50 : i32
      %sub3A_1080 = arith.subi %sub3A_1079, %add3A_1078 : i32
      %broadcast_in_dim3A_1081 = vector.broadcast %sub3A_1080 : i32 to vector<16xi32>
      %broadcast_in_dim3A_1082 = arith.constant 0.000000e+00 : f32
      %broadcast_in_dim3A_1083 = vector.broadcast %broadcast_in_dim3A_1082 : f32 to vector<16xf32>
      %broadcast_in_dim3A_1084 = arith.constant 0.000000e+00 : f32
      %broadcast_in_dim3A_1085 = vector.broadcast %broadcast_in_dim3A_1084 : f32 to vector<16xf32>
      %get3A_1086 = arith.constant 0 : index
      %get3A_1087 = tpu.vector_load %arg22[%get3A_1086] {strides = array<i32>} : memref<128xi32, #tpu.memory_space<vmem>>, vector<16xi32>,
      %get3A_1088 = arith.constant 0 : index
      %get3A_1089 = tpu.vector_load %arg20[%get3A_1088] {strides = array<i32>} : memref<144xf32, #tpu.memory_space<vmem>>, vector<16xf32>,
      %get3A_1090 = arith.constant 0 : index
      %get3A_1091 = tpu.vector_load %arg21[%get3A_1090] {strides = array<i32>} : memref<144xf32, #tpu.memory_space<vmem>>, vector<16xf32>,
      %lt3A_1092 = arith.cmpi slt, %get3A_1087, %broadcast_in_dim3A_1007 : vector<16xi32>
      %eq3A_1093 = arith.cmpi eq, %get3A_1087, %broadcast_in_dim3A_1007 : vector<16xi32>
      %convert_element_type3A_1094 = arith.extui %eq3A_1093 : vector<16xi1> to vector<16xi32>
      %broadcast_in_dim3A_1095 = arith.constant true
      %broadcast_in_dim3A_1096 = vector.broadcast %broadcast_in_dim3A_1095 : i1 to vector<16xi1>
      %masked_cumsum3A = tpu.scan <sum>, %convert_element_type3A_1094 masked %broadcast_in_dim3A_1096 : vector<16xi32>, vector<16xi1> -> vector<16xi32>
      %add3A_1097 = arith.constant 0 : i32
      %add3A_1098 = vector.broadcast %add3A_1097 : i32 to vector<16xi32>
      %add3A_1099 = arith.addi %masked_cumsum3A, %add3A_1098 : vector<16xi32>
      %le3A = arith.cmpi sle, %add3A_1099, %broadcast_in_dim3A_1081 : vector<16xi32>
      %and3A_1100 = arith.andi %eq3A_1093, %le3A : vector<16xi1>
      %or3A = arith.ori %lt3A_1092, %and3A_1100 : vector<16xi1>
      %max3A = arith.constant 0.000000e+00 : f32
      %max3A_1101 = vector.broadcast %max3A : f32 to vector<16xf32>
      %max3A_1102 = arith.maximumf %get3A_1089, %max3A_1101 : vector<16xf32>
      %add3A_1103 = arith.constant 1.000000e-03 : f32
      %add3A_1104 = vector.broadcast %add3A_1103 : f32 to vector<16xf32>
      %add3A_1105 = arith.addf %max3A_1102, %add3A_1104 : vector<16xf32>
      %div3A_1106 = arith.constant 1.000000e+00 : f32
      %div3A_1107 = vector.broadcast %div3A_1106 : f32 to vector<16xf32>
      %div3A_1108 = arith.divf %div3A_1107, %add3A_1105 : vector<16xf32>
      %mul3A_1109 = arith.mulf %div3A_1108, %get3A_1091 : vector<16xf32>
      %jit3A_1110 = arith.constant 0.000000e+00 : f32
      %broadcast_in_dim3A_1111 = vector.broadcast %jit3A_1110 : f32 to vector<16xf32>
      %select_n3A_1112 = arith.select %or3A, %mul3A_1109, %broadcast_in_dim3A_1111 : vector<16xi1>, vector<16xf32>
      %add3A_1113 = arith.addf %broadcast_in_dim3A_1083, %select_n3A_1112 : vector<16xf32>
      %jit3A_1114 = arith.constant 0.000000e+00 : f32
      %broadcast_in_dim3A_1115 = vector.broadcast %jit3A_1114 : f32 to vector<16xf32>
      %select_n3A_1116 = arith.select %or3A, %div3A_1108, %broadcast_in_dim3A_1115 : vector<16xi1>, vector<16xf32>
      %add3A_1117 = arith.addf %broadcast_in_dim3A_1085, %select_n3A_1116 : vector<16xf32>
      %convert_element_type3A_1118 = arith.extui %eq3A_1093 : vector<16xi1> to vector<16xi32>
      %reduce_sum3A_1119 = arith.constant true
      %reduce_sum3A_1120 = vector.broadcast %reduce_sum3A_1119 : i1 to vector<16xi1>
      %reduce_sum3A_1121 = tpu.scan <sum>, %convert_element_type3A_1118 masked %reduce_sum3A_1120 : vector<16xi32>, vector<16xi1> -> vector<16xi32>
      %reduce_sum3A_1122 = vector.extract %reduce_sum3A_1121[15] : i32 from vector<16xi32>
      %add3A_1123 = arith.constant 0 : i32
      %add3A_1124 = arith.addi %add3A_1123, %reduce_sum3A_1122 : i32
      %get3A_1125 = arith.constant 16 : index
      %get3A_1126 = tpu.vector_load %arg22[%get3A_1125] {strides = array<i32>} : memref<128xi32, #tpu.memory_space<vmem>>, vector<16xi32>,
      %get3A_1127 = arith.constant 16 : index
      %get3A_1128 = tpu.vector_load %arg20[%get3A_1127] {strides = array<i32>} : memref<144xf32, #tpu.memory_space<vmem>>, vector<16xf32>,
      %get3A_1129 = arith.constant 16 : index
      %get3A_1130 = tpu.vector_load %arg21[%get3A_1129] {strides = array<i32>} : memref<144xf32, #tpu.memory_space<vmem>>, vector<16xf32>,
      %lt3A_1131 = arith.cmpi slt, %get3A_1126, %broadcast_in_dim3A_1007 : vector<16xi32>
      %eq3A_1132 = arith.cmpi eq, %get3A_1126, %broadcast_in_dim3A_1007 : vector<16xi32>
      %convert_element_type3A_1133 = arith.extui %eq3A_1132 : vector<16xi1> to vector<16xi32>
      %broadcast_in_dim3A_1134 = arith.constant true
      %broadcast_in_dim3A_1135 = vector.broadcast %broadcast_in_dim3A_1134 : i1 to vector<16xi1>
      %masked_cumsum3A_1136 = tpu.scan <sum>, %convert_element_type3A_1133 masked %broadcast_in_dim3A_1135 : vector<16xi32>, vector<16xi1> -> vector<16xi32>
      %add3A_1137 = vector.broadcast %add3A_1124 : i32 to vector<16xi32>
      %add3A_1138 = arith.addi %masked_cumsum3A_1136, %add3A_1137 : vector<16xi32>
      %le3A_1139 = arith.cmpi sle, %add3A_1138, %broadcast_in_dim3A_1081 : vector<16xi32>
      %and3A_1140 = arith.andi %eq3A_1132, %le3A_1139 : vector<16xi1>
      %or3A_1141 = arith.ori %lt3A_1131, %and3A_1140 : vector<16xi1>
      %max3A_1142 = arith.constant 0.000000e+00 : f32
      %max3A_1143 = vector.broadcast %max3A_1142 : f32 to vector<16xf32>
      %max3A_1144 = arith.maximumf %get3A_1128, %max3A_1143 : vector<16xf32>
      %add3A_1145 = arith.constant 1.000000e-03 : f32
      %add3A_1146 = vector.broadcast %add3A_1145 : f32 to vector<16xf32>
      %add3A_1147 = arith.addf %max3A_1144, %add3A_1146 : vector<16xf32>
      %div3A_1148 = arith.constant 1.000000e+00 : f32
      %div3A_1149 = vector.broadcast %div3A_1148 : f32 to vector<16xf32>
      %div3A_1150 = arith.divf %div3A_1149, %add3A_1147 : vector<16xf32>
      %mul3A_1151 = arith.mulf %div3A_1150, %get3A_1130 : vector<16xf32>
      %jit3A_1152 = arith.constant 0.000000e+00 : f32
      %broadcast_in_dim3A_1153 = vector.broadcast %jit3A_1152 : f32 to vector<16xf32>
      %select_n3A_1154 = arith.select %or3A_1141, %mul3A_1151, %broadcast_in_dim3A_1153 : vector<16xi1>, vector<16xf32>
      %add3A_1155 = arith.addf %add3A_1113, %select_n3A_1154 : vector<16xf32>
      %jit3A_1156 = arith.constant 0.000000e+00 : f32
      %broadcast_in_dim3A_1157 = vector.broadcast %jit3A_1156 : f32 to vector<16xf32>
      %select_n3A_1158 = arith.select %or3A_1141, %div3A_1150, %broadcast_in_dim3A_1157 : vector<16xi1>, vector<16xf32>
      %add3A_1159 = arith.addf %add3A_1117, %select_n3A_1158 : vector<16xf32>
      %convert_element_type3A_1160 = arith.extui %eq3A_1132 : vector<16xi1> to vector<16xi32>
      %reduce_sum3A_1161 = arith.constant true
      %reduce_sum3A_1162 = vector.broadcast %reduce_sum3A_1161 : i1 to vector<16xi1>
      %reduce_sum3A_1163 = tpu.scan <sum>, %convert_element_type3A_1160 masked %reduce_sum3A_1162 : vector<16xi32>, vector<16xi1> -> vector<16xi32>
      %reduce_sum3A_1164 = vector.extract %reduce_sum3A_1163[15] : i32 from vector<16xi32>
      %add3A_1165 = arith.addi %add3A_1124, %reduce_sum3A_1164 : i32
      %get3A_1166 = arith.constant 32 : index
      %get3A_1167 = tpu.vector_load %arg22[%get3A_1166] {strides = array<i32>} : memref<128xi32, #tpu.memory_space<vmem>>, vector<16xi32>,
      %get3A_1168 = arith.constant 32 : index
      %get3A_1169 = tpu.vector_load %arg20[%get3A_1168] {strides = array<i32>} : memref<144xf32, #tpu.memory_space<vmem>>, vector<16xf32>,
      %get3A_1170 = arith.constant 32 : index
      %get3A_1171 = tpu.vector_load %arg21[%get3A_1170] {strides = array<i32>} : memref<144xf32, #tpu.memory_space<vmem>>, vector<16xf32>,
      %lt3A_1172 = arith.cmpi slt, %get3A_1167, %broadcast_in_dim3A_1007 : vector<16xi32>
      %eq3A_1173 = arith.cmpi eq, %get3A_1167, %broadcast_in_dim3A_1007 : vector<16xi32>
      %convert_element_type3A_1174 = arith.extui %eq3A_1173 : vector<16xi1> to vector<16xi32>
      %broadcast_in_dim3A_1175 = arith.constant true
      %broadcast_in_dim3A_1176 = vector.broadcast %broadcast_in_dim3A_1175 : i1 to vector<16xi1>
      %masked_cumsum3A_1177 = tpu.scan <sum>, %convert_element_type3A_1174 masked %broadcast_in_dim3A_1176 : vector<16xi32>, vector<16xi1> -> vector<16xi32>
      %add3A_1178 = vector.broadcast %add3A_1165 : i32 to vector<16xi32>
      %add3A_1179 = arith.addi %masked_cumsum3A_1177, %add3A_1178 : vector<16xi32>
      %le3A_1180 = arith.cmpi sle, %add3A_1179, %broadcast_in_dim3A_1081 : vector<16xi32>
      %and3A_1181 = arith.andi %eq3A_1173, %le3A_1180 : vector<16xi1>
      %or3A_1182 = arith.ori %lt3A_1172, %and3A_1181 : vector<16xi1>
      %max3A_1183 = arith.constant 0.000000e+00 : f32
      %max3A_1184 = vector.broadcast %max3A_1183 : f32 to vector<16xf32>
      %max3A_1185 = arith.maximumf %get3A_1169, %max3A_1184 : vector<16xf32>
      %add3A_1186 = arith.constant 1.000000e-03 : f32
      %add3A_1187 = vector.broadcast %add3A_1186 : f32 to vector<16xf32>
      %add3A_1188 = arith.addf %max3A_1185, %add3A_1187 : vector<16xf32>
      %div3A_1189 = arith.constant 1.000000e+00 : f32
      %div3A_1190 = vector.broadcast %div3A_1189 : f32 to vector<16xf32>
      %div3A_1191 = arith.divf %div3A_1190, %add3A_1188 : vector<16xf32>
      %mul3A_1192 = arith.mulf %div3A_1191, %get3A_1171 : vector<16xf32>
      %jit3A_1193 = arith.constant 0.000000e+00 : f32
      %broadcast_in_dim3A_1194 = vector.broadcast %jit3A_1193 : f32 to vector<16xf32>
      %select_n3A_1195 = arith.select %or3A_1182, %mul3A_1192, %broadcast_in_dim3A_1194 : vector<16xi1>, vector<16xf32>
      %add3A_1196 = arith.addf %add3A_1155, %select_n3A_1195 : vector<16xf32>
      %jit3A_1197 = arith.constant 0.000000e+00 : f32
      %broadcast_in_dim3A_1198 = vector.broadcast %jit3A_1197 : f32 to vector<16xf32>
      %select_n3A_1199 = arith.select %or3A_1182, %div3A_1191, %broadcast_in_dim3A_1198 : vector<16xi1>, vector<16xf32>
      %add3A_1200 = arith.addf %add3A_1159, %select_n3A_1199 : vector<16xf32>
      %convert_element_type3A_1201 = arith.extui %eq3A_1173 : vector<16xi1> to vector<16xi32>
      %reduce_sum3A_1202 = arith.constant true
      %reduce_sum3A_1203 = vector.broadcast %reduce_sum3A_1202 : i1 to vector<16xi1>
      %reduce_sum3A_1204 = tpu.scan <sum>, %convert_element_type3A_1201 masked %reduce_sum3A_1203 : vector<16xi32>, vector<16xi1> -> vector<16xi32>
      %reduce_sum3A_1205 = vector.extract %reduce_sum3A_1204[15] : i32 from vector<16xi32>
      %add3A_1206 = arith.addi %add3A_1165, %reduce_sum3A_1205 : i32
      %get3A_1207 = arith.constant 48 : index
      %get3A_1208 = tpu.vector_load %arg22[%get3A_1207] {strides = array<i32>} : memref<128xi32, #tpu.memory_space<vmem>>, vector<16xi32>,
      %get3A_1209 = arith.constant 48 : index
      %get3A_1210 = tpu.vector_load %arg20[%get3A_1209] {strides = array<i32>} : memref<144xf32, #tpu.memory_space<vmem>>, vector<16xf32>,
      %get3A_1211 = arith.constant 48 : index
      %get3A_1212 = tpu.vector_load %arg21[%get3A_1211] {strides = array<i32>} : memref<144xf32, #tpu.memory_space<vmem>>, vector<16xf32>,
      %lt3A_1213 = arith.cmpi slt, %get3A_1208, %broadcast_in_dim3A_1007 : vector<16xi32>
      %eq3A_1214 = arith.cmpi eq, %get3A_1208, %broadcast_in_dim3A_1007 : vector<16xi32>
      %convert_element_type3A_1215 = arith.extui %eq3A_1214 : vector<16xi1> to vector<16xi32>
      %broadcast_in_dim3A_1216 = arith.constant true
      %broadcast_in_dim3A_1217 = vector.broadcast %broadcast_in_dim3A_1216 : i1 to vector<16xi1>
      %masked_cumsum3A_1218 = tpu.scan <sum>, %convert_element_type3A_1215 masked %broadcast_in_dim3A_1217 : vector<16xi32>, vector<16xi1> -> vector<16xi32>
      %add3A_1219 = vector.broadcast %add3A_1206 : i32 to vector<16xi32>
      %add3A_1220 = arith.addi %masked_cumsum3A_1218, %add3A_1219 : vector<16xi32>
      %le3A_1221 = arith.cmpi sle, %add3A_1220, %broadcast_in_dim3A_1081 : vector<16xi32>
      %and3A_1222 = arith.andi %eq3A_1214, %le3A_1221 : vector<16xi1>
      %or3A_1223 = arith.ori %lt3A_1213, %and3A_1222 : vector<16xi1>
      %max3A_1224 = arith.constant 0.000000e+00 : f32
      %max3A_1225 = vector.broadcast %max3A_1224 : f32 to vector<16xf32>
      %max3A_1226 = arith.maximumf %get3A_1210, %max3A_1225 : vector<16xf32>
      %add3A_1227 = arith.constant 1.000000e-03 : f32
      %add3A_1228 = vector.broadcast %add3A_1227 : f32 to vector<16xf32>
      %add3A_1229 = arith.addf %max3A_1226, %add3A_1228 : vector<16xf32>
      %div3A_1230 = arith.constant 1.000000e+00 : f32
      %div3A_1231 = vector.broadcast %div3A_1230 : f32 to vector<16xf32>
      %div3A_1232 = arith.divf %div3A_1231, %add3A_1229 : vector<16xf32>
      %mul3A_1233 = arith.mulf %div3A_1232, %get3A_1212 : vector<16xf32>
      %jit3A_1234 = arith.constant 0.000000e+00 : f32
      %broadcast_in_dim3A_1235 = vector.broadcast %jit3A_1234 : f32 to vector<16xf32>
      %select_n3A_1236 = arith.select %or3A_1223, %mul3A_1233, %broadcast_in_dim3A_1235 : vector<16xi1>, vector<16xf32>
      %add3A_1237 = arith.addf %add3A_1196, %select_n3A_1236 : vector<16xf32>
      %jit3A_1238 = arith.constant 0.000000e+00 : f32
      %broadcast_in_dim3A_1239 = vector.broadcast %jit3A_1238 : f32 to vector<16xf32>
      %select_n3A_1240 = arith.select %or3A_1223, %div3A_1232, %broadcast_in_dim3A_1239 : vector<16xi1>, vector<16xf32>
      %add3A_1241 = arith.addf %add3A_1200, %select_n3A_1240 : vector<16xf32>
      %convert_element_type3A_1242 = arith.extui %eq3A_1214 : vector<16xi1> to vector<16xi32>
      %reduce_sum3A_1243 = arith.constant true
      %reduce_sum3A_1244 = vector.broadcast %reduce_sum3A_1243 : i1 to vector<16xi1>
      %reduce_sum3A_1245 = tpu.scan <sum>, %convert_element_type3A_1242 masked %reduce_sum3A_1244 : vector<16xi32>, vector<16xi1> -> vector<16xi32>
      %reduce_sum3A_1246 = vector.extract %reduce_sum3A_1245[15] : i32 from vector<16xi32>
      %add3A_1247 = arith.addi %add3A_1206, %reduce_sum3A_1246 : i32
      %get3A_1248 = arith.constant 64 : index
      %get3A_1249 = tpu.vector_load %arg22[%get3A_1248] {strides = array<i32>} : memref<128xi32, #tpu.memory_space<vmem>>, vector<16xi32>,
      %get3A_1250 = arith.constant 64 : index
      %get3A_1251 = tpu.vector_load %arg20[%get3A_1250] {strides = array<i32>} : memref<144xf32, #tpu.memory_space<vmem>>, vector<16xf32>,
      %get3A_1252 = arith.constant 64 : index
      %get3A_1253 = tpu.vector_load %arg21[%get3A_1252] {strides = array<i32>} : memref<144xf32, #tpu.memory_space<vmem>>, vector<16xf32>,
      %lt3A_1254 = arith.cmpi slt, %get3A_1249, %broadcast_in_dim3A_1007 : vector<16xi32>
      %eq3A_1255 = arith.cmpi eq, %get3A_1249, %broadcast_in_dim3A_1007 : vector<16xi32>
      %convert_element_type3A_1256 = arith.extui %eq3A_1255 : vector<16xi1> to vector<16xi32>
      %broadcast_in_dim3A_1257 = arith.constant true
      %broadcast_in_dim3A_1258 = vector.broadcast %broadcast_in_dim3A_1257 : i1 to vector<16xi1>
      %masked_cumsum3A_1259 = tpu.scan <sum>, %convert_element_type3A_1256 masked %broadcast_in_dim3A_1258 : vector<16xi32>, vector<16xi1> -> vector<16xi32>
      %add3A_1260 = vector.broadcast %add3A_1247 : i32 to vector<16xi32>
      %add3A_1261 = arith.addi %masked_cumsum3A_1259, %add3A_1260 : vector<16xi32>
      %le3A_1262 = arith.cmpi sle, %add3A_1261, %broadcast_in_dim3A_1081 : vector<16xi32>
      %and3A_1263 = arith.andi %eq3A_1255, %le3A_1262 : vector<16xi1>
      %or3A_1264 = arith.ori %lt3A_1254, %and3A_1263 : vector<16xi1>
      %max3A_1265 = arith.constant 0.000000e+00 : f32
      %max3A_1266 = vector.broadcast %max3A_1265 : f32 to vector<16xf32>
      %max3A_1267 = arith.maximumf %get3A_1251, %max3A_1266 : vector<16xf32>
      %add3A_1268 = arith.constant 1.000000e-03 : f32
      %add3A_1269 = vector.broadcast %add3A_1268 : f32 to vector<16xf32>
      %add3A_1270 = arith.addf %max3A_1267, %add3A_1269 : vector<16xf32>
      %div3A_1271 = arith.constant 1.000000e+00 : f32
      %div3A_1272 = vector.broadcast %div3A_1271 : f32 to vector<16xf32>
      %div3A_1273 = arith.divf %div3A_1272, %add3A_1270 : vector<16xf32>
      %mul3A_1274 = arith.mulf %div3A_1273, %get3A_1253 : vector<16xf32>
      %jit3A_1275 = arith.constant 0.000000e+00 : f32
      %broadcast_in_dim3A_1276 = vector.broadcast %jit3A_1275 : f32 to vector<16xf32>
      %select_n3A_1277 = arith.select %or3A_1264, %mul3A_1274, %broadcast_in_dim3A_1276 : vector<16xi1>, vector<16xf32>
      %add3A_1278 = arith.addf %add3A_1237, %select_n3A_1277 : vector<16xf32>
      %jit3A_1279 = arith.constant 0.000000e+00 : f32
      %broadcast_in_dim3A_1280 = vector.broadcast %jit3A_1279 : f32 to vector<16xf32>
      %select_n3A_1281 = arith.select %or3A_1264, %div3A_1273, %broadcast_in_dim3A_1280 : vector<16xi1>, vector<16xf32>
      %add3A_1282 = arith.addf %add3A_1241, %select_n3A_1281 : vector<16xf32>
      %convert_element_type3A_1283 = arith.extui %eq3A_1255 : vector<16xi1> to vector<16xi32>
      %reduce_sum3A_1284 = arith.constant true
      %reduce_sum3A_1285 = vector.broadcast %reduce_sum3A_1284 : i1 to vector<16xi1>
      %reduce_sum3A_1286 = tpu.scan <sum>, %convert_element_type3A_1283 masked %reduce_sum3A_1285 : vector<16xi32>, vector<16xi1> -> vector<16xi32>
      %reduce_sum3A_1287 = vector.extract %reduce_sum3A_1286[15] : i32 from vector<16xi32>
      %add3A_1288 = arith.addi %add3A_1247, %reduce_sum3A_1287 : i32
      %get3A_1289 = arith.constant 80 : index
      %get3A_1290 = tpu.vector_load %arg22[%get3A_1289] {strides = array<i32>} : memref<128xi32, #tpu.memory_space<vmem>>, vector<16xi32>,
      %get3A_1291 = arith.constant 80 : index
      %get3A_1292 = tpu.vector_load %arg20[%get3A_1291] {strides = array<i32>} : memref<144xf32, #tpu.memory_space<vmem>>, vector<16xf32>,
      %get3A_1293 = arith.constant 80 : index
      %get3A_1294 = tpu.vector_load %arg21[%get3A_1293] {strides = array<i32>} : memref<144xf32, #tpu.memory_space<vmem>>, vector<16xf32>,
      %lt3A_1295 = arith.cmpi slt, %get3A_1290, %broadcast_in_dim3A_1007 : vector<16xi32>
      %eq3A_1296 = arith.cmpi eq, %get3A_1290, %broadcast_in_dim3A_1007 : vector<16xi32>
      %convert_element_type3A_1297 = arith.extui %eq3A_1296 : vector<16xi1> to vector<16xi32>
      %broadcast_in_dim3A_1298 = arith.constant true
      %broadcast_in_dim3A_1299 = vector.broadcast %broadcast_in_dim3A_1298 : i1 to vector<16xi1>
      %masked_cumsum3A_1300 = tpu.scan <sum>, %convert_element_type3A_1297 masked %broadcast_in_dim3A_1299 : vector<16xi32>, vector<16xi1> -> vector<16xi32>
      %add3A_1301 = vector.broadcast %add3A_1288 : i32 to vector<16xi32>
      %add3A_1302 = arith.addi %masked_cumsum3A_1300, %add3A_1301 : vector<16xi32>
      %le3A_1303 = arith.cmpi sle, %add3A_1302, %broadcast_in_dim3A_1081 : vector<16xi32>
      %and3A_1304 = arith.andi %eq3A_1296, %le3A_1303 : vector<16xi1>
      %or3A_1305 = arith.ori %lt3A_1295, %and3A_1304 : vector<16xi1>
      %max3A_1306 = arith.constant 0.000000e+00 : f32
      %max3A_1307 = vector.broadcast %max3A_1306 : f32 to vector<16xf32>
      %max3A_1308 = arith.maximumf %get3A_1292, %max3A_1307 : vector<16xf32>
      %add3A_1309 = arith.constant 1.000000e-03 : f32
      %add3A_1310 = vector.broadcast %add3A_1309 : f32 to vector<16xf32>
      %add3A_1311 = arith.addf %max3A_1308, %add3A_1310 : vector<16xf32>
      %div3A_1312 = arith.constant 1.000000e+00 : f32
      %div3A_1313 = vector.broadcast %div3A_1312 : f32 to vector<16xf32>
      %div3A_1314 = arith.divf %div3A_1313, %add3A_1311 : vector<16xf32>
      %mul3A_1315 = arith.mulf %div3A_1314, %get3A_1294 : vector<16xf32>
      %jit3A_1316 = arith.constant 0.000000e+00 : f32
      %broadcast_in_dim3A_1317 = vector.broadcast %jit3A_1316 : f32 to vector<16xf32>
      %select_n3A_1318 = arith.select %or3A_1305, %mul3A_1315, %broadcast_in_dim3A_1317 : vector<16xi1>, vector<16xf32>
      %add3A_1319 = arith.addf %add3A_1278, %select_n3A_1318 : vector<16xf32>
      %jit3A_1320 = arith.constant 0.000000e+00 : f32
      %broadcast_in_dim3A_1321 = vector.broadcast %jit3A_1320 : f32 to vector<16xf32>
      %select_n3A_1322 = arith.select %or3A_1305, %div3A_1314, %broadcast_in_dim3A_1321 : vector<16xi1>, vector<16xf32>
      %add3A_1323 = arith.addf %add3A_1282, %select_n3A_1322 : vector<16xf32>
      %convert_element_type3A_1324 = arith.extui %eq3A_1296 : vector<16xi1> to vector<16xi32>
      %reduce_sum3A_1325 = arith.constant true
      %reduce_sum3A_1326 = vector.broadcast %reduce_sum3A_1325 : i1 to vector<16xi1>
      %reduce_sum3A_1327 = tpu.scan <sum>, %convert_element_type3A_1324 masked %reduce_sum3A_1326 : vector<16xi32>, vector<16xi1> -> vector<16xi32>
      %reduce_sum3A_1328 = vector.extract %reduce_sum3A_1327[15] : i32 from vector<16xi32>
      %add3A_1329 = arith.addi %add3A_1288, %reduce_sum3A_1328 : i32
      %get3A_1330 = arith.constant 96 : index
      %get3A_1331 = tpu.vector_load %arg22[%get3A_1330] {strides = array<i32>} : memref<128xi32, #tpu.memory_space<vmem>>, vector<16xi32>,
      %get3A_1332 = arith.constant 96 : index
      %get3A_1333 = tpu.vector_load %arg20[%get3A_1332] {strides = array<i32>} : memref<144xf32, #tpu.memory_space<vmem>>, vector<16xf32>,
      %get3A_1334 = arith.constant 96 : index
      %get3A_1335 = tpu.vector_load %arg21[%get3A_1334] {strides = array<i32>} : memref<144xf32, #tpu.memory_space<vmem>>, vector<16xf32>,
      %lt3A_1336 = arith.cmpi slt, %get3A_1331, %broadcast_in_dim3A_1007 : vector<16xi32>
      %eq3A_1337 = arith.cmpi eq, %get3A_1331, %broadcast_in_dim3A_1007 : vector<16xi32>
      %convert_element_type3A_1338 = arith.extui %eq3A_1337 : vector<16xi1> to vector<16xi32>
      %broadcast_in_dim3A_1339 = arith.constant true
      %broadcast_in_dim3A_1340 = vector.broadcast %broadcast_in_dim3A_1339 : i1 to vector<16xi1>
      %masked_cumsum3A_1341 = tpu.scan <sum>, %convert_element_type3A_1338 masked %broadcast_in_dim3A_1340 : vector<16xi32>, vector<16xi1> -> vector<16xi32>
      %add3A_1342 = vector.broadcast %add3A_1329 : i32 to vector<16xi32>
      %add3A_1343 = arith.addi %masked_cumsum3A_1341, %add3A_1342 : vector<16xi32>
      %le3A_1344 = arith.cmpi sle, %add3A_1343, %broadcast_in_dim3A_1081 : vector<16xi32>
      %and3A_1345 = arith.andi %eq3A_1337, %le3A_1344 : vector<16xi1>
      %or3A_1346 = arith.ori %lt3A_1336, %and3A_1345 : vector<16xi1>
      %max3A_1347 = arith.constant 0.000000e+00 : f32
      %max3A_1348 = vector.broadcast %max3A_1347 : f32 to vector<16xf32>
      %max3A_1349 = arith.maximumf %get3A_1333, %max3A_1348 : vector<16xf32>
      %add3A_1350 = arith.constant 1.000000e-03 : f32
      %add3A_1351 = vector.broadcast %add3A_1350 : f32 to vector<16xf32>
      %add3A_1352 = arith.addf %max3A_1349, %add3A_1351 : vector<16xf32>
      %div3A_1353 = arith.constant 1.000000e+00 : f32
      %div3A_1354 = vector.broadcast %div3A_1353 : f32 to vector<16xf32>
      %div3A_1355 = arith.divf %div3A_1354, %add3A_1352 : vector<16xf32>
      %mul3A_1356 = arith.mulf %div3A_1355, %get3A_1335 : vector<16xf32>
      %jit3A_1357 = arith.constant 0.000000e+00 : f32
      %broadcast_in_dim3A_1358 = vector.broadcast %jit3A_1357 : f32 to vector<16xf32>
      %select_n3A_1359 = arith.select %or3A_1346, %mul3A_1356, %broadcast_in_dim3A_1358 : vector<16xi1>, vector<16xf32>
      %add3A_1360 = arith.addf %add3A_1319, %select_n3A_1359 : vector<16xf32>
      %jit3A_1361 = arith.constant 0.000000e+00 : f32
      %broadcast_in_dim3A_1362 = vector.broadcast %jit3A_1361 : f32 to vector<16xf32>
      %select_n3A_1363 = arith.select %or3A_1346, %div3A_1355, %broadcast_in_dim3A_1362 : vector<16xi1>, vector<16xf32>
      %add3A_1364 = arith.addf %add3A_1323, %select_n3A_1363 : vector<16xf32>
      %convert_element_type3A_1365 = arith.extui %eq3A_1337 : vector<16xi1> to vector<16xi32>
      %reduce_sum3A_1366 = arith.constant true
      %reduce_sum3A_1367 = vector.broadcast %reduce_sum3A_1366 : i1 to vector<16xi1>
      %reduce_sum3A_1368 = tpu.scan <sum>, %convert_element_type3A_1365 masked %reduce_sum3A_1367 : vector<16xi32>, vector<16xi1> -> vector<16xi32>
      %reduce_sum3A_1369 = vector.extract %reduce_sum3A_1368[15] : i32 from vector<16xi32>
      %add3A_1370 = arith.addi %add3A_1329, %reduce_sum3A_1369 : i32
      %get3A_1371 = arith.constant 112 : index
      %get3A_1372 = tpu.vector_load %arg22[%get3A_1371] {strides = array<i32>} : memref<128xi32, #tpu.memory_space<vmem>>, vector<16xi32>,
      %get3A_1373 = arith.constant 112 : index
      %get3A_1374 = tpu.vector_load %arg20[%get3A_1373] {strides = array<i32>} : memref<144xf32, #tpu.memory_space<vmem>>, vector<16xf32>,
      %get3A_1375 = arith.constant 112 : index
      %get3A_1376 = tpu.vector_load %arg21[%get3A_1375] {strides = array<i32>} : memref<144xf32, #tpu.memory_space<vmem>>, vector<16xf32>,
      %lt3A_1377 = arith.cmpi slt, %get3A_1372, %broadcast_in_dim3A_1007 : vector<16xi32>
      %eq3A_1378 = arith.cmpi eq, %get3A_1372, %broadcast_in_dim3A_1007 : vector<16xi32>
      %convert_element_type3A_1379 = arith.extui %eq3A_1378 : vector<16xi1> to vector<16xi32>
      %broadcast_in_dim3A_1380 = arith.constant true
      %broadcast_in_dim3A_1381 = vector.broadcast %broadcast_in_dim3A_1380 : i1 to vector<16xi1>
      %masked_cumsum3A_1382 = tpu.scan <sum>, %convert_element_type3A_1379 masked %broadcast_in_dim3A_1381 : vector<16xi32>, vector<16xi1> -> vector<16xi32>
      %add3A_1383 = vector.broadcast %add3A_1370 : i32 to vector<16xi32>
      %add3A_1384 = arith.addi %masked_cumsum3A_1382, %add3A_1383 : vector<16xi32>
      %le3A_1385 = arith.cmpi sle, %add3A_1384, %broadcast_in_dim3A_1081 : vector<16xi32>
      %and3A_1386 = arith.andi %eq3A_1378, %le3A_1385 : vector<16xi1>
      %or3A_1387 = arith.ori %lt3A_1377, %and3A_1386 : vector<16xi1>
      %max3A_1388 = arith.constant 0.000000e+00 : f32
      %max3A_1389 = vector.broadcast %max3A_1388 : f32 to vector<16xf32>
      %max3A_1390 = arith.maximumf %get3A_1374, %max3A_1389 : vector<16xf32>
      %add3A_1391 = arith.constant 1.000000e-03 : f32
      %add3A_1392 = vector.broadcast %add3A_1391 : f32 to vector<16xf32>
      %add3A_1393 = arith.addf %max3A_1390, %add3A_1392 : vector<16xf32>
      %div3A_1394 = arith.constant 1.000000e+00 : f32
      %div3A_1395 = vector.broadcast %div3A_1394 : f32 to vector<16xf32>
      %div3A_1396 = arith.divf %div3A_1395, %add3A_1393 : vector<16xf32>
      %mul3A_1397 = arith.mulf %div3A_1396, %get3A_1376 : vector<16xf32>
      %jit3A_1398 = arith.constant 0.000000e+00 : f32
      %broadcast_in_dim3A_1399 = vector.broadcast %jit3A_1398 : f32 to vector<16xf32>
      %select_n3A_1400 = arith.select %or3A_1387, %mul3A_1397, %broadcast_in_dim3A_1399 : vector<16xi1>, vector<16xf32>
      %add3A_1401 = arith.addf %add3A_1360, %select_n3A_1400 : vector<16xf32>
      %jit3A_1402 = arith.constant 0.000000e+00 : f32
      %broadcast_in_dim3A_1403 = vector.broadcast %jit3A_1402 : f32 to vector<16xf32>
      %select_n3A_1404 = arith.select %or3A_1387, %div3A_1396, %broadcast_in_dim3A_1403 : vector<16xi1>, vector<16xf32>
      %add3A_1405 = arith.addf %add3A_1364, %select_n3A_1404 : vector<16xf32>
      %convert_element_type3A_1406 = arith.extui %eq3A_1378 : vector<16xi1> to vector<16xi32>
      %reduce_sum3A_1407 = arith.constant true
      %reduce_sum3A_1408 = vector.broadcast %reduce_sum3A_1407 : i1 to vector<16xi1>
      %reduce_sum3A_1409 = tpu.scan <sum>, %convert_element_type3A_1406 masked %reduce_sum3A_1408 : vector<16xi32>, vector<16xi1> -> vector<16xi32>
      %reduce_sum3A_1410 = vector.extract %reduce_sum3A_1409[15] : i32 from vector<16xi32>
      %add3A_1411 = arith.addi %add3A_1370, %reduce_sum3A_1410 : i32
      %reduce_sum3A_1412 = arith.constant true
      %reduce_sum3A_1413 = vector.broadcast %reduce_sum3A_1412 : i1 to vector<16xi1>
      %reduce_sum3A_1414 = tpu.scan <sum>, %add3A_1401 masked %reduce_sum3A_1413 : vector<16xf32>, vector<16xi1> -> vector<16xf32>
      %reduce_sum3A_1415 = vector.extract %reduce_sum3A_1414[15] : f32 from vector<16xf32>
      %broadcast_in_dim3A_1416 = vector.broadcast %reduce_sum3A_1415 : f32 to vector<16xf32>
      %reduce_sum3A_1417 = arith.constant true
      %reduce_sum3A_1418 = vector.broadcast %reduce_sum3A_1417 : i1 to vector<16xi1>
      %reduce_sum3A_1419 = tpu.scan <sum>, %add3A_1405 masked %reduce_sum3A_1418 : vector<16xf32>, vector<16xi1> -> vector<16xf32>
      %reduce_sum3A_1420 = vector.extract %reduce_sum3A_1419[15] : f32 from vector<16xf32>
      %broadcast_in_dim3A_1421 = vector.broadcast %reduce_sum3A_1420 : f32 to vector<16xf32>
      %div3A_1422 = arith.divf %broadcast_in_dim3A_1416, %broadcast_in_dim3A_1421 : vector<16xf32>
      %eq3A_1423 = arith.constant 0 : i32
      %eq3A_1424 = vector.broadcast %eq3A_1423 : i32 to vector<16xi32>
      %eq3A_1425 = arith.cmpi eq, %iota3A, %eq3A_1424 : vector<16xi32>
      %swap3A_1426 = arith.index_cast %mul3A_10 : i32 to index
      %swap3A_1427 = tpu.vector_load %arg23[%swap3A_1426] masked %eq3A_1425 {strides = array<i32>} : memref<272xf32, #tpu.memory_space<vmem>>, vector<16xf32>, vector<16xi1>
      tpu.vector_store %arg23[%swap3A_1426], %div3A_1422 masked %eq3A_1425 {strides = array<i32>} : memref<272xf32, #tpu.memory_space<vmem>>, vector<16xf32>, vector<16xi1>
      %dma_wait3A_1428 = arith.constant 0 : i32
      %dma_wait3A_1429 = arith.constant 0 : i32
      %dma_wait3A_1430 = tpu.memref_slice %arg2[%dma_wait3A_1428, %dma_wait3A_1429] : memref<6422528x128xf32, #tpu.memory_space<hbm>> -> memref<6422528x128xf32, #tpu.memory_space<hbm>>
      tpu.wait_indirect_dma semaphore(%arg27 : memref<!tpu.dma_semaphore, #tpu.memory_space<semaphore_mem>>) src(%dma_wait3A_1430 : memref<6422528x128xf32, #tpu.memory_space<hbm>>) dst(%arg17 : memref<64x128xf32, #tpu.memory_space<vmem>>)
      %dma_wait3A_1431 = arith.constant 0 : i32
      %dma_wait3A_1432 = arith.constant 0 : i32
      %dma_wait3A_1433 = tpu.memref_slice %arg3[%dma_wait3A_1431, %dma_wait3A_1432] : memref<6272x128xf32, #tpu.memory_space<hbm>> -> memref<6272x128xf32, #tpu.memory_space<hbm>>
      tpu.wait_indirect_dma semaphore(%arg29 : memref<!tpu.dma_semaphore, #tpu.memory_space<semaphore_mem>>) src(%dma_wait3A_1433 : memref<6272x128xf32, #tpu.memory_space<hbm>>) dst(%arg19 : memref<64x128xf32, #tpu.memory_space<vmem>>)
      %add3A_1434 = arith.constant 1 : i32
      %add3A_1435 = arith.addi %mul3A_10, %add3A_1434 : i32
      %broadcast_in_dim3A_1436 = arith.constant 3.000000e+38 : f32
      %broadcast_in_dim3A_1437 = vector.broadcast %broadcast_in_dim3A_1436 : f32 to vector<16xf32>
      %broadcast_in_dim3A_1438 = arith.constant 0.000000e+00 : f32
      %broadcast_in_dim3A_1439 = vector.broadcast %broadcast_in_dim3A_1438 : f32 to vector<16xf32>
      %swap3A_1440 = arith.constant 0 : index
      %swap3A_1441 = tpu.vector_load %arg20[%swap3A_1440] {strides = array<i32>} : memref<144xf32, #tpu.memory_space<vmem>>, vector<16xf32>,
      tpu.vector_store %arg20[%swap3A_1440], %broadcast_in_dim3A_1437 {strides = array<i32>} : memref<144xf32, #tpu.memory_space<vmem>>, vector<16xf32>,
      %swap3A_1442 = arith.constant 0 : index
      %swap3A_1443 = tpu.vector_load %arg21[%swap3A_1442] {strides = array<i32>} : memref<144xf32, #tpu.memory_space<vmem>>, vector<16xf32>,
      tpu.vector_store %arg21[%swap3A_1442], %broadcast_in_dim3A_1439 {strides = array<i32>} : memref<144xf32, #tpu.memory_space<vmem>>, vector<16xf32>,
      %swap3A_1444 = arith.constant 16 : index
      %swap3A_1445 = tpu.vector_load %arg20[%swap3A_1444] {strides = array<i32>} : memref<144xf32, #tpu.memory_space<vmem>>, vector<16xf32>,
      tpu.vector_store %arg20[%swap3A_1444], %broadcast_in_dim3A_1437 {strides = array<i32>} : memref<144xf32, #tpu.memory_space<vmem>>, vector<16xf32>,
      %swap3A_1446 = arith.constant 16 : index
      %swap3A_1447 = tpu.vector_load %arg21[%swap3A_1446] {strides = array<i32>} : memref<144xf32, #tpu.memory_space<vmem>>, vector<16xf32>,
      tpu.vector_store %arg21[%swap3A_1446], %broadcast_in_dim3A_1439 {strides = array<i32>} : memref<144xf32, #tpu.memory_space<vmem>>, vector<16xf32>,
      %swap3A_1448 = arith.constant 32 : index
      %swap3A_1449 = tpu.vector_load %arg20[%swap3A_1448] {strides = array<i32>} : memref<144xf32, #tpu.memory_space<vmem>>, vector<16xf32>,
      tpu.vector_store %arg20[%swap3A_1448], %broadcast_in_dim3A_1437 {strides = array<i32>} : memref<144xf32, #tpu.memory_space<vmem>>, vector<16xf32>,
      %swap3A_1450 = arith.constant 32 : index
      %swap3A_1451 = tpu.vector_load %arg21[%swap3A_1450] {strides = array<i32>} : memref<144xf32, #tpu.memory_space<vmem>>, vector<16xf32>,
      tpu.vector_store %arg21[%swap3A_1450], %broadcast_in_dim3A_1439 {strides = array<i32>} : memref<144xf32, #tpu.memory_space<vmem>>, vector<16xf32>,
      %swap3A_1452 = arith.constant 48 : index
      %swap3A_1453 = tpu.vector_load %arg20[%swap3A_1452] {strides = array<i32>} : memref<144xf32, #tpu.memory_space<vmem>>, vector<16xf32>,
      tpu.vector_store %arg20[%swap3A_1452], %broadcast_in_dim3A_1437 {strides = array<i32>} : memref<144xf32, #tpu.memory_space<vmem>>, vector<16xf32>,
      %swap3A_1454 = arith.constant 48 : index
      %swap3A_1455 = tpu.vector_load %arg21[%swap3A_1454] {strides = array<i32>} : memref<144xf32, #tpu.memory_space<vmem>>, vector<16xf32>,
      tpu.vector_store %arg21[%swap3A_1454], %broadcast_in_dim3A_1439 {strides = array<i32>} : memref<144xf32, #tpu.memory_space<vmem>>, vector<16xf32>,
      %swap3A_1456 = arith.constant 64 : index
      %swap3A_1457 = tpu.vector_load %arg20[%swap3A_1456] {strides = array<i32>} : memref<144xf32, #tpu.memory_space<vmem>>, vector<16xf32>,
      tpu.vector_store %arg20[%swap3A_1456], %broadcast_in_dim3A_1437 {strides = array<i32>} : memref<144xf32, #tpu.memory_space<vmem>>, vector<16xf32>,
      %swap3A_1458 = arith.constant 64 : index
      %swap3A_1459 = tpu.vector_load %arg21[%swap3A_1458] {strides = array<i32>} : memref<144xf32, #tpu.memory_space<vmem>>, vector<16xf32>,
      tpu.vector_store %arg21[%swap3A_1458], %broadcast_in_dim3A_1439 {strides = array<i32>} : memref<144xf32, #tpu.memory_space<vmem>>, vector<16xf32>,
      %swap3A_1460 = arith.constant 80 : index
      %swap3A_1461 = tpu.vector_load %arg20[%swap3A_1460] {strides = array<i32>} : memref<144xf32, #tpu.memory_space<vmem>>, vector<16xf32>,
      tpu.vector_store %arg20[%swap3A_1460], %broadcast_in_dim3A_1437 {strides = array<i32>} : memref<144xf32, #tpu.memory_space<vmem>>, vector<16xf32>,
      %swap3A_1462 = arith.constant 80 : index
      %swap3A_1463 = tpu.vector_load %arg21[%swap3A_1462] {strides = array<i32>} : memref<144xf32, #tpu.memory_space<vmem>>, vector<16xf32>,
      tpu.vector_store %arg21[%swap3A_1462], %broadcast_in_dim3A_1439 {strides = array<i32>} : memref<144xf32, #tpu.memory_space<vmem>>, vector<16xf32>,
      %swap3A_1464 = arith.constant 96 : index
      %swap3A_1465 = tpu.vector_load %arg20[%swap3A_1464] {strides = array<i32>} : memref<144xf32, #tpu.memory_space<vmem>>, vector<16xf32>,
      tpu.vector_store %arg20[%swap3A_1464], %broadcast_in_dim3A_1437 {strides = array<i32>} : memref<144xf32, #tpu.memory_space<vmem>>, vector<16xf32>,
      %swap3A_1466 = arith.constant 96 : index
      %swap3A_1467 = tpu.vector_load %arg21[%swap3A_1466] {strides = array<i32>} : memref<144xf32, #tpu.memory_space<vmem>>, vector<16xf32>,
      tpu.vector_store %arg21[%swap3A_1466], %broadcast_in_dim3A_1439 {strides = array<i32>} : memref<144xf32, #tpu.memory_space<vmem>>, vector<16xf32>,
      %swap3A_1468 = arith.constant 112 : index
      %swap3A_1469 = tpu.vector_load %arg20[%swap3A_1468] {strides = array<i32>} : memref<144xf32, #tpu.memory_space<vmem>>, vector<16xf32>,
      tpu.vector_store %arg20[%swap3A_1468], %broadcast_in_dim3A_1437 {strides = array<i32>} : memref<144xf32, #tpu.memory_space<vmem>>, vector<16xf32>,
      %swap3A_1470 = arith.constant 112 : index
      %swap3A_1471 = tpu.vector_load %arg21[%swap3A_1470] {strides = array<i32>} : memref<144xf32, #tpu.memory_space<vmem>>, vector<16xf32>,
      tpu.vector_store %arg21[%swap3A_1470], %broadcast_in_dim3A_1439 {strides = array<i32>} : memref<144xf32, #tpu.memory_space<vmem>>, vector<16xf32>,
      %swap3A_1472 = arith.constant 128 : index
      %swap3A_1473 = tpu.vector_load %arg20[%swap3A_1472] {strides = array<i32>} : memref<144xf32, #tpu.memory_space<vmem>>, vector<16xf32>,
      tpu.vector_store %arg20[%swap3A_1472], %broadcast_in_dim3A_1437 {strides = array<i32>} : memref<144xf32, #tpu.memory_space<vmem>>, vector<16xf32>,
      %swap3A_1474 = arith.constant 128 : index
      %swap3A_1475 = tpu.vector_load %arg21[%swap3A_1474] {strides = array<i32>} : memref<144xf32, #tpu.memory_space<vmem>>, vector<16xf32>,
      tpu.vector_store %arg21[%swap3A_1474], %broadcast_in_dim3A_1439 {strides = array<i32>} : memref<144xf32, #tpu.memory_space<vmem>>, vector<16xf32>,
      %scan3A_1476 = arith.constant 0 : i32
      %scan3A_1477 = arith.constant 0 : i32
      %scan3A_1478 = arith.constant 64 : i32
      %scan3A_1479 = arith.addi %scan3A_1477, %scan3A_1478 : i32
      %scan3A_1480 = arith.constant 1 : i32
      %scan3A_1481 = scf.for %scan3A_2015 = %scan3A_1477 to %scan3A_1479 step %scan3A_1480 iter_args(%scan3A_2016 = %scan3A_1476) -> (i32)  : i32 {
        %get3A_2017 = arith.index_cast %scan3A_2015 : i32 to index
        %get3A_2018 = arith.constant 0 : index
        %get3A_2019 = tpu.vector_load %arg17[%get3A_2017, %get3A_2018] {strides = array<i32>} : memref<64x128xf32, #tpu.memory_space<vmem>>, vector<16xf32>,
        %get3A_2020 = arith.index_cast %scan3A_2015 : i32 to index
        %get3A_2021 = arith.constant 0 : index
        %get3A_2022 = tpu.vector_load %arg19[%get3A_2020, %get3A_2021] {strides = array<i32>} : memref<64x128xf32, #tpu.memory_space<vmem>>, vector<16xf32>,
        %le3A_2023 = arith.cmpf ole, %get3A_2019, %get3A_25 : vector<16xf32>
        %swap3A_2024 = arith.index_cast %scan3A_2016 : i32 to index
        %swap3A_2025 = tpu.vector_load %arg20[%swap3A_2024] masked %le3A_2023 {strides = array<i32>} : memref<144xf32, #tpu.memory_space<vmem>>, vector<16xf32>, vector<16xi1>
        tpu.vector_store %arg20[%swap3A_2024], %get3A_2019 masked %le3A_2023 {strides = array<i32>} : memref<144xf32, #tpu.memory_space<vmem>>, vector<16xf32>, vector<16xi1>
        %swap3A_2026 = arith.index_cast %scan3A_2016 : i32 to index
        %swap3A_2027 = tpu.vector_load %arg21[%swap3A_2026] masked %le3A_2023 {strides = array<i32>} : memref<144xf32, #tpu.memory_space<vmem>>, vector<16xf32>, vector<16xi1>
        tpu.vector_store %arg21[%swap3A_2026], %get3A_2022 masked %le3A_2023 {strides = array<i32>} : memref<144xf32, #tpu.memory_space<vmem>>, vector<16xf32>, vector<16xi1>
        %convert_element_type3A_2028 = arith.extui %le3A_2023 : vector<16xi1> to vector<16xi32>
        %reduce_sum3A_2029 = arith.constant true
        %reduce_sum3A_2030 = vector.broadcast %reduce_sum3A_2029 : i1 to vector<16xi1>
        %reduce_sum3A_2031 = tpu.scan <sum>, %convert_element_type3A_2028 masked %reduce_sum3A_2030 : vector<16xi32>, vector<16xi1> -> vector<16xi32>
        %reduce_sum3A_2032 = vector.extract %reduce_sum3A_2031[15] : i32 from vector<16xi32>
        %add3A_2033 = arith.addi %scan3A_2016, %reduce_sum3A_2032 : i32
        %min3A = arith.constant 128 : i32
        %min3A_2034 = arith.minsi %add3A_2033, %min3A : i32
        %get3A_2035 = arith.index_cast %scan3A_2015 : i32 to index
        %get3A_2036 = arith.constant 16 : index
        %get3A_2037 = tpu.vector_load %arg17[%get3A_2035, %get3A_2036] {strides = array<i32>} : memref<64x128xf32, #tpu.memory_space<vmem>>, vector<16xf32>,
        %get3A_2038 = arith.index_cast %scan3A_2015 : i32 to index
        %get3A_2039 = arith.constant 16 : index
        %get3A_2040 = tpu.vector_load %arg19[%get3A_2038, %get3A_2039] {strides = array<i32>} : memref<64x128xf32, #tpu.memory_space<vmem>>, vector<16xf32>,
        %le3A_2041 = arith.cmpf ole, %get3A_2037, %get3A_25 : vector<16xf32>
        %swap3A_2042 = arith.index_cast %min3A_2034 : i32 to index
        %swap3A_2043 = tpu.vector_load %arg20[%swap3A_2042] masked %le3A_2041 {strides = array<i32>} : memref<144xf32, #tpu.memory_space<vmem>>, vector<16xf32>, vector<16xi1>
        tpu.vector_store %arg20[%swap3A_2042], %get3A_2037 masked %le3A_2041 {strides = array<i32>} : memref<144xf32, #tpu.memory_space<vmem>>, vector<16xf32>, vector<16xi1>
        %swap3A_2044 = arith.index_cast %min3A_2034 : i32 to index
        %swap3A_2045 = tpu.vector_load %arg21[%swap3A_2044] masked %le3A_2041 {strides = array<i32>} : memref<144xf32, #tpu.memory_space<vmem>>, vector<16xf32>, vector<16xi1>
        tpu.vector_store %arg21[%swap3A_2044], %get3A_2040 masked %le3A_2041 {strides = array<i32>} : memref<144xf32, #tpu.memory_space<vmem>>, vector<16xf32>, vector<16xi1>
        %convert_element_type3A_2046 = arith.extui %le3A_2041 : vector<16xi1> to vector<16xi32>
        %reduce_sum3A_2047 = arith.constant true
        %reduce_sum3A_2048 = vector.broadcast %reduce_sum3A_2047 : i1 to vector<16xi1>
        %reduce_sum3A_2049 = tpu.scan <sum>, %convert_element_type3A_2046 masked %reduce_sum3A_2048 : vector<16xi32>, vector<16xi1> -> vector<16xi32>
        %reduce_sum3A_2050 = vector.extract %reduce_sum3A_2049[15] : i32 from vector<16xi32>
        %add3A_2051 = arith.addi %min3A_2034, %reduce_sum3A_2050 : i32
        %min3A_2052 = arith.constant 128 : i32
        %min3A_2053 = arith.minsi %add3A_2051, %min3A_2052 : i32
        %get3A_2054 = arith.index_cast %scan3A_2015 : i32 to index
        %get3A_2055 = arith.constant 32 : index
        %get3A_2056 = tpu.vector_load %arg17[%get3A_2054, %get3A_2055] {strides = array<i32>} : memref<64x128xf32, #tpu.memory_space<vmem>>, vector<16xf32>,
        %get3A_2057 = arith.index_cast %scan3A_2015 : i32 to index
        %get3A_2058 = arith.constant 32 : index
        %get3A_2059 = tpu.vector_load %arg19[%get3A_2057, %get3A_2058] {strides = array<i32>} : memref<64x128xf32, #tpu.memory_space<vmem>>, vector<16xf32>,
        %le3A_2060 = arith.cmpf ole, %get3A_2056, %get3A_25 : vector<16xf32>
        %swap3A_2061 = arith.index_cast %min3A_2053 : i32 to index
        %swap3A_2062 = tpu.vector_load %arg20[%swap3A_2061] masked %le3A_2060 {strides = array<i32>} : memref<144xf32, #tpu.memory_space<vmem>>, vector<16xf32>, vector<16xi1>
        tpu.vector_store %arg20[%swap3A_2061], %get3A_2056 masked %le3A_2060 {strides = array<i32>} : memref<144xf32, #tpu.memory_space<vmem>>, vector<16xf32>, vector<16xi1>
        %swap3A_2063 = arith.index_cast %min3A_2053 : i32 to index
        %swap3A_2064 = tpu.vector_load %arg21[%swap3A_2063] masked %le3A_2060 {strides = array<i32>} : memref<144xf32, #tpu.memory_space<vmem>>, vector<16xf32>, vector<16xi1>
        tpu.vector_store %arg21[%swap3A_2063], %get3A_2059 masked %le3A_2060 {strides = array<i32>} : memref<144xf32, #tpu.memory_space<vmem>>, vector<16xf32>, vector<16xi1>
        %convert_element_type3A_2065 = arith.extui %le3A_2060 : vector<16xi1> to vector<16xi32>
        %reduce_sum3A_2066 = arith.constant true
        %reduce_sum3A_2067 = vector.broadcast %reduce_sum3A_2066 : i1 to vector<16xi1>
        %reduce_sum3A_2068 = tpu.scan <sum>, %convert_element_type3A_2065 masked %reduce_sum3A_2067 : vector<16xi32>, vector<16xi1> -> vector<16xi32>
        %reduce_sum3A_2069 = vector.extract %reduce_sum3A_2068[15] : i32 from vector<16xi32>
        %add3A_2070 = arith.addi %min3A_2053, %reduce_sum3A_2069 : i32
        %min3A_2071 = arith.constant 128 : i32
        %min3A_2072 = arith.minsi %add3A_2070, %min3A_2071 : i32
        %get3A_2073 = arith.index_cast %scan3A_2015 : i32 to index
        %get3A_2074 = arith.constant 48 : index
        %get3A_2075 = tpu.vector_load %arg17[%get3A_2073, %get3A_2074] {strides = array<i32>} : memref<64x128xf32, #tpu.memory_space<vmem>>, vector<16xf32>,
        %get3A_2076 = arith.index_cast %scan3A_2015 : i32 to index
        %get3A_2077 = arith.constant 48 : index
        %get3A_2078 = tpu.vector_load %arg19[%get3A_2076, %get3A_2077] {strides = array<i32>} : memref<64x128xf32, #tpu.memory_space<vmem>>, vector<16xf32>,
        %le3A_2079 = arith.cmpf ole, %get3A_2075, %get3A_25 : vector<16xf32>
        %swap3A_2080 = arith.index_cast %min3A_2072 : i32 to index
        %swap3A_2081 = tpu.vector_load %arg20[%swap3A_2080] masked %le3A_2079 {strides = array<i32>} : memref<144xf32, #tpu.memory_space<vmem>>, vector<16xf32>, vector<16xi1>
        tpu.vector_store %arg20[%swap3A_2080], %get3A_2075 masked %le3A_2079 {strides = array<i32>} : memref<144xf32, #tpu.memory_space<vmem>>, vector<16xf32>, vector<16xi1>
        %swap3A_2082 = arith.index_cast %min3A_2072 : i32 to index
        %swap3A_2083 = tpu.vector_load %arg21[%swap3A_2082] masked %le3A_2079 {strides = array<i32>} : memref<144xf32, #tpu.memory_space<vmem>>, vector<16xf32>, vector<16xi1>
        tpu.vector_store %arg21[%swap3A_2082], %get3A_2078 masked %le3A_2079 {strides = array<i32>} : memref<144xf32, #tpu.memory_space<vmem>>, vector<16xf32>, vector<16xi1>
        %convert_element_type3A_2084 = arith.extui %le3A_2079 : vector<16xi1> to vector<16xi32>
        %reduce_sum3A_2085 = arith.constant true
        %reduce_sum3A_2086 = vector.broadcast %reduce_sum3A_2085 : i1 to vector<16xi1>
        %reduce_sum3A_2087 = tpu.scan <sum>, %convert_element_type3A_2084 masked %reduce_sum3A_2086 : vector<16xi32>, vector<16xi1> -> vector<16xi32>
        %reduce_sum3A_2088 = vector.extract %reduce_sum3A_2087[15] : i32 from vector<16xi32>
        %add3A_2089 = arith.addi %min3A_2072, %reduce_sum3A_2088 : i32
        %min3A_2090 = arith.constant 128 : i32
        %min3A_2091 = arith.minsi %add3A_2089, %min3A_2090 : i32
        %get3A_2092 = arith.index_cast %scan3A_2015 : i32 to index
        %get3A_2093 = arith.constant 64 : index
        %get3A_2094 = tpu.vector_load %arg17[%get3A_2092, %get3A_2093] {strides = array<i32>} : memref<64x128xf32, #tpu.memory_space<vmem>>, vector<16xf32>,
        %get3A_2095 = arith.index_cast %scan3A_2015 : i32 to index
        %get3A_2096 = arith.constant 64 : index
        %get3A_2097 = tpu.vector_load %arg19[%get3A_2095, %get3A_2096] {strides = array<i32>} : memref<64x128xf32, #tpu.memory_space<vmem>>, vector<16xf32>,
        %le3A_2098 = arith.cmpf ole, %get3A_2094, %get3A_25 : vector<16xf32>
        %swap3A_2099 = arith.index_cast %min3A_2091 : i32 to index
        %swap3A_2100 = tpu.vector_load %arg20[%swap3A_2099] masked %le3A_2098 {strides = array<i32>} : memref<144xf32, #tpu.memory_space<vmem>>, vector<16xf32>, vector<16xi1>
        tpu.vector_store %arg20[%swap3A_2099], %get3A_2094 masked %le3A_2098 {strides = array<i32>} : memref<144xf32, #tpu.memory_space<vmem>>, vector<16xf32>, vector<16xi1>
        %swap3A_2101 = arith.index_cast %min3A_2091 : i32 to index
        %swap3A_2102 = tpu.vector_load %arg21[%swap3A_2101] masked %le3A_2098 {strides = array<i32>} : memref<144xf32, #tpu.memory_space<vmem>>, vector<16xf32>, vector<16xi1>
        tpu.vector_store %arg21[%swap3A_2101], %get3A_2097 masked %le3A_2098 {strides = array<i32>} : memref<144xf32, #tpu.memory_space<vmem>>, vector<16xf32>, vector<16xi1>
        %convert_element_type3A_2103 = arith.extui %le3A_2098 : vector<16xi1> to vector<16xi32>
        %reduce_sum3A_2104 = arith.constant true
        %reduce_sum3A_2105 = vector.broadcast %reduce_sum3A_2104 : i1 to vector<16xi1>
        %reduce_sum3A_2106 = tpu.scan <sum>, %convert_element_type3A_2103 masked %reduce_sum3A_2105 : vector<16xi32>, vector<16xi1> -> vector<16xi32>
        %reduce_sum3A_2107 = vector.extract %reduce_sum3A_2106[15] : i32 from vector<16xi32>
        %add3A_2108 = arith.addi %min3A_2091, %reduce_sum3A_2107 : i32
        %min3A_2109 = arith.constant 128 : i32
        %min3A_2110 = arith.minsi %add3A_2108, %min3A_2109 : i32
        %get3A_2111 = arith.index_cast %scan3A_2015 : i32 to index
        %get3A_2112 = arith.constant 80 : index
        %get3A_2113 = tpu.vector_load %arg17[%get3A_2111, %get3A_2112] {strides = array<i32>} : memref<64x128xf32, #tpu.memory_space<vmem>>, vector<16xf32>,
        %get3A_2114 = arith.index_cast %scan3A_2015 : i32 to index
        %get3A_2115 = arith.constant 80 : index
        %get3A_2116 = tpu.vector_load %arg19[%get3A_2114, %get3A_2115] {strides = array<i32>} : memref<64x128xf32, #tpu.memory_space<vmem>>, vector<16xf32>,
        %le3A_2117 = arith.cmpf ole, %get3A_2113, %get3A_25 : vector<16xf32>
        %swap3A_2118 = arith.index_cast %min3A_2110 : i32 to index
        %swap3A_2119 = tpu.vector_load %arg20[%swap3A_2118] masked %le3A_2117 {strides = array<i32>} : memref<144xf32, #tpu.memory_space<vmem>>, vector<16xf32>, vector<16xi1>
        tpu.vector_store %arg20[%swap3A_2118], %get3A_2113 masked %le3A_2117 {strides = array<i32>} : memref<144xf32, #tpu.memory_space<vmem>>, vector<16xf32>, vector<16xi1>
        %swap3A_2120 = arith.index_cast %min3A_2110 : i32 to index
        %swap3A_2121 = tpu.vector_load %arg21[%swap3A_2120] masked %le3A_2117 {strides = array<i32>} : memref<144xf32, #tpu.memory_space<vmem>>, vector<16xf32>, vector<16xi1>
        tpu.vector_store %arg21[%swap3A_2120], %get3A_2116 masked %le3A_2117 {strides = array<i32>} : memref<144xf32, #tpu.memory_space<vmem>>, vector<16xf32>, vector<16xi1>
        %convert_element_type3A_2122 = arith.extui %le3A_2117 : vector<16xi1> to vector<16xi32>
        %reduce_sum3A_2123 = arith.constant true
        %reduce_sum3A_2124 = vector.broadcast %reduce_sum3A_2123 : i1 to vector<16xi1>
        %reduce_sum3A_2125 = tpu.scan <sum>, %convert_element_type3A_2122 masked %reduce_sum3A_2124 : vector<16xi32>, vector<16xi1> -> vector<16xi32>
        %reduce_sum3A_2126 = vector.extract %reduce_sum3A_2125[15] : i32 from vector<16xi32>
        %add3A_2127 = arith.addi %min3A_2110, %reduce_sum3A_2126 : i32
        %min3A_2128 = arith.constant 128 : i32
        %min3A_2129 = arith.minsi %add3A_2127, %min3A_2128 : i32
        %get3A_2130 = arith.index_cast %scan3A_2015 : i32 to index
        %get3A_2131 = arith.constant 96 : index
        %get3A_2132 = tpu.vector_load %arg17[%get3A_2130, %get3A_2131] {strides = array<i32>} : memref<64x128xf32, #tpu.memory_space<vmem>>, vector<16xf32>,
        %get3A_2133 = arith.index_cast %scan3A_2015 : i32 to index
        %get3A_2134 = arith.constant 96 : index
        %get3A_2135 = tpu.vector_load %arg19[%get3A_2133, %get3A_2134] {strides = array<i32>} : memref<64x128xf32, #tpu.memory_space<vmem>>, vector<16xf32>,
        %le3A_2136 = arith.cmpf ole, %get3A_2132, %get3A_25 : vector<16xf32>
        %swap3A_2137 = arith.index_cast %min3A_2129 : i32 to index
        %swap3A_2138 = tpu.vector_load %arg20[%swap3A_2137] masked %le3A_2136 {strides = array<i32>} : memref<144xf32, #tpu.memory_space<vmem>>, vector<16xf32>, vector<16xi1>
        tpu.vector_store %arg20[%swap3A_2137], %get3A_2132 masked %le3A_2136 {strides = array<i32>} : memref<144xf32, #tpu.memory_space<vmem>>, vector<16xf32>, vector<16xi1>
        %swap3A_2139 = arith.index_cast %min3A_2129 : i32 to index
        %swap3A_2140 = tpu.vector_load %arg21[%swap3A_2139] masked %le3A_2136 {strides = array<i32>} : memref<144xf32, #tpu.memory_space<vmem>>, vector<16xf32>, vector<16xi1>
        tpu.vector_store %arg21[%swap3A_2139], %get3A_2135 masked %le3A_2136 {strides = array<i32>} : memref<144xf32, #tpu.memory_space<vmem>>, vector<16xf32>, vector<16xi1>
        %convert_element_type3A_2141 = arith.extui %le3A_2136 : vector<16xi1> to vector<16xi32>
        %reduce_sum3A_2142 = arith.constant true
        %reduce_sum3A_2143 = vector.broadcast %reduce_sum3A_2142 : i1 to vector<16xi1>
        %reduce_sum3A_2144 = tpu.scan <sum>, %convert_element_type3A_2141 masked %reduce_sum3A_2143 : vector<16xi32>, vector<16xi1> -> vector<16xi32>
        %reduce_sum3A_2145 = vector.extract %reduce_sum3A_2144[15] : i32 from vector<16xi32>
        %add3A_2146 = arith.addi %min3A_2129, %reduce_sum3A_2145 : i32
        %min3A_2147 = arith.constant 128 : i32
        %min3A_2148 = arith.minsi %add3A_2146, %min3A_2147 : i32
        %get3A_2149 = arith.index_cast %scan3A_2015 : i32 to index
        %get3A_2150 = arith.constant 112 : index
        %get3A_2151 = tpu.vector_load %arg17[%get3A_2149, %get3A_2150] {strides = array<i32>} : memref<64x128xf32, #tpu.memory_space<vmem>>, vector<16xf32>,
        %get3A_2152 = arith.index_cast %scan3A_2015 : i32 to index
        %get3A_2153 = arith.constant 112 : index
        %get3A_2154 = tpu.vector_load %arg19[%get3A_2152, %get3A_2153] {strides = array<i32>} : memref<64x128xf32, #tpu.memory_space<vmem>>, vector<16xf32>,
        %le3A_2155 = arith.cmpf ole, %get3A_2151, %get3A_25 : vector<16xf32>
        %swap3A_2156 = arith.index_cast %min3A_2148 : i32 to index
        %swap3A_2157 = tpu.vector_load %arg20[%swap3A_2156] masked %le3A_2155 {strides = array<i32>} : memref<144xf32, #tpu.memory_space<vmem>>, vector<16xf32>, vector<16xi1>
        tpu.vector_store %arg20[%swap3A_2156], %get3A_2151 masked %le3A_2155 {strides = array<i32>} : memref<144xf32, #tpu.memory_space<vmem>>, vector<16xf32>, vector<16xi1>
        %swap3A_2158 = arith.index_cast %min3A_2148 : i32 to index
        %swap3A_2159 = tpu.vector_load %arg21[%swap3A_2158] masked %le3A_2155 {strides = array<i32>} : memref<144xf32, #tpu.memory_space<vmem>>, vector<16xf32>, vector<16xi1>
        tpu.vector_store %arg21[%swap3A_2158], %get3A_2154 masked %le3A_2155 {strides = array<i32>} : memref<144xf32, #tpu.memory_space<vmem>>, vector<16xf32>, vector<16xi1>
        %convert_element_type3A_2160 = arith.extui %le3A_2155 : vector<16xi1> to vector<16xi32>
        %reduce_sum3A_2161 = arith.constant true
        %reduce_sum3A_2162 = vector.broadcast %reduce_sum3A_2161 : i1 to vector<16xi1>
        %reduce_sum3A_2163 = tpu.scan <sum>, %convert_element_type3A_2160 masked %reduce_sum3A_2162 : vector<16xi32>, vector<16xi1> -> vector<16xi32>
        %reduce_sum3A_2164 = vector.extract %reduce_sum3A_2163[15] : i32 from vector<16xi32>
        %add3A_2165 = arith.addi %min3A_2148, %reduce_sum3A_2164 : i32
        %min3A_2166 = arith.constant 128 : i32
        %min3A_2167 = arith.minsi %add3A_2165, %min3A_2166 : i32
        scf.yield %min3A_2167 : i32
      }
      %scan3A_1482 = arith.constant 64 : i32
      %get3A_1483 = arith.constant 0 : index
      %get3A_1484 = tpu.vector_load %arg20[%get3A_1483] {strides = array<i32>} : memref<144xf32, #tpu.memory_space<vmem>>, vector<16xf32>,
      %bitcast3A_1485 = vector.bitcast %get3A_1484 : vector<16xf32> to vector<16xi32>
      %lt3A_1486 = arith.constant 0 : i32
      %lt3A_1487 = vector.broadcast %lt3A_1486 : i32 to vector<16xi32>
      %lt3A_1488 = arith.cmpi slt, %bitcast3A_1485, %lt3A_1487 : vector<16xi32>
      %xor3A_1489 = arith.constant 2147483647 : i32
      %xor3A_1490 = vector.broadcast %xor3A_1489 : i32 to vector<16xi32>
      %xor3A_1491 = arith.xori %bitcast3A_1485, %xor3A_1490 : vector<16xi32>
      %select_n3A_1492 = arith.select %lt3A_1488, %xor3A_1491, %bitcast3A_1485 : vector<16xi1>, vector<16xi32>
      %swap3A_1493 = arith.constant 0 : index
      %swap3A_1494 = tpu.vector_load %arg22[%swap3A_1493] {strides = array<i32>} : memref<128xi32, #tpu.memory_space<vmem>>, vector<16xi32>,
      tpu.vector_store %arg22[%swap3A_1493], %select_n3A_1492 {strides = array<i32>} : memref<128xi32, #tpu.memory_space<vmem>>, vector<16xi32>,
      %get3A_1495 = arith.constant 16 : index
      %get3A_1496 = tpu.vector_load %arg20[%get3A_1495] {strides = array<i32>} : memref<144xf32, #tpu.memory_space<vmem>>, vector<16xf32>,
      %bitcast3A_1497 = vector.bitcast %get3A_1496 : vector<16xf32> to vector<16xi32>
      %lt3A_1498 = arith.constant 0 : i32
      %lt3A_1499 = vector.broadcast %lt3A_1498 : i32 to vector<16xi32>
      %lt3A_1500 = arith.cmpi slt, %bitcast3A_1497, %lt3A_1499 : vector<16xi32>
      %xor3A_1501 = arith.constant 2147483647 : i32
      %xor3A_1502 = vector.broadcast %xor3A_1501 : i32 to vector<16xi32>
      %xor3A_1503 = arith.xori %bitcast3A_1497, %xor3A_1502 : vector<16xi32>
      %select_n3A_1504 = arith.select %lt3A_1500, %xor3A_1503, %bitcast3A_1497 : vector<16xi1>, vector<16xi32>
      %swap3A_1505 = arith.constant 16 : index
      %swap3A_1506 = tpu.vector_load %arg22[%swap3A_1505] {strides = array<i32>} : memref<128xi32, #tpu.memory_space<vmem>>, vector<16xi32>,
      tpu.vector_store %arg22[%swap3A_1505], %select_n3A_1504 {strides = array<i32>} : memref<128xi32, #tpu.memory_space<vmem>>, vector<16xi32>,
      %get3A_1507 = arith.constant 32 : index
      %get3A_1508 = tpu.vector_load %arg20[%get3A_1507] {strides = array<i32>} : memref<144xf32, #tpu.memory_space<vmem>>, vector<16xf32>,
      %bitcast3A_1509 = vector.bitcast %get3A_1508 : vector<16xf32> to vector<16xi32>
      %lt3A_1510 = arith.constant 0 : i32
      %lt3A_1511 = vector.broadcast %lt3A_1510 : i32 to vector<16xi32>
      %lt3A_1512 = arith.cmpi slt, %bitcast3A_1509, %lt3A_1511 : vector<16xi32>
      %xor3A_1513 = arith.constant 2147483647 : i32
      %xor3A_1514 = vector.broadcast %xor3A_1513 : i32 to vector<16xi32>
      %xor3A_1515 = arith.xori %bitcast3A_1509, %xor3A_1514 : vector<16xi32>
      %select_n3A_1516 = arith.select %lt3A_1512, %xor3A_1515, %bitcast3A_1509 : vector<16xi1>, vector<16xi32>
      %swap3A_1517 = arith.constant 32 : index
      %swap3A_1518 = tpu.vector_load %arg22[%swap3A_1517] {strides = array<i32>} : memref<128xi32, #tpu.memory_space<vmem>>, vector<16xi32>,
      tpu.vector_store %arg22[%swap3A_1517], %select_n3A_1516 {strides = array<i32>} : memref<128xi32, #tpu.memory_space<vmem>>, vector<16xi32>,
      %get3A_1519 = arith.constant 48 : index
      %get3A_1520 = tpu.vector_load %arg20[%get3A_1519] {strides = array<i32>} : memref<144xf32, #tpu.memory_space<vmem>>, vector<16xf32>,
      %bitcast3A_1521 = vector.bitcast %get3A_1520 : vector<16xf32> to vector<16xi32>
      %lt3A_1522 = arith.constant 0 : i32
      %lt3A_1523 = vector.broadcast %lt3A_1522 : i32 to vector<16xi32>
      %lt3A_1524 = arith.cmpi slt, %bitcast3A_1521, %lt3A_1523 : vector<16xi32>
      %xor3A_1525 = arith.constant 2147483647 : i32
      %xor3A_1526 = vector.broadcast %xor3A_1525 : i32 to vector<16xi32>
      %xor3A_1527 = arith.xori %bitcast3A_1521, %xor3A_1526 : vector<16xi32>
      %select_n3A_1528 = arith.select %lt3A_1524, %xor3A_1527, %bitcast3A_1521 : vector<16xi1>, vector<16xi32>
      %swap3A_1529 = arith.constant 48 : index
      %swap3A_1530 = tpu.vector_load %arg22[%swap3A_1529] {strides = array<i32>} : memref<128xi32, #tpu.memory_space<vmem>>, vector<16xi32>,
      tpu.vector_store %arg22[%swap3A_1529], %select_n3A_1528 {strides = array<i32>} : memref<128xi32, #tpu.memory_space<vmem>>, vector<16xi32>,
      %get3A_1531 = arith.constant 64 : index
      %get3A_1532 = tpu.vector_load %arg20[%get3A_1531] {strides = array<i32>} : memref<144xf32, #tpu.memory_space<vmem>>, vector<16xf32>,
      %bitcast3A_1533 = vector.bitcast %get3A_1532 : vector<16xf32> to vector<16xi32>
      %lt3A_1534 = arith.constant 0 : i32
      %lt3A_1535 = vector.broadcast %lt3A_1534 : i32 to vector<16xi32>
      %lt3A_1536 = arith.cmpi slt, %bitcast3A_1533, %lt3A_1535 : vector<16xi32>
      %xor3A_1537 = arith.constant 2147483647 : i32
      %xor3A_1538 = vector.broadcast %xor3A_1537 : i32 to vector<16xi32>
      %xor3A_1539 = arith.xori %bitcast3A_1533, %xor3A_1538 : vector<16xi32>
      %select_n3A_1540 = arith.select %lt3A_1536, %xor3A_1539, %bitcast3A_1533 : vector<16xi1>, vector<16xi32>
      %swap3A_1541 = arith.constant 64 : index
      %swap3A_1542 = tpu.vector_load %arg22[%swap3A_1541] {strides = array<i32>} : memref<128xi32, #tpu.memory_space<vmem>>, vector<16xi32>,
      tpu.vector_store %arg22[%swap3A_1541], %select_n3A_1540 {strides = array<i32>} : memref<128xi32, #tpu.memory_space<vmem>>, vector<16xi32>,
      %get3A_1543 = arith.constant 80 : index
      %get3A_1544 = tpu.vector_load %arg20[%get3A_1543] {strides = array<i32>} : memref<144xf32, #tpu.memory_space<vmem>>, vector<16xf32>,
      %bitcast3A_1545 = vector.bitcast %get3A_1544 : vector<16xf32> to vector<16xi32>
      %lt3A_1546 = arith.constant 0 : i32
      %lt3A_1547 = vector.broadcast %lt3A_1546 : i32 to vector<16xi32>
      %lt3A_1548 = arith.cmpi slt, %bitcast3A_1545, %lt3A_1547 : vector<16xi32>
      %xor3A_1549 = arith.constant 2147483647 : i32
      %xor3A_1550 = vector.broadcast %xor3A_1549 : i32 to vector<16xi32>
      %xor3A_1551 = arith.xori %bitcast3A_1545, %xor3A_1550 : vector<16xi32>
      %select_n3A_1552 = arith.select %lt3A_1548, %xor3A_1551, %bitcast3A_1545 : vector<16xi1>, vector<16xi32>
      %swap3A_1553 = arith.constant 80 : index
      %swap3A_1554 = tpu.vector_load %arg22[%swap3A_1553] {strides = array<i32>} : memref<128xi32, #tpu.memory_space<vmem>>, vector<16xi32>,
      tpu.vector_store %arg22[%swap3A_1553], %select_n3A_1552 {strides = array<i32>} : memref<128xi32, #tpu.memory_space<vmem>>, vector<16xi32>,
      %get3A_1555 = arith.constant 96 : index
      %get3A_1556 = tpu.vector_load %arg20[%get3A_1555] {strides = array<i32>} : memref<144xf32, #tpu.memory_space<vmem>>, vector<16xf32>,
      %bitcast3A_1557 = vector.bitcast %get3A_1556 : vector<16xf32> to vector<16xi32>
      %lt3A_1558 = arith.constant 0 : i32
      %lt3A_1559 = vector.broadcast %lt3A_1558 : i32 to vector<16xi32>
      %lt3A_1560 = arith.cmpi slt, %bitcast3A_1557, %lt3A_1559 : vector<16xi32>
      %xor3A_1561 = arith.constant 2147483647 : i32
      %xor3A_1562 = vector.broadcast %xor3A_1561 : i32 to vector<16xi32>
      %xor3A_1563 = arith.xori %bitcast3A_1557, %xor3A_1562 : vector<16xi32>
      %select_n3A_1564 = arith.select %lt3A_1560, %xor3A_1563, %bitcast3A_1557 : vector<16xi1>, vector<16xi32>
      %swap3A_1565 = arith.constant 96 : index
      %swap3A_1566 = tpu.vector_load %arg22[%swap3A_1565] {strides = array<i32>} : memref<128xi32, #tpu.memory_space<vmem>>, vector<16xi32>,
      tpu.vector_store %arg22[%swap3A_1565], %select_n3A_1564 {strides = array<i32>} : memref<128xi32, #tpu.memory_space<vmem>>, vector<16xi32>,
      %get3A_1567 = arith.constant 112 : index
      %get3A_1568 = tpu.vector_load %arg20[%get3A_1567] {strides = array<i32>} : memref<144xf32, #tpu.memory_space<vmem>>, vector<16xf32>,
      %bitcast3A_1569 = vector.bitcast %get3A_1568 : vector<16xf32> to vector<16xi32>
      %lt3A_1570 = arith.constant 0 : i32
      %lt3A_1571 = vector.broadcast %lt3A_1570 : i32 to vector<16xi32>
      %lt3A_1572 = arith.cmpi slt, %bitcast3A_1569, %lt3A_1571 : vector<16xi32>
      %xor3A_1573 = arith.constant 2147483647 : i32
      %xor3A_1574 = vector.broadcast %xor3A_1573 : i32 to vector<16xi32>
      %xor3A_1575 = arith.xori %bitcast3A_1569, %xor3A_1574 : vector<16xi32>
      %select_n3A_1576 = arith.select %lt3A_1572, %xor3A_1575, %bitcast3A_1569 : vector<16xi1>, vector<16xi32>
      %swap3A_1577 = arith.constant 112 : index
      %swap3A_1578 = tpu.vector_load %arg22[%swap3A_1577] {strides = array<i32>} : memref<128xi32, #tpu.memory_space<vmem>>, vector<16xi32>,
      tpu.vector_store %arg22[%swap3A_1577], %select_n3A_1576 {strides = array<i32>} : memref<128xi32, #tpu.memory_space<vmem>>, vector<16xi32>,
      %scan3A_1579 = arith.constant 0 : i32
      %scan3A_1580 = arith.constant 0 : i32
      %scan3A_1581 = arith.constant 32 : i32
      %scan3A_1582 = arith.addi %scan3A_1580, %scan3A_1581 : i32
      %scan3A_1583 = arith.constant 1 : i32
      %scan3A_1584 = scf.for %scan3A_2015 = %scan3A_1580 to %scan3A_1582 step %scan3A_1583 iter_args(%scan3A_2016 = %scan3A_1579) -> (i32)  : i32 {
        %sub3A_2017 = arith.constant 31 : i32
        %sub3A_2018 = arith.subi %sub3A_2017, %scan3A_2015 : i32
        %shift_left3A = arith.constant 1 : i32
        %shift_left3A_2019 = arith.shli %shift_left3A, %sub3A_2018 : i32
        %or3A_2020 = arith.ori %scan3A_2016, %shift_left3A_2019 : i32
        %xor3A_2021 = arith.constant -2147483648 : i32
        %xor3A_2022 = arith.xori %or3A_2020, %xor3A_2021 : i32
        %broadcast_in_dim3A_2023 = vector.broadcast %xor3A_2022 : i32 to vector<16xi32>
        %get3A_2024 = arith.constant 0 : index
        %get3A_2025 = tpu.vector_load %arg22[%get3A_2024] {strides = array<i32>} : memref<128xi32, #tpu.memory_space<vmem>>, vector<16xi32>,
        %lt3A_2026 = arith.cmpi slt, %get3A_2025, %broadcast_in_dim3A_2023 : vector<16xi32>
        %convert_element_type3A_2027 = arith.extui %lt3A_2026 : vector<16xi1> to vector<16xi32>
        %reduce_sum3A_2028 = arith.constant true
        %reduce_sum3A_2029 = vector.broadcast %reduce_sum3A_2028 : i1 to vector<16xi1>
        %reduce_sum3A_2030 = tpu.scan <sum>, %convert_element_type3A_2027 masked %reduce_sum3A_2029 : vector<16xi32>, vector<16xi1> -> vector<16xi32>
        %reduce_sum3A_2031 = vector.extract %reduce_sum3A_2030[15] : i32 from vector<16xi32>
        %add3A_2032 = arith.constant 0 : i32
        %add3A_2033 = arith.addi %add3A_2032, %reduce_sum3A_2031 : i32
        %get3A_2034 = arith.constant 16 : index
        %get3A_2035 = tpu.vector_load %arg22[%get3A_2034] {strides = array<i32>} : memref<128xi32, #tpu.memory_space<vmem>>, vector<16xi32>,
        %lt3A_2036 = arith.cmpi slt, %get3A_2035, %broadcast_in_dim3A_2023 : vector<16xi32>
        %convert_element_type3A_2037 = arith.extui %lt3A_2036 : vector<16xi1> to vector<16xi32>
        %reduce_sum3A_2038 = arith.constant true
        %reduce_sum3A_2039 = vector.broadcast %reduce_sum3A_2038 : i1 to vector<16xi1>
        %reduce_sum3A_2040 = tpu.scan <sum>, %convert_element_type3A_2037 masked %reduce_sum3A_2039 : vector<16xi32>, vector<16xi1> -> vector<16xi32>
        %reduce_sum3A_2041 = vector.extract %reduce_sum3A_2040[15] : i32 from vector<16xi32>
        %add3A_2042 = arith.addi %add3A_2033, %reduce_sum3A_2041 : i32
        %get3A_2043 = arith.constant 32 : index
        %get3A_2044 = tpu.vector_load %arg22[%get3A_2043] {strides = array<i32>} : memref<128xi32, #tpu.memory_space<vmem>>, vector<16xi32>,
        %lt3A_2045 = arith.cmpi slt, %get3A_2044, %broadcast_in_dim3A_2023 : vector<16xi32>
        %convert_element_type3A_2046 = arith.extui %lt3A_2045 : vector<16xi1> to vector<16xi32>
        %reduce_sum3A_2047 = arith.constant true
        %reduce_sum3A_2048 = vector.broadcast %reduce_sum3A_2047 : i1 to vector<16xi1>
        %reduce_sum3A_2049 = tpu.scan <sum>, %convert_element_type3A_2046 masked %reduce_sum3A_2048 : vector<16xi32>, vector<16xi1> -> vector<16xi32>
        %reduce_sum3A_2050 = vector.extract %reduce_sum3A_2049[15] : i32 from vector<16xi32>
        %add3A_2051 = arith.addi %add3A_2042, %reduce_sum3A_2050 : i32
        %get3A_2052 = arith.constant 48 : index
        %get3A_2053 = tpu.vector_load %arg22[%get3A_2052] {strides = array<i32>} : memref<128xi32, #tpu.memory_space<vmem>>, vector<16xi32>,
        %lt3A_2054 = arith.cmpi slt, %get3A_2053, %broadcast_in_dim3A_2023 : vector<16xi32>
        %convert_element_type3A_2055 = arith.extui %lt3A_2054 : vector<16xi1> to vector<16xi32>
        %reduce_sum3A_2056 = arith.constant true
        %reduce_sum3A_2057 = vector.broadcast %reduce_sum3A_2056 : i1 to vector<16xi1>
        %reduce_sum3A_2058 = tpu.scan <sum>, %convert_element_type3A_2055 masked %reduce_sum3A_2057 : vector<16xi32>, vector<16xi1> -> vector<16xi32>
        %reduce_sum3A_2059 = vector.extract %reduce_sum3A_2058[15] : i32 from vector<16xi32>
        %add3A_2060 = arith.addi %add3A_2051, %reduce_sum3A_2059 : i32
        %get3A_2061 = arith.constant 64 : index
        %get3A_2062 = tpu.vector_load %arg22[%get3A_2061] {strides = array<i32>} : memref<128xi32, #tpu.memory_space<vmem>>, vector<16xi32>,
        %lt3A_2063 = arith.cmpi slt, %get3A_2062, %broadcast_in_dim3A_2023 : vector<16xi32>
        %convert_element_type3A_2064 = arith.extui %lt3A_2063 : vector<16xi1> to vector<16xi32>
        %reduce_sum3A_2065 = arith.constant true
        %reduce_sum3A_2066 = vector.broadcast %reduce_sum3A_2065 : i1 to vector<16xi1>
        %reduce_sum3A_2067 = tpu.scan <sum>, %convert_element_type3A_2064 masked %reduce_sum3A_2066 : vector<16xi32>, vector<16xi1> -> vector<16xi32>
        %reduce_sum3A_2068 = vector.extract %reduce_sum3A_2067[15] : i32 from vector<16xi32>
        %add3A_2069 = arith.addi %add3A_2060, %reduce_sum3A_2068 : i32
        %get3A_2070 = arith.constant 80 : index
        %get3A_2071 = tpu.vector_load %arg22[%get3A_2070] {strides = array<i32>} : memref<128xi32, #tpu.memory_space<vmem>>, vector<16xi32>,
        %lt3A_2072 = arith.cmpi slt, %get3A_2071, %broadcast_in_dim3A_2023 : vector<16xi32>
        %convert_element_type3A_2073 = arith.extui %lt3A_2072 : vector<16xi1> to vector<16xi32>
        %reduce_sum3A_2074 = arith.constant true
        %reduce_sum3A_2075 = vector.broadcast %reduce_sum3A_2074 : i1 to vector<16xi1>
        %reduce_sum3A_2076 = tpu.scan <sum>, %convert_element_type3A_2073 masked %reduce_sum3A_2075 : vector<16xi32>, vector<16xi1> -> vector<16xi32>
        %reduce_sum3A_2077 = vector.extract %reduce_sum3A_2076[15] : i32 from vector<16xi32>
        %add3A_2078 = arith.addi %add3A_2069, %reduce_sum3A_2077 : i32
        %get3A_2079 = arith.constant 96 : index
        %get3A_2080 = tpu.vector_load %arg22[%get3A_2079] {strides = array<i32>} : memref<128xi32, #tpu.memory_space<vmem>>, vector<16xi32>,
        %lt3A_2081 = arith.cmpi slt, %get3A_2080, %broadcast_in_dim3A_2023 : vector<16xi32>
        %convert_element_type3A_2082 = arith.extui %lt3A_2081 : vector<16xi1> to vector<16xi32>
        %reduce_sum3A_2083 = arith.constant true
        %reduce_sum3A_2084 = vector.broadcast %reduce_sum3A_2083 : i1 to vector<16xi1>
        %reduce_sum3A_2085 = tpu.scan <sum>, %convert_element_type3A_2082 masked %reduce_sum3A_2084 : vector<16xi32>, vector<16xi1> -> vector<16xi32>
        %reduce_sum3A_2086 = vector.extract %reduce_sum3A_2085[15] : i32 from vector<16xi32>
        %add3A_2087 = arith.addi %add3A_2078, %reduce_sum3A_2086 : i32
        %get3A_2088 = arith.constant 112 : index
        %get3A_2089 = tpu.vector_load %arg22[%get3A_2088] {strides = array<i32>} : memref<128xi32, #tpu.memory_space<vmem>>, vector<16xi32>,
        %lt3A_2090 = arith.cmpi slt, %get3A_2089, %broadcast_in_dim3A_2023 : vector<16xi32>
        %convert_element_type3A_2091 = arith.extui %lt3A_2090 : vector<16xi1> to vector<16xi32>
        %reduce_sum3A_2092 = arith.constant true
        %reduce_sum3A_2093 = vector.broadcast %reduce_sum3A_2092 : i1 to vector<16xi1>
        %reduce_sum3A_2094 = tpu.scan <sum>, %convert_element_type3A_2091 masked %reduce_sum3A_2093 : vector<16xi32>, vector<16xi1> -> vector<16xi32>
        %reduce_sum3A_2095 = vector.extract %reduce_sum3A_2094[15] : i32 from vector<16xi32>
        %add3A_2096 = arith.addi %add3A_2087, %reduce_sum3A_2095 : i32
        %ge3A = arith.constant 50 : i32
        %ge3A_2097 = arith.cmpi sge, %add3A_2096, %ge3A : i32
        %select_n3A_2098 = arith.select %ge3A_2097, %scan3A_2016, %or3A_2020 : i32
        scf.yield %select_n3A_2098 : i32
      }
      %scan3A_1585 = arith.constant 32 : i32
      %xor3A_1586 = arith.constant -2147483648 : i32
      %xor3A_1587 = arith.xori %scan3A_1584, %xor3A_1586 : i32
      %broadcast_in_dim3A_1588 = vector.broadcast %xor3A_1587 : i32 to vector<16xi32>
      %get3A_1589 = arith.constant 0 : index
      %get3A_1590 = tpu.vector_load %arg22[%get3A_1589] {strides = array<i32>} : memref<128xi32, #tpu.memory_space<vmem>>, vector<16xi32>,
      %lt3A_1591 = arith.cmpi slt, %get3A_1590, %broadcast_in_dim3A_1588 : vector<16xi32>
      %convert_element_type3A_1592 = arith.extui %lt3A_1591 : vector<16xi1> to vector<16xi32>
      %reduce_sum3A_1593 = arith.constant true
      %reduce_sum3A_1594 = vector.broadcast %reduce_sum3A_1593 : i1 to vector<16xi1>
      %reduce_sum3A_1595 = tpu.scan <sum>, %convert_element_type3A_1592 masked %reduce_sum3A_1594 : vector<16xi32>, vector<16xi1> -> vector<16xi32>
      %reduce_sum3A_1596 = vector.extract %reduce_sum3A_1595[15] : i32 from vector<16xi32>
      %add3A_1597 = arith.constant 0 : i32
      %add3A_1598 = arith.addi %add3A_1597, %reduce_sum3A_1596 : i32
      %get3A_1599 = arith.constant 16 : index
      %get3A_1600 = tpu.vector_load %arg22[%get3A_1599] {strides = array<i32>} : memref<128xi32, #tpu.memory_space<vmem>>, vector<16xi32>,
      %lt3A_1601 = arith.cmpi slt, %get3A_1600, %broadcast_in_dim3A_1588 : vector<16xi32>
      %convert_element_type3A_1602 = arith.extui %lt3A_1601 : vector<16xi1> to vector<16xi32>
      %reduce_sum3A_1603 = arith.constant true
      %reduce_sum3A_1604 = vector.broadcast %reduce_sum3A_1603 : i1 to vector<16xi1>
      %reduce_sum3A_1605 = tpu.scan <sum>, %convert_element_type3A_1602 masked %reduce_sum3A_1604 : vector<16xi32>, vector<16xi1> -> vector<16xi32>
      %reduce_sum3A_1606 = vector.extract %reduce_sum3A_1605[15] : i32 from vector<16xi32>
      %add3A_1607 = arith.addi %add3A_1598, %reduce_sum3A_1606 : i32
      %get3A_1608 = arith.constant 32 : index
      %get3A_1609 = tpu.vector_load %arg22[%get3A_1608] {strides = array<i32>} : memref<128xi32, #tpu.memory_space<vmem>>, vector<16xi32>,
      %lt3A_1610 = arith.cmpi slt, %get3A_1609, %broadcast_in_dim3A_1588 : vector<16xi32>
      %convert_element_type3A_1611 = arith.extui %lt3A_1610 : vector<16xi1> to vector<16xi32>
      %reduce_sum3A_1612 = arith.constant true
      %reduce_sum3A_1613 = vector.broadcast %reduce_sum3A_1612 : i1 to vector<16xi1>
      %reduce_sum3A_1614 = tpu.scan <sum>, %convert_element_type3A_1611 masked %reduce_sum3A_1613 : vector<16xi32>, vector<16xi1> -> vector<16xi32>
      %reduce_sum3A_1615 = vector.extract %reduce_sum3A_1614[15] : i32 from vector<16xi32>
      %add3A_1616 = arith.addi %add3A_1607, %reduce_sum3A_1615 : i32
      %get3A_1617 = arith.constant 48 : index
      %get3A_1618 = tpu.vector_load %arg22[%get3A_1617] {strides = array<i32>} : memref<128xi32, #tpu.memory_space<vmem>>, vector<16xi32>,
      %lt3A_1619 = arith.cmpi slt, %get3A_1618, %broadcast_in_dim3A_1588 : vector<16xi32>
      %convert_element_type3A_1620 = arith.extui %lt3A_1619 : vector<16xi1> to vector<16xi32>
      %reduce_sum3A_1621 = arith.constant true
      %reduce_sum3A_1622 = vector.broadcast %reduce_sum3A_1621 : i1 to vector<16xi1>
      %reduce_sum3A_1623 = tpu.scan <sum>, %convert_element_type3A_1620 masked %reduce_sum3A_1622 : vector<16xi32>, vector<16xi1> -> vector<16xi32>
      %reduce_sum3A_1624 = vector.extract %reduce_sum3A_1623[15] : i32 from vector<16xi32>
      %add3A_1625 = arith.addi %add3A_1616, %reduce_sum3A_1624 : i32
      %get3A_1626 = arith.constant 64 : index
      %get3A_1627 = tpu.vector_load %arg22[%get3A_1626] {strides = array<i32>} : memref<128xi32, #tpu.memory_space<vmem>>, vector<16xi32>,
      %lt3A_1628 = arith.cmpi slt, %get3A_1627, %broadcast_in_dim3A_1588 : vector<16xi32>
      %convert_element_type3A_1629 = arith.extui %lt3A_1628 : vector<16xi1> to vector<16xi32>
      %reduce_sum3A_1630 = arith.constant true
      %reduce_sum3A_1631 = vector.broadcast %reduce_sum3A_1630 : i1 to vector<16xi1>
      %reduce_sum3A_1632 = tpu.scan <sum>, %convert_element_type3A_1629 masked %reduce_sum3A_1631 : vector<16xi32>, vector<16xi1> -> vector<16xi32>
      %reduce_sum3A_1633 = vector.extract %reduce_sum3A_1632[15] : i32 from vector<16xi32>
      %add3A_1634 = arith.addi %add3A_1625, %reduce_sum3A_1633 : i32
      %get3A_1635 = arith.constant 80 : index
      %get3A_1636 = tpu.vector_load %arg22[%get3A_1635] {strides = array<i32>} : memref<128xi32, #tpu.memory_space<vmem>>, vector<16xi32>,
      %lt3A_1637 = arith.cmpi slt, %get3A_1636, %broadcast_in_dim3A_1588 : vector<16xi32>
      %convert_element_type3A_1638 = arith.extui %lt3A_1637 : vector<16xi1> to vector<16xi32>
      %reduce_sum3A_1639 = arith.constant true
      %reduce_sum3A_1640 = vector.broadcast %reduce_sum3A_1639 : i1 to vector<16xi1>
      %reduce_sum3A_1641 = tpu.scan <sum>, %convert_element_type3A_1638 masked %reduce_sum3A_1640 : vector<16xi32>, vector<16xi1> -> vector<16xi32>
      %reduce_sum3A_1642 = vector.extract %reduce_sum3A_1641[15] : i32 from vector<16xi32>
      %add3A_1643 = arith.addi %add3A_1634, %reduce_sum3A_1642 : i32
      %get3A_1644 = arith.constant 96 : index
      %get3A_1645 = tpu.vector_load %arg22[%get3A_1644] {strides = array<i32>} : memref<128xi32, #tpu.memory_space<vmem>>, vector<16xi32>,
      %lt3A_1646 = arith.cmpi slt, %get3A_1645, %broadcast_in_dim3A_1588 : vector<16xi32>
      %convert_element_type3A_1647 = arith.extui %lt3A_1646 : vector<16xi1> to vector<16xi32>
      %reduce_sum3A_1648 = arith.constant true
      %reduce_sum3A_1649 = vector.broadcast %reduce_sum3A_1648 : i1 to vector<16xi1>
      %reduce_sum3A_1650 = tpu.scan <sum>, %convert_element_type3A_1647 masked %reduce_sum3A_1649 : vector<16xi32>, vector<16xi1> -> vector<16xi32>
      %reduce_sum3A_1651 = vector.extract %reduce_sum3A_1650[15] : i32 from vector<16xi32>
      %add3A_1652 = arith.addi %add3A_1643, %reduce_sum3A_1651 : i32
      %get3A_1653 = arith.constant 112 : index
      %get3A_1654 = tpu.vector_load %arg22[%get3A_1653] {strides = array<i32>} : memref<128xi32, #tpu.memory_space<vmem>>, vector<16xi32>,
      %lt3A_1655 = arith.cmpi slt, %get3A_1654, %broadcast_in_dim3A_1588 : vector<16xi32>
      %convert_element_type3A_1656 = arith.extui %lt3A_1655 : vector<16xi1> to vector<16xi32>
      %reduce_sum3A_1657 = arith.constant true
      %reduce_sum3A_1658 = vector.broadcast %reduce_sum3A_1657 : i1 to vector<16xi1>
      %reduce_sum3A_1659 = tpu.scan <sum>, %convert_element_type3A_1656 masked %reduce_sum3A_1658 : vector<16xi32>, vector<16xi1> -> vector<16xi32>
      %reduce_sum3A_1660 = vector.extract %reduce_sum3A_1659[15] : i32 from vector<16xi32>
      %add3A_1661 = arith.addi %add3A_1652, %reduce_sum3A_1660 : i32
      %sub3A_1662 = arith.constant 50 : i32
      %sub3A_1663 = arith.subi %sub3A_1662, %add3A_1661 : i32
      %broadcast_in_dim3A_1664 = vector.broadcast %sub3A_1663 : i32 to vector<16xi32>
      %broadcast_in_dim3A_1665 = arith.constant 0.000000e+00 : f32
      %broadcast_in_dim3A_1666 = vector.broadcast %broadcast_in_dim3A_1665 : f32 to vector<16xf32>
      %broadcast_in_dim3A_1667 = arith.constant 0.000000e+00 : f32
      %broadcast_in_dim3A_1668 = vector.broadcast %broadcast_in_dim3A_1667 : f32 to vector<16xf32>
      %get3A_1669 = arith.constant 0 : index
      %get3A_1670 = tpu.vector_load %arg22[%get3A_1669] {strides = array<i32>} : memref<128xi32, #tpu.memory_space<vmem>>, vector<16xi32>,
      %get3A_1671 = arith.constant 0 : index
      %get3A_1672 = tpu.vector_load %arg20[%get3A_1671] {strides = array<i32>} : memref<144xf32, #tpu.memory_space<vmem>>, vector<16xf32>,
      %get3A_1673 = arith.constant 0 : index
      %get3A_1674 = tpu.vector_load %arg21[%get3A_1673] {strides = array<i32>} : memref<144xf32, #tpu.memory_space<vmem>>, vector<16xf32>,
      %lt3A_1675 = arith.cmpi slt, %get3A_1670, %broadcast_in_dim3A_1588 : vector<16xi32>
      %eq3A_1676 = arith.cmpi eq, %get3A_1670, %broadcast_in_dim3A_1588 : vector<16xi32>
      %convert_element_type3A_1677 = arith.extui %eq3A_1676 : vector<16xi1> to vector<16xi32>
      %broadcast_in_dim3A_1678 = arith.constant true
      %broadcast_in_dim3A_1679 = vector.broadcast %broadcast_in_dim3A_1678 : i1 to vector<16xi1>
      %masked_cumsum3A_1680 = tpu.scan <sum>, %convert_element_type3A_1677 masked %broadcast_in_dim3A_1679 : vector<16xi32>, vector<16xi1> -> vector<16xi32>
      %add3A_1681 = arith.constant 0 : i32
      %add3A_1682 = vector.broadcast %add3A_1681 : i32 to vector<16xi32>
      %add3A_1683 = arith.addi %masked_cumsum3A_1680, %add3A_1682 : vector<16xi32>
      %le3A_1684 = arith.cmpi sle, %add3A_1683, %broadcast_in_dim3A_1664 : vector<16xi32>
      %and3A_1685 = arith.andi %eq3A_1676, %le3A_1684 : vector<16xi1>
      %or3A_1686 = arith.ori %lt3A_1675, %and3A_1685 : vector<16xi1>
      %max3A_1687 = arith.constant 0.000000e+00 : f32
      %max3A_1688 = vector.broadcast %max3A_1687 : f32 to vector<16xf32>
      %max3A_1689 = arith.maximumf %get3A_1672, %max3A_1688 : vector<16xf32>
      %add3A_1690 = arith.constant 1.000000e-03 : f32
      %add3A_1691 = vector.broadcast %add3A_1690 : f32 to vector<16xf32>
      %add3A_1692 = arith.addf %max3A_1689, %add3A_1691 : vector<16xf32>
      %div3A_1693 = arith.constant 1.000000e+00 : f32
      %div3A_1694 = vector.broadcast %div3A_1693 : f32 to vector<16xf32>
      %div3A_1695 = arith.divf %div3A_1694, %add3A_1692 : vector<16xf32>
      %mul3A_1696 = arith.mulf %div3A_1695, %get3A_1674 : vector<16xf32>
      %jit3A_1697 = arith.constant 0.000000e+00 : f32
      %broadcast_in_dim3A_1698 = vector.broadcast %jit3A_1697 : f32 to vector<16xf32>
      %select_n3A_1699 = arith.select %or3A_1686, %mul3A_1696, %broadcast_in_dim3A_1698 : vector<16xi1>, vector<16xf32>
      %add3A_1700 = arith.addf %broadcast_in_dim3A_1666, %select_n3A_1699 : vector<16xf32>
      %jit3A_1701 = arith.constant 0.000000e+00 : f32
      %broadcast_in_dim3A_1702 = vector.broadcast %jit3A_1701 : f32 to vector<16xf32>
      %select_n3A_1703 = arith.select %or3A_1686, %div3A_1695, %broadcast_in_dim3A_1702 : vector<16xi1>, vector<16xf32>
      %add3A_1704 = arith.addf %broadcast_in_dim3A_1668, %select_n3A_1703 : vector<16xf32>
      %convert_element_type3A_1705 = arith.extui %eq3A_1676 : vector<16xi1> to vector<16xi32>
      %reduce_sum3A_1706 = arith.constant true
      %reduce_sum3A_1707 = vector.broadcast %reduce_sum3A_1706 : i1 to vector<16xi1>
      %reduce_sum3A_1708 = tpu.scan <sum>, %convert_element_type3A_1705 masked %reduce_sum3A_1707 : vector<16xi32>, vector<16xi1> -> vector<16xi32>
      %reduce_sum3A_1709 = vector.extract %reduce_sum3A_1708[15] : i32 from vector<16xi32>
      %add3A_1710 = arith.constant 0 : i32
      %add3A_1711 = arith.addi %add3A_1710, %reduce_sum3A_1709 : i32
      %get3A_1712 = arith.constant 16 : index
      %get3A_1713 = tpu.vector_load %arg22[%get3A_1712] {strides = array<i32>} : memref<128xi32, #tpu.memory_space<vmem>>, vector<16xi32>,
      %get3A_1714 = arith.constant 16 : index
      %get3A_1715 = tpu.vector_load %arg20[%get3A_1714] {strides = array<i32>} : memref<144xf32, #tpu.memory_space<vmem>>, vector<16xf32>,
      %get3A_1716 = arith.constant 16 : index
      %get3A_1717 = tpu.vector_load %arg21[%get3A_1716] {strides = array<i32>} : memref<144xf32, #tpu.memory_space<vmem>>, vector<16xf32>,
      %lt3A_1718 = arith.cmpi slt, %get3A_1713, %broadcast_in_dim3A_1588 : vector<16xi32>
      %eq3A_1719 = arith.cmpi eq, %get3A_1713, %broadcast_in_dim3A_1588 : vector<16xi32>
      %convert_element_type3A_1720 = arith.extui %eq3A_1719 : vector<16xi1> to vector<16xi32>
      %broadcast_in_dim3A_1721 = arith.constant true
      %broadcast_in_dim3A_1722 = vector.broadcast %broadcast_in_dim3A_1721 : i1 to vector<16xi1>
      %masked_cumsum3A_1723 = tpu.scan <sum>, %convert_element_type3A_1720 masked %broadcast_in_dim3A_1722 : vector<16xi32>, vector<16xi1> -> vector<16xi32>
      %add3A_1724 = vector.broadcast %add3A_1711 : i32 to vector<16xi32>
      %add3A_1725 = arith.addi %masked_cumsum3A_1723, %add3A_1724 : vector<16xi32>
      %le3A_1726 = arith.cmpi sle, %add3A_1725, %broadcast_in_dim3A_1664 : vector<16xi32>
      %and3A_1727 = arith.andi %eq3A_1719, %le3A_1726 : vector<16xi1>
      %or3A_1728 = arith.ori %lt3A_1718, %and3A_1727 : vector<16xi1>
      %max3A_1729 = arith.constant 0.000000e+00 : f32
      %max3A_1730 = vector.broadcast %max3A_1729 : f32 to vector<16xf32>
      %max3A_1731 = arith.maximumf %get3A_1715, %max3A_1730 : vector<16xf32>
      %add3A_1732 = arith.constant 1.000000e-03 : f32
      %add3A_1733 = vector.broadcast %add3A_1732 : f32 to vector<16xf32>
      %add3A_1734 = arith.addf %max3A_1731, %add3A_1733 : vector<16xf32>
      %div3A_1735 = arith.constant 1.000000e+00 : f32
      %div3A_1736 = vector.broadcast %div3A_1735 : f32 to vector<16xf32>
      %div3A_1737 = arith.divf %div3A_1736, %add3A_1734 : vector<16xf32>
      %mul3A_1738 = arith.mulf %div3A_1737, %get3A_1717 : vector<16xf32>
      %jit3A_1739 = arith.constant 0.000000e+00 : f32
      %broadcast_in_dim3A_1740 = vector.broadcast %jit3A_1739 : f32 to vector<16xf32>
      %select_n3A_1741 = arith.select %or3A_1728, %mul3A_1738, %broadcast_in_dim3A_1740 : vector<16xi1>, vector<16xf32>
      %add3A_1742 = arith.addf %add3A_1700, %select_n3A_1741 : vector<16xf32>
      %jit3A_1743 = arith.constant 0.000000e+00 : f32
      %broadcast_in_dim3A_1744 = vector.broadcast %jit3A_1743 : f32 to vector<16xf32>
      %select_n3A_1745 = arith.select %or3A_1728, %div3A_1737, %broadcast_in_dim3A_1744 : vector<16xi1>, vector<16xf32>
      %add3A_1746 = arith.addf %add3A_1704, %select_n3A_1745 : vector<16xf32>
      %convert_element_type3A_1747 = arith.extui %eq3A_1719 : vector<16xi1> to vector<16xi32>
      %reduce_sum3A_1748 = arith.constant true
      %reduce_sum3A_1749 = vector.broadcast %reduce_sum3A_1748 : i1 to vector<16xi1>
      %reduce_sum3A_1750 = tpu.scan <sum>, %convert_element_type3A_1747 masked %reduce_sum3A_1749 : vector<16xi32>, vector<16xi1> -> vector<16xi32>
      %reduce_sum3A_1751 = vector.extract %reduce_sum3A_1750[15] : i32 from vector<16xi32>
      %add3A_1752 = arith.addi %add3A_1711, %reduce_sum3A_1751 : i32
      %get3A_1753 = arith.constant 32 : index
      %get3A_1754 = tpu.vector_load %arg22[%get3A_1753] {strides = array<i32>} : memref<128xi32, #tpu.memory_space<vmem>>, vector<16xi32>,
      %get3A_1755 = arith.constant 32 : index
      %get3A_1756 = tpu.vector_load %arg20[%get3A_1755] {strides = array<i32>} : memref<144xf32, #tpu.memory_space<vmem>>, vector<16xf32>,
      %get3A_1757 = arith.constant 32 : index
      %get3A_1758 = tpu.vector_load %arg21[%get3A_1757] {strides = array<i32>} : memref<144xf32, #tpu.memory_space<vmem>>, vector<16xf32>,
      %lt3A_1759 = arith.cmpi slt, %get3A_1754, %broadcast_in_dim3A_1588 : vector<16xi32>
      %eq3A_1760 = arith.cmpi eq, %get3A_1754, %broadcast_in_dim3A_1588 : vector<16xi32>
      %convert_element_type3A_1761 = arith.extui %eq3A_1760 : vector<16xi1> to vector<16xi32>
      %broadcast_in_dim3A_1762 = arith.constant true
      %broadcast_in_dim3A_1763 = vector.broadcast %broadcast_in_dim3A_1762 : i1 to vector<16xi1>
      %masked_cumsum3A_1764 = tpu.scan <sum>, %convert_element_type3A_1761 masked %broadcast_in_dim3A_1763 : vector<16xi32>, vector<16xi1> -> vector<16xi32>
      %add3A_1765 = vector.broadcast %add3A_1752 : i32 to vector<16xi32>
      %add3A_1766 = arith.addi %masked_cumsum3A_1764, %add3A_1765 : vector<16xi32>
      %le3A_1767 = arith.cmpi sle, %add3A_1766, %broadcast_in_dim3A_1664 : vector<16xi32>
      %and3A_1768 = arith.andi %eq3A_1760, %le3A_1767 : vector<16xi1>
      %or3A_1769 = arith.ori %lt3A_1759, %and3A_1768 : vector<16xi1>
      %max3A_1770 = arith.constant 0.000000e+00 : f32
      %max3A_1771 = vector.broadcast %max3A_1770 : f32 to vector<16xf32>
      %max3A_1772 = arith.maximumf %get3A_1756, %max3A_1771 : vector<16xf32>
      %add3A_1773 = arith.constant 1.000000e-03 : f32
      %add3A_1774 = vector.broadcast %add3A_1773 : f32 to vector<16xf32>
      %add3A_1775 = arith.addf %max3A_1772, %add3A_1774 : vector<16xf32>
      %div3A_1776 = arith.constant 1.000000e+00 : f32
      %div3A_1777 = vector.broadcast %div3A_1776 : f32 to vector<16xf32>
      %div3A_1778 = arith.divf %div3A_1777, %add3A_1775 : vector<16xf32>
      %mul3A_1779 = arith.mulf %div3A_1778, %get3A_1758 : vector<16xf32>
      %jit3A_1780 = arith.constant 0.000000e+00 : f32
      %broadcast_in_dim3A_1781 = vector.broadcast %jit3A_1780 : f32 to vector<16xf32>
      %select_n3A_1782 = arith.select %or3A_1769, %mul3A_1779, %broadcast_in_dim3A_1781 : vector<16xi1>, vector<16xf32>
      %add3A_1783 = arith.addf %add3A_1742, %select_n3A_1782 : vector<16xf32>
      %jit3A_1784 = arith.constant 0.000000e+00 : f32
      %broadcast_in_dim3A_1785 = vector.broadcast %jit3A_1784 : f32 to vector<16xf32>
      %select_n3A_1786 = arith.select %or3A_1769, %div3A_1778, %broadcast_in_dim3A_1785 : vector<16xi1>, vector<16xf32>
      %add3A_1787 = arith.addf %add3A_1746, %select_n3A_1786 : vector<16xf32>
      %convert_element_type3A_1788 = arith.extui %eq3A_1760 : vector<16xi1> to vector<16xi32>
      %reduce_sum3A_1789 = arith.constant true
      %reduce_sum3A_1790 = vector.broadcast %reduce_sum3A_1789 : i1 to vector<16xi1>
      %reduce_sum3A_1791 = tpu.scan <sum>, %convert_element_type3A_1788 masked %reduce_sum3A_1790 : vector<16xi32>, vector<16xi1> -> vector<16xi32>
      %reduce_sum3A_1792 = vector.extract %reduce_sum3A_1791[15] : i32 from vector<16xi32>
      %add3A_1793 = arith.addi %add3A_1752, %reduce_sum3A_1792 : i32
      %get3A_1794 = arith.constant 48 : index
      %get3A_1795 = tpu.vector_load %arg22[%get3A_1794] {strides = array<i32>} : memref<128xi32, #tpu.memory_space<vmem>>, vector<16xi32>,
      %get3A_1796 = arith.constant 48 : index
      %get3A_1797 = tpu.vector_load %arg20[%get3A_1796] {strides = array<i32>} : memref<144xf32, #tpu.memory_space<vmem>>, vector<16xf32>,
      %get3A_1798 = arith.constant 48 : index
      %get3A_1799 = tpu.vector_load %arg21[%get3A_1798] {strides = array<i32>} : memref<144xf32, #tpu.memory_space<vmem>>, vector<16xf32>,
      %lt3A_1800 = arith.cmpi slt, %get3A_1795, %broadcast_in_dim3A_1588 : vector<16xi32>
      %eq3A_1801 = arith.cmpi eq, %get3A_1795, %broadcast_in_dim3A_1588 : vector<16xi32>
      %convert_element_type3A_1802 = arith.extui %eq3A_1801 : vector<16xi1> to vector<16xi32>
      %broadcast_in_dim3A_1803 = arith.constant true
      %broadcast_in_dim3A_1804 = vector.broadcast %broadcast_in_dim3A_1803 : i1 to vector<16xi1>
      %masked_cumsum3A_1805 = tpu.scan <sum>, %convert_element_type3A_1802 masked %broadcast_in_dim3A_1804 : vector<16xi32>, vector<16xi1> -> vector<16xi32>
      %add3A_1806 = vector.broadcast %add3A_1793 : i32 to vector<16xi32>
      %add3A_1807 = arith.addi %masked_cumsum3A_1805, %add3A_1806 : vector<16xi32>
      %le3A_1808 = arith.cmpi sle, %add3A_1807, %broadcast_in_dim3A_1664 : vector<16xi32>
      %and3A_1809 = arith.andi %eq3A_1801, %le3A_1808 : vector<16xi1>
      %or3A_1810 = arith.ori %lt3A_1800, %and3A_1809 : vector<16xi1>
      %max3A_1811 = arith.constant 0.000000e+00 : f32
      %max3A_1812 = vector.broadcast %max3A_1811 : f32 to vector<16xf32>
      %max3A_1813 = arith.maximumf %get3A_1797, %max3A_1812 : vector<16xf32>
      %add3A_1814 = arith.constant 1.000000e-03 : f32
      %add3A_1815 = vector.broadcast %add3A_1814 : f32 to vector<16xf32>
      %add3A_1816 = arith.addf %max3A_1813, %add3A_1815 : vector<16xf32>
      %div3A_1817 = arith.constant 1.000000e+00 : f32
      %div3A_1818 = vector.broadcast %div3A_1817 : f32 to vector<16xf32>
      %div3A_1819 = arith.divf %div3A_1818, %add3A_1816 : vector<16xf32>
      %mul3A_1820 = arith.mulf %div3A_1819, %get3A_1799 : vector<16xf32>
      %jit3A_1821 = arith.constant 0.000000e+00 : f32
      %broadcast_in_dim3A_1822 = vector.broadcast %jit3A_1821 : f32 to vector<16xf32>
      %select_n3A_1823 = arith.select %or3A_1810, %mul3A_1820, %broadcast_in_dim3A_1822 : vector<16xi1>, vector<16xf32>
      %add3A_1824 = arith.addf %add3A_1783, %select_n3A_1823 : vector<16xf32>
      %jit3A_1825 = arith.constant 0.000000e+00 : f32
      %broadcast_in_dim3A_1826 = vector.broadcast %jit3A_1825 : f32 to vector<16xf32>
      %select_n3A_1827 = arith.select %or3A_1810, %div3A_1819, %broadcast_in_dim3A_1826 : vector<16xi1>, vector<16xf32>
      %add3A_1828 = arith.addf %add3A_1787, %select_n3A_1827 : vector<16xf32>
      %convert_element_type3A_1829 = arith.extui %eq3A_1801 : vector<16xi1> to vector<16xi32>
      %reduce_sum3A_1830 = arith.constant true
      %reduce_sum3A_1831 = vector.broadcast %reduce_sum3A_1830 : i1 to vector<16xi1>
      %reduce_sum3A_1832 = tpu.scan <sum>, %convert_element_type3A_1829 masked %reduce_sum3A_1831 : vector<16xi32>, vector<16xi1> -> vector<16xi32>
      %reduce_sum3A_1833 = vector.extract %reduce_sum3A_1832[15] : i32 from vector<16xi32>
      %add3A_1834 = arith.addi %add3A_1793, %reduce_sum3A_1833 : i32
      %get3A_1835 = arith.constant 64 : index
      %get3A_1836 = tpu.vector_load %arg22[%get3A_1835] {strides = array<i32>} : memref<128xi32, #tpu.memory_space<vmem>>, vector<16xi32>,
      %get3A_1837 = arith.constant 64 : index
      %get3A_1838 = tpu.vector_load %arg20[%get3A_1837] {strides = array<i32>} : memref<144xf32, #tpu.memory_space<vmem>>, vector<16xf32>,
      %get3A_1839 = arith.constant 64 : index
      %get3A_1840 = tpu.vector_load %arg21[%get3A_1839] {strides = array<i32>} : memref<144xf32, #tpu.memory_space<vmem>>, vector<16xf32>,
      %lt3A_1841 = arith.cmpi slt, %get3A_1836, %broadcast_in_dim3A_1588 : vector<16xi32>
      %eq3A_1842 = arith.cmpi eq, %get3A_1836, %broadcast_in_dim3A_1588 : vector<16xi32>
      %convert_element_type3A_1843 = arith.extui %eq3A_1842 : vector<16xi1> to vector<16xi32>
      %broadcast_in_dim3A_1844 = arith.constant true
      %broadcast_in_dim3A_1845 = vector.broadcast %broadcast_in_dim3A_1844 : i1 to vector<16xi1>
      %masked_cumsum3A_1846 = tpu.scan <sum>, %convert_element_type3A_1843 masked %broadcast_in_dim3A_1845 : vector<16xi32>, vector<16xi1> -> vector<16xi32>
      %add3A_1847 = vector.broadcast %add3A_1834 : i32 to vector<16xi32>
      %add3A_1848 = arith.addi %masked_cumsum3A_1846, %add3A_1847 : vector<16xi32>
      %le3A_1849 = arith.cmpi sle, %add3A_1848, %broadcast_in_dim3A_1664 : vector<16xi32>
      %and3A_1850 = arith.andi %eq3A_1842, %le3A_1849 : vector<16xi1>
      %or3A_1851 = arith.ori %lt3A_1841, %and3A_1850 : vector<16xi1>
      %max3A_1852 = arith.constant 0.000000e+00 : f32
      %max3A_1853 = vector.broadcast %max3A_1852 : f32 to vector<16xf32>
      %max3A_1854 = arith.maximumf %get3A_1838, %max3A_1853 : vector<16xf32>
      %add3A_1855 = arith.constant 1.000000e-03 : f32
      %add3A_1856 = vector.broadcast %add3A_1855 : f32 to vector<16xf32>
      %add3A_1857 = arith.addf %max3A_1854, %add3A_1856 : vector<16xf32>
      %div3A_1858 = arith.constant 1.000000e+00 : f32
      %div3A_1859 = vector.broadcast %div3A_1858 : f32 to vector<16xf32>
      %div3A_1860 = arith.divf %div3A_1859, %add3A_1857 : vector<16xf32>
      %mul3A_1861 = arith.mulf %div3A_1860, %get3A_1840 : vector<16xf32>
      %jit3A_1862 = arith.constant 0.000000e+00 : f32
      %broadcast_in_dim3A_1863 = vector.broadcast %jit3A_1862 : f32 to vector<16xf32>
      %select_n3A_1864 = arith.select %or3A_1851, %mul3A_1861, %broadcast_in_dim3A_1863 : vector<16xi1>, vector<16xf32>
      %add3A_1865 = arith.addf %add3A_1824, %select_n3A_1864 : vector<16xf32>
      %jit3A_1866 = arith.constant 0.000000e+00 : f32
      %broadcast_in_dim3A_1867 = vector.broadcast %jit3A_1866 : f32 to vector<16xf32>
      %select_n3A_1868 = arith.select %or3A_1851, %div3A_1860, %broadcast_in_dim3A_1867 : vector<16xi1>, vector<16xf32>
      %add3A_1869 = arith.addf %add3A_1828, %select_n3A_1868 : vector<16xf32>
      %convert_element_type3A_1870 = arith.extui %eq3A_1842 : vector<16xi1> to vector<16xi32>
      %reduce_sum3A_1871 = arith.constant true
      %reduce_sum3A_1872 = vector.broadcast %reduce_sum3A_1871 : i1 to vector<16xi1>
      %reduce_sum3A_1873 = tpu.scan <sum>, %convert_element_type3A_1870 masked %reduce_sum3A_1872 : vector<16xi32>, vector<16xi1> -> vector<16xi32>
      %reduce_sum3A_1874 = vector.extract %reduce_sum3A_1873[15] : i32 from vector<16xi32>
      %add3A_1875 = arith.addi %add3A_1834, %reduce_sum3A_1874 : i32
      %get3A_1876 = arith.constant 80 : index
      %get3A_1877 = tpu.vector_load %arg22[%get3A_1876] {strides = array<i32>} : memref<128xi32, #tpu.memory_space<vmem>>, vector<16xi32>,
      %get3A_1878 = arith.constant 80 : index
      %get3A_1879 = tpu.vector_load %arg20[%get3A_1878] {strides = array<i32>} : memref<144xf32, #tpu.memory_space<vmem>>, vector<16xf32>,
      %get3A_1880 = arith.constant 80 : index
      %get3A_1881 = tpu.vector_load %arg21[%get3A_1880] {strides = array<i32>} : memref<144xf32, #tpu.memory_space<vmem>>, vector<16xf32>,
      %lt3A_1882 = arith.cmpi slt, %get3A_1877, %broadcast_in_dim3A_1588 : vector<16xi32>
      %eq3A_1883 = arith.cmpi eq, %get3A_1877, %broadcast_in_dim3A_1588 : vector<16xi32>
      %convert_element_type3A_1884 = arith.extui %eq3A_1883 : vector<16xi1> to vector<16xi32>
      %broadcast_in_dim3A_1885 = arith.constant true
      %broadcast_in_dim3A_1886 = vector.broadcast %broadcast_in_dim3A_1885 : i1 to vector<16xi1>
      %masked_cumsum3A_1887 = tpu.scan <sum>, %convert_element_type3A_1884 masked %broadcast_in_dim3A_1886 : vector<16xi32>, vector<16xi1> -> vector<16xi32>
      %add3A_1888 = vector.broadcast %add3A_1875 : i32 to vector<16xi32>
      %add3A_1889 = arith.addi %masked_cumsum3A_1887, %add3A_1888 : vector<16xi32>
      %le3A_1890 = arith.cmpi sle, %add3A_1889, %broadcast_in_dim3A_1664 : vector<16xi32>
      %and3A_1891 = arith.andi %eq3A_1883, %le3A_1890 : vector<16xi1>
      %or3A_1892 = arith.ori %lt3A_1882, %and3A_1891 : vector<16xi1>
      %max3A_1893 = arith.constant 0.000000e+00 : f32
      %max3A_1894 = vector.broadcast %max3A_1893 : f32 to vector<16xf32>
      %max3A_1895 = arith.maximumf %get3A_1879, %max3A_1894 : vector<16xf32>
      %add3A_1896 = arith.constant 1.000000e-03 : f32
      %add3A_1897 = vector.broadcast %add3A_1896 : f32 to vector<16xf32>
      %add3A_1898 = arith.addf %max3A_1895, %add3A_1897 : vector<16xf32>
      %div3A_1899 = arith.constant 1.000000e+00 : f32
      %div3A_1900 = vector.broadcast %div3A_1899 : f32 to vector<16xf32>
      %div3A_1901 = arith.divf %div3A_1900, %add3A_1898 : vector<16xf32>
      %mul3A_1902 = arith.mulf %div3A_1901, %get3A_1881 : vector<16xf32>
      %jit3A_1903 = arith.constant 0.000000e+00 : f32
      %broadcast_in_dim3A_1904 = vector.broadcast %jit3A_1903 : f32 to vector<16xf32>
      %select_n3A_1905 = arith.select %or3A_1892, %mul3A_1902, %broadcast_in_dim3A_1904 : vector<16xi1>, vector<16xf32>
      %add3A_1906 = arith.addf %add3A_1865, %select_n3A_1905 : vector<16xf32>
      %jit3A_1907 = arith.constant 0.000000e+00 : f32
      %broadcast_in_dim3A_1908 = vector.broadcast %jit3A_1907 : f32 to vector<16xf32>
      %select_n3A_1909 = arith.select %or3A_1892, %div3A_1901, %broadcast_in_dim3A_1908 : vector<16xi1>, vector<16xf32>
      %add3A_1910 = arith.addf %add3A_1869, %select_n3A_1909 : vector<16xf32>
      %convert_element_type3A_1911 = arith.extui %eq3A_1883 : vector<16xi1> to vector<16xi32>
      %reduce_sum3A_1912 = arith.constant true
      %reduce_sum3A_1913 = vector.broadcast %reduce_sum3A_1912 : i1 to vector<16xi1>
      %reduce_sum3A_1914 = tpu.scan <sum>, %convert_element_type3A_1911 masked %reduce_sum3A_1913 : vector<16xi32>, vector<16xi1> -> vector<16xi32>
      %reduce_sum3A_1915 = vector.extract %reduce_sum3A_1914[15] : i32 from vector<16xi32>
      %add3A_1916 = arith.addi %add3A_1875, %reduce_sum3A_1915 : i32
      %get3A_1917 = arith.constant 96 : index
      %get3A_1918 = tpu.vector_load %arg22[%get3A_1917] {strides = array<i32>} : memref<128xi32, #tpu.memory_space<vmem>>, vector<16xi32>,
      %get3A_1919 = arith.constant 96 : index
      %get3A_1920 = tpu.vector_load %arg20[%get3A_1919] {strides = array<i32>} : memref<144xf32, #tpu.memory_space<vmem>>, vector<16xf32>,
      %get3A_1921 = arith.constant 96 : index
      %get3A_1922 = tpu.vector_load %arg21[%get3A_1921] {strides = array<i32>} : memref<144xf32, #tpu.memory_space<vmem>>, vector<16xf32>,
      %lt3A_1923 = arith.cmpi slt, %get3A_1918, %broadcast_in_dim3A_1588 : vector<16xi32>
      %eq3A_1924 = arith.cmpi eq, %get3A_1918, %broadcast_in_dim3A_1588 : vector<16xi32>
      %convert_element_type3A_1925 = arith.extui %eq3A_1924 : vector<16xi1> to vector<16xi32>
      %broadcast_in_dim3A_1926 = arith.constant true
      %broadcast_in_dim3A_1927 = vector.broadcast %broadcast_in_dim3A_1926 : i1 to vector<16xi1>
      %masked_cumsum3A_1928 = tpu.scan <sum>, %convert_element_type3A_1925 masked %broadcast_in_dim3A_1927 : vector<16xi32>, vector<16xi1> -> vector<16xi32>
      %add3A_1929 = vector.broadcast %add3A_1916 : i32 to vector<16xi32>
      %add3A_1930 = arith.addi %masked_cumsum3A_1928, %add3A_1929 : vector<16xi32>
      %le3A_1931 = arith.cmpi sle, %add3A_1930, %broadcast_in_dim3A_1664 : vector<16xi32>
      %and3A_1932 = arith.andi %eq3A_1924, %le3A_1931 : vector<16xi1>
      %or3A_1933 = arith.ori %lt3A_1923, %and3A_1932 : vector<16xi1>
      %max3A_1934 = arith.constant 0.000000e+00 : f32
      %max3A_1935 = vector.broadcast %max3A_1934 : f32 to vector<16xf32>
      %max3A_1936 = arith.maximumf %get3A_1920, %max3A_1935 : vector<16xf32>
      %add3A_1937 = arith.constant 1.000000e-03 : f32
      %add3A_1938 = vector.broadcast %add3A_1937 : f32 to vector<16xf32>
      %add3A_1939 = arith.addf %max3A_1936, %add3A_1938 : vector<16xf32>
      %div3A_1940 = arith.constant 1.000000e+00 : f32
      %div3A_1941 = vector.broadcast %div3A_1940 : f32 to vector<16xf32>
      %div3A_1942 = arith.divf %div3A_1941, %add3A_1939 : vector<16xf32>
      %mul3A_1943 = arith.mulf %div3A_1942, %get3A_1922 : vector<16xf32>
      %jit3A_1944 = arith.constant 0.000000e+00 : f32
      %broadcast_in_dim3A_1945 = vector.broadcast %jit3A_1944 : f32 to vector<16xf32>
      %select_n3A_1946 = arith.select %or3A_1933, %mul3A_1943, %broadcast_in_dim3A_1945 : vector<16xi1>, vector<16xf32>
      %add3A_1947 = arith.addf %add3A_1906, %select_n3A_1946 : vector<16xf32>
      %jit3A_1948 = arith.constant 0.000000e+00 : f32
      %broadcast_in_dim3A_1949 = vector.broadcast %jit3A_1948 : f32 to vector<16xf32>
      %select_n3A_1950 = arith.select %or3A_1933, %div3A_1942, %broadcast_in_dim3A_1949 : vector<16xi1>, vector<16xf32>
      %add3A_1951 = arith.addf %add3A_1910, %select_n3A_1950 : vector<16xf32>
      %convert_element_type3A_1952 = arith.extui %eq3A_1924 : vector<16xi1> to vector<16xi32>
      %reduce_sum3A_1953 = arith.constant true
      %reduce_sum3A_1954 = vector.broadcast %reduce_sum3A_1953 : i1 to vector<16xi1>
      %reduce_sum3A_1955 = tpu.scan <sum>, %convert_element_type3A_1952 masked %reduce_sum3A_1954 : vector<16xi32>, vector<16xi1> -> vector<16xi32>
      %reduce_sum3A_1956 = vector.extract %reduce_sum3A_1955[15] : i32 from vector<16xi32>
      %add3A_1957 = arith.addi %add3A_1916, %reduce_sum3A_1956 : i32
      %get3A_1958 = arith.constant 112 : index
      %get3A_1959 = tpu.vector_load %arg22[%get3A_1958] {strides = array<i32>} : memref<128xi32, #tpu.memory_space<vmem>>, vector<16xi32>,
      %get3A_1960 = arith.constant 112 : index
      %get3A_1961 = tpu.vector_load %arg20[%get3A_1960] {strides = array<i32>} : memref<144xf32, #tpu.memory_space<vmem>>, vector<16xf32>,
      %get3A_1962 = arith.constant 112 : index
      %get3A_1963 = tpu.vector_load %arg21[%get3A_1962] {strides = array<i32>} : memref<144xf32, #tpu.memory_space<vmem>>, vector<16xf32>,
      %lt3A_1964 = arith.cmpi slt, %get3A_1959, %broadcast_in_dim3A_1588 : vector<16xi32>
      %eq3A_1965 = arith.cmpi eq, %get3A_1959, %broadcast_in_dim3A_1588 : vector<16xi32>
      %convert_element_type3A_1966 = arith.extui %eq3A_1965 : vector<16xi1> to vector<16xi32>
      %broadcast_in_dim3A_1967 = arith.constant true
      %broadcast_in_dim3A_1968 = vector.broadcast %broadcast_in_dim3A_1967 : i1 to vector<16xi1>
      %masked_cumsum3A_1969 = tpu.scan <sum>, %convert_element_type3A_1966 masked %broadcast_in_dim3A_1968 : vector<16xi32>, vector<16xi1> -> vector<16xi32>
      %add3A_1970 = vector.broadcast %add3A_1957 : i32 to vector<16xi32>
      %add3A_1971 = arith.addi %masked_cumsum3A_1969, %add3A_1970 : vector<16xi32>
      %le3A_1972 = arith.cmpi sle, %add3A_1971, %broadcast_in_dim3A_1664 : vector<16xi32>
      %and3A_1973 = arith.andi %eq3A_1965, %le3A_1972 : vector<16xi1>
      %or3A_1974 = arith.ori %lt3A_1964, %and3A_1973 : vector<16xi1>
      %max3A_1975 = arith.constant 0.000000e+00 : f32
      %max3A_1976 = vector.broadcast %max3A_1975 : f32 to vector<16xf32>
      %max3A_1977 = arith.maximumf %get3A_1961, %max3A_1976 : vector<16xf32>
      %add3A_1978 = arith.constant 1.000000e-03 : f32
      %add3A_1979 = vector.broadcast %add3A_1978 : f32 to vector<16xf32>
      %add3A_1980 = arith.addf %max3A_1977, %add3A_1979 : vector<16xf32>
      %div3A_1981 = arith.constant 1.000000e+00 : f32
      %div3A_1982 = vector.broadcast %div3A_1981 : f32 to vector<16xf32>
      %div3A_1983 = arith.divf %div3A_1982, %add3A_1980 : vector<16xf32>
      %mul3A_1984 = arith.mulf %div3A_1983, %get3A_1963 : vector<16xf32>
      %jit3A_1985 = arith.constant 0.000000e+00 : f32
      %broadcast_in_dim3A_1986 = vector.broadcast %jit3A_1985 : f32 to vector<16xf32>
      %select_n3A_1987 = arith.select %or3A_1974, %mul3A_1984, %broadcast_in_dim3A_1986 : vector<16xi1>, vector<16xf32>
      %add3A_1988 = arith.addf %add3A_1947, %select_n3A_1987 : vector<16xf32>
      %jit3A_1989 = arith.constant 0.000000e+00 : f32
      %broadcast_in_dim3A_1990 = vector.broadcast %jit3A_1989 : f32 to vector<16xf32>
      %select_n3A_1991 = arith.select %or3A_1974, %div3A_1983, %broadcast_in_dim3A_1990 : vector<16xi1>, vector<16xf32>
      %add3A_1992 = arith.addf %add3A_1951, %select_n3A_1991 : vector<16xf32>
      %convert_element_type3A_1993 = arith.extui %eq3A_1965 : vector<16xi1> to vector<16xi32>
      %reduce_sum3A_1994 = arith.constant true
      %reduce_sum3A_1995 = vector.broadcast %reduce_sum3A_1994 : i1 to vector<16xi1>
      %reduce_sum3A_1996 = tpu.scan <sum>, %convert_element_type3A_1993 masked %reduce_sum3A_1995 : vector<16xi32>, vector<16xi1> -> vector<16xi32>
      %reduce_sum3A_1997 = vector.extract %reduce_sum3A_1996[15] : i32 from vector<16xi32>
      %add3A_1998 = arith.addi %add3A_1957, %reduce_sum3A_1997 : i32
      %reduce_sum3A_1999 = arith.constant true
      %reduce_sum3A_2000 = vector.broadcast %reduce_sum3A_1999 : i1 to vector<16xi1>
      %reduce_sum3A_2001 = tpu.scan <sum>, %add3A_1988 masked %reduce_sum3A_2000 : vector<16xf32>, vector<16xi1> -> vector<16xf32>
      %reduce_sum3A_2002 = vector.extract %reduce_sum3A_2001[15] : f32 from vector<16xf32>
      %broadcast_in_dim3A_2003 = vector.broadcast %reduce_sum3A_2002 : f32 to vector<16xf32>
      %reduce_sum3A_2004 = arith.constant true
      %reduce_sum3A_2005 = vector.broadcast %reduce_sum3A_2004 : i1 to vector<16xi1>
      %reduce_sum3A_2006 = tpu.scan <sum>, %add3A_1992 masked %reduce_sum3A_2005 : vector<16xf32>, vector<16xi1> -> vector<16xf32>
      %reduce_sum3A_2007 = vector.extract %reduce_sum3A_2006[15] : f32 from vector<16xf32>
      %broadcast_in_dim3A_2008 = vector.broadcast %reduce_sum3A_2007 : f32 to vector<16xf32>
      %div3A_2009 = arith.divf %broadcast_in_dim3A_2003, %broadcast_in_dim3A_2008 : vector<16xf32>
      %eq3A_2010 = arith.constant 0 : i32
      %eq3A_2011 = vector.broadcast %eq3A_2010 : i32 to vector<16xi32>
      %eq3A_2012 = arith.cmpi eq, %iota3A, %eq3A_2011 : vector<16xi32>
      %swap3A_2013 = arith.index_cast %add3A_1435 : i32 to index
      %swap3A_2014 = tpu.vector_load %arg23[%swap3A_2013] masked %eq3A_2012 {strides = array<i32>} : memref<272xf32, #tpu.memory_space<vmem>>, vector<16xf32>, vector<16xi1>
      tpu.vector_store %arg23[%swap3A_2013], %div3A_2009 masked %eq3A_2012 {strides = array<i32>} : memref<272xf32, #tpu.memory_space<vmem>>, vector<16xf32>, vector<16xi1>
    }
    %scan3A_7 = arith.constant 128 : i32
    "tpu.region"() ({
      %run_scoped3A = tpu.sem_alloc : memref<!tpu.dma_semaphore, #tpu.memory_space<semaphore_mem>>
      %dma_start3A = arith.constant 0 : i32
      %dma_start3A_8 = tpu.memref_slice %arg23[%dma_start3A] : memref<272xf32, #tpu.memory_space<vmem>> -> memref<256xf32, #tpu.memory_space<vmem>>
      %dma_start3A_9 = tpu.memref_slice %arg6[%mul3A_2] : memref<8192xf32, #tpu.memory_space<hbm>> -> memref<256xf32, #tpu.memory_space<hbm>>
      %dma_start3A_10 = tpu.memref_slice %arg6[%mul3A_2] : memref<8192xf32, #tpu.memory_space<hbm>> -> memref<256xf32, #tpu.memory_space<hbm>>
      %dma_start3A_11 = arith.constant 0 : i32
      %dma_start3A_12 = tpu.memref_slice %arg23[%dma_start3A_11] : memref<272xf32, #tpu.memory_space<vmem>> -> memref<256xf32, #tpu.memory_space<vmem>>
      tpu.enqueue_dma source(%dma_start3A_12 : memref<256xf32, #tpu.memory_space<vmem>>) target(%dma_start3A_10 : memref<256xf32, #tpu.memory_space<hbm>>) target_semaphore(%run_scoped3A : memref<!tpu.dma_semaphore, #tpu.memory_space<semaphore_mem>>)
      %dma_wait3A = arith.constant 0 : i32
      %dma_wait3A_13 = tpu.memref_slice %arg23[%dma_wait3A] : memref<272xf32, #tpu.memory_space<vmem>> -> memref<256xf32, #tpu.memory_space<vmem>>
      %dma_wait3A_14 = tpu.memref_slice %arg6[%mul3A_2] : memref<8192xf32, #tpu.memory_space<hbm>> -> memref<256xf32, #tpu.memory_space<hbm>>
      %dma_wait3A_15 = tpu.memref_slice %arg6[%mul3A_2] : memref<8192xf32, #tpu.memory_space<hbm>> -> memref<256xf32, #tpu.memory_space<hbm>>
      %dma_wait3A_16 = arith.constant 0 : i32
      %dma_wait3A_17 = tpu.memref_slice %arg23[%dma_wait3A_16] : memref<272xf32, #tpu.memory_space<vmem>> -> memref<256xf32, #tpu.memory_space<vmem>>
      tpu.wait_dma2 semaphore(%run_scoped3A : memref<!tpu.dma_semaphore, #tpu.memory_space<semaphore_mem>>) src(%dma_wait3A_17 : memref<256xf32, #tpu.memory_space<vmem>>) dst(%dma_wait3A_15 : memref<256xf32, #tpu.memory_space<hbm>>)
      tpu.yield
    }) : () -> ()
    return
  }
}

module attributes {stable_mosaic.version = 14 : i64} {
  func.func @_mlp_body(%arg0: memref<1024x512xf32, #tpu.memory_space<vmem>>, %arg1: memref<512x512xf32, #tpu.memory_space<vmem>>, %arg2: memref<1x512xf32, #tpu.memory_space<vmem>>, %arg3: memref<512x64xf32, #tpu.memory_space<vmem>>, %arg4: memref<1x64xf32, #tpu.memory_space<vmem>>, %arg5: memref<1024x64xf32, #tpu.memory_space<vmem>>, %arg6: memref<1024x1xf32, #tpu.memory_space<vmem>>) attributes {dimension_semantics = [], scalar_prefetch = 0 : i64, scratch_operands = 0 : i64, tpu.core_type = #tpu.core_type<tc>} {
    %get3A = arith.constant 0 : index
    %get3A_0 = arith.constant 0 : index
    %get3A_1 = vector.load %arg0[%get3A, %get3A_0] : memref<1024x512xf32, #tpu.memory_space<vmem>>, vector<1024x512xf32>
    %get3A_2 = arith.constant 0 : index
    %get3A_3 = arith.constant 0 : index
    %get3A_4 = vector.load %arg1[%get3A_2, %get3A_3] : memref<512x512xf32, #tpu.memory_space<vmem>>, vector<512x512xf32>
    %dot_general3A = arith.constant dense<0.000000e+00> : vector<1024x512xf32>
    %dot_general3A_5 = tpu.matmul %get3A_1, %get3A_4, %dot_general3A {dimension_numbers = #tpu.dot_dimension_numbers<[1], [0], [0], [1], [0, 0, 1, 1], [], []>, transpose_lhs_hint = false} : vector<1024x512xf32>, vector<512x512xf32>, vector<1024x512xf32> -> vector<1024x512xf32>
    %get3A_6 = arith.constant 0 : index
    %get3A_7 = arith.constant 0 : index
    %get3A_8 = vector.load %arg2[%get3A_6, %get3A_7] : memref<1x512xf32, #tpu.memory_space<vmem>>, vector<1x512xf32>
    %add3A = vector.broadcast %get3A_8 : vector<1x512xf32> to vector<1024x512xf32>
    %add3A_9 = arith.addf %dot_general3A_5, %add3A : vector<1024x512xf32>
    %max3A = arith.constant 0.000000e+00 : f32
    %max3A_10 = vector.broadcast %max3A : f32 to vector<1024x512xf32>
    %max3A_11 = arith.maximumf %add3A_9, %max3A_10 : vector<1024x512xf32>
    %get3A_12 = arith.constant 0 : index
    %get3A_13 = arith.constant 0 : index
    %get3A_14 = vector.load %arg3[%get3A_12, %get3A_13] : memref<512x64xf32, #tpu.memory_space<vmem>>, vector<512x64xf32>
    %dot_general3A_15 = arith.constant dense<0.000000e+00> : vector<1024x64xf32>
    %dot_general3A_16 = tpu.matmul %max3A_11, %get3A_14, %dot_general3A_15 {dimension_numbers = #tpu.dot_dimension_numbers<[1], [0], [0], [1], [0, 0, 1, 1], [], []>, transpose_lhs_hint = false} : vector<1024x512xf32>, vector<512x64xf32>, vector<1024x64xf32> -> vector<1024x64xf32>
    %get3A_17 = arith.constant 0 : index
    %get3A_18 = arith.constant 0 : index
    %get3A_19 = vector.load %arg4[%get3A_17, %get3A_18] : memref<1x64xf32, #tpu.memory_space<vmem>>, vector<1x64xf32>
    %add3A_20 = vector.broadcast %get3A_19 : vector<1x64xf32> to vector<1024x64xf32>
    %add3A_21 = arith.addf %dot_general3A_16, %add3A_20 : vector<1024x64xf32>
    %swap3A = arith.constant 0 : index
    %swap3A_22 = arith.constant 0 : index
    %swap3A_23 = vector.load %arg5[%swap3A, %swap3A_22] : memref<1024x64xf32, #tpu.memory_space<vmem>>, vector<1024x64xf32>
    tpu.vector_store %arg5[%swap3A, %swap3A_22], %add3A_21 {strides = array<i32>} : memref<1024x64xf32, #tpu.memory_space<vmem>>, vector<1024x64xf32>,
    %mul3A = arith.mulf %add3A_21, %add3A_21 : vector<1024x64xf32>
    %reduce_sum3A = arith.constant dense<0.000000e+00> : vector<1024xf32>
    %reduce_sum3A_24 = vector.multi_reduction <add>, %mul3A, %reduce_sum3A [1] : vector<1024x64xf32> to vector<1024xf32>
    %broadcast_in_dim3A = vector.shape_cast %reduce_sum3A_24 : vector<1024xf32> to vector<1024x1xf32>
    %swap3A_25 = arith.constant 0 : index
    %swap3A_26 = arith.constant 0 : index
    %swap3A_27 = vector.load %arg6[%swap3A_25, %swap3A_26] : memref<1024x1xf32, #tpu.memory_space<vmem>>, vector<1024x1xf32>
    tpu.vector_store %arg6[%swap3A_25, %swap3A_26], %broadcast_in_dim3A {strides = array<i32>} : memref<1024x1xf32, #tpu.memory_space<vmem>>, vector<1024x1xf32>,
    return
  }
}

module attributes {stable_mosaic.version = 14 : i64} {
  func.func @_dist_body(%arg0: i32, %arg1: i32, %arg2: memref<1024x64xf32, #tpu.memory_space<vmem>>, %arg3: memref<1024x1xf32, #tpu.memory_space<vmem>>, %arg4: memref<1x2048x64xf32, #tpu.memory_space<vmem>>, %arg5: memref<128x1x128x128xf32, #tpu.memory_space<vmem>>, %arg6: memref<1x1024x896xf32, #tpu.memory_space<vmem>>, %arg7: memref<1024x128xf32, #tpu.memory_space<vmem>>) attributes {dimension_semantics = [#tpu.dimension_semantics<parallel>, #tpu.dimension_semantics<arbitrary>], iteration_bounds = array<i64: 8, 49>, scalar_prefetch = 0 : i64, scratch_operands = 1 : i64, tpu.core_type = #tpu.core_type<tc>, window_params = [{pipeline_mode = #tpu.pipeline_mode<synchronous>, transform_indices = @transform_0, window_bounds = array<i64: 1024, 64>}, {pipeline_mode = #tpu.pipeline_mode<synchronous>, transform_indices = @transform_1, window_bounds = array<i64: 1024, 1>}, {transform_indices = @transform_2, window_bounds = array<i64: 1, 2048, 64>}, {transform_indices = @transform_3, window_bounds = array<i64: 128, 1, 128, 128>}, {transform_indices = @transform_4, window_bounds = array<i64: 1, 1024, 896>}]} {
    %get3A = arith.constant 0 : index
    %get3A_0 = arith.constant 0 : index
    %get3A_1 = arith.constant 0 : index
    %get3A_2 = vector.load %arg4[%get3A, %get3A_0, %get3A_1] : memref<1x2048x64xf32, #tpu.memory_space<vmem>>, vector<1x2048x64xf32>
    %get3A_3 = vector.shape_cast %get3A_2 : vector<1x2048x64xf32> to vector<2048x64xf32>
    %mul3A = arith.mulf %get3A_3, %get3A_3 : vector<2048x64xf32>
    %reduce_sum3A = arith.constant dense<0.000000e+00> : vector<2048xf32>
    %reduce_sum3A_4 = vector.multi_reduction <add>, %mul3A, %reduce_sum3A [1] : vector<2048x64xf32> to vector<2048xf32>
    %get3A_5 = arith.constant 0 : index
    %get3A_6 = arith.constant 0 : index
    %get3A_7 = vector.load %arg2[%get3A_5, %get3A_6] : memref<1024x64xf32, #tpu.memory_space<vmem>>, vector<1024x64xf32>
    %dot_general3A = arith.constant dense<0.000000e+00> : vector<1024x2048xf32>
    %dot_general3A_8 = tpu.matmul %get3A_7, %get3A_3, %dot_general3A {dimension_numbers = #tpu.dot_dimension_numbers<[1], [1], [0], [0], [0, 0, 1, 0], [], []>, transpose_lhs_hint = false} : vector<1024x64xf32>, vector<2048x64xf32>, vector<1024x2048xf32> -> vector<1024x2048xf32>
    %get3A_9 = arith.constant 0 : index
    %get3A_10 = arith.constant 0 : index
    %get3A_11 = vector.load %arg3[%get3A_9, %get3A_10] : memref<1024x1xf32, #tpu.memory_space<vmem>>, vector<1024x1xf32>
    %broadcast_in_dim3A = vector.shape_cast %reduce_sum3A_4 : vector<2048xf32> to vector<1x2048xf32>
    %add3A = vector.broadcast %get3A_11 : vector<1024x1xf32> to vector<1024x2048xf32>
    %add3A_12 = vector.broadcast %broadcast_in_dim3A : vector<1x2048xf32> to vector<1024x2048xf32>
    %add3A_13 = arith.addf %add3A, %add3A_12 : vector<1024x2048xf32>
    %mul3A_14 = arith.constant 2.000000e+00 : f32
    %mul3A_15 = vector.broadcast %mul3A_14 : f32 to vector<1024x2048xf32>
    %mul3A_16 = arith.mulf %mul3A_15, %dot_general3A_8 : vector<1024x2048xf32>
    %sub3A = arith.subf %add3A_13, %mul3A_16 : vector<1024x2048xf32>
    %slice3A = vector.extract_strided_slice %sub3A {offsets = [0, 0], sizes = [1024, 128], strides = [1, 1]} : vector<1024x2048xf32> to vector<1024x128xf32>
    %reshape3A = vector.shape_cast %slice3A : vector<1024x128xf32> to vector<128x8x128xf32>
    %swap3A = arith.constant 0 : index
    %swap3A_17 = arith.constant 0 : index
    %swap3A_18 = arith.constant 0 : index
    %swap3A_19 = arith.constant 0 : index
    %swap3A_20 = vector.load %arg5[%swap3A, %swap3A_17, %swap3A_18, %swap3A_19] : memref<128x1x128x128xf32, #tpu.memory_space<vmem>>, vector<128x1x8x128xf32>
    %swap3A_21 = vector.shape_cast %swap3A_20 : vector<128x1x8x128xf32> to vector<128x8x128xf32>
    %swap3A_22 = vector.shape_cast %reshape3A : vector<128x8x128xf32> to vector<128x1x8x128xf32>
    tpu.vector_store %arg5[%swap3A, %swap3A_17, %swap3A_18, %swap3A_19], %swap3A_22 {strides = array<i32>} : memref<128x1x128x128xf32, #tpu.memory_space<vmem>>, vector<128x1x8x128xf32>,
    %slice3A_23 = vector.extract_strided_slice %sub3A {offsets = [0, 128], sizes = [1024, 128], strides = [1, 1]} : vector<1024x2048xf32> to vector<1024x128xf32>
    %reshape3A_24 = vector.shape_cast %slice3A_23 : vector<1024x128xf32> to vector<128x8x128xf32>
    %swap3A_25 = arith.constant 0 : index
    %swap3A_26 = arith.constant 0 : index
    %swap3A_27 = arith.constant 8 : index
    %swap3A_28 = arith.constant 0 : index
    %swap3A_29 = vector.load %arg5[%swap3A_25, %swap3A_26, %swap3A_27, %swap3A_28] : memref<128x1x128x128xf32, #tpu.memory_space<vmem>>, vector<128x1x8x128xf32>
    %swap3A_30 = vector.shape_cast %swap3A_29 : vector<128x1x8x128xf32> to vector<128x8x128xf32>
    %swap3A_31 = vector.shape_cast %reshape3A_24 : vector<128x8x128xf32> to vector<128x1x8x128xf32>
    tpu.vector_store %arg5[%swap3A_25, %swap3A_26, %swap3A_27, %swap3A_28], %swap3A_31 {strides = array<i32>} : memref<128x1x128x128xf32, #tpu.memory_space<vmem>>, vector<128x1x8x128xf32>,
    %slice3A_32 = vector.extract_strided_slice %sub3A {offsets = [0, 256], sizes = [1024, 128], strides = [1, 1]} : vector<1024x2048xf32> to vector<1024x128xf32>
    %reshape3A_33 = vector.shape_cast %slice3A_32 : vector<1024x128xf32> to vector<128x8x128xf32>
    %swap3A_34 = arith.constant 0 : index
    %swap3A_35 = arith.constant 0 : index
    %swap3A_36 = arith.constant 16 : index
    %swap3A_37 = arith.constant 0 : index
    %swap3A_38 = vector.load %arg5[%swap3A_34, %swap3A_35, %swap3A_36, %swap3A_37] : memref<128x1x128x128xf32, #tpu.memory_space<vmem>>, vector<128x1x8x128xf32>
    %swap3A_39 = vector.shape_cast %swap3A_38 : vector<128x1x8x128xf32> to vector<128x8x128xf32>
    %swap3A_40 = vector.shape_cast %reshape3A_33 : vector<128x8x128xf32> to vector<128x1x8x128xf32>
    tpu.vector_store %arg5[%swap3A_34, %swap3A_35, %swap3A_36, %swap3A_37], %swap3A_40 {strides = array<i32>} : memref<128x1x128x128xf32, #tpu.memory_space<vmem>>, vector<128x1x8x128xf32>,
    %slice3A_41 = vector.extract_strided_slice %sub3A {offsets = [0, 384], sizes = [1024, 128], strides = [1, 1]} : vector<1024x2048xf32> to vector<1024x128xf32>
    %reshape3A_42 = vector.shape_cast %slice3A_41 : vector<1024x128xf32> to vector<128x8x128xf32>
    %swap3A_43 = arith.constant 0 : index
    %swap3A_44 = arith.constant 0 : index
    %swap3A_45 = arith.constant 24 : index
    %swap3A_46 = arith.constant 0 : index
    %swap3A_47 = vector.load %arg5[%swap3A_43, %swap3A_44, %swap3A_45, %swap3A_46] : memref<128x1x128x128xf32, #tpu.memory_space<vmem>>, vector<128x1x8x128xf32>
    %swap3A_48 = vector.shape_cast %swap3A_47 : vector<128x1x8x128xf32> to vector<128x8x128xf32>
    %swap3A_49 = vector.shape_cast %reshape3A_42 : vector<128x8x128xf32> to vector<128x1x8x128xf32>
    tpu.vector_store %arg5[%swap3A_43, %swap3A_44, %swap3A_45, %swap3A_46], %swap3A_49 {strides = array<i32>} : memref<128x1x128x128xf32, #tpu.memory_space<vmem>>, vector<128x1x8x128xf32>,
    %slice3A_50 = vector.extract_strided_slice %sub3A {offsets = [0, 512], sizes = [1024, 128], strides = [1, 1]} : vector<1024x2048xf32> to vector<1024x128xf32>
    %reshape3A_51 = vector.shape_cast %slice3A_50 : vector<1024x128xf32> to vector<128x8x128xf32>
    %swap3A_52 = arith.constant 0 : index
    %swap3A_53 = arith.constant 0 : index
    %swap3A_54 = arith.constant 32 : index
    %swap3A_55 = arith.constant 0 : index
    %swap3A_56 = vector.load %arg5[%swap3A_52, %swap3A_53, %swap3A_54, %swap3A_55] : memref<128x1x128x128xf32, #tpu.memory_space<vmem>>, vector<128x1x8x128xf32>
    %swap3A_57 = vector.shape_cast %swap3A_56 : vector<128x1x8x128xf32> to vector<128x8x128xf32>
    %swap3A_58 = vector.shape_cast %reshape3A_51 : vector<128x8x128xf32> to vector<128x1x8x128xf32>
    tpu.vector_store %arg5[%swap3A_52, %swap3A_53, %swap3A_54, %swap3A_55], %swap3A_58 {strides = array<i32>} : memref<128x1x128x128xf32, #tpu.memory_space<vmem>>, vector<128x1x8x128xf32>,
    %slice3A_59 = vector.extract_strided_slice %sub3A {offsets = [0, 640], sizes = [1024, 128], strides = [1, 1]} : vector<1024x2048xf32> to vector<1024x128xf32>
    %reshape3A_60 = vector.shape_cast %slice3A_59 : vector<1024x128xf32> to vector<128x8x128xf32>
    %swap3A_61 = arith.constant 0 : index
    %swap3A_62 = arith.constant 0 : index
    %swap3A_63 = arith.constant 40 : index
    %swap3A_64 = arith.constant 0 : index
    %swap3A_65 = vector.load %arg5[%swap3A_61, %swap3A_62, %swap3A_63, %swap3A_64] : memref<128x1x128x128xf32, #tpu.memory_space<vmem>>, vector<128x1x8x128xf32>
    %swap3A_66 = vector.shape_cast %swap3A_65 : vector<128x1x8x128xf32> to vector<128x8x128xf32>
    %swap3A_67 = vector.shape_cast %reshape3A_60 : vector<128x8x128xf32> to vector<128x1x8x128xf32>
    tpu.vector_store %arg5[%swap3A_61, %swap3A_62, %swap3A_63, %swap3A_64], %swap3A_67 {strides = array<i32>} : memref<128x1x128x128xf32, #tpu.memory_space<vmem>>, vector<128x1x8x128xf32>,
    %slice3A_68 = vector.extract_strided_slice %sub3A {offsets = [0, 768], sizes = [1024, 128], strides = [1, 1]} : vector<1024x2048xf32> to vector<1024x128xf32>
    %reshape3A_69 = vector.shape_cast %slice3A_68 : vector<1024x128xf32> to vector<128x8x128xf32>
    %swap3A_70 = arith.constant 0 : index
    %swap3A_71 = arith.constant 0 : index
    %swap3A_72 = arith.constant 48 : index
    %swap3A_73 = arith.constant 0 : index
    %swap3A_74 = vector.load %arg5[%swap3A_70, %swap3A_71, %swap3A_72, %swap3A_73] : memref<128x1x128x128xf32, #tpu.memory_space<vmem>>, vector<128x1x8x128xf32>
    %swap3A_75 = vector.shape_cast %swap3A_74 : vector<128x1x8x128xf32> to vector<128x8x128xf32>
    %swap3A_76 = vector.shape_cast %reshape3A_69 : vector<128x8x128xf32> to vector<128x1x8x128xf32>
    tpu.vector_store %arg5[%swap3A_70, %swap3A_71, %swap3A_72, %swap3A_73], %swap3A_76 {strides = array<i32>} : memref<128x1x128x128xf32, #tpu.memory_space<vmem>>, vector<128x1x8x128xf32>,
    %slice3A_77 = vector.extract_strided_slice %sub3A {offsets = [0, 896], sizes = [1024, 128], strides = [1, 1]} : vector<1024x2048xf32> to vector<1024x128xf32>
    %reshape3A_78 = vector.shape_cast %slice3A_77 : vector<1024x128xf32> to vector<128x8x128xf32>
    %swap3A_79 = arith.constant 0 : index
    %swap3A_80 = arith.constant 0 : index
    %swap3A_81 = arith.constant 56 : index
    %swap3A_82 = arith.constant 0 : index
    %swap3A_83 = vector.load %arg5[%swap3A_79, %swap3A_80, %swap3A_81, %swap3A_82] : memref<128x1x128x128xf32, #tpu.memory_space<vmem>>, vector<128x1x8x128xf32>
    %swap3A_84 = vector.shape_cast %swap3A_83 : vector<128x1x8x128xf32> to vector<128x8x128xf32>
    %swap3A_85 = vector.shape_cast %reshape3A_78 : vector<128x8x128xf32> to vector<128x1x8x128xf32>
    tpu.vector_store %arg5[%swap3A_79, %swap3A_80, %swap3A_81, %swap3A_82], %swap3A_85 {strides = array<i32>} : memref<128x1x128x128xf32, #tpu.memory_space<vmem>>, vector<128x1x8x128xf32>,
    %slice3A_86 = vector.extract_strided_slice %sub3A {offsets = [0, 1024], sizes = [1024, 128], strides = [1, 1]} : vector<1024x2048xf32> to vector<1024x128xf32>
    %reshape3A_87 = vector.shape_cast %slice3A_86 : vector<1024x128xf32> to vector<128x8x128xf32>
    %swap3A_88 = arith.constant 0 : index
    %swap3A_89 = arith.constant 0 : index
    %swap3A_90 = arith.constant 64 : index
    %swap3A_91 = arith.constant 0 : index
    %swap3A_92 = vector.load %arg5[%swap3A_88, %swap3A_89, %swap3A_90, %swap3A_91] : memref<128x1x128x128xf32, #tpu.memory_space<vmem>>, vector<128x1x8x128xf32>
    %swap3A_93 = vector.shape_cast %swap3A_92 : vector<128x1x8x128xf32> to vector<128x8x128xf32>
    %swap3A_94 = vector.shape_cast %reshape3A_87 : vector<128x8x128xf32> to vector<128x1x8x128xf32>
    tpu.vector_store %arg5[%swap3A_88, %swap3A_89, %swap3A_90, %swap3A_91], %swap3A_94 {strides = array<i32>} : memref<128x1x128x128xf32, #tpu.memory_space<vmem>>, vector<128x1x8x128xf32>,
    %slice3A_95 = vector.extract_strided_slice %sub3A {offsets = [0, 1152], sizes = [1024, 128], strides = [1, 1]} : vector<1024x2048xf32> to vector<1024x128xf32>
    %reshape3A_96 = vector.shape_cast %slice3A_95 : vector<1024x128xf32> to vector<128x8x128xf32>
    %swap3A_97 = arith.constant 0 : index
    %swap3A_98 = arith.constant 0 : index
    %swap3A_99 = arith.constant 72 : index
    %swap3A_100 = arith.constant 0 : index
    %swap3A_101 = vector.load %arg5[%swap3A_97, %swap3A_98, %swap3A_99, %swap3A_100] : memref<128x1x128x128xf32, #tpu.memory_space<vmem>>, vector<128x1x8x128xf32>
    %swap3A_102 = vector.shape_cast %swap3A_101 : vector<128x1x8x128xf32> to vector<128x8x128xf32>
    %swap3A_103 = vector.shape_cast %reshape3A_96 : vector<128x8x128xf32> to vector<128x1x8x128xf32>
    tpu.vector_store %arg5[%swap3A_97, %swap3A_98, %swap3A_99, %swap3A_100], %swap3A_103 {strides = array<i32>} : memref<128x1x128x128xf32, #tpu.memory_space<vmem>>, vector<128x1x8x128xf32>,
    %slice3A_104 = vector.extract_strided_slice %sub3A {offsets = [0, 1280], sizes = [1024, 128], strides = [1, 1]} : vector<1024x2048xf32> to vector<1024x128xf32>
    %reshape3A_105 = vector.shape_cast %slice3A_104 : vector<1024x128xf32> to vector<128x8x128xf32>
    %swap3A_106 = arith.constant 0 : index
    %swap3A_107 = arith.constant 0 : index
    %swap3A_108 = arith.constant 80 : index
    %swap3A_109 = arith.constant 0 : index
    %swap3A_110 = vector.load %arg5[%swap3A_106, %swap3A_107, %swap3A_108, %swap3A_109] : memref<128x1x128x128xf32, #tpu.memory_space<vmem>>, vector<128x1x8x128xf32>
    %swap3A_111 = vector.shape_cast %swap3A_110 : vector<128x1x8x128xf32> to vector<128x8x128xf32>
    %swap3A_112 = vector.shape_cast %reshape3A_105 : vector<128x8x128xf32> to vector<128x1x8x128xf32>
    tpu.vector_store %arg5[%swap3A_106, %swap3A_107, %swap3A_108, %swap3A_109], %swap3A_112 {strides = array<i32>} : memref<128x1x128x128xf32, #tpu.memory_space<vmem>>, vector<128x1x8x128xf32>,
    %slice3A_113 = vector.extract_strided_slice %sub3A {offsets = [0, 1408], sizes = [1024, 128], strides = [1, 1]} : vector<1024x2048xf32> to vector<1024x128xf32>
    %reshape3A_114 = vector.shape_cast %slice3A_113 : vector<1024x128xf32> to vector<128x8x128xf32>
    %swap3A_115 = arith.constant 0 : index
    %swap3A_116 = arith.constant 0 : index
    %swap3A_117 = arith.constant 88 : index
    %swap3A_118 = arith.constant 0 : index
    %swap3A_119 = vector.load %arg5[%swap3A_115, %swap3A_116, %swap3A_117, %swap3A_118] : memref<128x1x128x128xf32, #tpu.memory_space<vmem>>, vector<128x1x8x128xf32>
    %swap3A_120 = vector.shape_cast %swap3A_119 : vector<128x1x8x128xf32> to vector<128x8x128xf32>
    %swap3A_121 = vector.shape_cast %reshape3A_114 : vector<128x8x128xf32> to vector<128x1x8x128xf32>
    tpu.vector_store %arg5[%swap3A_115, %swap3A_116, %swap3A_117, %swap3A_118], %swap3A_121 {strides = array<i32>} : memref<128x1x128x128xf32, #tpu.memory_space<vmem>>, vector<128x1x8x128xf32>,
    %slice3A_122 = vector.extract_strided_slice %sub3A {offsets = [0, 1536], sizes = [1024, 128], strides = [1, 1]} : vector<1024x2048xf32> to vector<1024x128xf32>
    %reshape3A_123 = vector.shape_cast %slice3A_122 : vector<1024x128xf32> to vector<128x8x128xf32>
    %swap3A_124 = arith.constant 0 : index
    %swap3A_125 = arith.constant 0 : index
    %swap3A_126 = arith.constant 96 : index
    %swap3A_127 = arith.constant 0 : index
    %swap3A_128 = vector.load %arg5[%swap3A_124, %swap3A_125, %swap3A_126, %swap3A_127] : memref<128x1x128x128xf32, #tpu.memory_space<vmem>>, vector<128x1x8x128xf32>
    %swap3A_129 = vector.shape_cast %swap3A_128 : vector<128x1x8x128xf32> to vector<128x8x128xf32>
    %swap3A_130 = vector.shape_cast %reshape3A_123 : vector<128x8x128xf32> to vector<128x1x8x128xf32>
    tpu.vector_store %arg5[%swap3A_124, %swap3A_125, %swap3A_126, %swap3A_127], %swap3A_130 {strides = array<i32>} : memref<128x1x128x128xf32, #tpu.memory_space<vmem>>, vector<128x1x8x128xf32>,
    %slice3A_131 = vector.extract_strided_slice %sub3A {offsets = [0, 1664], sizes = [1024, 128], strides = [1, 1]} : vector<1024x2048xf32> to vector<1024x128xf32>
    %reshape3A_132 = vector.shape_cast %slice3A_131 : vector<1024x128xf32> to vector<128x8x128xf32>
    %swap3A_133 = arith.constant 0 : index
    %swap3A_134 = arith.constant 0 : index
    %swap3A_135 = arith.constant 104 : index
    %swap3A_136 = arith.constant 0 : index
    %swap3A_137 = vector.load %arg5[%swap3A_133, %swap3A_134, %swap3A_135, %swap3A_136] : memref<128x1x128x128xf32, #tpu.memory_space<vmem>>, vector<128x1x8x128xf32>
    %swap3A_138 = vector.shape_cast %swap3A_137 : vector<128x1x8x128xf32> to vector<128x8x128xf32>
    %swap3A_139 = vector.shape_cast %reshape3A_132 : vector<128x8x128xf32> to vector<128x1x8x128xf32>
    tpu.vector_store %arg5[%swap3A_133, %swap3A_134, %swap3A_135, %swap3A_136], %swap3A_139 {strides = array<i32>} : memref<128x1x128x128xf32, #tpu.memory_space<vmem>>, vector<128x1x8x128xf32>,
    %slice3A_140 = vector.extract_strided_slice %sub3A {offsets = [0, 1792], sizes = [1024, 128], strides = [1, 1]} : vector<1024x2048xf32> to vector<1024x128xf32>
    %reshape3A_141 = vector.shape_cast %slice3A_140 : vector<1024x128xf32> to vector<128x8x128xf32>
    %swap3A_142 = arith.constant 0 : index
    %swap3A_143 = arith.constant 0 : index
    %swap3A_144 = arith.constant 112 : index
    %swap3A_145 = arith.constant 0 : index
    %swap3A_146 = vector.load %arg5[%swap3A_142, %swap3A_143, %swap3A_144, %swap3A_145] : memref<128x1x128x128xf32, #tpu.memory_space<vmem>>, vector<128x1x8x128xf32>
    %swap3A_147 = vector.shape_cast %swap3A_146 : vector<128x1x8x128xf32> to vector<128x8x128xf32>
    %swap3A_148 = vector.shape_cast %reshape3A_141 : vector<128x8x128xf32> to vector<128x1x8x128xf32>
    tpu.vector_store %arg5[%swap3A_142, %swap3A_143, %swap3A_144, %swap3A_145], %swap3A_148 {strides = array<i32>} : memref<128x1x128x128xf32, #tpu.memory_space<vmem>>, vector<128x1x8x128xf32>,
    %slice3A_149 = vector.extract_strided_slice %sub3A {offsets = [0, 1920], sizes = [1024, 128], strides = [1, 1]} : vector<1024x2048xf32> to vector<1024x128xf32>
    %reshape3A_150 = vector.shape_cast %slice3A_149 : vector<1024x128xf32> to vector<128x8x128xf32>
    %swap3A_151 = arith.constant 0 : index
    %swap3A_152 = arith.constant 0 : index
    %swap3A_153 = arith.constant 120 : index
    %swap3A_154 = arith.constant 0 : index
    %swap3A_155 = vector.load %arg5[%swap3A_151, %swap3A_152, %swap3A_153, %swap3A_154] : memref<128x1x128x128xf32, #tpu.memory_space<vmem>>, vector<128x1x8x128xf32>
    %swap3A_156 = vector.shape_cast %swap3A_155 : vector<128x1x8x128xf32> to vector<128x8x128xf32>
    %swap3A_157 = vector.shape_cast %reshape3A_150 : vector<128x8x128xf32> to vector<128x1x8x128xf32>
    tpu.vector_store %arg5[%swap3A_151, %swap3A_152, %swap3A_153, %swap3A_154], %swap3A_157 {strides = array<i32>} : memref<128x1x128x128xf32, #tpu.memory_space<vmem>>, vector<128x1x8x128xf32>,
    %slice3A_158 = vector.extract_strided_slice %sub3A {offsets = [0, 0], sizes = [1024, 128], strides = [1, 1]} : vector<1024x2048xf32> to vector<1024x128xf32>
    %reduce_min3A = arith.constant dense<0x7F800000> : vector<1024xf32>
    %reduce_min3A_159 = vector.multi_reduction <minimumf>, %slice3A_158, %reduce_min3A [1] : vector<1024x128xf32> to vector<1024xf32>
    %broadcast_in_dim3A_160 = vector.shape_cast %reduce_min3A_159 : vector<1024xf32> to vector<1024x1xf32>
    %slice3A_161 = vector.extract_strided_slice %sub3A {offsets = [0, 128], sizes = [1024, 128], strides = [1, 1]} : vector<1024x2048xf32> to vector<1024x128xf32>
    %reduce_min3A_162 = arith.constant dense<0x7F800000> : vector<1024xf32>
    %reduce_min3A_163 = vector.multi_reduction <minimumf>, %slice3A_161, %reduce_min3A_162 [1] : vector<1024x128xf32> to vector<1024xf32>
    %broadcast_in_dim3A_164 = vector.shape_cast %reduce_min3A_163 : vector<1024xf32> to vector<1024x1xf32>
    %slice3A_165 = vector.extract_strided_slice %sub3A {offsets = [0, 256], sizes = [1024, 128], strides = [1, 1]} : vector<1024x2048xf32> to vector<1024x128xf32>
    %reduce_min3A_166 = arith.constant dense<0x7F800000> : vector<1024xf32>
    %reduce_min3A_167 = vector.multi_reduction <minimumf>, %slice3A_165, %reduce_min3A_166 [1] : vector<1024x128xf32> to vector<1024xf32>
    %broadcast_in_dim3A_168 = vector.shape_cast %reduce_min3A_167 : vector<1024xf32> to vector<1024x1xf32>
    %slice3A_169 = vector.extract_strided_slice %sub3A {offsets = [0, 384], sizes = [1024, 128], strides = [1, 1]} : vector<1024x2048xf32> to vector<1024x128xf32>
    %reduce_min3A_170 = arith.constant dense<0x7F800000> : vector<1024xf32>
    %reduce_min3A_171 = vector.multi_reduction <minimumf>, %slice3A_169, %reduce_min3A_170 [1] : vector<1024x128xf32> to vector<1024xf32>
    %broadcast_in_dim3A_172 = vector.shape_cast %reduce_min3A_171 : vector<1024xf32> to vector<1024x1xf32>
    %slice3A_173 = vector.extract_strided_slice %sub3A {offsets = [0, 512], sizes = [1024, 128], strides = [1, 1]} : vector<1024x2048xf32> to vector<1024x128xf32>
    %reduce_min3A_174 = arith.constant dense<0x7F800000> : vector<1024xf32>
    %reduce_min3A_175 = vector.multi_reduction <minimumf>, %slice3A_173, %reduce_min3A_174 [1] : vector<1024x128xf32> to vector<1024xf32>
    %broadcast_in_dim3A_176 = vector.shape_cast %reduce_min3A_175 : vector<1024xf32> to vector<1024x1xf32>
    %slice3A_177 = vector.extract_strided_slice %sub3A {offsets = [0, 640], sizes = [1024, 128], strides = [1, 1]} : vector<1024x2048xf32> to vector<1024x128xf32>
    %reduce_min3A_178 = arith.constant dense<0x7F800000> : vector<1024xf32>
    %reduce_min3A_179 = vector.multi_reduction <minimumf>, %slice3A_177, %reduce_min3A_178 [1] : vector<1024x128xf32> to vector<1024xf32>
    %broadcast_in_dim3A_180 = vector.shape_cast %reduce_min3A_179 : vector<1024xf32> to vector<1024x1xf32>
    %slice3A_181 = vector.extract_strided_slice %sub3A {offsets = [0, 768], sizes = [1024, 128], strides = [1, 1]} : vector<1024x2048xf32> to vector<1024x128xf32>
    %reduce_min3A_182 = arith.constant dense<0x7F800000> : vector<1024xf32>
    %reduce_min3A_183 = vector.multi_reduction <minimumf>, %slice3A_181, %reduce_min3A_182 [1] : vector<1024x128xf32> to vector<1024xf32>
    %broadcast_in_dim3A_184 = vector.shape_cast %reduce_min3A_183 : vector<1024xf32> to vector<1024x1xf32>
    %slice3A_185 = vector.extract_strided_slice %sub3A {offsets = [0, 896], sizes = [1024, 128], strides = [1, 1]} : vector<1024x2048xf32> to vector<1024x128xf32>
    %reduce_min3A_186 = arith.constant dense<0x7F800000> : vector<1024xf32>
    %reduce_min3A_187 = vector.multi_reduction <minimumf>, %slice3A_185, %reduce_min3A_186 [1] : vector<1024x128xf32> to vector<1024xf32>
    %broadcast_in_dim3A_188 = vector.shape_cast %reduce_min3A_187 : vector<1024xf32> to vector<1024x1xf32>
    %slice3A_189 = vector.extract_strided_slice %sub3A {offsets = [0, 1024], sizes = [1024, 128], strides = [1, 1]} : vector<1024x2048xf32> to vector<1024x128xf32>
    %reduce_min3A_190 = arith.constant dense<0x7F800000> : vector<1024xf32>
    %reduce_min3A_191 = vector.multi_reduction <minimumf>, %slice3A_189, %reduce_min3A_190 [1] : vector<1024x128xf32> to vector<1024xf32>
    %broadcast_in_dim3A_192 = vector.shape_cast %reduce_min3A_191 : vector<1024xf32> to vector<1024x1xf32>
    %slice3A_193 = vector.extract_strided_slice %sub3A {offsets = [0, 1152], sizes = [1024, 128], strides = [1, 1]} : vector<1024x2048xf32> to vector<1024x128xf32>
    %reduce_min3A_194 = arith.constant dense<0x7F800000> : vector<1024xf32>
    %reduce_min3A_195 = vector.multi_reduction <minimumf>, %slice3A_193, %reduce_min3A_194 [1] : vector<1024x128xf32> to vector<1024xf32>
    %broadcast_in_dim3A_196 = vector.shape_cast %reduce_min3A_195 : vector<1024xf32> to vector<1024x1xf32>
    %slice3A_197 = vector.extract_strided_slice %sub3A {offsets = [0, 1280], sizes = [1024, 128], strides = [1, 1]} : vector<1024x2048xf32> to vector<1024x128xf32>
    %reduce_min3A_198 = arith.constant dense<0x7F800000> : vector<1024xf32>
    %reduce_min3A_199 = vector.multi_reduction <minimumf>, %slice3A_197, %reduce_min3A_198 [1] : vector<1024x128xf32> to vector<1024xf32>
    %broadcast_in_dim3A_200 = vector.shape_cast %reduce_min3A_199 : vector<1024xf32> to vector<1024x1xf32>
    %slice3A_201 = vector.extract_strided_slice %sub3A {offsets = [0, 1408], sizes = [1024, 128], strides = [1, 1]} : vector<1024x2048xf32> to vector<1024x128xf32>
    %reduce_min3A_202 = arith.constant dense<0x7F800000> : vector<1024xf32>
    %reduce_min3A_203 = vector.multi_reduction <minimumf>, %slice3A_201, %reduce_min3A_202 [1] : vector<1024x128xf32> to vector<1024xf32>
    %broadcast_in_dim3A_204 = vector.shape_cast %reduce_min3A_203 : vector<1024xf32> to vector<1024x1xf32>
    %slice3A_205 = vector.extract_strided_slice %sub3A {offsets = [0, 1536], sizes = [1024, 128], strides = [1, 1]} : vector<1024x2048xf32> to vector<1024x128xf32>
    %reduce_min3A_206 = arith.constant dense<0x7F800000> : vector<1024xf32>
    %reduce_min3A_207 = vector.multi_reduction <minimumf>, %slice3A_205, %reduce_min3A_206 [1] : vector<1024x128xf32> to vector<1024xf32>
    %broadcast_in_dim3A_208 = vector.shape_cast %reduce_min3A_207 : vector<1024xf32> to vector<1024x1xf32>
    %slice3A_209 = vector.extract_strided_slice %sub3A {offsets = [0, 1664], sizes = [1024, 128], strides = [1, 1]} : vector<1024x2048xf32> to vector<1024x128xf32>
    %reduce_min3A_210 = arith.constant dense<0x7F800000> : vector<1024xf32>
    %reduce_min3A_211 = vector.multi_reduction <minimumf>, %slice3A_209, %reduce_min3A_210 [1] : vector<1024x128xf32> to vector<1024xf32>
    %broadcast_in_dim3A_212 = vector.shape_cast %reduce_min3A_211 : vector<1024xf32> to vector<1024x1xf32>
    %slice3A_213 = vector.extract_strided_slice %sub3A {offsets = [0, 1792], sizes = [1024, 128], strides = [1, 1]} : vector<1024x2048xf32> to vector<1024x128xf32>
    %reduce_min3A_214 = arith.constant dense<0x7F800000> : vector<1024xf32>
    %reduce_min3A_215 = vector.multi_reduction <minimumf>, %slice3A_213, %reduce_min3A_214 [1] : vector<1024x128xf32> to vector<1024xf32>
    %broadcast_in_dim3A_216 = vector.shape_cast %reduce_min3A_215 : vector<1024xf32> to vector<1024x1xf32>
    %slice3A_217 = vector.extract_strided_slice %sub3A {offsets = [0, 1920], sizes = [1024, 128], strides = [1, 1]} : vector<1024x2048xf32> to vector<1024x128xf32>
    %reduce_min3A_218 = arith.constant dense<0x7F800000> : vector<1024xf32>
    %reduce_min3A_219 = vector.multi_reduction <minimumf>, %slice3A_217, %reduce_min3A_218 [1] : vector<1024x128xf32> to vector<1024xf32>
    %broadcast_in_dim3A_220 = vector.shape_cast %reduce_min3A_219 : vector<1024xf32> to vector<1024x1xf32>
    %concatenate3A = tpu.concatenate %broadcast_in_dim3A_160, %broadcast_in_dim3A_164, %broadcast_in_dim3A_168, %broadcast_in_dim3A_172, %broadcast_in_dim3A_176, %broadcast_in_dim3A_180, %broadcast_in_dim3A_184, %broadcast_in_dim3A_188, %broadcast_in_dim3A_192, %broadcast_in_dim3A_196, %broadcast_in_dim3A_200, %broadcast_in_dim3A_204, %broadcast_in_dim3A_208, %broadcast_in_dim3A_212, %broadcast_in_dim3A_216, %broadcast_in_dim3A_220 in 1 : vector<1024x1xf32>, vector<1024x1xf32>, vector<1024x1xf32>, vector<1024x1xf32>, vector<1024x1xf32>, vector<1024x1xf32>, vector<1024x1xf32>, vector<1024x1xf32>, vector<1024x1xf32>, vector<1024x1xf32>, vector<1024x1xf32>, vector<1024x1xf32>, vector<1024x1xf32>, vector<1024x1xf32>, vector<1024x1xf32>, vector<1024x1xf32> -> vector<1024x16xf32>
    %concatenate3A_221 = tpu.concatenate %concatenate3A, %concatenate3A, %concatenate3A, %concatenate3A, %concatenate3A, %concatenate3A, %concatenate3A, %concatenate3A in 1 : vector<1024x16xf32>, vector<1024x16xf32>, vector<1024x16xf32>, vector<1024x16xf32>, vector<1024x16xf32>, vector<1024x16xf32>, vector<1024x16xf32>, vector<1024x16xf32> -> vector<1024x128xf32>
    %iota3A = tpu.iota {dimensions = array<i32: 1>} : vector<1024x128xi32>
    %jit3A = arith.constant 16 : i32
    %div3A = vector.broadcast %jit3A : i32 to vector<1024x128xi32>
    %div3A_222 = arith.divsi %iota3A, %div3A : vector<1024x128xi32>
    %sign3A = arith.constant 0 : i32
    %sign3A_223 = vector.broadcast %sign3A : i32 to vector<1024x128xi32>
    %sign3A_224 = arith.cmpi sgt, %iota3A, %sign3A_223 : vector<1024x128xi32>
    %sign3A_225 = arith.extui %sign3A_224 : vector<1024x128xi1> to vector<1024x128xi32>
    %sign3A_226 = arith.constant 0 : i32
    %sign3A_227 = vector.broadcast %sign3A_226 : i32 to vector<1024x128xi32>
    %sign3A_228 = arith.cmpi slt, %iota3A, %sign3A_227 : vector<1024x128xi32>
    %sign3A_229 = arith.extui %sign3A_228 : vector<1024x128xi1> to vector<1024x128xi32>
    %sign3A_230 = arith.subi %sign3A_225, %sign3A_229 : vector<1024x128xi32>
    %sign3A_231 = arith.constant 0 : i32
    %sign3A_232 = arith.cmpi sgt, %jit3A, %sign3A_231 : i32
    %sign3A_233 = arith.extui %sign3A_232 : i1 to i32
    %sign3A_234 = arith.constant 0 : i32
    %sign3A_235 = arith.cmpi slt, %jit3A, %sign3A_234 : i32
    %sign3A_236 = arith.extui %sign3A_235 : i1 to i32
    %sign3A_237 = arith.subi %sign3A_233, %sign3A_236 : i32
    %ne3A = vector.broadcast %sign3A_237 : i32 to vector<1024x128xi32>
    %ne3A_238 = arith.cmpi ne, %sign3A_230, %ne3A : vector<1024x128xi32>
    %rem3A = vector.broadcast %jit3A : i32 to vector<1024x128xi32>
    %rem3A_239 = arith.remsi %iota3A, %rem3A : vector<1024x128xi32>
    %ne3A_240 = arith.constant 0 : i32
    %ne3A_241 = vector.broadcast %ne3A_240 : i32 to vector<1024x128xi32>
    %ne3A_242 = arith.cmpi ne, %rem3A_239, %ne3A_241 : vector<1024x128xi32>
    %and3A = arith.andi %ne3A_238, %ne3A_242 : vector<1024x128xi1>
    %sub3A_243 = arith.constant 1 : i32
    %sub3A_244 = vector.broadcast %sub3A_243 : i32 to vector<1024x128xi32>
    %sub3A_245 = arith.subi %div3A_222, %sub3A_244 : vector<1024x128xi32>
    %select_n3A = arith.select %and3A, %sub3A_245, %div3A_222 : vector<1024x128xi1>, vector<1024x128xi32>
    %jit3A_246 = arith.constant 8 : i32
    %eq3A = arith.constant 0 : i32
    %eq3A_247 = arith.cmpi eq, %jit3A_246, %eq3A : i32
    %jit3A_248 = arith.constant 1 : i32
    %select_n3A_249 = arith.select %eq3A_247, %jit3A_248, %jit3A_246 : i32
    %rem3A_250 = arith.remsi %arg1, %select_n3A_249 : i32
    %ne3A_251 = arith.constant 0 : i32
    %ne3A_252 = arith.cmpi ne, %rem3A_250, %ne3A_251 : i32
    %lt3A = arith.constant 0 : i32
    %lt3A_253 = arith.cmpi slt, %rem3A_250, %lt3A : i32
    %lt3A_254 = arith.constant 0 : i32
    %lt3A_255 = arith.cmpi slt, %select_n3A_249, %lt3A_254 : i32
    %ne3A_256 = arith.xori %lt3A_253, %lt3A_255 : i1
    %and3A_257 = arith.andi %ne3A_256, %ne3A_252 : i1
    %add3A_258 = arith.addi %rem3A_250, %select_n3A_249 : i32
    %select_n3A_259 = arith.select %and3A_257, %add3A_258, %rem3A_250 : i32
    %eq3A_260 = vector.broadcast %select_n3A_259 : i32 to vector<1024x128xi32>
    %eq3A_261 = arith.cmpi eq, %select_n3A, %eq3A_260 : vector<1024x128xi32>
    %get3A_262 = arith.constant 0 : index
    %get3A_263 = arith.constant 0 : index
    %get3A_264 = vector.load %arg7[%get3A_262, %get3A_263] : memref<1024x128xf32, #tpu.memory_space<vmem>>, vector<1024x128xf32>
    %select_n3A_265 = arith.select %eq3A_261, %concatenate3A_221, %get3A_264 : vector<1024x128xi1>, vector<1024x128xf32>
    %swap3A_266 = arith.constant 0 : index
    %swap3A_267 = arith.constant 0 : index
    %swap3A_268 = vector.load %arg7[%swap3A_266, %swap3A_267] : memref<1024x128xf32, #tpu.memory_space<vmem>>, vector<1024x128xf32>
    tpu.vector_store %arg7[%swap3A_266, %swap3A_267], %select_n3A_265 {strides = array<i32>} : memref<1024x128xf32, #tpu.memory_space<vmem>>, vector<1024x128xf32>,
    %jit3A_269 = arith.constant 8 : i32
    %eq3A_270 = arith.constant 0 : i32
    %eq3A_271 = arith.cmpi eq, %jit3A_269, %eq3A_270 : i32
    %jit3A_272 = arith.constant 1 : i32
    %select_n3A_273 = arith.select %eq3A_271, %jit3A_272, %jit3A_269 : i32
    %rem3A_274 = arith.remsi %arg1, %select_n3A_273 : i32
    %ne3A_275 = arith.constant 0 : i32
    %ne3A_276 = arith.cmpi ne, %rem3A_274, %ne3A_275 : i32
    %lt3A_277 = arith.constant 0 : i32
    %lt3A_278 = arith.cmpi slt, %rem3A_274, %lt3A_277 : i32
    %lt3A_279 = arith.constant 0 : i32
    %lt3A_280 = arith.cmpi slt, %select_n3A_273, %lt3A_279 : i32
    %ne3A_281 = arith.xori %lt3A_278, %lt3A_280 : i1
    %and3A_282 = arith.andi %ne3A_281, %ne3A_276 : i1
    %add3A_283 = arith.addi %rem3A_274, %select_n3A_273 : i32
    %select_n3A_284 = arith.select %and3A_282, %add3A_283, %rem3A_274 : i32
    %eq3A_285 = arith.constant 7 : i32
    %eq3A_286 = arith.cmpi eq, %select_n3A_284, %eq3A_285 : i32
    %convert_element_type3A = arith.extui %eq3A_286 : i1 to i32
    %cond3A = arith.constant 0 : i32
    %cond3A_287 = arith.cmpi ne, %convert_element_type3A, %cond3A : i32
    scf.if %cond3A_287 {
      %jit3A_293 = arith.constant 8 : i32
      %div3A_294 = arith.divsi %arg1, %jit3A_293 : i32
      %sign3A_295 = arith.constant 0 : i32
      %sign3A_296 = arith.cmpi sgt, %arg1, %sign3A_295 : i32
      %sign3A_297 = arith.extui %sign3A_296 : i1 to i32
      %sign3A_298 = arith.constant 0 : i32
      %sign3A_299 = arith.cmpi slt, %arg1, %sign3A_298 : i32
      %sign3A_300 = arith.extui %sign3A_299 : i1 to i32
      %sign3A_301 = arith.subi %sign3A_297, %sign3A_300 : i32
      %sign3A_302 = arith.constant 0 : i32
      %sign3A_303 = arith.cmpi sgt, %jit3A_293, %sign3A_302 : i32
      %sign3A_304 = arith.extui %sign3A_303 : i1 to i32
      %sign3A_305 = arith.constant 0 : i32
      %sign3A_306 = arith.cmpi slt, %jit3A_293, %sign3A_305 : i32
      %sign3A_307 = arith.extui %sign3A_306 : i1 to i32
      %sign3A_308 = arith.subi %sign3A_304, %sign3A_307 : i32
      %ne3A_309 = arith.cmpi ne, %sign3A_301, %sign3A_308 : i32
      %rem3A_310 = arith.remsi %arg1, %jit3A_293 : i32
      %ne3A_311 = arith.constant 0 : i32
      %ne3A_312 = arith.cmpi ne, %rem3A_310, %ne3A_311 : i32
      %and3A_313 = arith.andi %ne3A_309, %ne3A_312 : i1
      %sub3A_314 = arith.constant 1 : i32
      %sub3A_315 = arith.subi %div3A_294, %sub3A_314 : i32
      %select_n3A_316 = arith.select %and3A_313, %sub3A_315, %div3A_294 : i32
      %mul3A_317 = arith.constant 128 : i32
      %mul3A_318 = arith.muli %select_n3A_316, %mul3A_317 : i32
      %multiple_of3A = tpu.assume_multiple %mul3A_318, 128 : i32
      %get3A_319 = arith.constant 0 : index
      %get3A_320 = arith.constant 0 : index
      %get3A_321 = vector.load %arg7[%get3A_319, %get3A_320] : memref<1024x128xf32, #tpu.memory_space<vmem>>, vector<1024x128xf32>
      %swap3A_322 = arith.constant 0 : index
      %swap3A_323 = arith.constant 0 : index
      %swap3A_324 = arith.index_cast %multiple_of3A : i32 to index
      %swap3A_325 = vector.load %arg6[%swap3A_322, %swap3A_323, %swap3A_324] : memref<1x1024x896xf32, #tpu.memory_space<vmem>>, vector<1x1024x128xf32>
      %swap3A_326 = vector.shape_cast %swap3A_325 : vector<1x1024x128xf32> to vector<1024x128xf32>
      %swap3A_327 = vector.shape_cast %get3A_321 : vector<1024x128xf32> to vector<1x1024x128xf32>
      tpu.vector_store %arg6[%swap3A_322, %swap3A_323, %swap3A_324], %swap3A_327 {strides = array<i32>} : memref<1x1024x896xf32, #tpu.memory_space<vmem>>, vector<1x1024x128xf32>,
    } else {
    }
    %eq3A_288 = arith.constant 48 : i32
    %eq3A_289 = arith.cmpi eq, %arg1, %eq3A_288 : i32
    %convert_element_type3A_290 = arith.extui %eq3A_289 : i1 to i32
    %cond3A_291 = arith.constant 0 : i32
    %cond3A_292 = arith.cmpi ne, %convert_element_type3A_290, %cond3A_291 : i32
    scf.if %cond3A_292 {
      %jit3A_293 = arith.constant 8 : i32
      %div3A_294 = arith.divsi %arg1, %jit3A_293 : i32
      %sign3A_295 = arith.constant 0 : i32
      %sign3A_296 = arith.cmpi sgt, %arg1, %sign3A_295 : i32
      %sign3A_297 = arith.extui %sign3A_296 : i1 to i32
      %sign3A_298 = arith.constant 0 : i32
      %sign3A_299 = arith.cmpi slt, %arg1, %sign3A_298 : i32
      %sign3A_300 = arith.extui %sign3A_299 : i1 to i32
      %sign3A_301 = arith.subi %sign3A_297, %sign3A_300 : i32
      %sign3A_302 = arith.constant 0 : i32
      %sign3A_303 = arith.cmpi sgt, %jit3A_293, %sign3A_302 : i32
      %sign3A_304 = arith.extui %sign3A_303 : i1 to i32
      %sign3A_305 = arith.constant 0 : i32
      %sign3A_306 = arith.cmpi slt, %jit3A_293, %sign3A_305 : i32
      %sign3A_307 = arith.extui %sign3A_306 : i1 to i32
      %sign3A_308 = arith.subi %sign3A_304, %sign3A_307 : i32
      %ne3A_309 = arith.cmpi ne, %sign3A_301, %sign3A_308 : i32
      %rem3A_310 = arith.remsi %arg1, %jit3A_293 : i32
      %ne3A_311 = arith.constant 0 : i32
      %ne3A_312 = arith.cmpi ne, %rem3A_310, %ne3A_311 : i32
      %and3A_313 = arith.andi %ne3A_309, %ne3A_312 : i1
      %sub3A_314 = arith.constant 1 : i32
      %sub3A_315 = arith.subi %div3A_294, %sub3A_314 : i32
      %select_n3A_316 = arith.select %and3A_313, %sub3A_315, %div3A_294 : i32
      %mul3A_317 = arith.constant 128 : i32
      %mul3A_318 = arith.muli %select_n3A_316, %mul3A_317 : i32
      %multiple_of3A = tpu.assume_multiple %mul3A_318, 128 : i32
      %iota3A_319 = tpu.iota {dimensions = array<i32: 1>} : vector<1024x128xi32>
      %jit3A_320 = arith.constant 16 : i32
      %div3A_321 = vector.broadcast %jit3A_320 : i32 to vector<1024x128xi32>
      %div3A_322 = arith.divsi %iota3A_319, %div3A_321 : vector<1024x128xi32>
      %sign3A_323 = arith.constant 0 : i32
      %sign3A_324 = vector.broadcast %sign3A_323 : i32 to vector<1024x128xi32>
      %sign3A_325 = arith.cmpi sgt, %iota3A_319, %sign3A_324 : vector<1024x128xi32>
      %sign3A_326 = arith.extui %sign3A_325 : vector<1024x128xi1> to vector<1024x128xi32>
      %sign3A_327 = arith.constant 0 : i32
      %sign3A_328 = vector.broadcast %sign3A_327 : i32 to vector<1024x128xi32>
      %sign3A_329 = arith.cmpi slt, %iota3A_319, %sign3A_328 : vector<1024x128xi32>
      %sign3A_330 = arith.extui %sign3A_329 : vector<1024x128xi1> to vector<1024x128xi32>
      %sign3A_331 = arith.subi %sign3A_326, %sign3A_330 : vector<1024x128xi32>
      %sign3A_332 = arith.constant 0 : i32
      %sign3A_333 = arith.cmpi sgt, %jit3A_320, %sign3A_332 : i32
      %sign3A_334 = arith.extui %sign3A_333 : i1 to i32
      %sign3A_335 = arith.constant 0 : i32
      %sign3A_336 = arith.cmpi slt, %jit3A_320, %sign3A_335 : i32
      %sign3A_337 = arith.extui %sign3A_336 : i1 to i32
      %sign3A_338 = arith.subi %sign3A_334, %sign3A_337 : i32
      %ne3A_339 = vector.broadcast %sign3A_338 : i32 to vector<1024x128xi32>
      %ne3A_340 = arith.cmpi ne, %sign3A_331, %ne3A_339 : vector<1024x128xi32>
      %rem3A_341 = vector.broadcast %jit3A_320 : i32 to vector<1024x128xi32>
      %rem3A_342 = arith.remsi %iota3A_319, %rem3A_341 : vector<1024x128xi32>
      %ne3A_343 = arith.constant 0 : i32
      %ne3A_344 = vector.broadcast %ne3A_343 : i32 to vector<1024x128xi32>
      %ne3A_345 = arith.cmpi ne, %rem3A_342, %ne3A_344 : vector<1024x128xi32>
      %and3A_346 = arith.andi %ne3A_340, %ne3A_345 : vector<1024x128xi1>
      %sub3A_347 = arith.constant 1 : i32
      %sub3A_348 = vector.broadcast %sub3A_347 : i32 to vector<1024x128xi32>
      %sub3A_349 = arith.subi %div3A_322, %sub3A_348 : vector<1024x128xi32>
      %select_n3A_350 = arith.select %and3A_346, %sub3A_349, %div3A_322 : vector<1024x128xi1>, vector<1024x128xi32>
      %jit3A_351 = arith.constant 8 : i32
      %eq3A_352 = arith.constant 0 : i32
      %eq3A_353 = arith.cmpi eq, %jit3A_351, %eq3A_352 : i32
      %jit3A_354 = arith.constant 1 : i32
      %select_n3A_355 = arith.select %eq3A_353, %jit3A_354, %jit3A_351 : i32
      %rem3A_356 = arith.remsi %arg1, %select_n3A_355 : i32
      %ne3A_357 = arith.constant 0 : i32
      %ne3A_358 = arith.cmpi ne, %rem3A_356, %ne3A_357 : i32
      %lt3A_359 = arith.constant 0 : i32
      %lt3A_360 = arith.cmpi slt, %rem3A_356, %lt3A_359 : i32
      %lt3A_361 = arith.constant 0 : i32
      %lt3A_362 = arith.cmpi slt, %select_n3A_355, %lt3A_361 : i32
      %ne3A_363 = arith.xori %lt3A_360, %lt3A_362 : i1
      %and3A_364 = arith.andi %ne3A_363, %ne3A_358 : i1
      %add3A_365 = arith.addi %rem3A_356, %select_n3A_355 : i32
      %select_n3A_366 = arith.select %and3A_364, %add3A_365, %rem3A_356 : i32
      %gt3A = vector.broadcast %select_n3A_366 : i32 to vector<1024x128xi32>
      %gt3A_367 = arith.cmpi sgt, %select_n3A_350, %gt3A : vector<1024x128xi32>
      %get3A_368 = arith.constant 0 : index
      %get3A_369 = arith.constant 0 : index
      %get3A_370 = vector.load %arg7[%get3A_368, %get3A_369] : memref<1024x128xf32, #tpu.memory_space<vmem>>, vector<1024x128xf32>
      %jit3A_371 = arith.constant 1.000000e+10 : f32
      %broadcast_in_dim3A_372 = vector.broadcast %jit3A_371 : f32 to vector<1024x128xf32>
      %select_n3A_373 = arith.select %gt3A_367, %broadcast_in_dim3A_372, %get3A_370 : vector<1024x128xi1>, vector<1024x128xf32>
      %swap3A_374 = arith.constant 0 : index
      %swap3A_375 = arith.constant 0 : index
      %swap3A_376 = arith.index_cast %multiple_of3A : i32 to index
      %swap3A_377 = vector.load %arg6[%swap3A_374, %swap3A_375, %swap3A_376] : memref<1x1024x896xf32, #tpu.memory_space<vmem>>, vector<1x1024x128xf32>
      %swap3A_378 = vector.shape_cast %swap3A_377 : vector<1x1024x128xf32> to vector<1024x128xf32>
      %swap3A_379 = vector.shape_cast %select_n3A_373 : vector<1024x128xf32> to vector<1x1024x128xf32>
      tpu.vector_store %arg6[%swap3A_374, %swap3A_375, %swap3A_376], %swap3A_379 {strides = array<i32>} : memref<1x1024x896xf32, #tpu.memory_space<vmem>>, vector<1x1024x128xf32>,
    } else {
    }
    return
  }
  func.func @transform_0(%arg0: i32, %arg1: i32) -> (i32, i32) {
    %c0_i32 = arith.constant 0 : i32
    %c0_i32_0 = arith.constant 0 : i32
    %c0_i32_1 = arith.constant 0 : i32
    return %c0_i32, %c0_i32_0 : i32, i32
  }
  func.func @transform_1(%arg0: i32, %arg1: i32) -> (i32, i32) {
    %c0_i32 = arith.constant 0 : i32
    %c0_i32_0 = arith.constant 0 : i32
    %c0_i32_1 = arith.constant 0 : i32
    return %c0_i32, %c0_i32_0 : i32, i32
  }
  func.func @transform_2(%arg0: i32, %arg1: i32) -> (i32, i32, i32) {
    %c0_i32 = arith.constant 0 : i32
    %c0_i32_0 = arith.constant 0 : i32
    return %arg0, %arg1, %c0_i32 : i32, i32, i32
  }
  func.func @transform_3(%arg0: i32, %arg1: i32) -> (i32, i32, i32, i32) {
    %c0_i32 = arith.constant 0 : i32
    %c0_i32_0 = arith.constant 0 : i32
    %c0_i32_1 = arith.constant 0 : i32
    return %arg0, %arg1, %c0_i32, %c0_i32_0 : i32, i32, i32, i32
  }
  func.func @transform_4(%arg0: i32, %arg1: i32) -> (i32, i32, i32) {
    %c0_i32 = arith.constant 0 : i32
    %c0_i32_0 = arith.constant 0 : i32
    %c0_i32_1 = arith.constant 0 : i32
    return %arg0, %c0_i32, %c0_i32_0 : i32, i32, i32
  }
}

module attributes {stable_mosaic.version = 14 : i64} {
  func.func @_tau_body(%arg0: i32, %arg1: memref<1x1024x896xf32, #tpu.memory_space<vmem>>, %arg2: memref<1x1024x16xf32, #tpu.memory_space<vmem>>) attributes {dimension_semantics = [#tpu.dimension_semantics<parallel>], iteration_bounds = array<i64: 8>, scalar_prefetch = 0 : i64, scratch_operands = 0 : i64, tpu.core_type = #tpu.core_type<tc>, window_params = [{transform_indices = @transform_0, window_bounds = array<i64: 1, 1024, 896>}, {transform_indices = @transform_1, window_bounds = array<i64: 1, 1024, 16>}]} {
    %get3A = arith.constant 0 : index
    %get3A_0 = arith.constant 0 : index
    %get3A_1 = arith.constant 0 : index
    %get3A_2 = vector.load %arg1[%get3A, %get3A_0, %get3A_1] : memref<1x1024x896xf32, #tpu.memory_space<vmem>>, vector<1x1024x896xf32>
    %get3A_3 = vector.shape_cast %get3A_2 : vector<1x1024x896xf32> to vector<1024x896xf32>
    %bitcast_convert_type3A = tpu.bitcast %get3A_3 : vector<1024x896xf32> -> vector<1024x896xi32>
    %lt3A = arith.constant 0 : i32
    %lt3A_4 = vector.broadcast %lt3A : i32 to vector<1024x896xi32>
    %lt3A_5 = arith.cmpi slt, %bitcast_convert_type3A, %lt3A_4 : vector<1024x896xi32>
    %xor3A = arith.constant 2147483647 : i32
    %xor3A_6 = vector.broadcast %xor3A : i32 to vector<1024x896xi32>
    %xor3A_7 = arith.xori %bitcast_convert_type3A, %xor3A_6 : vector<1024x896xi32>
    %select_n3A = arith.select %lt3A_5, %xor3A_7, %bitcast_convert_type3A : vector<1024x896xi1>, vector<1024x896xi32>
    %broadcast_in_dim3A = arith.constant 0 : i32
    %broadcast_in_dim3A_8 = vector.broadcast %broadcast_in_dim3A : i32 to vector<1024x1xi32>
    %or3A = arith.constant -2147483648 : i32
    %or3A_9 = vector.broadcast %or3A : i32 to vector<1024x1xi32>
    %or3A_10 = arith.ori %broadcast_in_dim3A_8, %or3A_9 : vector<1024x1xi32>
    %xor3A_11 = arith.constant -2147483648 : i32
    %xor3A_12 = vector.broadcast %xor3A_11 : i32 to vector<1024x1xi32>
    %xor3A_13 = arith.xori %or3A_10, %xor3A_12 : vector<1024x1xi32>
    %lt3A_14 = vector.broadcast %xor3A_13 : vector<1024x1xi32> to vector<1024x896xi32>
    %lt3A_15 = arith.cmpi slt, %select_n3A, %lt3A_14 : vector<1024x896xi32>
    %convert_element_type3A = arith.extui %lt3A_15 : vector<1024x896xi1> to vector<1024x896xi32>
    %reduce_sum3A = arith.constant dense<0> : vector<1024xi32>
    %reduce_sum3A_16 = vector.multi_reduction <add>, %convert_element_type3A, %reduce_sum3A [1] : vector<1024x896xi32> to vector<1024xi32>
    %broadcast_in_dim3A_17 = vector.shape_cast %reduce_sum3A_16 : vector<1024xi32> to vector<1024x1xi32>
    %ge3A = arith.constant 50 : i32
    %ge3A_18 = vector.broadcast %ge3A : i32 to vector<1024x1xi32>
    %ge3A_19 = arith.cmpi sge, %broadcast_in_dim3A_17, %ge3A_18 : vector<1024x1xi32>
    %select_n3A_20 = arith.select %ge3A_19, %broadcast_in_dim3A_8, %or3A_10 : vector<1024x1xi1>, vector<1024x1xi32>
    %or3A_21 = arith.constant 1073741824 : i32
    %or3A_22 = vector.broadcast %or3A_21 : i32 to vector<1024x1xi32>
    %or3A_23 = arith.ori %select_n3A_20, %or3A_22 : vector<1024x1xi32>
    %xor3A_24 = arith.constant -2147483648 : i32
    %xor3A_25 = vector.broadcast %xor3A_24 : i32 to vector<1024x1xi32>
    %xor3A_26 = arith.xori %or3A_23, %xor3A_25 : vector<1024x1xi32>
    %lt3A_27 = vector.broadcast %xor3A_26 : vector<1024x1xi32> to vector<1024x896xi32>
    %lt3A_28 = arith.cmpi slt, %select_n3A, %lt3A_27 : vector<1024x896xi32>
    %convert_element_type3A_29 = arith.extui %lt3A_28 : vector<1024x896xi1> to vector<1024x896xi32>
    %reduce_sum3A_30 = arith.constant dense<0> : vector<1024xi32>
    %reduce_sum3A_31 = vector.multi_reduction <add>, %convert_element_type3A_29, %reduce_sum3A_30 [1] : vector<1024x896xi32> to vector<1024xi32>
    %broadcast_in_dim3A_32 = vector.shape_cast %reduce_sum3A_31 : vector<1024xi32> to vector<1024x1xi32>
    %ge3A_33 = arith.constant 50 : i32
    %ge3A_34 = vector.broadcast %ge3A_33 : i32 to vector<1024x1xi32>
    %ge3A_35 = arith.cmpi sge, %broadcast_in_dim3A_32, %ge3A_34 : vector<1024x1xi32>
    %select_n3A_36 = arith.select %ge3A_35, %select_n3A_20, %or3A_23 : vector<1024x1xi1>, vector<1024x1xi32>
    %or3A_37 = arith.constant 536870912 : i32
    %or3A_38 = vector.broadcast %or3A_37 : i32 to vector<1024x1xi32>
    %or3A_39 = arith.ori %select_n3A_36, %or3A_38 : vector<1024x1xi32>
    %xor3A_40 = arith.constant -2147483648 : i32
    %xor3A_41 = vector.broadcast %xor3A_40 : i32 to vector<1024x1xi32>
    %xor3A_42 = arith.xori %or3A_39, %xor3A_41 : vector<1024x1xi32>
    %lt3A_43 = vector.broadcast %xor3A_42 : vector<1024x1xi32> to vector<1024x896xi32>
    %lt3A_44 = arith.cmpi slt, %select_n3A, %lt3A_43 : vector<1024x896xi32>
    %convert_element_type3A_45 = arith.extui %lt3A_44 : vector<1024x896xi1> to vector<1024x896xi32>
    %reduce_sum3A_46 = arith.constant dense<0> : vector<1024xi32>
    %reduce_sum3A_47 = vector.multi_reduction <add>, %convert_element_type3A_45, %reduce_sum3A_46 [1] : vector<1024x896xi32> to vector<1024xi32>
    %broadcast_in_dim3A_48 = vector.shape_cast %reduce_sum3A_47 : vector<1024xi32> to vector<1024x1xi32>
    %ge3A_49 = arith.constant 50 : i32
    %ge3A_50 = vector.broadcast %ge3A_49 : i32 to vector<1024x1xi32>
    %ge3A_51 = arith.cmpi sge, %broadcast_in_dim3A_48, %ge3A_50 : vector<1024x1xi32>
    %select_n3A_52 = arith.select %ge3A_51, %select_n3A_36, %or3A_39 : vector<1024x1xi1>, vector<1024x1xi32>
    %or3A_53 = arith.constant 268435456 : i32
    %or3A_54 = vector.broadcast %or3A_53 : i32 to vector<1024x1xi32>
    %or3A_55 = arith.ori %select_n3A_52, %or3A_54 : vector<1024x1xi32>
    %xor3A_56 = arith.constant -2147483648 : i32
    %xor3A_57 = vector.broadcast %xor3A_56 : i32 to vector<1024x1xi32>
    %xor3A_58 = arith.xori %or3A_55, %xor3A_57 : vector<1024x1xi32>
    %lt3A_59 = vector.broadcast %xor3A_58 : vector<1024x1xi32> to vector<1024x896xi32>
    %lt3A_60 = arith.cmpi slt, %select_n3A, %lt3A_59 : vector<1024x896xi32>
    %convert_element_type3A_61 = arith.extui %lt3A_60 : vector<1024x896xi1> to vector<1024x896xi32>
    %reduce_sum3A_62 = arith.constant dense<0> : vector<1024xi32>
    %reduce_sum3A_63 = vector.multi_reduction <add>, %convert_element_type3A_61, %reduce_sum3A_62 [1] : vector<1024x896xi32> to vector<1024xi32>
    %broadcast_in_dim3A_64 = vector.shape_cast %reduce_sum3A_63 : vector<1024xi32> to vector<1024x1xi32>
    %ge3A_65 = arith.constant 50 : i32
    %ge3A_66 = vector.broadcast %ge3A_65 : i32 to vector<1024x1xi32>
    %ge3A_67 = arith.cmpi sge, %broadcast_in_dim3A_64, %ge3A_66 : vector<1024x1xi32>
    %select_n3A_68 = arith.select %ge3A_67, %select_n3A_52, %or3A_55 : vector<1024x1xi1>, vector<1024x1xi32>
    %or3A_69 = arith.constant 134217728 : i32
    %or3A_70 = vector.broadcast %or3A_69 : i32 to vector<1024x1xi32>
    %or3A_71 = arith.ori %select_n3A_68, %or3A_70 : vector<1024x1xi32>
    %xor3A_72 = arith.constant -2147483648 : i32
    %xor3A_73 = vector.broadcast %xor3A_72 : i32 to vector<1024x1xi32>
    %xor3A_74 = arith.xori %or3A_71, %xor3A_73 : vector<1024x1xi32>
    %lt3A_75 = vector.broadcast %xor3A_74 : vector<1024x1xi32> to vector<1024x896xi32>
    %lt3A_76 = arith.cmpi slt, %select_n3A, %lt3A_75 : vector<1024x896xi32>
    %convert_element_type3A_77 = arith.extui %lt3A_76 : vector<1024x896xi1> to vector<1024x896xi32>
    %reduce_sum3A_78 = arith.constant dense<0> : vector<1024xi32>
    %reduce_sum3A_79 = vector.multi_reduction <add>, %convert_element_type3A_77, %reduce_sum3A_78 [1] : vector<1024x896xi32> to vector<1024xi32>
    %broadcast_in_dim3A_80 = vector.shape_cast %reduce_sum3A_79 : vector<1024xi32> to vector<1024x1xi32>
    %ge3A_81 = arith.constant 50 : i32
    %ge3A_82 = vector.broadcast %ge3A_81 : i32 to vector<1024x1xi32>
    %ge3A_83 = arith.cmpi sge, %broadcast_in_dim3A_80, %ge3A_82 : vector<1024x1xi32>
    %select_n3A_84 = arith.select %ge3A_83, %select_n3A_68, %or3A_71 : vector<1024x1xi1>, vector<1024x1xi32>
    %or3A_85 = arith.constant 67108864 : i32
    %or3A_86 = vector.broadcast %or3A_85 : i32 to vector<1024x1xi32>
    %or3A_87 = arith.ori %select_n3A_84, %or3A_86 : vector<1024x1xi32>
    %xor3A_88 = arith.constant -2147483648 : i32
    %xor3A_89 = vector.broadcast %xor3A_88 : i32 to vector<1024x1xi32>
    %xor3A_90 = arith.xori %or3A_87, %xor3A_89 : vector<1024x1xi32>
    %lt3A_91 = vector.broadcast %xor3A_90 : vector<1024x1xi32> to vector<1024x896xi32>
    %lt3A_92 = arith.cmpi slt, %select_n3A, %lt3A_91 : vector<1024x896xi32>
    %convert_element_type3A_93 = arith.extui %lt3A_92 : vector<1024x896xi1> to vector<1024x896xi32>
    %reduce_sum3A_94 = arith.constant dense<0> : vector<1024xi32>
    %reduce_sum3A_95 = vector.multi_reduction <add>, %convert_element_type3A_93, %reduce_sum3A_94 [1] : vector<1024x896xi32> to vector<1024xi32>
    %broadcast_in_dim3A_96 = vector.shape_cast %reduce_sum3A_95 : vector<1024xi32> to vector<1024x1xi32>
    %ge3A_97 = arith.constant 50 : i32
    %ge3A_98 = vector.broadcast %ge3A_97 : i32 to vector<1024x1xi32>
    %ge3A_99 = arith.cmpi sge, %broadcast_in_dim3A_96, %ge3A_98 : vector<1024x1xi32>
    %select_n3A_100 = arith.select %ge3A_99, %select_n3A_84, %or3A_87 : vector<1024x1xi1>, vector<1024x1xi32>
    %or3A_101 = arith.constant 33554432 : i32
    %or3A_102 = vector.broadcast %or3A_101 : i32 to vector<1024x1xi32>
    %or3A_103 = arith.ori %select_n3A_100, %or3A_102 : vector<1024x1xi32>
    %xor3A_104 = arith.constant -2147483648 : i32
    %xor3A_105 = vector.broadcast %xor3A_104 : i32 to vector<1024x1xi32>
    %xor3A_106 = arith.xori %or3A_103, %xor3A_105 : vector<1024x1xi32>
    %lt3A_107 = vector.broadcast %xor3A_106 : vector<1024x1xi32> to vector<1024x896xi32>
    %lt3A_108 = arith.cmpi slt, %select_n3A, %lt3A_107 : vector<1024x896xi32>
    %convert_element_type3A_109 = arith.extui %lt3A_108 : vector<1024x896xi1> to vector<1024x896xi32>
    %reduce_sum3A_110 = arith.constant dense<0> : vector<1024xi32>
    %reduce_sum3A_111 = vector.multi_reduction <add>, %convert_element_type3A_109, %reduce_sum3A_110 [1] : vector<1024x896xi32> to vector<1024xi32>
    %broadcast_in_dim3A_112 = vector.shape_cast %reduce_sum3A_111 : vector<1024xi32> to vector<1024x1xi32>
    %ge3A_113 = arith.constant 50 : i32
    %ge3A_114 = vector.broadcast %ge3A_113 : i32 to vector<1024x1xi32>
    %ge3A_115 = arith.cmpi sge, %broadcast_in_dim3A_112, %ge3A_114 : vector<1024x1xi32>
    %select_n3A_116 = arith.select %ge3A_115, %select_n3A_100, %or3A_103 : vector<1024x1xi1>, vector<1024x1xi32>
    %or3A_117 = arith.constant 16777216 : i32
    %or3A_118 = vector.broadcast %or3A_117 : i32 to vector<1024x1xi32>
    %or3A_119 = arith.ori %select_n3A_116, %or3A_118 : vector<1024x1xi32>
    %xor3A_120 = arith.constant -2147483648 : i32
    %xor3A_121 = vector.broadcast %xor3A_120 : i32 to vector<1024x1xi32>
    %xor3A_122 = arith.xori %or3A_119, %xor3A_121 : vector<1024x1xi32>
    %lt3A_123 = vector.broadcast %xor3A_122 : vector<1024x1xi32> to vector<1024x896xi32>
    %lt3A_124 = arith.cmpi slt, %select_n3A, %lt3A_123 : vector<1024x896xi32>
    %convert_element_type3A_125 = arith.extui %lt3A_124 : vector<1024x896xi1> to vector<1024x896xi32>
    %reduce_sum3A_126 = arith.constant dense<0> : vector<1024xi32>
    %reduce_sum3A_127 = vector.multi_reduction <add>, %convert_element_type3A_125, %reduce_sum3A_126 [1] : vector<1024x896xi32> to vector<1024xi32>
    %broadcast_in_dim3A_128 = vector.shape_cast %reduce_sum3A_127 : vector<1024xi32> to vector<1024x1xi32>
    %ge3A_129 = arith.constant 50 : i32
    %ge3A_130 = vector.broadcast %ge3A_129 : i32 to vector<1024x1xi32>
    %ge3A_131 = arith.cmpi sge, %broadcast_in_dim3A_128, %ge3A_130 : vector<1024x1xi32>
    %select_n3A_132 = arith.select %ge3A_131, %select_n3A_116, %or3A_119 : vector<1024x1xi1>, vector<1024x1xi32>
    %or3A_133 = arith.constant 8388608 : i32
    %or3A_134 = vector.broadcast %or3A_133 : i32 to vector<1024x1xi32>
    %or3A_135 = arith.ori %select_n3A_132, %or3A_134 : vector<1024x1xi32>
    %xor3A_136 = arith.constant -2147483648 : i32
    %xor3A_137 = vector.broadcast %xor3A_136 : i32 to vector<1024x1xi32>
    %xor3A_138 = arith.xori %or3A_135, %xor3A_137 : vector<1024x1xi32>
    %lt3A_139 = vector.broadcast %xor3A_138 : vector<1024x1xi32> to vector<1024x896xi32>
    %lt3A_140 = arith.cmpi slt, %select_n3A, %lt3A_139 : vector<1024x896xi32>
    %convert_element_type3A_141 = arith.extui %lt3A_140 : vector<1024x896xi1> to vector<1024x896xi32>
    %reduce_sum3A_142 = arith.constant dense<0> : vector<1024xi32>
    %reduce_sum3A_143 = vector.multi_reduction <add>, %convert_element_type3A_141, %reduce_sum3A_142 [1] : vector<1024x896xi32> to vector<1024xi32>
    %broadcast_in_dim3A_144 = vector.shape_cast %reduce_sum3A_143 : vector<1024xi32> to vector<1024x1xi32>
    %ge3A_145 = arith.constant 50 : i32
    %ge3A_146 = vector.broadcast %ge3A_145 : i32 to vector<1024x1xi32>
    %ge3A_147 = arith.cmpi sge, %broadcast_in_dim3A_144, %ge3A_146 : vector<1024x1xi32>
    %select_n3A_148 = arith.select %ge3A_147, %select_n3A_132, %or3A_135 : vector<1024x1xi1>, vector<1024x1xi32>
    %or3A_149 = arith.constant 4194304 : i32
    %or3A_150 = vector.broadcast %or3A_149 : i32 to vector<1024x1xi32>
    %or3A_151 = arith.ori %select_n3A_148, %or3A_150 : vector<1024x1xi32>
    %xor3A_152 = arith.constant -2147483648 : i32
    %xor3A_153 = vector.broadcast %xor3A_152 : i32 to vector<1024x1xi32>
    %xor3A_154 = arith.xori %or3A_151, %xor3A_153 : vector<1024x1xi32>
    %lt3A_155 = vector.broadcast %xor3A_154 : vector<1024x1xi32> to vector<1024x896xi32>
    %lt3A_156 = arith.cmpi slt, %select_n3A, %lt3A_155 : vector<1024x896xi32>
    %convert_element_type3A_157 = arith.extui %lt3A_156 : vector<1024x896xi1> to vector<1024x896xi32>
    %reduce_sum3A_158 = arith.constant dense<0> : vector<1024xi32>
    %reduce_sum3A_159 = vector.multi_reduction <add>, %convert_element_type3A_157, %reduce_sum3A_158 [1] : vector<1024x896xi32> to vector<1024xi32>
    %broadcast_in_dim3A_160 = vector.shape_cast %reduce_sum3A_159 : vector<1024xi32> to vector<1024x1xi32>
    %ge3A_161 = arith.constant 50 : i32
    %ge3A_162 = vector.broadcast %ge3A_161 : i32 to vector<1024x1xi32>
    %ge3A_163 = arith.cmpi sge, %broadcast_in_dim3A_160, %ge3A_162 : vector<1024x1xi32>
    %select_n3A_164 = arith.select %ge3A_163, %select_n3A_148, %or3A_151 : vector<1024x1xi1>, vector<1024x1xi32>
    %or3A_165 = arith.constant 2097152 : i32
    %or3A_166 = vector.broadcast %or3A_165 : i32 to vector<1024x1xi32>
    %or3A_167 = arith.ori %select_n3A_164, %or3A_166 : vector<1024x1xi32>
    %xor3A_168 = arith.constant -2147483648 : i32
    %xor3A_169 = vector.broadcast %xor3A_168 : i32 to vector<1024x1xi32>
    %xor3A_170 = arith.xori %or3A_167, %xor3A_169 : vector<1024x1xi32>
    %lt3A_171 = vector.broadcast %xor3A_170 : vector<1024x1xi32> to vector<1024x896xi32>
    %lt3A_172 = arith.cmpi slt, %select_n3A, %lt3A_171 : vector<1024x896xi32>
    %convert_element_type3A_173 = arith.extui %lt3A_172 : vector<1024x896xi1> to vector<1024x896xi32>
    %reduce_sum3A_174 = arith.constant dense<0> : vector<1024xi32>
    %reduce_sum3A_175 = vector.multi_reduction <add>, %convert_element_type3A_173, %reduce_sum3A_174 [1] : vector<1024x896xi32> to vector<1024xi32>
    %broadcast_in_dim3A_176 = vector.shape_cast %reduce_sum3A_175 : vector<1024xi32> to vector<1024x1xi32>
    %ge3A_177 = arith.constant 50 : i32
    %ge3A_178 = vector.broadcast %ge3A_177 : i32 to vector<1024x1xi32>
    %ge3A_179 = arith.cmpi sge, %broadcast_in_dim3A_176, %ge3A_178 : vector<1024x1xi32>
    %select_n3A_180 = arith.select %ge3A_179, %select_n3A_164, %or3A_167 : vector<1024x1xi1>, vector<1024x1xi32>
    %or3A_181 = arith.constant 1048576 : i32
    %or3A_182 = vector.broadcast %or3A_181 : i32 to vector<1024x1xi32>
    %or3A_183 = arith.ori %select_n3A_180, %or3A_182 : vector<1024x1xi32>
    %xor3A_184 = arith.constant -2147483648 : i32
    %xor3A_185 = vector.broadcast %xor3A_184 : i32 to vector<1024x1xi32>
    %xor3A_186 = arith.xori %or3A_183, %xor3A_185 : vector<1024x1xi32>
    %lt3A_187 = vector.broadcast %xor3A_186 : vector<1024x1xi32> to vector<1024x896xi32>
    %lt3A_188 = arith.cmpi slt, %select_n3A, %lt3A_187 : vector<1024x896xi32>
    %convert_element_type3A_189 = arith.extui %lt3A_188 : vector<1024x896xi1> to vector<1024x896xi32>
    %reduce_sum3A_190 = arith.constant dense<0> : vector<1024xi32>
    %reduce_sum3A_191 = vector.multi_reduction <add>, %convert_element_type3A_189, %reduce_sum3A_190 [1] : vector<1024x896xi32> to vector<1024xi32>
    %broadcast_in_dim3A_192 = vector.shape_cast %reduce_sum3A_191 : vector<1024xi32> to vector<1024x1xi32>
    %ge3A_193 = arith.constant 50 : i32
    %ge3A_194 = vector.broadcast %ge3A_193 : i32 to vector<1024x1xi32>
    %ge3A_195 = arith.cmpi sge, %broadcast_in_dim3A_192, %ge3A_194 : vector<1024x1xi32>
    %select_n3A_196 = arith.select %ge3A_195, %select_n3A_180, %or3A_183 : vector<1024x1xi1>, vector<1024x1xi32>
    %or3A_197 = arith.constant 524288 : i32
    %or3A_198 = vector.broadcast %or3A_197 : i32 to vector<1024x1xi32>
    %or3A_199 = arith.ori %select_n3A_196, %or3A_198 : vector<1024x1xi32>
    %xor3A_200 = arith.constant -2147483648 : i32
    %xor3A_201 = vector.broadcast %xor3A_200 : i32 to vector<1024x1xi32>
    %xor3A_202 = arith.xori %or3A_199, %xor3A_201 : vector<1024x1xi32>
    %lt3A_203 = vector.broadcast %xor3A_202 : vector<1024x1xi32> to vector<1024x896xi32>
    %lt3A_204 = arith.cmpi slt, %select_n3A, %lt3A_203 : vector<1024x896xi32>
    %convert_element_type3A_205 = arith.extui %lt3A_204 : vector<1024x896xi1> to vector<1024x896xi32>
    %reduce_sum3A_206 = arith.constant dense<0> : vector<1024xi32>
    %reduce_sum3A_207 = vector.multi_reduction <add>, %convert_element_type3A_205, %reduce_sum3A_206 [1] : vector<1024x896xi32> to vector<1024xi32>
    %broadcast_in_dim3A_208 = vector.shape_cast %reduce_sum3A_207 : vector<1024xi32> to vector<1024x1xi32>
    %ge3A_209 = arith.constant 50 : i32
    %ge3A_210 = vector.broadcast %ge3A_209 : i32 to vector<1024x1xi32>
    %ge3A_211 = arith.cmpi sge, %broadcast_in_dim3A_208, %ge3A_210 : vector<1024x1xi32>
    %select_n3A_212 = arith.select %ge3A_211, %select_n3A_196, %or3A_199 : vector<1024x1xi1>, vector<1024x1xi32>
    %or3A_213 = arith.constant 262144 : i32
    %or3A_214 = vector.broadcast %or3A_213 : i32 to vector<1024x1xi32>
    %or3A_215 = arith.ori %select_n3A_212, %or3A_214 : vector<1024x1xi32>
    %xor3A_216 = arith.constant -2147483648 : i32
    %xor3A_217 = vector.broadcast %xor3A_216 : i32 to vector<1024x1xi32>
    %xor3A_218 = arith.xori %or3A_215, %xor3A_217 : vector<1024x1xi32>
    %lt3A_219 = vector.broadcast %xor3A_218 : vector<1024x1xi32> to vector<1024x896xi32>
    %lt3A_220 = arith.cmpi slt, %select_n3A, %lt3A_219 : vector<1024x896xi32>
    %convert_element_type3A_221 = arith.extui %lt3A_220 : vector<1024x896xi1> to vector<1024x896xi32>
    %reduce_sum3A_222 = arith.constant dense<0> : vector<1024xi32>
    %reduce_sum3A_223 = vector.multi_reduction <add>, %convert_element_type3A_221, %reduce_sum3A_222 [1] : vector<1024x896xi32> to vector<1024xi32>
    %broadcast_in_dim3A_224 = vector.shape_cast %reduce_sum3A_223 : vector<1024xi32> to vector<1024x1xi32>
    %ge3A_225 = arith.constant 50 : i32
    %ge3A_226 = vector.broadcast %ge3A_225 : i32 to vector<1024x1xi32>
    %ge3A_227 = arith.cmpi sge, %broadcast_in_dim3A_224, %ge3A_226 : vector<1024x1xi32>
    %select_n3A_228 = arith.select %ge3A_227, %select_n3A_212, %or3A_215 : vector<1024x1xi1>, vector<1024x1xi32>
    %or3A_229 = arith.constant 131072 : i32
    %or3A_230 = vector.broadcast %or3A_229 : i32 to vector<1024x1xi32>
    %or3A_231 = arith.ori %select_n3A_228, %or3A_230 : vector<1024x1xi32>
    %xor3A_232 = arith.constant -2147483648 : i32
    %xor3A_233 = vector.broadcast %xor3A_232 : i32 to vector<1024x1xi32>
    %xor3A_234 = arith.xori %or3A_231, %xor3A_233 : vector<1024x1xi32>
    %lt3A_235 = vector.broadcast %xor3A_234 : vector<1024x1xi32> to vector<1024x896xi32>
    %lt3A_236 = arith.cmpi slt, %select_n3A, %lt3A_235 : vector<1024x896xi32>
    %convert_element_type3A_237 = arith.extui %lt3A_236 : vector<1024x896xi1> to vector<1024x896xi32>
    %reduce_sum3A_238 = arith.constant dense<0> : vector<1024xi32>
    %reduce_sum3A_239 = vector.multi_reduction <add>, %convert_element_type3A_237, %reduce_sum3A_238 [1] : vector<1024x896xi32> to vector<1024xi32>
    %broadcast_in_dim3A_240 = vector.shape_cast %reduce_sum3A_239 : vector<1024xi32> to vector<1024x1xi32>
    %ge3A_241 = arith.constant 50 : i32
    %ge3A_242 = vector.broadcast %ge3A_241 : i32 to vector<1024x1xi32>
    %ge3A_243 = arith.cmpi sge, %broadcast_in_dim3A_240, %ge3A_242 : vector<1024x1xi32>
    %select_n3A_244 = arith.select %ge3A_243, %select_n3A_228, %or3A_231 : vector<1024x1xi1>, vector<1024x1xi32>
    %or3A_245 = arith.constant 65536 : i32
    %or3A_246 = vector.broadcast %or3A_245 : i32 to vector<1024x1xi32>
    %or3A_247 = arith.ori %select_n3A_244, %or3A_246 : vector<1024x1xi32>
    %xor3A_248 = arith.constant -2147483648 : i32
    %xor3A_249 = vector.broadcast %xor3A_248 : i32 to vector<1024x1xi32>
    %xor3A_250 = arith.xori %or3A_247, %xor3A_249 : vector<1024x1xi32>
    %lt3A_251 = vector.broadcast %xor3A_250 : vector<1024x1xi32> to vector<1024x896xi32>
    %lt3A_252 = arith.cmpi slt, %select_n3A, %lt3A_251 : vector<1024x896xi32>
    %convert_element_type3A_253 = arith.extui %lt3A_252 : vector<1024x896xi1> to vector<1024x896xi32>
    %reduce_sum3A_254 = arith.constant dense<0> : vector<1024xi32>
    %reduce_sum3A_255 = vector.multi_reduction <add>, %convert_element_type3A_253, %reduce_sum3A_254 [1] : vector<1024x896xi32> to vector<1024xi32>
    %broadcast_in_dim3A_256 = vector.shape_cast %reduce_sum3A_255 : vector<1024xi32> to vector<1024x1xi32>
    %ge3A_257 = arith.constant 50 : i32
    %ge3A_258 = vector.broadcast %ge3A_257 : i32 to vector<1024x1xi32>
    %ge3A_259 = arith.cmpi sge, %broadcast_in_dim3A_256, %ge3A_258 : vector<1024x1xi32>
    %select_n3A_260 = arith.select %ge3A_259, %select_n3A_244, %or3A_247 : vector<1024x1xi1>, vector<1024x1xi32>
    %or3A_261 = arith.constant 32768 : i32
    %or3A_262 = vector.broadcast %or3A_261 : i32 to vector<1024x1xi32>
    %or3A_263 = arith.ori %select_n3A_260, %or3A_262 : vector<1024x1xi32>
    %xor3A_264 = arith.constant -2147483648 : i32
    %xor3A_265 = vector.broadcast %xor3A_264 : i32 to vector<1024x1xi32>
    %xor3A_266 = arith.xori %or3A_263, %xor3A_265 : vector<1024x1xi32>
    %lt3A_267 = vector.broadcast %xor3A_266 : vector<1024x1xi32> to vector<1024x896xi32>
    %lt3A_268 = arith.cmpi slt, %select_n3A, %lt3A_267 : vector<1024x896xi32>
    %convert_element_type3A_269 = arith.extui %lt3A_268 : vector<1024x896xi1> to vector<1024x896xi32>
    %reduce_sum3A_270 = arith.constant dense<0> : vector<1024xi32>
    %reduce_sum3A_271 = vector.multi_reduction <add>, %convert_element_type3A_269, %reduce_sum3A_270 [1] : vector<1024x896xi32> to vector<1024xi32>
    %broadcast_in_dim3A_272 = vector.shape_cast %reduce_sum3A_271 : vector<1024xi32> to vector<1024x1xi32>
    %ge3A_273 = arith.constant 50 : i32
    %ge3A_274 = vector.broadcast %ge3A_273 : i32 to vector<1024x1xi32>
    %ge3A_275 = arith.cmpi sge, %broadcast_in_dim3A_272, %ge3A_274 : vector<1024x1xi32>
    %select_n3A_276 = arith.select %ge3A_275, %select_n3A_260, %or3A_263 : vector<1024x1xi1>, vector<1024x1xi32>
    %or3A_277 = arith.constant 16384 : i32
    %or3A_278 = vector.broadcast %or3A_277 : i32 to vector<1024x1xi32>
    %or3A_279 = arith.ori %select_n3A_276, %or3A_278 : vector<1024x1xi32>
    %xor3A_280 = arith.constant -2147483648 : i32
    %xor3A_281 = vector.broadcast %xor3A_280 : i32 to vector<1024x1xi32>
    %xor3A_282 = arith.xori %or3A_279, %xor3A_281 : vector<1024x1xi32>
    %lt3A_283 = vector.broadcast %xor3A_282 : vector<1024x1xi32> to vector<1024x896xi32>
    %lt3A_284 = arith.cmpi slt, %select_n3A, %lt3A_283 : vector<1024x896xi32>
    %convert_element_type3A_285 = arith.extui %lt3A_284 : vector<1024x896xi1> to vector<1024x896xi32>
    %reduce_sum3A_286 = arith.constant dense<0> : vector<1024xi32>
    %reduce_sum3A_287 = vector.multi_reduction <add>, %convert_element_type3A_285, %reduce_sum3A_286 [1] : vector<1024x896xi32> to vector<1024xi32>
    %broadcast_in_dim3A_288 = vector.shape_cast %reduce_sum3A_287 : vector<1024xi32> to vector<1024x1xi32>
    %ge3A_289 = arith.constant 50 : i32
    %ge3A_290 = vector.broadcast %ge3A_289 : i32 to vector<1024x1xi32>
    %ge3A_291 = arith.cmpi sge, %broadcast_in_dim3A_288, %ge3A_290 : vector<1024x1xi32>
    %select_n3A_292 = arith.select %ge3A_291, %select_n3A_276, %or3A_279 : vector<1024x1xi1>, vector<1024x1xi32>
    %or3A_293 = arith.constant 8192 : i32
    %or3A_294 = vector.broadcast %or3A_293 : i32 to vector<1024x1xi32>
    %or3A_295 = arith.ori %select_n3A_292, %or3A_294 : vector<1024x1xi32>
    %xor3A_296 = arith.constant -2147483648 : i32
    %xor3A_297 = vector.broadcast %xor3A_296 : i32 to vector<1024x1xi32>
    %xor3A_298 = arith.xori %or3A_295, %xor3A_297 : vector<1024x1xi32>
    %lt3A_299 = vector.broadcast %xor3A_298 : vector<1024x1xi32> to vector<1024x896xi32>
    %lt3A_300 = arith.cmpi slt, %select_n3A, %lt3A_299 : vector<1024x896xi32>
    %convert_element_type3A_301 = arith.extui %lt3A_300 : vector<1024x896xi1> to vector<1024x896xi32>
    %reduce_sum3A_302 = arith.constant dense<0> : vector<1024xi32>
    %reduce_sum3A_303 = vector.multi_reduction <add>, %convert_element_type3A_301, %reduce_sum3A_302 [1] : vector<1024x896xi32> to vector<1024xi32>
    %broadcast_in_dim3A_304 = vector.shape_cast %reduce_sum3A_303 : vector<1024xi32> to vector<1024x1xi32>
    %ge3A_305 = arith.constant 50 : i32
    %ge3A_306 = vector.broadcast %ge3A_305 : i32 to vector<1024x1xi32>
    %ge3A_307 = arith.cmpi sge, %broadcast_in_dim3A_304, %ge3A_306 : vector<1024x1xi32>
    %select_n3A_308 = arith.select %ge3A_307, %select_n3A_292, %or3A_295 : vector<1024x1xi1>, vector<1024x1xi32>
    %or3A_309 = arith.constant 4096 : i32
    %or3A_310 = vector.broadcast %or3A_309 : i32 to vector<1024x1xi32>
    %or3A_311 = arith.ori %select_n3A_308, %or3A_310 : vector<1024x1xi32>
    %xor3A_312 = arith.constant -2147483648 : i32
    %xor3A_313 = vector.broadcast %xor3A_312 : i32 to vector<1024x1xi32>
    %xor3A_314 = arith.xori %or3A_311, %xor3A_313 : vector<1024x1xi32>
    %lt3A_315 = vector.broadcast %xor3A_314 : vector<1024x1xi32> to vector<1024x896xi32>
    %lt3A_316 = arith.cmpi slt, %select_n3A, %lt3A_315 : vector<1024x896xi32>
    %convert_element_type3A_317 = arith.extui %lt3A_316 : vector<1024x896xi1> to vector<1024x896xi32>
    %reduce_sum3A_318 = arith.constant dense<0> : vector<1024xi32>
    %reduce_sum3A_319 = vector.multi_reduction <add>, %convert_element_type3A_317, %reduce_sum3A_318 [1] : vector<1024x896xi32> to vector<1024xi32>
    %broadcast_in_dim3A_320 = vector.shape_cast %reduce_sum3A_319 : vector<1024xi32> to vector<1024x1xi32>
    %ge3A_321 = arith.constant 50 : i32
    %ge3A_322 = vector.broadcast %ge3A_321 : i32 to vector<1024x1xi32>
    %ge3A_323 = arith.cmpi sge, %broadcast_in_dim3A_320, %ge3A_322 : vector<1024x1xi32>
    %select_n3A_324 = arith.select %ge3A_323, %select_n3A_308, %or3A_311 : vector<1024x1xi1>, vector<1024x1xi32>
    %or3A_325 = arith.constant 2048 : i32
    %or3A_326 = vector.broadcast %or3A_325 : i32 to vector<1024x1xi32>
    %or3A_327 = arith.ori %select_n3A_324, %or3A_326 : vector<1024x1xi32>
    %xor3A_328 = arith.constant -2147483648 : i32
    %xor3A_329 = vector.broadcast %xor3A_328 : i32 to vector<1024x1xi32>
    %xor3A_330 = arith.xori %or3A_327, %xor3A_329 : vector<1024x1xi32>
    %lt3A_331 = vector.broadcast %xor3A_330 : vector<1024x1xi32> to vector<1024x896xi32>
    %lt3A_332 = arith.cmpi slt, %select_n3A, %lt3A_331 : vector<1024x896xi32>
    %convert_element_type3A_333 = arith.extui %lt3A_332 : vector<1024x896xi1> to vector<1024x896xi32>
    %reduce_sum3A_334 = arith.constant dense<0> : vector<1024xi32>
    %reduce_sum3A_335 = vector.multi_reduction <add>, %convert_element_type3A_333, %reduce_sum3A_334 [1] : vector<1024x896xi32> to vector<1024xi32>
    %broadcast_in_dim3A_336 = vector.shape_cast %reduce_sum3A_335 : vector<1024xi32> to vector<1024x1xi32>
    %ge3A_337 = arith.constant 50 : i32
    %ge3A_338 = vector.broadcast %ge3A_337 : i32 to vector<1024x1xi32>
    %ge3A_339 = arith.cmpi sge, %broadcast_in_dim3A_336, %ge3A_338 : vector<1024x1xi32>
    %select_n3A_340 = arith.select %ge3A_339, %select_n3A_324, %or3A_327 : vector<1024x1xi1>, vector<1024x1xi32>
    %or3A_341 = arith.constant 1024 : i32
    %or3A_342 = vector.broadcast %or3A_341 : i32 to vector<1024x1xi32>
    %or3A_343 = arith.ori %select_n3A_340, %or3A_342 : vector<1024x1xi32>
    %xor3A_344 = arith.constant -2147483648 : i32
    %xor3A_345 = vector.broadcast %xor3A_344 : i32 to vector<1024x1xi32>
    %xor3A_346 = arith.xori %or3A_343, %xor3A_345 : vector<1024x1xi32>
    %lt3A_347 = vector.broadcast %xor3A_346 : vector<1024x1xi32> to vector<1024x896xi32>
    %lt3A_348 = arith.cmpi slt, %select_n3A, %lt3A_347 : vector<1024x896xi32>
    %convert_element_type3A_349 = arith.extui %lt3A_348 : vector<1024x896xi1> to vector<1024x896xi32>
    %reduce_sum3A_350 = arith.constant dense<0> : vector<1024xi32>
    %reduce_sum3A_351 = vector.multi_reduction <add>, %convert_element_type3A_349, %reduce_sum3A_350 [1] : vector<1024x896xi32> to vector<1024xi32>
    %broadcast_in_dim3A_352 = vector.shape_cast %reduce_sum3A_351 : vector<1024xi32> to vector<1024x1xi32>
    %ge3A_353 = arith.constant 50 : i32
    %ge3A_354 = vector.broadcast %ge3A_353 : i32 to vector<1024x1xi32>
    %ge3A_355 = arith.cmpi sge, %broadcast_in_dim3A_352, %ge3A_354 : vector<1024x1xi32>
    %select_n3A_356 = arith.select %ge3A_355, %select_n3A_340, %or3A_343 : vector<1024x1xi1>, vector<1024x1xi32>
    %or3A_357 = arith.constant 512 : i32
    %or3A_358 = vector.broadcast %or3A_357 : i32 to vector<1024x1xi32>
    %or3A_359 = arith.ori %select_n3A_356, %or3A_358 : vector<1024x1xi32>
    %xor3A_360 = arith.constant -2147483648 : i32
    %xor3A_361 = vector.broadcast %xor3A_360 : i32 to vector<1024x1xi32>
    %xor3A_362 = arith.xori %or3A_359, %xor3A_361 : vector<1024x1xi32>
    %lt3A_363 = vector.broadcast %xor3A_362 : vector<1024x1xi32> to vector<1024x896xi32>
    %lt3A_364 = arith.cmpi slt, %select_n3A, %lt3A_363 : vector<1024x896xi32>
    %convert_element_type3A_365 = arith.extui %lt3A_364 : vector<1024x896xi1> to vector<1024x896xi32>
    %reduce_sum3A_366 = arith.constant dense<0> : vector<1024xi32>
    %reduce_sum3A_367 = vector.multi_reduction <add>, %convert_element_type3A_365, %reduce_sum3A_366 [1] : vector<1024x896xi32> to vector<1024xi32>
    %broadcast_in_dim3A_368 = vector.shape_cast %reduce_sum3A_367 : vector<1024xi32> to vector<1024x1xi32>
    %ge3A_369 = arith.constant 50 : i32
    %ge3A_370 = vector.broadcast %ge3A_369 : i32 to vector<1024x1xi32>
    %ge3A_371 = arith.cmpi sge, %broadcast_in_dim3A_368, %ge3A_370 : vector<1024x1xi32>
    %select_n3A_372 = arith.select %ge3A_371, %select_n3A_356, %or3A_359 : vector<1024x1xi1>, vector<1024x1xi32>
    %or3A_373 = arith.constant 256 : i32
    %or3A_374 = vector.broadcast %or3A_373 : i32 to vector<1024x1xi32>
    %or3A_375 = arith.ori %select_n3A_372, %or3A_374 : vector<1024x1xi32>
    %xor3A_376 = arith.constant -2147483648 : i32
    %xor3A_377 = vector.broadcast %xor3A_376 : i32 to vector<1024x1xi32>
    %xor3A_378 = arith.xori %or3A_375, %xor3A_377 : vector<1024x1xi32>
    %lt3A_379 = vector.broadcast %xor3A_378 : vector<1024x1xi32> to vector<1024x896xi32>
    %lt3A_380 = arith.cmpi slt, %select_n3A, %lt3A_379 : vector<1024x896xi32>
    %convert_element_type3A_381 = arith.extui %lt3A_380 : vector<1024x896xi1> to vector<1024x896xi32>
    %reduce_sum3A_382 = arith.constant dense<0> : vector<1024xi32>
    %reduce_sum3A_383 = vector.multi_reduction <add>, %convert_element_type3A_381, %reduce_sum3A_382 [1] : vector<1024x896xi32> to vector<1024xi32>
    %broadcast_in_dim3A_384 = vector.shape_cast %reduce_sum3A_383 : vector<1024xi32> to vector<1024x1xi32>
    %ge3A_385 = arith.constant 50 : i32
    %ge3A_386 = vector.broadcast %ge3A_385 : i32 to vector<1024x1xi32>
    %ge3A_387 = arith.cmpi sge, %broadcast_in_dim3A_384, %ge3A_386 : vector<1024x1xi32>
    %select_n3A_388 = arith.select %ge3A_387, %select_n3A_372, %or3A_375 : vector<1024x1xi1>, vector<1024x1xi32>
    %or3A_389 = arith.constant 128 : i32
    %or3A_390 = vector.broadcast %or3A_389 : i32 to vector<1024x1xi32>
    %or3A_391 = arith.ori %select_n3A_388, %or3A_390 : vector<1024x1xi32>
    %xor3A_392 = arith.constant -2147483648 : i32
    %xor3A_393 = vector.broadcast %xor3A_392 : i32 to vector<1024x1xi32>
    %xor3A_394 = arith.xori %or3A_391, %xor3A_393 : vector<1024x1xi32>
    %lt3A_395 = vector.broadcast %xor3A_394 : vector<1024x1xi32> to vector<1024x896xi32>
    %lt3A_396 = arith.cmpi slt, %select_n3A, %lt3A_395 : vector<1024x896xi32>
    %convert_element_type3A_397 = arith.extui %lt3A_396 : vector<1024x896xi1> to vector<1024x896xi32>
    %reduce_sum3A_398 = arith.constant dense<0> : vector<1024xi32>
    %reduce_sum3A_399 = vector.multi_reduction <add>, %convert_element_type3A_397, %reduce_sum3A_398 [1] : vector<1024x896xi32> to vector<1024xi32>
    %broadcast_in_dim3A_400 = vector.shape_cast %reduce_sum3A_399 : vector<1024xi32> to vector<1024x1xi32>
    %ge3A_401 = arith.constant 50 : i32
    %ge3A_402 = vector.broadcast %ge3A_401 : i32 to vector<1024x1xi32>
    %ge3A_403 = arith.cmpi sge, %broadcast_in_dim3A_400, %ge3A_402 : vector<1024x1xi32>
    %select_n3A_404 = arith.select %ge3A_403, %select_n3A_388, %or3A_391 : vector<1024x1xi1>, vector<1024x1xi32>
    %or3A_405 = arith.constant 64 : i32
    %or3A_406 = vector.broadcast %or3A_405 : i32 to vector<1024x1xi32>
    %or3A_407 = arith.ori %select_n3A_404, %or3A_406 : vector<1024x1xi32>
    %xor3A_408 = arith.constant -2147483648 : i32
    %xor3A_409 = vector.broadcast %xor3A_408 : i32 to vector<1024x1xi32>
    %xor3A_410 = arith.xori %or3A_407, %xor3A_409 : vector<1024x1xi32>
    %lt3A_411 = vector.broadcast %xor3A_410 : vector<1024x1xi32> to vector<1024x896xi32>
    %lt3A_412 = arith.cmpi slt, %select_n3A, %lt3A_411 : vector<1024x896xi32>
    %convert_element_type3A_413 = arith.extui %lt3A_412 : vector<1024x896xi1> to vector<1024x896xi32>
    %reduce_sum3A_414 = arith.constant dense<0> : vector<1024xi32>
    %reduce_sum3A_415 = vector.multi_reduction <add>, %convert_element_type3A_413, %reduce_sum3A_414 [1] : vector<1024x896xi32> to vector<1024xi32>
    %broadcast_in_dim3A_416 = vector.shape_cast %reduce_sum3A_415 : vector<1024xi32> to vector<1024x1xi32>
    %ge3A_417 = arith.constant 50 : i32
    %ge3A_418 = vector.broadcast %ge3A_417 : i32 to vector<1024x1xi32>
    %ge3A_419 = arith.cmpi sge, %broadcast_in_dim3A_416, %ge3A_418 : vector<1024x1xi32>
    %select_n3A_420 = arith.select %ge3A_419, %select_n3A_404, %or3A_407 : vector<1024x1xi1>, vector<1024x1xi32>
    %or3A_421 = arith.constant 32 : i32
    %or3A_422 = vector.broadcast %or3A_421 : i32 to vector<1024x1xi32>
    %or3A_423 = arith.ori %select_n3A_420, %or3A_422 : vector<1024x1xi32>
    %xor3A_424 = arith.constant -2147483648 : i32
    %xor3A_425 = vector.broadcast %xor3A_424 : i32 to vector<1024x1xi32>
    %xor3A_426 = arith.xori %or3A_423, %xor3A_425 : vector<1024x1xi32>
    %lt3A_427 = vector.broadcast %xor3A_426 : vector<1024x1xi32> to vector<1024x896xi32>
    %lt3A_428 = arith.cmpi slt, %select_n3A, %lt3A_427 : vector<1024x896xi32>
    %convert_element_type3A_429 = arith.extui %lt3A_428 : vector<1024x896xi1> to vector<1024x896xi32>
    %reduce_sum3A_430 = arith.constant dense<0> : vector<1024xi32>
    %reduce_sum3A_431 = vector.multi_reduction <add>, %convert_element_type3A_429, %reduce_sum3A_430 [1] : vector<1024x896xi32> to vector<1024xi32>
    %broadcast_in_dim3A_432 = vector.shape_cast %reduce_sum3A_431 : vector<1024xi32> to vector<1024x1xi32>
    %ge3A_433 = arith.constant 50 : i32
    %ge3A_434 = vector.broadcast %ge3A_433 : i32 to vector<1024x1xi32>
    %ge3A_435 = arith.cmpi sge, %broadcast_in_dim3A_432, %ge3A_434 : vector<1024x1xi32>
    %select_n3A_436 = arith.select %ge3A_435, %select_n3A_420, %or3A_423 : vector<1024x1xi1>, vector<1024x1xi32>
    %or3A_437 = arith.constant 16 : i32
    %or3A_438 = vector.broadcast %or3A_437 : i32 to vector<1024x1xi32>
    %or3A_439 = arith.ori %select_n3A_436, %or3A_438 : vector<1024x1xi32>
    %xor3A_440 = arith.constant -2147483648 : i32
    %xor3A_441 = vector.broadcast %xor3A_440 : i32 to vector<1024x1xi32>
    %xor3A_442 = arith.xori %or3A_439, %xor3A_441 : vector<1024x1xi32>
    %lt3A_443 = vector.broadcast %xor3A_442 : vector<1024x1xi32> to vector<1024x896xi32>
    %lt3A_444 = arith.cmpi slt, %select_n3A, %lt3A_443 : vector<1024x896xi32>
    %convert_element_type3A_445 = arith.extui %lt3A_444 : vector<1024x896xi1> to vector<1024x896xi32>
    %reduce_sum3A_446 = arith.constant dense<0> : vector<1024xi32>
    %reduce_sum3A_447 = vector.multi_reduction <add>, %convert_element_type3A_445, %reduce_sum3A_446 [1] : vector<1024x896xi32> to vector<1024xi32>
    %broadcast_in_dim3A_448 = vector.shape_cast %reduce_sum3A_447 : vector<1024xi32> to vector<1024x1xi32>
    %ge3A_449 = arith.constant 50 : i32
    %ge3A_450 = vector.broadcast %ge3A_449 : i32 to vector<1024x1xi32>
    %ge3A_451 = arith.cmpi sge, %broadcast_in_dim3A_448, %ge3A_450 : vector<1024x1xi32>
    %select_n3A_452 = arith.select %ge3A_451, %select_n3A_436, %or3A_439 : vector<1024x1xi1>, vector<1024x1xi32>
    %or3A_453 = arith.constant 8 : i32
    %or3A_454 = vector.broadcast %or3A_453 : i32 to vector<1024x1xi32>
    %or3A_455 = arith.ori %select_n3A_452, %or3A_454 : vector<1024x1xi32>
    %xor3A_456 = arith.constant -2147483648 : i32
    %xor3A_457 = vector.broadcast %xor3A_456 : i32 to vector<1024x1xi32>
    %xor3A_458 = arith.xori %or3A_455, %xor3A_457 : vector<1024x1xi32>
    %lt3A_459 = vector.broadcast %xor3A_458 : vector<1024x1xi32> to vector<1024x896xi32>
    %lt3A_460 = arith.cmpi slt, %select_n3A, %lt3A_459 : vector<1024x896xi32>
    %convert_element_type3A_461 = arith.extui %lt3A_460 : vector<1024x896xi1> to vector<1024x896xi32>
    %reduce_sum3A_462 = arith.constant dense<0> : vector<1024xi32>
    %reduce_sum3A_463 = vector.multi_reduction <add>, %convert_element_type3A_461, %reduce_sum3A_462 [1] : vector<1024x896xi32> to vector<1024xi32>
    %broadcast_in_dim3A_464 = vector.shape_cast %reduce_sum3A_463 : vector<1024xi32> to vector<1024x1xi32>
    %ge3A_465 = arith.constant 50 : i32
    %ge3A_466 = vector.broadcast %ge3A_465 : i32 to vector<1024x1xi32>
    %ge3A_467 = arith.cmpi sge, %broadcast_in_dim3A_464, %ge3A_466 : vector<1024x1xi32>
    %select_n3A_468 = arith.select %ge3A_467, %select_n3A_452, %or3A_455 : vector<1024x1xi1>, vector<1024x1xi32>
    %or3A_469 = arith.constant 4 : i32
    %or3A_470 = vector.broadcast %or3A_469 : i32 to vector<1024x1xi32>
    %or3A_471 = arith.ori %select_n3A_468, %or3A_470 : vector<1024x1xi32>
    %xor3A_472 = arith.constant -2147483648 : i32
    %xor3A_473 = vector.broadcast %xor3A_472 : i32 to vector<1024x1xi32>
    %xor3A_474 = arith.xori %or3A_471, %xor3A_473 : vector<1024x1xi32>
    %lt3A_475 = vector.broadcast %xor3A_474 : vector<1024x1xi32> to vector<1024x896xi32>
    %lt3A_476 = arith.cmpi slt, %select_n3A, %lt3A_475 : vector<1024x896xi32>
    %convert_element_type3A_477 = arith.extui %lt3A_476 : vector<1024x896xi1> to vector<1024x896xi32>
    %reduce_sum3A_478 = arith.constant dense<0> : vector<1024xi32>
    %reduce_sum3A_479 = vector.multi_reduction <add>, %convert_element_type3A_477, %reduce_sum3A_478 [1] : vector<1024x896xi32> to vector<1024xi32>
    %broadcast_in_dim3A_480 = vector.shape_cast %reduce_sum3A_479 : vector<1024xi32> to vector<1024x1xi32>
    %ge3A_481 = arith.constant 50 : i32
    %ge3A_482 = vector.broadcast %ge3A_481 : i32 to vector<1024x1xi32>
    %ge3A_483 = arith.cmpi sge, %broadcast_in_dim3A_480, %ge3A_482 : vector<1024x1xi32>
    %select_n3A_484 = arith.select %ge3A_483, %select_n3A_468, %or3A_471 : vector<1024x1xi1>, vector<1024x1xi32>
    %or3A_485 = arith.constant 2 : i32
    %or3A_486 = vector.broadcast %or3A_485 : i32 to vector<1024x1xi32>
    %or3A_487 = arith.ori %select_n3A_484, %or3A_486 : vector<1024x1xi32>
    %xor3A_488 = arith.constant -2147483648 : i32
    %xor3A_489 = vector.broadcast %xor3A_488 : i32 to vector<1024x1xi32>
    %xor3A_490 = arith.xori %or3A_487, %xor3A_489 : vector<1024x1xi32>
    %lt3A_491 = vector.broadcast %xor3A_490 : vector<1024x1xi32> to vector<1024x896xi32>
    %lt3A_492 = arith.cmpi slt, %select_n3A, %lt3A_491 : vector<1024x896xi32>
    %convert_element_type3A_493 = arith.extui %lt3A_492 : vector<1024x896xi1> to vector<1024x896xi32>
    %reduce_sum3A_494 = arith.constant dense<0> : vector<1024xi32>
    %reduce_sum3A_495 = vector.multi_reduction <add>, %convert_element_type3A_493, %reduce_sum3A_494 [1] : vector<1024x896xi32> to vector<1024xi32>
    %broadcast_in_dim3A_496 = vector.shape_cast %reduce_sum3A_495 : vector<1024xi32> to vector<1024x1xi32>
    %ge3A_497 = arith.constant 50 : i32
    %ge3A_498 = vector.broadcast %ge3A_497 : i32 to vector<1024x1xi32>
    %ge3A_499 = arith.cmpi sge, %broadcast_in_dim3A_496, %ge3A_498 : vector<1024x1xi32>
    %select_n3A_500 = arith.select %ge3A_499, %select_n3A_484, %or3A_487 : vector<1024x1xi1>, vector<1024x1xi32>
    %or3A_501 = arith.constant 1 : i32
    %or3A_502 = vector.broadcast %or3A_501 : i32 to vector<1024x1xi32>
    %or3A_503 = arith.ori %select_n3A_500, %or3A_502 : vector<1024x1xi32>
    %xor3A_504 = arith.constant -2147483648 : i32
    %xor3A_505 = vector.broadcast %xor3A_504 : i32 to vector<1024x1xi32>
    %xor3A_506 = arith.xori %or3A_503, %xor3A_505 : vector<1024x1xi32>
    %lt3A_507 = vector.broadcast %xor3A_506 : vector<1024x1xi32> to vector<1024x896xi32>
    %lt3A_508 = arith.cmpi slt, %select_n3A, %lt3A_507 : vector<1024x896xi32>
    %convert_element_type3A_509 = arith.extui %lt3A_508 : vector<1024x896xi1> to vector<1024x896xi32>
    %reduce_sum3A_510 = arith.constant dense<0> : vector<1024xi32>
    %reduce_sum3A_511 = vector.multi_reduction <add>, %convert_element_type3A_509, %reduce_sum3A_510 [1] : vector<1024x896xi32> to vector<1024xi32>
    %broadcast_in_dim3A_512 = vector.shape_cast %reduce_sum3A_511 : vector<1024xi32> to vector<1024x1xi32>
    %ge3A_513 = arith.constant 50 : i32
    %ge3A_514 = vector.broadcast %ge3A_513 : i32 to vector<1024x1xi32>
    %ge3A_515 = arith.cmpi sge, %broadcast_in_dim3A_512, %ge3A_514 : vector<1024x1xi32>
    %select_n3A_516 = arith.select %ge3A_515, %select_n3A_500, %or3A_503 : vector<1024x1xi1>, vector<1024x1xi32>
    %xor3A_517 = arith.constant -2147483648 : i32
    %xor3A_518 = vector.broadcast %xor3A_517 : i32 to vector<1024x1xi32>
    %xor3A_519 = arith.xori %select_n3A_516, %xor3A_518 : vector<1024x1xi32>
    %lt3A_520 = arith.constant 0 : i32
    %lt3A_521 = vector.broadcast %lt3A_520 : i32 to vector<1024x1xi32>
    %lt3A_522 = arith.cmpi slt, %xor3A_519, %lt3A_521 : vector<1024x1xi32>
    %xor3A_523 = arith.constant 2147483647 : i32
    %xor3A_524 = vector.broadcast %xor3A_523 : i32 to vector<1024x1xi32>
    %xor3A_525 = arith.xori %xor3A_519, %xor3A_524 : vector<1024x1xi32>
    %select_n3A_526 = arith.select %lt3A_522, %xor3A_525, %xor3A_519 : vector<1024x1xi1>, vector<1024x1xi32>
    %bitcast_convert_type3A_527 = tpu.bitcast %select_n3A_526 : vector<1024x1xi32> -> vector<1024x1xf32>
    %broadcast_in_dim3A_528 = vector.shape_cast %bitcast_convert_type3A_527 : vector<1024x1xf32> to vector<1024x1xf32>
    %broadcast_in_dim3A_529 = vector.broadcast %broadcast_in_dim3A_528 : vector<1024x1xf32> to vector<1024x16xf32>
    %swap3A = arith.constant 0 : index
    %swap3A_530 = arith.constant 0 : index
    %swap3A_531 = arith.constant 0 : index
    %swap3A_532 = vector.load %arg2[%swap3A, %swap3A_530, %swap3A_531] : memref<1x1024x16xf32, #tpu.memory_space<vmem>>, vector<1x1024x16xf32>
    %swap3A_533 = vector.shape_cast %swap3A_532 : vector<1x1024x16xf32> to vector<1024x16xf32>
    %swap3A_534 = vector.shape_cast %broadcast_in_dim3A_529 : vector<1024x16xf32> to vector<1x1024x16xf32>
    tpu.vector_store %arg2[%swap3A, %swap3A_530, %swap3A_531], %swap3A_534 {strides = array<i32>} : memref<1x1024x16xf32, #tpu.memory_space<vmem>>, vector<1x1024x16xf32>,
    return
  }
  func.func @transform_0(%arg0: i32) -> (i32, i32, i32) {
    %c0_i32 = arith.constant 0 : i32
    %c0_i32_0 = arith.constant 0 : i32
    %c0_i32_1 = arith.constant 0 : i32
    return %arg0, %c0_i32, %c0_i32_0 : i32, i32, i32
  }
  func.func @transform_1(%arg0: i32) -> (i32, i32, i32) {
    %c0_i32 = arith.constant 0 : i32
    %c0_i32_0 = arith.constant 0 : i32
    %c0_i32_1 = arith.constant 0 : i32
    return %arg0, %c0_i32, %c0_i32_0 : i32, i32, i32
  }
}

</mosaic_0001>

<sc_bundles>
// kernel: kernel.6.cloned.1.call-start
scs
__scs_entry_jumppad:
0x0: {  	(pc) =	sbr.rel $0x88, $3  }
0x1: {  	(tag) =	ssettag $0x0;
	lr =	simm.s32 $0x1  }
0x2: {  	[smem:$0x3F9A] =	sst lr;
	_ =	strace $0xD0000000  }
0x3: {  	_ = 	snop  }
0x4: {  	_ = 	snop  }
0x5: {  	_ = 	snop  }
0x6: {  	_ = 	snop  }
0x7: {  	_ = 	snop  }
__scs_overlays_trampoline_lowered:
0x8: {  	[smem:$0x3FA9] =	sst s0  }
0x9: {  	[smem:$0x3FAA] =	sst s1  }
0xa: {  	[smem:$0x3FAB] =	sst s2  }
0xb: {  	[smem:$0x3FAC] =	sst s3  }
0xc: {  	[smem:$0x3FAD] =	sst s4  }
0xd: {  	[smem:$0x3FAE] =	sst s5  }
0xe: {  	[smem:$0x3FAF] =	sst s6  }
0xf: {  	[smem:$0x3FB0] =	sst s7  }
0x10: {  	[smem:$0x3FB1] =	sst s8  }
0x11: {  	[smem:$0x3FB2] =	sst s9;
	s0 =	simm.s32 @!p0 $0x0  }
0x12: {  	s1 =	sld [smem:$0x3F98];
	s0 =	simm.s32 @p0 $0x1  }
0x13: {  	[smem:$0x3FB3] =	sst s0;
	s0 =	simm.s32 @!p1 $0x0  }
0x14: {  	s2 =	sld [smem:$0x3F97];
	s0 =	simm.s32 @p1 $0x1  }
0x15: {  	[smem:$0x3FB4] =	sst s0;
	s0 =	simm.s32 @!p2 $0x0  }
0x16: {  	s3 =	sld [smem:$0x3FDB];
	s0 =	simm.s32 @p2 $0x1  }
0x17: {  	s4 =	simm.s32 $0x1BF5;
	[smem:$0x3FB6] =	sst s0  }
0x18: {  	s0 =	sld [smem:$0x3F99];
	_ =	swait.ge [sflag:s4], $0x0  }
0x19: {  	s7 =	sld [smem:$0x3F9A]  }
0x1a: {  	s8 =	sadd.s32 $0xFFFFE003, lr  }
0x1b: {  	s9 =	sadd.s32 $0xFFFFFEF7, lr;
	s5 =	simm.s32 $0xFFFFFFFF;
	p2 =	slt.u32 s8, $0xFFFFF086  }
0x1c: {  	p1 =	slt.u32 s9, $0xF7A;
	s5 =	simm.s32 @!p2 $0x0  }
0x1d: {  	s5 =	simm.s32 @p1 $0x1;
	p0 =	seq.s32 s7, s2  }
0x1e: {  	s7 =	smul.u32 @!p0 $0xF7A, s2;
	p2 =	seq.s32 @!p0 s5, $0x0  }
0x1f: {  	s9 =	smul.u32 $0xF7A, s1;
	s8 =	simm.s32 @!p0 $0x1BF5;
	p2 =	por !p2, p0  }
0x20: {  	[sflag:s8] =	ssyncset.s32 @!p0 $0xFFFFF086;
	s6 =	sadd.s32 @!p0 s3, s7;
	s7 =	simm.s32 @!p0 $0x108  }
0x21: {  	s3 =	sadd.s32 s3, s9;
	s6 =	sadd.s32 @!p0 $0x88, s6;
	s7 =	simm.s32 @p2 $0x1082  }
0x22: {  	[simem:s7], [sflag:s8] =	dma.local @!p0 [hbm:s6], $0xF7A  }
0x23: {  	s9 =	sor.u32 $0xD0000000, s2;
	s6 =	simm.s32 $0x108;
	_ =	swait.ge @!p0 [sflag:s8], $0x0  }
0x24: {  	s3 =	sadd.s32 $0x88, s3;
	s6 =	simm.s32 @!p1 $0x1082;
	[sflag:s4] =	ssyncset.s32 $0xFFFFF086  }
0x25: {  	[simem:s6], [sflag:s4] =	dma.local [hbm:s3], $0xF7A  }
0x26: {  	[smem:$0x3F9A] =	sst s1;
	(tag) =	ssettag s2;
	_ =	strace s9  }
0x27: {  	s1 =	sld [smem:$0x3FAA]  }
0x28: {  	s2 =	sld [smem:$0x3FAB]  }
0x29: {  	s4 =	sld [smem:$0x3FAD]  }
0x2a: {  	p0 =	seq.s32 s5, $0x0;
	s5 =	sld [smem:$0x3FAE]  }
0x2b: {  	s6 =	sld [smem:$0x3FAF]  }
0x2c: {  	s7 =	sld [smem:$0x3FB0]  }
0x2d: {  	s3 =	simm.s32 $0x108;
	s8 =	sld [smem:$0x3FB1]  }
0x2e: {  	s3 =	simm.s32 @!p0 $0x1082;
	s9 =	sld [smem:$0x3FB2]  }
0x2f: {  	lr =	sadd.s32 s0, s3;
	s0 =	sld [smem:$0x3FA9]  }
0x30: {  	s3 =	sld [smem:$0x3FAC]  }
0x31: {  	[smem:$0x3FB5] =	sst s10  }
0x32: {  	s10 =	sld [smem:$0x3FB3];
	_ =	sdelay $0x3  }
0x33: {  	p0 =	seq.s32 s10, $0x1;
	s10 =	sld [smem:$0x3FB5];
	_ =	sdelay $0x3  }
0x34: {  	[smem:$0x3FB5] =	sst s10  }
0x35: {  	s10 =	sld [smem:$0x3FB4];
	_ =	sdelay $0x3  }
0x36: {  	p1 =	seq.s32 s10, $0x1;
	s10 =	sld [smem:$0x3FB5];
	_ =	sdelay $0x3  }
0x37: {  	[smem:$0x3FB5] =	sst s10  }
0x38: {  	s10 =	sld [smem:$0x3FB6]  }
0x39: {  	_ = 	snop;
	(pc) =	sbr.ind lr, $3  }
0x3a: {  	_ = 	snop  }
0x3b: {  	_ = 	snop  }
0x3c: {  	p2 =	seq.s32 s10, $0x1;
	s10 =	sld [smem:$0x3FB5]  }
0x3d: {  	_ =	shalt  }
0x3e: {  	_ =	shalt  }
0x3f: {  	_ =	shalt  }
0x40: {  	_ =	shalt  }
0x41: {  	_ =	shalt  }
0x42: {  	_ =	shalt  }
0x43: {  	_ =	shalt  }
0x44: {  	_ =	shalt  }
0x45: {  	_ =	shalt  }
0x46: {  	_ =	shalt  }
0x47: {  	_ =	shalt  }
0x48: {  	_ =	shalt  }
0x49: {  	_ =	shalt  }
0x4a: {  	_ =	shalt  }
0x4b: {  	_ =	shalt  }
0x4c: {  	_ =	shalt  }
0x4d: {  	_ =	shalt  }
0x4e: {  	_ =	shalt  }
0x4f: {  	_ =	shalt  }
0x50: {  	_ =	shalt  }
0x51: {  	_ =	shalt  }
0x52: {  	_ =	shalt  }
0x53: {  	_ =	shalt  }
0x54: {  	_ =	shalt  }
0x55: {  	_ =	shalt  }
0x56: {  	_ =	shalt  }
0x57: {  	_ =	shalt  }
0x58: {  	_ =	shalt  }
0x59: {  	_ =	shalt  }
0x5a: {  	_ =	shalt  }
0x5b: {  	_ =	shalt  }
0x5c: {  	_ =	shalt  }
0x5d: {  	_ =	shalt  }
0x5e: {  	_ =	shalt  }
0x5f: {  	_ =	shalt  }
0x60: {  	_ =	shalt  }
0x61: {  	_ =	shalt  }
0x62: {  	_ =	shalt  }
0x63: {  	_ =	shalt  }
0x64: {  	_ =	shalt  }
0x65: {  	_ =	shalt  }
0x66: {  	_ =	shalt  }
0x67: {  	_ =	shalt  }
0x68: {  	_ =	shalt  }
0x69: {  	_ =	shalt  }
0x6a: {  	_ =	shalt  }
0x6b: {  	_ =	shalt  }
0x6c: {  	_ =	shalt  }
0x6d: {  	_ =	shalt  }
0x6e: {  	_ =	shalt  }
0x6f: {  	_ =	shalt  }
0x70: {  	_ =	shalt  }
0x71: {  	_ =	shalt  }
0x72: {  	_ =	shalt  }
0x73: {  	_ =	shalt  }
0x74: {  	_ =	shalt  }
0x75: {  	_ =	shalt  }
0x76: {  	_ =	shalt  }
0x77: {  	_ =	shalt  }
0x78: {  	_ =	shalt  }
0x79: {  	_ =	shalt  }
0x7a: {  	_ =	shalt  }
0x7b: {  	_ =	shalt  }
0x7c: {  	_ =	shalt  }
0x7d: {  	_ =	shalt  }
0x7e: {  	_ =	shalt  }
0x7f: {  	_ =	shalt  }
0x80: {  	_ =	shalt  }
0x81: {  	_ =	shalt  }
0x82: {  	_ =	shalt  }
0x83: {  	_ =	shalt  }
0x84: {  	_ =	shalt  }
0x85: {  	_ =	shalt  }
0x86: {  	_ =	shalt  }
0x87: {  	_ =	shalt  }
.Lfunc_end0:
.L_simem_size_0:
called_computation_lowered:
.L_overlay_start_0:
0x88: {  	s2 =	sld [smem:$0x3FD9]  }
0x89: {  	s3 =	sld [smem:$0x3FFE];
	_ =	sdelay $0x1  }
0x8a: {  	s1 =	srdreg.scid  }
0x8b: {  	s0 =	sand.u32 $0x1, s1  }
0x8c: {  	s16 =	sshll.u32 s0, $0xA;
	s2 =	sadd.s32 s3, s2  }
0x8d: {  	s2 =	sadd.s32 s2, s16  }
0x8e: {  	[smem:$0x3FC1] =	sst s2  }
0x8f: {  	_ = 	snop  }
0x90: {  	(tm) =	ssettm $0x1  }
0x91: {  	s17 =	sld [smem:$0x3FFB];
	_ =	sdelay $0x3  }
0x92: {  	_ =	strace s17  }
0x93: {  	s2 =	sld [smem:$0x3FFC];
	_ =	sdelay $0x3  }
0x94: {  	_ =	strace s2  }
0x95: {  	s2 =	sld [smem:$0x3FFD];
	_ =	sdelay $0x3  }
0x96: {  	_ =	strace s2  }
0x97: {  	_ =	strace $0x8FFFFFFF  }
0x98: {  	s18 =	sld [smem:$0x3FDB];
	_ =	sdelay $0x1  }
0x99: {  	s19 =	simm.s32 $_scs_section_size  }
0x9a: {  	s4 =	simm.s32 $_size__tile_overlayer_lowered;
	s5 =	simm.s32 $_tile_overlayer_lowered  }
0x9b: {  	s22 =	simm.s32 $0x1BFF;
	s21 =	sshll.u32 s5, $0x1;
	s2 =	sadd.s32 s19, s18  }
0x9c: {  	s6 =	simm.s32 $0x0;
	s20 =	sshll.u32 s4, $0x1;
	s4 =	sadd.s32 s21, s2  }
0x9d: {  	[timem:s6], [sflag:s22] =	dma.local [hbm:s4], s20  }
0x9e: {  	_ =	swait.ge [sflag:s22], s20  }
0x9f: {  	s3 =	ssub.s32 $0x0, s20;
	[sflag:s22] =	ssyncset.done $0x0  }
0xa0: {  	[sflag:s22] =	ssyncadd.s32 s3;
	_ =	sdelay $0x1  }
0xa1: {  	s23 =	simm.s32 $0x1B8B  }
0xa2: {  	_ =	swait.ge [sflag:s23], $0x1  }
0xa3: {  	[sflag:s23] =	ssyncset.done $0x0  }
0xa4: {  	s25 =	simm.s32 $0x1B8E;
	s24 =	sld [smem:$0x3FFE];
	[sflag:s23] =	ssyncadd.s32 $0xFFFFFFFF  }
0xa5: {  	s26 =	simm.s32 $execute0_lowered;
	[smem:$0x3FD2] =	sst s25  }
0xa6: {  	s4 =	sshll.u32 s26, $0x1;
	_ =	strace $0x80000046;
	[dreg:$0x1] =	wrdreg $0xFFFFFFFF  }
0xa7: {  	s28 =	simm.s32 $_size_execute0_lowered;
	s2 =	sadd.s32 s2, s4;
	[dreg:$0x0] =	wrdreg $0x0  }
0xa8: {  	s4 =	sshll.u32 s28, $0x1;
	[dreg:$0x2] =	wrdreg s2  }
0xa9: {  	[dreg:$0x3] =	wrdreg s4  }
0xaa: {  	[dreg:$0x4] =	wrdreg $0xC0  }
0xab: {  	_ =	task [dreg:s6], $0x5FFFF  }
0xac: {  	[dreg:$0x1] =	wrdreg $0xFFFFFFFF  }
0xad: {  	[dreg:$0x0] =	wrdreg $0x60  }
0xae: {  	[dreg:$0x2] =	wrdreg s24  }
0xaf: {  	[dreg:$0x3] =	wrdreg $0x9  }
0xb0: {  	_ =	task.clear_ibuf [dreg:s6], $0x4FFFF;
	_ =	strace $0x90000046  }
0xb1: {  	s29 =	simm.s32 $0x9;
	_ =	strace $0x80000048  }
0xb2: {  	_ =	swait.ge [sflag:s29], $0x1  }
0xb3: {  	[sflag:s29] =	ssyncadd.s32 $0xFFFFFFFF  }
0xb4: {  	_ =	strace $0x90000048  }
0xb5: {  	_ =	sfence  }
0xb6: {  	s30 =	sld [smem:$0x0];
	_ =	sdelay $0x2  }
0xb7: {  	s31 =	sshll.u32 s1, $0xD;
	s1 =	sshrl.u32 s1, $0x2  }
0xb8: {  	s3 =	sand.u32 $0x4000, s31;
	s1 =	sadd.s32 s1, s30  }
0xb9: {  	s0 =	sor.u32 s3, s0;
	s1 =	sshll.u32 s1, $0x11  }
0xba: {  	s0 =	sor.u32 s1, s0  }
0xbb: {  	s0 =	sadd.s32 $0x8F2B, s0  }
0xbc: {  	[sflag:s0] =	ssyncadd.remote.s32 $0x1  }
0xbd: {  	_ =	sfence.sel $0xFFFF  }
0xbe: {  	[dreg:$0x0] =	wrdreg $0xFFFFFFFF;
	(pc) =	sbr.abs _section_cstart, $3  }
0xbf: {  	[dreg:$0x1] =	wrdreg $0xFFFFFFFF  }
0xc0: {  	_ =	task.clear_ibuf [dreg:s6], $0x2FFFF;
	_ =	strace $0x9FFFFFFF  }
0xc1: {  	(tm) =	ssettm $0x7FFFFFFF  }
tec
execute0_lowered:
.L_overlay_start_1:
0x0: {  	(tag) =	ssettag $0x1  }
0x1: {  	s0 =	rddreg [dreg:$0x0]  }
0x2: {  	s1 =	simm.s32 $0x0;
	s25 =	srdreg.scid;
	s9 =	stileid.u32  }
0x3: {  	s13 =	simm.s32 $0x7;
	s14 =	simm.s32 $0x1;
	s15 =	simm.s32 $0x40  }
0x4: {  	s17 =	simm.s32 $0xA80;
	s18 =	simm.s32 $0x980;
	s19 =	simm.s32 $0x4A80  }
0x5: {  	s20 =	simm.s32 $0x2;
	s21 =	simm.s32 $0x900;
	s22 =	simm.s32 $0x2A80  }
0x6: {  	s23 =	simm.s32 $0xA00;
	s24 =	simm.s32 $0x6A80;
	s28 =	simm.s32 $0x80000000  }
0x7: {  	s29 =	simm.s32 $0x4;
	s30 =	simm.s32 $0x6;
	[smem:$0x7FF] =	sst s1  }
0x8: {  	s3 =	sadd.s32 $0x1878400, s0;
	s4 =	sadd.s32 $0x5400, s0;
	s1 =	sand.u32 $0x1, s25  }
0x9: {  	s5 =	sadd.s32 $0xE1400, s0;
	s2 =	sshll.u32 s9, $0x9;
	s6 =	sadd.s32 $0x1400, s0  }
0xa: {  	s9 =	sshrl.u32 s9, $0x1;
	s7 =	sshll.u32 s1, $0x8;
	s1 =	ssub.s32 $0x2, s1  }
0xb: {  	s25 =	simm.s32 $0x3;
	s7 =	sor.u32 s7, s2;
	s8 =	sshrl.u32 s1, $0x1  }
0xc: {  	_ =	strace $0x80000047;
	s2 =	sshrl.u32 s7, $0x3;
	s1 =	ssub.s32 s1, s8  }
0xd: {  	v0 =	vlaneseq.u32;
	s26 =	smul.u32 $0x310, s9;
	s0 =	sadd.s32 s2, s0;
	s31 =	smax.u32 s1, $0x1  }
0xe: {  	v3 =	vimm.s32 $0x0;
	v4 =	vimm.s32 $0xFFFFFFF0;
	v5 =	vimm.f32 $3.000000010e+38;
	s8 =	sshll.u32 s9, $0x7;
	s0 =	sadd.s32 $0x1DC00, s0;
	[dreg:$0x3] =	wrdreg s31  }
0xf: {  	v6 =	vimm.f32 $0.0e+00;
	v2 =	vor.u32 $0x30E, v0;
	v1 =	vmov s26;
	s26 =	simm.s32 $0x5;
	s1 =	simm.s32 $0x0;
	[dreg:$0x2] =	wrdreg s0  }
.LBB2_1:
0x10: {  	[dreg:$0x4] =	wrdreg s1;
	s2 =	simm.s32 $0x0  }
.LBB2_2:
0x11: {  	s31 =	sshll.u32 s2, $0x1  }
0x12: {  	s9 =	sor.u32 s7, s31  }
0x13: {  	s0 =	smul.u32 $0x70, s9  }
0x14: {  	s1 =	sor.u32 $0x1, s9  }
0x15: {  	s11 =	smul.u32 $0x70, s1;
	s10 =	sadd.s32 s5, s0;
	s0 =	simm.s32 $0x0  }
0x16: {  	[tilespmem:s0], [sflag:$0x1] =	stream.linear.gather [hbm4b:s10+s0], $0x380, $0x38;
	[tilespmem:$0x8E80] =	vst v63  }
0x17: {  	s16 =	simm.s32 $0x380;
	s12 =	sadd.s32 s5, s11  }
0x18: {  	[tilespmem:s16], [sflag:$0x2] =	stream.linear.gather [hbm4b:s12+s0], $0x380, $0x38;
	[tilespmem:$0x8E80] =	vst v63  }
0x19: {  	s12 =	sshll.u32 s9, $0x1  }
0x1a: {  	s16 =	simm.s32 $0x700;
	s10 =	sadd.s32 s6, s12  }
0x1b: {  	[tilespmem:s16], [sflag:$0x7] =	stream.linear.gather [hbm4b:s10+s0], $0x20, $0x38;
	[tilespmem:$0x8E80] =	vst v63  }
0x1c: {  	_ =	swait.ge [sflag:s13], $0x20  }
0x1d: {  	[sflag:s13] =	ssyncset.done $0x0  }
0x1e: {  	[sflag:s13] =	ssyncadd.s32 $0xFFFFFFE0  }
0x1f: {  	v8 =	vld [tilespmem:$0x700]  }
0x20: {  	v7 =	vld [tilespmem:$0x710];
	_ =	swait.ge [sflag:s14], $0x380  }
0x21: {  	[sflag:s14] =	ssyncset.done $0x0  }
0x22: {  	[sflag:s14] =	ssyncadd.s32 $0xFFFFFC80  }
0x23: {  	[tilespmem:$0x780] =	vst v2  }
0x24: {  	[tilespmem:$0x790] =	vst v2  }
0x25: {  	[tilespmem:$0x7A0] =	vst v2  }
0x26: {  	[tilespmem:$0x7B0] =	vst v2  }
0x27: {  	[tilespmem:$0x7C0] =	vst v2  }
0x28: {  	v9 =	vld [tilespmem:s0+$0x0];
	_ =	sdelay $0x4  }
0x29: {  	vm0 =	vle.f32 v9, v8  }
0x2a: {  	v9 =	vsel vm0, $0x1, v3  }
0x2b: {  	(xrf0) =	vadd.scan.msk.s32 $0xffff, v9;
	_ =	sdelay $0x2  }
0x2c: {  	v9 =	vor.u32 s0, v0;
	_ =	sdelay $0x2  }
0x2d: {  	[tilespmem:s0+$0x780] =	vst.msk vm0, v9;
	v9, _, _ =	vpop (xrf0)  }
0x2e: {  	(v2sf) =	vpush v9, $0xF;
	_ =	sdelay $0x1  }
0x2f: {  	s10 =	simm.s32 $0x10  }
0x30: {  	s11 =	simm.s32 $0x20;
	s12 =	simm.s32 $0x10;
	v9 =	vld [tilespmem:s10+$0x0]  }
.LBB2_3:
0x31: {  	p0 =	sne.s32 s11, $0x370;
	_ =	sdelay $0x3  }
0x32: {  	vm0 =	vle.f32 v9, v8  }
0x33: {  	v9 =	vsel vm0, $0x1, v3  }
0x34: {  	(xrf0) =	vadd.scan.msk.s32 $0xffff, v9;
	_ =	sdelay $0x4  }
0x35: {  	s16 =	spop (v2sf)  }
.Ltmp0:
0x36: {  	v9, _, _ =	vpop (xrf0);
	s0 =	sadd.s32 s0, s16;
	(pc) =	sbr.rel @p0 .LBB2_3-.Ltmp0, $4  }
0x37: {  	(v2sf) =	vpush v9, $0xF;
	p1 =	slt.s32 s0, $0x40  }
0x38: {  	v9 =	vor.u32 s10, v0;
	s10 =	smov.u32 s11;
	s0 =	simm.s32 @!p1 $0x40  }
0x39: {  	s12 =	sadd.s32 $0x10, s12;
	[tilespmem:s0+$0x780] =	vst.msk vm0, v9  }
0x3a: {  	s11 =	sadd.s32 $0x10, s11;
	v9 =	vld [tilespmem:s12+$0x0]  }
0x3b: {  	_ =	sdelay $0xa  }
0x3c: {  	s11 =	spop (v2sf)  }
0x3d: {  	vm0 =	vle.f32 v9, v8;
	s0 =	sadd.s32 s0, s11  }
0x3e: {  	v10 =	vsel vm0, $0x1, v3;
	p0 =	slt.s32 s0, $0x40  }
0x3f: {  	v9 =	vor.u32 s10, v0;
	(xrf0) =	vadd.scan.msk.s32 $0xffff, v10;
	s0 =	simm.s32 @!p0 $0x40  }
0x40: {  	[tilespmem:s0+$0x780] =	vst.msk vm0, v9  }
0x41: {  	v9 =	vld [tilespmem:$0x780]  }
0x42: {  	v11 =	vld [tilespmem:$0x790]  }
0x43: {  	v15 =	vld [tilespmem:$0x7A0]  }
0x44: {  	v54 =	vld [tilespmem:$0x7B0]  }
0x45: {  	v14, _, _ =	vpop (xrf0)  }
0x46: {  	(v2sf) =	vpush v14, $0xF  }
0x47: {  	v10 =	vshra.s32 v9, $0x1F;
	vm8 =	vlt.s32 v9, $0x1;
	v13 =	vshra.s32 v11, $0x1F  }
0x48: {  	vm9 =	vlt.s32 v11, $0x1;
	v56 =	vshra.s32 v15, $0x1F;
	v57 =	vsub.s32 v11, v4  }
0x49: {  	v18 =	vshra.s32 v54, $0x1F;
	vm11 =	vlt.s32 v15, $0x1;
	vm14 =	vlt.s32 v54, $0x1  }
0x4a: {  	v63 =	vsub.s32 v54, v4;
	v10 =	vshrl.u32 v10, $0x1C;
	v13 =	vshrl.u32 v13, $0x1C  }
0x4b: {  	v58 =	vshrl.u32 v18, $0x1C;
	v10 =	vadd.s32 v10, v9;
	v13 =	vadd.s32 v13, v11  }
0x4c: {  	v59 =	vadd.s32 v58, v54;
	v10 =	vshra.s32 v10, $0x4;
	v53 =	vand.u32 $0xFFFFFFF0, v13  }
0x4d: {  	v13 =	vshrl.u32 v13, $0x4;
	v61 =	vand.u32 $0xFFFFFFF0, v59;
	v12 =	vshll.u32 v10, $0x4  }
0x4e: {  	s10 =	sshrl.u32 s9, $0x3;
	vm10 =	vne.s32 v11, v53;
	vm13 =	vne.s32 v54, v61;
	vm1 =	vne.s32 v9, v12  }
0x4f: {  	s0 =	sand.u32 $0x7F, s10;
	v11 =	vadd.s32 v1, v11;
	v12 =	vsub.s32 v9, v12;
	vm0 =	vmand vm8, vm1  }
0x50: {  	s0 =	sor.u32 s8, s0;
	v12 =	vshll.u32 v12, $0x3;
	v52 =	vsel vm0, $0xFFFFFFFF, v3;
	vm0 =	vmand vm9, vm10  }
0x51: {  	s9 =	smul.u32 $0x1880, s0;
	v9 =	vadd.s32 v1, v9;
	v12 =	vand.u32 $0x78, v12;
	v16 =	vsel vm0, $0xFFFFFFFF, v3  }
0x52: {  	s11 =	sand.u32 $0x6, s31;
	v10 =	vadd.s32 v52, v10;
	v55 =	vadd.s32 v16, v13;
	v13 =	vshrl.u32 v56, $0x1C  }
0x53: {  	s0 =	sor.u32 s11, s9;
	v10 =	vshll.u32 v10, $0x7;
	v16 =	vshll.u32 v57, $0x3;
	v13 =	vadd.s32 v13, v15  }
0x54: {  	v10 =	vadd.s32 s0, v10;
	v16 =	vand.u32 $0x78, v16;
	v17 =	vand.u32 $0xFFFFFFF0, v13  }
0x55: {  	v10 =	vor.u32 v12, v10;
	v12 =	vshll.u32 v55, $0x7;
	vm12 =	vne.s32 v15, v17  }
0x56: {  	v13 =	vshrl.u32 v13, $0x4;
	v12 =	vadd.s32 s0, v12;
	vm0 =	vmand vm11, vm12  }
0x57: {  	[tilespmem:$0x880] =	vst v10;
	v10 =	vsub.s32 v15, v4;
	v12 =	vor.u32 v16, v12;
	v60 =	vsel vm0, $0xFFFFFFFF, v3  }
0x58: {  	[tilespmem:$0x980] =	vst v9;
	v9 =	vshll.u32 v10, $0x3;
	vm0 =	vmand vm14, vm13;
	v13 =	vadd.s32 v60, v13  }
0x59: {  	v10 =	vshrl.u32 v59, $0x4;
	v62 =	vsel vm0, $0xFFFFFFFF, v3;
	v13 =	vshll.u32 v13, $0x7  }
0x5a: {  	[tilespmem:$0x990] =	vst v11;
	v9 =	vand.u32 $0x78, v9;
	v10 =	vadd.s32 v62, v10;
	v13 =	vadd.s32 s0, v13  }
0x5b: {  	v11 =	vshll.u32 v63, $0x3;
	[tilespmem:$0x890] =	vst v12;
	v10 =	vshll.u32 v10, $0x7;
	v9 =	vor.u32 v9, v13  }
0x5c: {  	v11 =	vand.u32 $0x78, v11;
	v10 =	vadd.s32 s0, v10;
	[tilespmem:$0x8A0] =	vst v9;
	v9 =	vadd.s32 v1, v15  }
0x5d: {  	[tilespmem:$0x9A0] =	vst v9;
	v9 =	vor.u32 v11, v10  }
0x5e: {  	[tilespmem:$0x8B0] =	vst v9;
	v9 =	vadd.s32 v1, v54  }
0x5f: {  	s12 =	simm.s32 $0x880;
	[tilespmem:$0x9B0] =	vst v9  }
0x60: {  	[tilespmem:s17], [sflag:$0x3] =	stream.indirect.gather [hbm4b:s3+s15], $0x80, s12, s15, $0xb8;
	[tilespmem:$0x8E80] =	vst v63  }
0x61: {  	s16 =	spop (v2sf)  }
0x62: {  	[tilespmem:s19], [sflag:$0x5] =	stream.indirect.gather [hbm4b:s4+s15], $0x80, s18, s15, $0xb8;
	[tilespmem:$0x8E80] =	vst v63  }
0x63: {  	_ =	swait.ge [sflag:s20], $0x380  }
0x64: {  	[sflag:s20] =	ssyncset.done $0x0  }
0x65: {  	[sflag:s20] =	ssyncadd.s32 $0xFFFFFC80  }
0x66: {  	[tilespmem:$0x800] =	vst v2  }
0x67: {  	[tilespmem:$0x810] =	vst v2  }
0x68: {  	[tilespmem:$0x820] =	vst v2  }
0x69: {  	[tilespmem:$0x830] =	vst v2  }
0x6a: {  	s0 =	simm.s32 $0x380;
	[tilespmem:$0x840] =	vst v2  }
0x6b: {  	v9 =	vld [tilespmem:s0+$0x0];
	_ =	sdelay $0x4  }
0x6c: {  	vm15 =	vle.f32 v9, v7  }
0x6d: {  	v9 =	vsel vm15, $0x1, v3  }
0x6e: {  	(xrf0) =	vadd.scan.msk.s32 $0xffff, v9;
	_ =	sdelay $0x5  }
0x6f: {  	v10, _, _ =	vpop (xrf0)  }
0x70: {  	s0 =	simm.s32 $0x0;
	(v2sf) =	vpush v10, $0xF  }
0x71: {  	v9 =	vor.u32 s0, v0  }
0x72: {  	s11 =	simm.s32 $0x390;
	[tilespmem:s0+$0x800] =	vst.msk vm15, v9  }
0x73: {  	s10 =	simm.s32 $0x10;
	s12 =	simm.s32 $0x20;
	v9 =	vld [tilespmem:s11+$0x0]  }
.LBB2_5:
0x74: {  	p0 =	sne.s32 s12, $0x370;
	_ =	sdelay $0x3  }
0x75: {  	vm0 =	vle.f32 v9, v7  }
0x76: {  	v9 =	vsel vm0, $0x1, v3  }
0x77: {  	(xrf0) =	vadd.scan.msk.s32 $0xffff, v9;
	_ =	sdelay $0x4  }
0x78: {  	s16 =	spop (v2sf)  }
.Ltmp1:
0x79: {  	v9, _, _ =	vpop (xrf0);
	s0 =	sadd.s32 s0, s16;
	(pc) =	sbr.rel @p0 .LBB2_5-.Ltmp1, $4  }
0x7a: {  	(v2sf) =	vpush v9, $0xF;
	p1 =	slt.s32 s0, $0x40  }
0x7b: {  	v9 =	vor.u32 s10, v0;
	s10 =	smov.u32 s12;
	s0 =	simm.s32 @!p1 $0x40  }
0x7c: {  	s11 =	sadd.s32 $0x10, s11;
	[tilespmem:s0+$0x800] =	vst.msk vm0, v9  }
0x7d: {  	s12 =	sadd.s32 $0x10, s12;
	v9 =	vld [tilespmem:s11+$0x0]  }
0x7e: {  	_ =	sdelay $0xa  }
0x7f: {  	s11 =	spop (v2sf)  }
0x80: {  	vm0 =	vle.f32 v9, v7;
	s0 =	sadd.s32 s0, s11  }
0x81: {  	v10 =	vsel vm0, $0x1, v3;
	p0 =	slt.s32 s0, $0x40  }
0x82: {  	v9 =	vor.u32 s10, v0;
	(xrf0) =	vadd.scan.msk.s32 $0xffff, v10;
	s0 =	simm.s32 @!p0 $0x40  }
0x83: {  	[tilespmem:s0+$0x800] =	vst.msk vm0, v9  }
0x84: {  	v9 =	vld [tilespmem:$0x800]  }
0x85: {  	v11 =	vld [tilespmem:$0x810]  }
0x86: {  	v15 =	vld [tilespmem:$0x820]  }
0x87: {  	v54 =	vld [tilespmem:$0x830]  }
0x88: {  	v14, _, _ =	vpop (xrf0)  }
0x89: {  	(v2sf) =	vpush v14, $0xF  }
0x8a: {  	v10 =	vshra.s32 v9, $0x1F;
	vm13 =	vlt.s32 v9, $0x1;
	v13 =	vshra.s32 v11, $0x1F  }
0x8b: {  	vm14 =	vlt.s32 v11, $0x1;
	v56 =	vshra.s32 v15, $0x1F;
	v57 =	vsub.s32 v11, v4  }
0x8c: {  	v18 =	vshra.s32 v54, $0x1F;
	vm4 =	vlt.s32 v15, $0x1;
	vm7 =	vlt.s32 v54, $0x1  }
0x8d: {  	v63 =	vsub.s32 v54, v4;
	v10 =	vshrl.u32 v10, $0x1C;
	v13 =	vshrl.u32 v13, $0x1C  }
0x8e: {  	v58 =	vshrl.u32 v18, $0x1C;
	v10 =	vadd.s32 v10, v9;
	v13 =	vadd.s32 v13, v11  }
0x8f: {  	v59 =	vadd.s32 v58, v54;
	v10 =	vshra.s32 v10, $0x4;
	v53 =	vand.u32 $0xFFFFFFF0, v13  }
0x90: {  	v13 =	vshrl.u32 v13, $0x4;
	v61 =	vand.u32 $0xFFFFFFF0, v59;
	v12 =	vshll.u32 v10, $0x4  }
0x91: {  	vm15 =	vne.s32 v11, v53;
	vm6 =	vne.s32 v54, v61;
	vm1 =	vne.s32 v9, v12  }
0x92: {  	v11 =	vadd.s32 v1, v11;
	v12 =	vsub.s32 v9, v12;
	vm0 =	vmand vm13, vm1  }
0x93: {  	v12 =	vshll.u32 v12, $0x3;
	v52 =	vsel vm0, $0xFFFFFFFF, v3;
	vm0 =	vmand vm14, vm15  }
0x94: {  	v9 =	vadd.s32 v1, v9;
	v12 =	vand.u32 $0x78, v12;
	v16 =	vsel vm0, $0xFFFFFFFF, v3  }
0x95: {  	s1 =	sand.u32 $0x7, s1;
	v10 =	vadd.s32 v52, v10;
	v55 =	vadd.s32 v16, v13;
	v13 =	vshrl.u32 v56, $0x1C  }
0x96: {  	s0 =	sor.u32 s1, s9;
	v10 =	vshll.u32 v10, $0x7;
	v16 =	vshll.u32 v57, $0x3;
	v13 =	vadd.s32 v13, v15  }
0x97: {  	v10 =	vadd.s32 s0, v10;
	v16 =	vand.u32 $0x78, v16;
	v17 =	vand.u32 $0xFFFFFFF0, v13  }
0x98: {  	v10 =	vor.u32 v12, v10;
	v12 =	vshll.u32 v55, $0x7;
	vm5 =	vne.s32 v15, v17  }
0x99: {  	v13 =	vshrl.u32 v13, $0x4;
	v12 =	vadd.s32 s0, v12;
	vm0 =	vmand vm4, vm5  }
0x9a: {  	[tilespmem:$0x900] =	vst v10;
	v10 =	vsub.s32 v15, v4;
	v12 =	vor.u32 v16, v12;
	v60 =	vsel vm0, $0xFFFFFFFF, v3  }
0x9b: {  	[tilespmem:$0xA00] =	vst v9;
	v9 =	vshll.u32 v10, $0x3;
	vm0 =	vmand vm7, vm6;
	v13 =	vadd.s32 v60, v13  }
0x9c: {  	v10 =	vshrl.u32 v59, $0x4;
	v62 =	vsel vm0, $0xFFFFFFFF, v3;
	v13 =	vshll.u32 v13, $0x7  }
0x9d: {  	[tilespmem:$0xA10] =	vst v11;
	v9 =	vand.u32 $0x78, v9;
	v10 =	vadd.s32 v62, v10;
	v13 =	vadd.s32 s0, v13  }
0x9e: {  	v11 =	vshll.u32 v63, $0x3;
	[tilespmem:$0x910] =	vst v12;
	v10 =	vshll.u32 v10, $0x7;
	v9 =	vor.u32 v9, v13  }
0x9f: {  	v11 =	vand.u32 $0x78, v11;
	v10 =	vadd.s32 s0, v10;
	[tilespmem:$0x920] =	vst v9;
	v9 =	vadd.s32 v1, v15  }
0xa0: {  	[tilespmem:$0xA20] =	vst v9;
	v9 =	vor.u32 v11, v10  }
0xa1: {  	[tilespmem:$0x930] =	vst v9;
	v9 =	vadd.s32 v1, v54  }
0xa2: {  	[tilespmem:$0xA30] =	vst v9  }
0xa3: {  	[tilespmem:s22], [sflag:$0x4] =	stream.indirect.gather [hbm4b:s3+s15], $0x80, s21, s15, $0xb8;
	[tilespmem:$0x8E80] =	vst v63  }
0xa4: {  	s9 =	spop (v2sf)  }
0xa5: {  	[tilespmem:s24], [sflag:$0x6] =	stream.indirect.gather [hbm4b:s4+s15], $0x80, s23, s15, $0xb8;
	[tilespmem:$0x8E80] =	vst v63  }
0xa6: {  	_ =	swait.ge [sflag:s25], $0x2000  }
0xa7: {  	[sflag:s25] =	ssyncset.done $0x0  }
0xa8: {  	[sflag:s25] =	ssyncadd.s32 $0xFFFFE000  }
0xa9: {  	_ =	swait.ge [sflag:s26], $0x2000  }
0xaa: {  	[sflag:s26] =	ssyncset.done $0x0  }
0xab: {  	[sflag:s26] =	ssyncadd.s32 $0xFFFFE000  }
0xac: {  	[tilespmem:$0x8A80] =	vst v5  }
0xad: {  	[tilespmem:$0x8B80] =	vst v6  }
0xae: {  	[tilespmem:$0x8A90] =	vst v5  }
0xaf: {  	[tilespmem:$0x8B90] =	vst v6  }
0xb0: {  	[tilespmem:$0x8AA0] =	vst v5  }
0xb1: {  	[tilespmem:$0x8BA0] =	vst v6  }
0xb2: {  	[tilespmem:$0x8AB0] =	vst v5  }
0xb3: {  	[tilespmem:$0x8BB0] =	vst v6  }
0xb4: {  	[tilespmem:$0x8AC0] =	vst v5  }
0xb5: {  	[tilespmem:$0x8BC0] =	vst v6  }
0xb6: {  	[tilespmem:$0x8AD0] =	vst v5  }
0xb7: {  	[tilespmem:$0x8BD0] =	vst v6  }
0xb8: {  	[tilespmem:$0x8AE0] =	vst v5  }
0xb9: {  	[tilespmem:$0x8BE0] =	vst v6  }
0xba: {  	[tilespmem:$0x8AF0] =	vst v5  }
0xbb: {  	[tilespmem:$0x8BF0] =	vst v6  }
0xbc: {  	[tilespmem:$0x8B00] =	vst v5  }
0xbd: {  	s1 =	simm.s32 $0x0;
	[tilespmem:$0x8C00] =	vst v6  }
0xbe: {  	v9 =	vld [tilespmem:s1+$0xA80];
	_ =	sdelay $0x1  }
0xbf: {  	v10 =	vld [tilespmem:s1+$0x4A80];
	_ =	sdelay $0x2  }
0xc0: {  	s0 =	simm.s32 $0x0;
	vm8 =	vle.f32 v9, v8  }
0xc1: {  	[tilespmem:s0+$0x8A80] =	vst.msk vm8, v9;
	v9 =	vsel vm8, $0x1, v3  }
0xc2: {  	[tilespmem:s0+$0x8B80] =	vst.msk vm8, v10;
	(xrf0) =	vadd.scan.msk.s32 $0xffff, v9  }
0xc3: {  	v9 =	vld [tilespmem:s1+$0xA90];
	_ =	sdelay $0x4  }
0xc4: {  	vm9 =	vle.f32 v9, v8;
	v10, _, _ =	vpop (xrf0)  }
0xc5: {  	v11 =	vsel vm9, $0x1, v3;
	(v2sf) =	vpush v10, $0xF  }
0xc6: {  	(xrf0) =	vadd.scan.msk.s32 $0xffff, v11;
	_ =	sdelay $0x5  }
0xc7: {  	v10, _, _ =	vpop (xrf0)  }
0xc8: {  	(v2sf) =	vpush v10, $0xF;
	_ =	sdelay $0x6  }
0xc9: {  	v10 =	vld [tilespmem:s1+$0x4A90];
	s10 =	spop (v2sf)  }
0xca: {  	s0 =	sadd.s32 $0x0, s10  }
0xcb: {  	p0 =	slt.s32 s0, $0x80  }
0xcc: {  	s0 =	simm.s32 @!p0 $0x80  }
0xcd: {  	[tilespmem:s0+$0x8A80] =	vst.msk vm9, v9  }
0xce: {  	[tilespmem:s0+$0x8B80] =	vst.msk vm9, v10  }
0xcf: {  	v9 =	vld [tilespmem:s1+$0xAA0];
	_ =	sdelay $0x1  }
0xd0: {  	v10 =	vld [tilespmem:s1+$0x4AA0];
	s11 =	spop (v2sf)  }
0xd1: {  	s0 =	sadd.s32 s0, s11  }
0xd2: {  	p0 =	slt.s32 s0, $0x80  }
0xd3: {  	s0 =	simm.s32 @!p0 $0x80;
	vm10 =	vle.f32 v9, v8  }
0xd4: {  	[tilespmem:s0+$0x8A80] =	vst.msk vm10, v9;
	v9 =	vsel vm10, $0x1, v3  }
0xd5: {  	[tilespmem:s0+$0x8B80] =	vst.msk vm10, v10;
	(xrf0) =	vadd.scan.msk.s32 $0xffff, v9  }
0xd6: {  	v9 =	vld [tilespmem:s1+$0xAB0];
	_ =	sdelay $0x4  }
0xd7: {  	vm11 =	vle.f32 v9, v8;
	v10, _, _ =	vpop (xrf0)  }
0xd8: {  	v11 =	vsel vm11, $0x1, v3;
	(v2sf) =	vpush v10, $0xF  }
0xd9: {  	(xrf0) =	vadd.scan.msk.s32 $0xffff, v11;
	_ =	sdelay $0x5  }
0xda: {  	v10, _, _ =	vpop (xrf0)  }
0xdb: {  	(v2sf) =	vpush v10, $0xF;
	_ =	sdelay $0x6  }
0xdc: {  	v10 =	vld [tilespmem:s1+$0x4AB0];
	s12 =	spop (v2sf)  }
0xdd: {  	s0 =	sadd.s32 s0, s12  }
0xde: {  	p0 =	slt.s32 s0, $0x80  }
0xdf: {  	s0 =	simm.s32 @!p0 $0x80  }
0xe0: {  	[tilespmem:s0+$0x8A80] =	vst.msk vm11, v9  }
0xe1: {  	[tilespmem:s0+$0x8B80] =	vst.msk vm11, v10  }
0xe2: {  	v9 =	vld [tilespmem:s1+$0xAC0];
	_ =	sdelay $0x1  }
0xe3: {  	v10 =	vld [tilespmem:s1+$0x4AC0];
	s16 =	spop (v2sf)  }
0xe4: {  	s0 =	sadd.s32 s0, s16  }
0xe5: {  	p0 =	slt.s32 s0, $0x80  }
0xe6: {  	s0 =	simm.s32 @!p0 $0x80;
	vm12 =	vle.f32 v9, v8  }
0xe7: {  	[tilespmem:s0+$0x8A80] =	vst.msk vm12, v9;
	v9 =	vsel vm12, $0x1, v3  }
0xe8: {  	[tilespmem:s0+$0x8B80] =	vst.msk vm12, v10;
	(xrf0) =	vadd.scan.msk.s32 $0xffff, v9  }
0xe9: {  	v9 =	vld [tilespmem:s1+$0xAD0];
	_ =	sdelay $0x4  }
0xea: {  	vm13 =	vle.f32 v9, v8;
	v10, _, _ =	vpop (xrf0)  }
0xeb: {  	v11 =	vsel vm13, $0x1, v3;
	(v2sf) =	vpush v10, $0xF  }
0xec: {  	(xrf0) =	vadd.scan.msk.s32 $0xffff, v11;
	_ =	sdelay $0x5  }
0xed: {  	v10, _, _ =	vpop (xrf0)  }
0xee: {  	(v2sf) =	vpush v10, $0xF;
	_ =	sdelay $0x6  }
0xef: {  	v10 =	vld [tilespmem:s1+$0x4AD0];
	s10 =	spop (v2sf)  }
0xf0: {  	s0 =	sadd.s32 s0, s10  }
0xf1: {  	p0 =	slt.s32 s0, $0x80  }
0xf2: {  	s0 =	simm.s32 @!p0 $0x80  }
0xf3: {  	[tilespmem:s0+$0x8A80] =	vst.msk vm13, v9  }
0xf4: {  	[tilespmem:s0+$0x8B80] =	vst.msk vm13, v10  }
0xf5: {  	v9 =	vld [tilespmem:s1+$0xAE0];
	_ =	sdelay $0x1  }
0xf6: {  	v10 =	vld [tilespmem:s1+$0x4AE0];
	s11 =	spop (v2sf)  }
0xf7: {  	s0 =	sadd.s32 s0, s11  }
0xf8: {  	p0 =	slt.s32 s0, $0x80  }
0xf9: {  	s0 =	simm.s32 @!p0 $0x80;
	vm14 =	vle.f32 v9, v8  }
0xfa: {  	[tilespmem:s0+$0x8A80] =	vst.msk vm14, v9  }
0xfb: {  	[tilespmem:s0+$0x8B80] =	vst.msk vm14, v10  }
0xfc: {  	v9 =	vld [tilespmem:s1+$0xAF0];
	_ =	sdelay $0x1  }
0xfd: {  	v10 =	vsel vm14, $0x1, v3  }
0xfe: {  	(xrf0) =	vadd.scan.msk.s32 $0xffff, v10;
	_ =	sdelay $0x1  }
0xff: {  	vm15 =	vle.f32 v9, v8  }
0x100: {  	v10 =	vsel vm15, $0x1, v3;
	_ =	sdelay $0x2  }
0x101: {  	(xrf0) =	vadd.scan.msk.s32 $0xffff, v10;
	v10, _, _ =	vpop (xrf0)  }
0x102: {  	(v2sf) =	vpush v10, $0xF;
	_ =	sdelay $0x5  }
0x103: {  	v10, _, _ =	vpop (xrf0)  }
0x104: {  	(v2sf) =	vpush v10, $0xF;
	_ =	sdelay $0x7  }
0x105: {  	v10 =	vld [tilespmem:s1+$0x4AF0];
	s12 =	spop (v2sf)  }
0x106: {  	s0 =	sadd.s32 s0, s12  }
0x107: {  	p0 =	slt.s32 s0, $0x80  }
0x108: {  	s0 =	simm.s32 @!p0 $0x80  }
0x109: {  	[tilespmem:s0+$0x8A80] =	vst.msk vm15, v9  }
0x10a: {  	s1 =	simm.s32 $0x80;
	[tilespmem:s0+$0x8B80] =	vst.msk vm15, v10  }
0x10b: {  	v9 =	vld [tilespmem:s1+$0xA80]  }
0x10c: {  	s16 =	spop (v2sf)  }
0x10d: {  	s0 =	sadd.s32 s0, s16;
	v10 =	vld [tilespmem:s1+$0x4A80]  }
0x10e: {  	s9 =	simm.s32 $0x400;
	p1 =	slt.s32 s0, $0x80  }
.LBB2_7:
0x10f: {  	p0 =	sne.s32 s9, $0x7E00  }
0x110: {  	vm0 =	vle.f32 v9, v8;
	s0 =	simm.s32 @!p1 $0x80;
	s10 =	smov.u32 s9;
	s9 =	sadd.s32 $0x200, s9  }
0x111: {  	[tilespmem:s0+$0x8A80] =	vst.msk vm0, v9;
	v9 =	vsel vm0, $0x1, v3  }
0x112: {  	[tilespmem:s0+$0x8B80] =	vst.msk vm0, v10;
	(xrf0) =	vadd.scan.msk.s32 $0xffff, v9  }
0x113: {  	v9 =	vld [tilespmem:s1+$0xA90];
	_ =	sdelay $0x4  }
0x114: {  	vm0 =	vle.f32 v9, v8;
	v10, _, _ =	vpop (xrf0)  }
0x115: {  	v11 =	vsel vm0, $0x1, v3;
	(v2sf) =	vpush v10, $0xF  }
0x116: {  	(xrf0) =	vadd.scan.msk.s32 $0xffff, v11;
	_ =	sdelay $0x5  }
0x117: {  	v10, _, _ =	vpop (xrf0)  }
0x118: {  	(v2sf) =	vpush v10, $0xF;
	_ =	sdelay $0x6  }
0x119: {  	v10 =	vld [tilespmem:s1+$0x4A90];
	s11 =	spop (v2sf)  }
0x11a: {  	s0 =	sadd.s32 s0, s11  }
0x11b: {  	p1 =	slt.s32 s0, $0x80  }
0x11c: {  	s0 =	simm.s32 @!p1 $0x80  }
0x11d: {  	[tilespmem:s0+$0x8A80] =	vst.msk vm0, v9  }
0x11e: {  	[tilespmem:s0+$0x8B80] =	vst.msk vm0, v10  }
0x11f: {  	v9 =	vld [tilespmem:s1+$0xAA0];
	_ =	sdelay $0x1  }
0x120: {  	v10 =	vld [tilespmem:s1+$0x4AA0];
	s11 =	spop (v2sf)  }
0x121: {  	s0 =	sadd.s32 s0, s11  }
0x122: {  	p1 =	slt.s32 s0, $0x80  }
0x123: {  	s0 =	simm.s32 @!p1 $0x80;
	vm0 =	vle.f32 v9, v8  }
0x124: {  	[tilespmem:s0+$0x8A80] =	vst.msk vm0, v9;
	v9 =	vsel vm0, $0x1, v3  }
0x125: {  	[tilespmem:s0+$0x8B80] =	vst.msk vm0, v10;
	(xrf0) =	vadd.scan.msk.s32 $0xffff, v9  }
0x126: {  	v9 =	vld [tilespmem:s1+$0xAB0];
	_ =	sdelay $0x4  }
0x127: {  	vm0 =	vle.f32 v9, v8;
	v10, _, _ =	vpop (xrf0)  }
0x128: {  	v11 =	vsel vm0, $0x1, v3;
	(v2sf) =	vpush v10, $0xF  }
0x129: {  	(xrf0) =	vadd.scan.msk.s32 $0xffff, v11;
	_ =	sdelay $0x5  }
0x12a: {  	v10, _, _ =	vpop (xrf0)  }
0x12b: {  	(v2sf) =	vpush v10, $0xF;
	_ =	sdelay $0x6  }
0x12c: {  	v10 =	vld [tilespmem:s1+$0x4AB0];
	s11 =	spop (v2sf)  }
0x12d: {  	s0 =	sadd.s32 s0, s11  }
0x12e: {  	p1 =	slt.s32 s0, $0x80  }
0x12f: {  	s0 =	simm.s32 @!p1 $0x80  }
0x130: {  	[tilespmem:s0+$0x8A80] =	vst.msk vm0, v9  }
0x131: {  	[tilespmem:s0+$0x8B80] =	vst.msk vm0, v10  }
0x132: {  	v9 =	vld [tilespmem:s1+$0xAC0];
	_ =	sdelay $0x1  }
0x133: {  	v10 =	vld [tilespmem:s1+$0x4AC0];
	s11 =	spop (v2sf)  }
0x134: {  	s0 =	sadd.s32 s0, s11  }
0x135: {  	p1 =	slt.s32 s0, $0x80  }
0x136: {  	s0 =	simm.s32 @!p1 $0x80;
	vm0 =	vle.f32 v9, v8  }
0x137: {  	[tilespmem:s0+$0x8A80] =	vst.msk vm0, v9;
	v9 =	vsel vm0, $0x1, v3  }
0x138: {  	[tilespmem:s0+$0x8B80] =	vst.msk vm0, v10;
	(xrf0) =	vadd.scan.msk.s32 $0xffff, v9  }
0x139: {  	v9 =	vld [tilespmem:s1+$0xAD0]  }
0x13a: {  	v10 =	vld [tilespmem:s1+$0x4AD0];
	_ =	sdelay $0x3  }
0x13b: {  	vm0 =	vle.f32 v9, v8;
	v11, _, _ =	vpop (xrf0)  }
0x13c: {  	v12 =	vsel vm0, $0x1, v3;
	(v2sf) =	vpush v11, $0xF  }
0x13d: {  	(xrf0) =	vadd.scan.msk.s32 $0xffff, v12;
	_ =	sdelay $0x5  }
0x13e: {  	v11, _, _ =	vpop (xrf0)  }
0x13f: {  	(v2sf) =	vpush v11, $0xF;
	_ =	sdelay $0x6  }
0x140: {  	s11 =	spop (v2sf)  }
0x141: {  	s0 =	sadd.s32 s0, s11  }
0x142: {  	p1 =	slt.s32 s0, $0x80  }
0x143: {  	s0 =	simm.s32 @!p1 $0x80  }
0x144: {  	[tilespmem:s0+$0x8A80] =	vst.msk vm0, v9  }
0x145: {  	[tilespmem:s0+$0x8B80] =	vst.msk vm0, v10  }
0x146: {  	v9 =	vld [tilespmem:s1+$0xAE0]  }
0x147: {  	v10 =	vld [tilespmem:s1+$0x4AE0]  }
0x148: {  	s11 =	spop (v2sf)  }
0x149: {  	s0 =	sadd.s32 s0, s11  }
0x14a: {  	p1 =	slt.s32 s0, $0x80  }
0x14b: {  	s0 =	simm.s32 @!p1 $0x80;
	vm0 =	vle.f32 v9, v8  }
0x14c: {  	[tilespmem:s0+$0x8A80] =	vst.msk vm0, v9;
	v9 =	vsel vm0, $0x1, v3  }
0x14d: {  	[tilespmem:s0+$0x8B80] =	vst.msk vm0, v10;
	(xrf0) =	vadd.scan.msk.s32 $0xffff, v9  }
0x14e: {  	v9 =	vld [tilespmem:s1+$0xAF0]  }
0x14f: {  	v10 =	vld [tilespmem:s1+$0x4AF0];
	_ =	sdelay $0x3  }
0x150: {  	vm0 =	vle.f32 v9, v8;
	v11, _, _ =	vpop (xrf0)  }
0x151: {  	v12 =	vsel vm0, $0x1, v3;
	(v2sf) =	vpush v11, $0xF  }
0x152: {  	(xrf0) =	vadd.scan.msk.s32 $0xffff, v12;
	_ =	sdelay $0x5  }
0x153: {  	v11, _, _ =	vpop (xrf0)  }
0x154: {  	(v2sf) =	vpush v11, $0xF;
	_ =	sdelay $0x6  }
0x155: {  	s1 =	spop (v2sf)  }
0x156: {  	s0 =	sadd.s32 s0, s1  }
0x157: {  	p1 =	slt.s32 s0, $0x80  }
0x158: {  	s0 =	simm.s32 @!p1 $0x80  }
0x159: {  	[tilespmem:s0+$0x8A80] =	vst.msk vm0, v9  }
0x15a: {  	s1 =	sshra.s32 s10, $0x2;
	[tilespmem:s0+$0x8B80] =	vst.msk vm0, v10  }
.Ltmp2:
0x15b: {  	v9 =	vld [tilespmem:s1+$0xA80];
	(pc) =	sbr.rel @p0 .LBB2_7-.Ltmp2, $4  }
0x15c: {  	_ = 	snop  }
0x15d: {  	v10 =	vld [tilespmem:s1+$0x4A80];
	s10 =	spop (v2sf)  }
0x15e: {  	s0 =	sadd.s32 s0, s10  }
0x15f: {  	p1 =	slt.s32 s0, $0x80  }
0x160: {  	vm0 =	vle.f32 v9, v8  }
0x161: {  	v11 =	vsel vm0, $0x1, v3  }
0x162: {  	(xrf0) =	vadd.scan.msk.s32 $0xffff, v11;
	_ =	sdelay $0x5  }
0x163: {  	v11, _, _ =	vpop (xrf0)  }
0x164: {  	(v2sf) =	vpush v11, $0xF;
	_ =	sdelay $0x2  }
0x165: {  	s0 =	simm.s32 @!p1 $0x80  }
0x166: {  	[tilespmem:s0+$0x8A80] =	vst.msk vm0, v9  }
0x167: {  	[tilespmem:s0+$0x8B80] =	vst.msk vm0, v10  }
0x168: {  	v9 =	vld [tilespmem:s1+$0xA90];
	_ =	sdelay $0x4  }
0x169: {  	vm13 =	vle.f32 v9, v8  }
0x16a: {  	v10 =	vsel vm13, $0x1, v3  }
0x16b: {  	(xrf0) =	vadd.scan.msk.s32 $0xffff, v10;
	_ =	sdelay $0x1  }
0x16c: {  	v10 =	vld [tilespmem:s1+$0x4A90];
	s9 =	spop (v2sf)  }
0x16d: {  	s0 =	sadd.s32 s0, s9  }
0x16e: {  	p0 =	slt.s32 s0, $0x80  }
0x16f: {  	s0 =	simm.s32 @!p0 $0x80  }
0x170: {  	v11, _, _ =	vpop (xrf0);
	[tilespmem:s0+$0x8A80] =	vst.msk vm13, v9  }
0x171: {  	(v2sf) =	vpush v11, $0xF;
	[tilespmem:s0+$0x8B80] =	vst.msk vm13, v10  }
0x172: {  	v9 =	vld [tilespmem:s1+$0xAA0];
	_ =	sdelay $0x4  }
0x173: {  	vm14 =	vle.f32 v9, v8  }
0x174: {  	v10 =	vsel vm14, $0x1, v3  }
0x175: {  	(xrf0) =	vadd.scan.msk.s32 $0xffff, v10;
	_ =	sdelay $0x5  }
0x176: {  	v10, _, _ =	vpop (xrf0)  }
0x177: {  	v11 =	vld [tilespmem:s1+$0x4AA0];
	s10 =	spop (v2sf);
	(v2sf) =	vpush v10, $0xF  }
0x178: {  	s0 =	sadd.s32 s0, s10  }
0x179: {  	p0 =	slt.s32 s0, $0x80  }
0x17a: {  	s0 =	simm.s32 @!p0 $0x80  }
0x17b: {  	[tilespmem:s0+$0x8A80] =	vst.msk vm14, v9  }
0x17c: {  	[tilespmem:s0+$0x8B80] =	vst.msk vm14, v11  }
0x17d: {  	v9 =	vld [tilespmem:s1+$0xAB0];
	_ =	sdelay $0x4  }
0x17e: {  	vm15 =	vle.f32 v9, v8  }
0x17f: {  	v10 =	vsel vm15, $0x1, v3  }
0x180: {  	(xrf0) =	vadd.scan.msk.s32 $0xffff, v10;
	_ =	sdelay $0x1  }
0x181: {  	v10 =	vld [tilespmem:s1+$0x4AB0];
	s11 =	spop (v2sf)  }
0x182: {  	s0 =	sadd.s32 s0, s11  }
0x183: {  	p0 =	slt.s32 s0, $0x80  }
0x184: {  	s0 =	simm.s32 @!p0 $0x80  }
0x185: {  	v11, _, _ =	vpop (xrf0);
	[tilespmem:s0+$0x8A80] =	vst.msk vm15, v9  }
0x186: {  	(v2sf) =	vpush v11, $0xF;
	[tilespmem:s0+$0x8B80] =	vst.msk vm15, v10  }
0x187: {  	v9 =	vld [tilespmem:s1+$0xAC0];
	_ =	sdelay $0x4  }
0x188: {  	vm4 =	vle.f32 v9, v8  }
0x189: {  	v10 =	vsel vm4, $0x1, v3  }
0x18a: {  	(xrf0) =	vadd.scan.msk.s32 $0xffff, v10;
	_ =	sdelay $0x5  }
0x18b: {  	v10, _, _ =	vpop (xrf0)  }
0x18c: {  	v11 =	vld [tilespmem:s1+$0x4AC0];
	s12 =	spop (v2sf);
	(v2sf) =	vpush v10, $0xF  }
0x18d: {  	s0 =	sadd.s32 s0, s12  }
0x18e: {  	p0 =	slt.s32 s0, $0x80  }
0x18f: {  	s0 =	simm.s32 @!p0 $0x80  }
0x190: {  	[tilespmem:s0+$0x8A80] =	vst.msk vm4, v9  }
0x191: {  	[tilespmem:s0+$0x8B80] =	vst.msk vm4, v11  }
0x192: {  	v9 =	vld [tilespmem:s1+$0xAD0];
	_ =	sdelay $0x4  }
0x193: {  	vm5 =	vle.f32 v9, v8  }
0x194: {  	v10 =	vsel vm5, $0x1, v3  }
0x195: {  	(xrf0) =	vadd.scan.msk.s32 $0xffff, v10;
	_ =	sdelay $0x1  }
0x196: {  	v10 =	vld [tilespmem:s1+$0x4AD0];
	s16 =	spop (v2sf)  }
0x197: {  	s0 =	sadd.s32 s0, s16  }
0x198: {  	p0 =	slt.s32 s0, $0x80  }
0x199: {  	s0 =	simm.s32 @!p0 $0x80  }
0x19a: {  	v11, _, _ =	vpop (xrf0);
	[tilespmem:s0+$0x8A80] =	vst.msk vm5, v9  }
0x19b: {  	(v2sf) =	vpush v11, $0xF;
	[tilespmem:s0+$0x8B80] =	vst.msk vm5, v10  }
0x19c: {  	v9 =	vld [tilespmem:s1+$0xAE0];
	_ =	sdelay $0x4  }
0x19d: {  	vm6 =	vle.f32 v9, v8  }
0x19e: {  	v10 =	vsel vm6, $0x1, v3  }
0x19f: {  	(xrf0) =	vadd.scan.msk.s32 $0xffff, v10;
	_ =	sdelay $0x5  }
0x1a0: {  	v10, _, _ =	vpop (xrf0)  }
0x1a1: {  	v11 =	vld [tilespmem:s1+$0x4AE0];
	s10 =	spop (v2sf);
	(v2sf) =	vpush v10, $0xF  }
0x1a2: {  	s0 =	sadd.s32 s0, s10  }
0x1a3: {  	p0 =	slt.s32 s0, $0x80  }
0x1a4: {  	s0 =	simm.s32 @!p0 $0x80  }
0x1a5: {  	[tilespmem:s0+$0x8A80] =	vst.msk vm6, v9  }
0x1a6: {  	[tilespmem:s0+$0x8B80] =	vst.msk vm6, v11  }
0x1a7: {  	v9 =	vld [tilespmem:s1+$0xAF0];
	_ =	sdelay $0x4  }
0x1a8: {  	vm7 =	vle.f32 v9, v8  }
0x1a9: {  	v8 =	vsel vm7, $0x1, v3  }
0x1aa: {  	(xrf0) =	vadd.scan.msk.s32 $0xffff, v8;
	_ =	sdelay $0x1  }
0x1ab: {  	v8 =	vld [tilespmem:s1+$0x4AF0];
	s11 =	spop (v2sf)  }
0x1ac: {  	s0 =	sadd.s32 s0, s11  }
0x1ad: {  	p0 =	slt.s32 s0, $0x80  }
0x1ae: {  	s0 =	simm.s32 @!p0 $0x80  }
0x1af: {  	v10, _, _ =	vpop (xrf0);
	[tilespmem:s0+$0x8A80] =	vst.msk vm7, v9  }
0x1b0: {  	(v2sf) =	vpush v10, $0xF;
	[tilespmem:s0+$0x8B80] =	vst.msk vm7, v8  }
0x1b1: {  	v8 =	vld [tilespmem:$0x8A80]  }
0x1b2: {  	v9 =	vld [tilespmem:$0x8A90]  }
0x1b3: {  	v10 =	vld [tilespmem:$0x8AA0]  }
0x1b4: {  	v11 =	vld [tilespmem:$0x8AB0]  }
0x1b5: {  	v16 =	vld [tilespmem:$0x8AC0]  }
0x1b6: {  	v17 =	vld [tilespmem:$0x8AD0];
	vm8 =	vlt.s32 v8, $0x0;
	v12 =	vxor.u32 $0x7FFFFFFF, v8  }
0x1b7: {  	v18 =	vld [tilespmem:$0x8AE0];
	vm9 =	vlt.s32 v9, $0x0;
	v13 =	vsel vm8, v12, v8;
	v8 =	vxor.u32 $0x7FFFFFFF, v9  }
0x1b8: {  	v19 =	vld [tilespmem:$0x8AF0];
	vm10 =	vlt.s32 v10, $0x0;
	[tilespmem:$0x8C80] =	vst v13;
	v14 =	vsel vm9, v8, v9;
	v8 =	vxor.u32 $0x7FFFFFFF, v10  }
0x1b9: {  	vm11 =	vlt.s32 v11, $0x0;
	[tilespmem:$0x8C90] =	vst v14;
	v15 =	vsel vm10, v8, v10;
	v8 =	vxor.u32 $0x7FFFFFFF, v11  }
0x1ba: {  	vm12 =	vlt.s32 v16, $0x0;
	[tilespmem:$0x8CA0] =	vst v15;
	v12 =	vsel vm11, v8, v11;
	v8 =	vxor.u32 $0x7FFFFFFF, v16  }
0x1bb: {  	vm13 =	vlt.s32 v17, $0x0;
	[tilespmem:$0x8CB0] =	vst v12;
	v11 =	vsel vm12, v8, v16;
	v8 =	vxor.u32 $0x7FFFFFFF, v17  }
0x1bc: {  	vm14 =	vlt.s32 v18, $0x0;
	[tilespmem:$0x8CC0] =	vst v11;
	v10 =	vsel vm13, v8, v17;
	v8 =	vxor.u32 $0x7FFFFFFF, v18  }
0x1bd: {  	vm15 =	vlt.s32 v19, $0x0;
	[tilespmem:$0x8CD0] =	vst v10;
	v9 =	vsel vm14, v8, v18;
	v8 =	vxor.u32 $0x7FFFFFFF, v19  }
0x1be: {  	s12 =	simm.s32 $0x80000000;
	s1 =	simm.s32 $0x0;
	[tilespmem:$0x8CE0] =	vst v9;
	v8 =	vsel vm15, v8, v19  }
0x1bf: {  	s9 =	simm.s32 $0x1;
	s0 =	sor.u32 s12, s1;
	s16 =	spop (v2sf);
	[tilespmem:$0x8CF0] =	vst v8  }
.LBB2_9:
0x1c0: {  	s10 =	smov.u32 s1  }
0x1c1: {  	p0 =	sne.s32 s9, $0x1F;
	s1 =	sxor.u32 $0x80000000, s0  }
0x1c2: {  	vm0 =	vlt.s32 v13, s1  }
0x1c3: {  	v16 =	vsel vm0, $0x1, v3;
	vm0 =	vlt.s32 v14, s1  }
0x1c4: {  	v17 =	vsel vm0, $0x1, v3;
	vm0 =	vlt.s32 v15, s1;
	(xrf0) =	vadd.scan.msk.s32 $0xffff, v16  }
0x1c5: {  	v16 =	vsel vm0, $0x1, v3;
	vm0 =	vlt.s32 v12, s1;
	(xrf0) =	vadd.scan.msk.s32 $0xffff, v17  }
0x1c6: {  	v17 =	vsel vm0, $0x1, v3;
	vm0 =	vlt.s32 v11, s1;
	(xrf0) =	vadd.scan.msk.s32 $0xffff, v16  }
0x1c7: {  	v16 =	vsel vm0, $0x1, v3;
	vm0 =	vlt.s32 v10, s1;
	(xrf0) =	vadd.scan.msk.s32 $0xffff, v17  }
0x1c8: {  	v17 =	vsel vm0, $0x1, v3;
	vm0 =	vlt.s32 v9, s1;
	(xrf0) =	vadd.scan.msk.s32 $0xffff, v16  }
0x1c9: {  	v19 =	vsel vm0, $0x1, v3;
	vm0 =	vlt.s32 v8, s1;
	(xrf0) =	vadd.scan.msk.s32 $0xffff, v17  }
0x1ca: {  	v17 =	vsel vm0, $0x1, v3;
	v18, _, _ =	vpop (xrf0);
	(xrf0) =	vadd.scan.msk.s32 $0xffff, v19  }
0x1cb: {  	(v2sf) =	vpush v18, $0xF;
	v16, _, _ =	vpop (xrf0);
	(xrf0) =	vadd.scan.msk.s32 $0xffff, v17  }
0x1cc: {  	(v2sf) =	vpush v16, $0xF;
	v16, _, _ =	vpop (xrf0)  }
0x1cd: {  	(v2sf) =	vpush v16, $0xF;
	v16, _, _ =	vpop (xrf0)  }
0x1ce: {  	(v2sf) =	vpush v16, $0xF;
	v16, _, _ =	vpop (xrf0)  }
0x1cf: {  	(v2sf) =	vpush v16, $0xF;
	v16, _, _ =	vpop (xrf0)  }
0x1d0: {  	(v2sf) =	vpush v16, $0xF;
	v16, _, _ =	vpop (xrf0)  }
0x1d1: {  	(v2sf) =	vpush v16, $0xF;
	v16, _, _ =	vpop (xrf0)  }
0x1d2: {  	(v2sf) =	vpush v16, $0xF;
	_ =	sdelay $0x7  }
0x1d3: {  	s1 =	spop (v2sf)  }
0x1d4: {  	s11 =	spop (v2sf)  }
0x1d5: {  	s1 =	sadd.s32 s11, s1;
	s11 =	spop (v2sf)  }
0x1d6: {  	s1 =	sadd.s32 s11, s1;
	s11 =	spop (v2sf)  }
0x1d7: {  	s1 =	sadd.s32 s11, s1;
	s11 =	spop (v2sf)  }
0x1d8: {  	s1 =	sadd.s32 s11, s1;
	s11 =	spop (v2sf)  }
0x1d9: {  	s1 =	sadd.s32 s11, s1;
	s11 =	spop (v2sf)  }
.Ltmp3:
0x1da: {  	s1 =	sadd.s32 s11, s1;
	s11 =	spop (v2sf);
	(pc) =	sbr.rel @p0 .LBB2_9-.Ltmp3, $4  }
0x1db: {  	s1 =	sadd.s32 s11, s1  }
0x1dc: {  	p1 =	sgt.s32 s1, $0x31;
	s1 =	smov.u32 s0  }
0x1dd: {  	s11 =	sshrl.u32 s28, s9;
	s1 =	smov.u32 @p1 s10  }
0x1de: {  	s9 =	sadd.s32 $0x1, s9;
	s0 =	sor.u32 s11, s1  }
0x1df: {  	s9 =	sxor.u32 $0x80000000, s0  }
0x1e0: {  	vm0 =	vlt.s32 v13, s9  }
0x1e1: {  	vm8 =	vlt.s32 v14, s9;
	v16 =	vsel vm0, $0x1, v3  }
0x1e2: {  	vm9 =	vlt.s32 v15, s9;
	v17 =	vsel vm8, $0x1, v3;
	(xrf0) =	vadd.scan.msk.s32 $0xffff, v16  }
0x1e3: {  	vm10 =	vlt.s32 v12, s9;
	v43 =	vsel vm9, $0x1, v3;
	(xrf0) =	vadd.scan.msk.s32 $0xffff, v17  }
0x1e4: {  	vm11 =	vlt.s32 v11, s9;
	v44 =	vsel vm10, $0x1, v3;
	(xrf0) =	vadd.scan.msk.s32 $0xffff, v43  }
0x1e5: {  	vm12 =	vlt.s32 v10, s9;
	v45 =	vsel vm11, $0x1, v3;
	(xrf0) =	vadd.scan.msk.s32 $0xffff, v44  }
0x1e6: {  	vm13 =	vlt.s32 v9, s9;
	v46 =	vsel vm12, $0x1, v3;
	(xrf0) =	vadd.scan.msk.s32 $0xffff, v45  }
0x1e7: {  	vm14 =	vlt.s32 v8, s9;
	v47 =	vsel vm13, $0x1, v3;
	(xrf0) =	vadd.scan.msk.s32 $0xffff, v46  }
0x1e8: {  	v48 =	vsel vm14, $0x1, v3;
	v18, _, _ =	vpop (xrf0);
	(xrf0) =	vadd.scan.msk.s32 $0xffff, v47  }
0x1e9: {  	(v2sf) =	vpush v18, $0xF;
	v49, _, _ =	vpop (xrf0);
	(xrf0) =	vadd.scan.msk.s32 $0xffff, v48  }
0x1ea: {  	(v2sf) =	vpush v49, $0xF;
	v50, _, _ =	vpop (xrf0)  }
0x1eb: {  	(v2sf) =	vpush v50, $0xF;
	v51, _, _ =	vpop (xrf0)  }
0x1ec: {  	(v2sf) =	vpush v51, $0xF;
	v52, _, _ =	vpop (xrf0)  }
0x1ed: {  	(v2sf) =	vpush v52, $0xF;
	v53, _, _ =	vpop (xrf0)  }
0x1ee: {  	(v2sf) =	vpush v53, $0xF;
	v54, _, _ =	vpop (xrf0)  }
0x1ef: {  	(v2sf) =	vpush v54, $0xF;
	v55, _, _ =	vpop (xrf0)  }
0x1f0: {  	(v2sf) =	vpush v55, $0xF;
	_ =	sdelay $0x7  }
0x1f1: {  	s16 =	spop (v2sf)  }
0x1f2: {  	s10 =	spop (v2sf)  }
0x1f3: {  	s9 =	sadd.s32 s10, s16;
	s11 =	spop (v2sf)  }
0x1f4: {  	s9 =	sadd.s32 s11, s9;
	s12 =	spop (v2sf)  }
0x1f5: {  	s9 =	sadd.s32 s12, s9;
	s16 =	spop (v2sf)  }
0x1f6: {  	s9 =	sadd.s32 s16, s9;
	s11 =	spop (v2sf)  }
0x1f7: {  	s9 =	sadd.s32 s11, s9;
	s12 =	spop (v2sf)  }
0x1f8: {  	s9 =	sadd.s32 s12, s9;
	s16 =	spop (v2sf)  }
0x1f9: {  	s9 =	sadd.s32 s16, s9  }
0x1fa: {  	p0 =	sgt.s32 s9, $0x31  }
0x1fb: {  	s0 =	smov.u32 @p0 s1  }
0x1fc: {  	s1 =	sxor.u32 $0x80000000, s0  }
0x1fd: {  	vm9 =	vlt.s32 v13, s1  }
0x1fe: {  	vm6 =	vlt.s32 v14, s1;
	v56 =	vsel vm9, $0x1, v3  }
0x1ff: {  	vm5 =	vlt.s32 v15, s1;
	v57 =	vsel vm6, $0x1, v3;
	(xrf0) =	vadd.scan.msk.s32 $0xffff, v56  }
0x200: {  	vm4 =	vlt.s32 v12, s1;
	v58 =	vsel vm5, $0x1, v3;
	(xrf0) =	vadd.scan.msk.s32 $0xffff, v57  }
0x201: {  	vm3 =	vlt.s32 v11, s1;
	v59 =	vsel vm4, $0x1, v3;
	(xrf0) =	vadd.scan.msk.s32 $0xffff, v58  }
0x202: {  	vm2 =	vlt.s32 v10, s1;
	v60 =	vsel vm3, $0x1, v3;
	(xrf0) =	vadd.scan.msk.s32 $0xffff, v59  }
0x203: {  	vm1 =	vlt.s32 v9, s1;
	v61 =	vsel vm2, $0x1, v3;
	(xrf0) =	vadd.scan.msk.s32 $0xffff, v60  }
0x204: {  	vm0 =	vlt.s32 v8, s1;
	v62 =	vsel vm1, $0x1, v3;
	(xrf0) =	vadd.scan.msk.s32 $0xffff, v61  }
0x205: {  	v20 =	vsel vm0, $0x1, v3;
	v63, _, _ =	vpop (xrf0);
	(xrf0) =	vadd.scan.msk.s32 $0xffff, v62  }
0x206: {  	(v2sf) =	vpush v63, $0xF;
	v21, _, _ =	vpop (xrf0);
	(xrf0) =	vadd.scan.msk.s32 $0xffff, v20  }
0x207: {  	(v2sf) =	vpush v21, $0xF;
	v22, _, _ =	vpop (xrf0)  }
0x208: {  	(v2sf) =	vpush v22, $0xF;
	v23, _, _ =	vpop (xrf0)  }
0x209: {  	(v2sf) =	vpush v23, $0xF;
	v24, _, _ =	vpop (xrf0)  }
0x20a: {  	(v2sf) =	vpush v24, $0xF;
	v25, _, _ =	vpop (xrf0)  }
0x20b: {  	(v2sf) =	vpush v25, $0xF;
	v26, _, _ =	vpop (xrf0)  }
0x20c: {  	(v2sf) =	vpush v26, $0xF;
	v27, _, _ =	vpop (xrf0)  }
0x20d: {  	(v2sf) =	vpush v27, $0xF  }
0x20e: {  	vm7 =	veq.s32 v13, s1  }
0x20f: {  	v13 =	vsel vm7, $0x1, v3  }
0x210: {  	vm13 =	veq.s32 v14, s1;
	(xrf0) =	vadd.scan.msk.s32 $0xffff, v13  }
0x211: {  	v28 =	vsel vm13, $0x1, v3  }
0x212: {  	v29 =	vld [tilespmem:$0x8A80];
	(xrf0) =	vadd.scan.msk.s32 $0xffff, v28  }
0x213: {  	vm11 =	veq.s32 v15, s1  }
0x214: {  	vm12 =	veq.s32 v12, s1;
	v15 =	vsel vm11, $0x1, v3  }
0x215: {  	v35 =	vsel vm12, $0x1, v3;
	(xrf0) =	vadd.scan.msk.s32 $0xffff, v15;
	s9 =	spop (v2sf)  }
0x216: {  	v30 =	vld [tilespmem:$0x8A90];
	vm8 =	veq.s32 v11, s1;
	v31, _, _ =	vpop (xrf0);
	(xrf0) =	vadd.scan.msk.s32 $0xffff, v35;
	s10 =	spop (v2sf)  }
0x217: {  	v14 =	vmax.f32 v29, $0.0e+00;
	v11 =	vsel vm8, $0x1, v3;
	s11 =	spop (v2sf);
	s0 =	sadd.s32 s9, s10  }
0x218: {  	v34 =	vld [tilespmem:$0x8AA0];
	v14 =	vadd.f32 $1.000000050e-03, v14;
	v32, _, _ =	vpop (xrf0);
	(xrf0) =	vadd.scan.msk.s32 $0xffff, v11;
	(v2sf) =	vpush v31, $0xF;
	s12 =	spop (v2sf);
	s0 =	sadd.s32 s11, s0  }
0x219: {  	v41 =	vld [tilespmem:$0x8AC0];
	s16 =	spop (v2sf);
	s0 =	sadd.s32 s12, s0  }
0x21a: {  	(erf) = vrcp.f32 v14;
	v11 =	vld [tilespmem:$0x8AB0];
	(v2sf) =	vpush v32, $0xF;
	s11 =	spop (v2sf);
	s0 =	sadd.s32 s16, s0  }
0x21b: {  	v13 =	vmax.f32 v30, $0.0e+00;
	v36, _, _ =	vpop (xrf0);
	s12 =	spop (v2sf);
	s0 =	sadd.s32 s11, s0  }
0x21c: {  	vm10 =	veq.s32 v10, s1;
	v33 =	vadd.f32 $1.000000050e-03, v13;
	(v2sf) =	vpush v36, $0xF;
	v40, _, _ =	vpop (xrf0);
	s16 =	spop (v2sf);
	s0 =	sadd.s32 s12, s0  }
0x21d: {  	v38 =	vsel vm10, $0x1, v3;
	v20 =	vld [tilespmem:$0x8AE0];
	v13 =	vmax.f32 v34, $0.0e+00;
	(v2sf) =	vpush v40, $0xF;
	s0 =	sadd.s32 s16, s0  }
0x21e: {  	v37 =	vld [tilespmem:$0x8B80];
	v10 =	vadd.f32 $1.000000050e-03, v13;
	v13 =	vmax.f32 v41, $0.0e+00;
	(erf) = vrcp.f32 v33;
	v19, _, _ =	vpop (xrf0);
	s9 =	ssub.s32 $0x32, s0  }
0x21f: {  	v46 =	vld [tilespmem:$0x8AF0];
	v11 =	vmax.f32 v11, $0.0e+00;
	(v2sf) =	vpush v19, $0xF;
	vm14 =	vle.s32 v31, s9  }
0x220: {  	(xrf0) =	vadd.scan.msk.s32 $0xffff, v38;
	v11 =	vadd.f32 $1.000000050e-03, v11;
	vm14 =	vmand vm7, vm14;
	vm7 =	veq.s32 v9, s1  }
0x221: {  	v42 =	vld [tilespmem:$0x8AD0];
	v13 =	vadd.f32 $1.000000050e-03, v13;
	(erf) = vrcp.f32 v10;
	v10 =	vsel vm7, $0x1, v3  }
0x222: {  	v48 =	vmax.f32 v20, $0.0e+00;
	v15 =	vbroadcast v31, $0xF;
	(erf) = vrcp.f32 v11;
	(xrf0) =	vadd.scan.msk.s32 $0xffff, v10  }
0x223: {  	v49 =	vadd.f32 $1.000000050e-03, v48;
	v9 =	vpop (erf);
	(erf) = vrcp.f32 v13  }
0x224: {  	v39 =	vld [tilespmem:$0x8B90];
	v13 =	vmax.f32 v46, $0.0e+00;
	v12 =	vmul.f32 v9, v37;
	v10 =	vadd.s32 v32, v15  }
0x225: {  	vm9 =	vmor vm9, vm14;
	v9 =	vadd.f32 $0.0e+00, v9;
	v13 =	vadd.f32 $1.000000050e-03, v13  }
0x226: {  	v43 =	vld [tilespmem:$0x8BA0];
	v44, _, _ =	vpop (xrf0);
	v15 =	vmax.f32 v42, $0.0e+00;
	v12 =	vadd.f32 $0.0e+00, v12;
	vm14 =	vle.s32 v10, s9  }
0x227: {  	v9 =	vnsel vm9, $0x0, v9;
	vm13 =	vmand vm13, vm14;
	s10 =	spop (v2sf);
	(v2sf) =	vpush v44, $0xF;
	v10 =	vpop (erf)  }
0x228: {  	v15 =	vadd.f32 $1.000000050e-03, v15;
	v11 =	vnsel vm9, $0x0, v12;
	vm6 =	vmor vm6, vm13;
	v21, _, _ =	vpop (xrf0)  }
0x229: {  	s11 =	spop (v2sf);
	vm13 =	veq.s32 v8, s1;
	v14 =	vmul.f32 v10, v39;
	(v2sf) =	vpush v21, $0xF  }
0x22a: {  	s0 =	sadd.s32 s11, s10;
	v10 =	vnsel vm6, $0x0, v10;
	v22 =	vpop (erf);
	(erf) = vrcp.f32 v15;
	v54 =	vsel vm13, $0x1, v3  }
0x22b: {  	s12 =	spop (v2sf);
	v17 =	vadd.s32 s0, v36;
	v12 =	vmul.f32 v22, v43;
	v14 =	vnsel vm6, $0x0, v14  }
0x22c: {  	v45 =	vld [tilespmem:$0x8BB0];
	s0 =	sadd.s32 s12, s0;
	v9 =	vadd.f32 v10, v9;
	s16 =	spop (v2sf);
	vm15 =	vle.s32 v17, s9;
	v11 =	vadd.f32 v14, v11  }
0x22d: {  	(erf) = vrcp.f32 v49;
	v47 =	vadd.s32 s0, v40;
	s0 =	sadd.s32 s16, s0;
	vm9 =	vmand vm11, vm15  }
0x22e: {  	v51 =	vld [tilespmem:$0x8BC0];
	s11 =	spop (v2sf);
	vm11 =	vle.s32 v47, s9;
	v8 =	vadd.s32 s0, v19;
	vm5 =	vmor vm5, vm9  }
0x22f: {  	s0 =	sadd.s32 s11, s0;
	vm6 =	vmand vm12, vm11;
	vm14 =	vle.s32 v8, s9;
	v12 =	vnsel vm5, $0x0, v12  }
0x230: {  	v53 =	vld [tilespmem:$0x8BD0];
	v56 =	vadd.s32 s0, v44;
	v52 =	vnsel vm5, $0x0, v22;
	v10 =	vadd.f32 v12, v11;
	v11 =	vpop (erf)  }
0x231: {  	vm12 =	vmor vm4, vm6;
	vm5 =	vmand vm8, vm14;
	v50 =	vmul.f32 v11, v45  }
0x232: {  	(xrf0) =	vadd.scan.msk.s32 $0xffff, v54;
	vm15 =	vle.s32 v56, s9;
	v9 =	vadd.f32 v52, v9;
	(erf) = vrcp.f32 v13;
	v55 =	vpop (erf)  }
0x233: {  	vm3 =	vmor vm3, vm5;
	v8 =	vmul.f32 v55, v51;
	v12 =	vnsel vm12, $0x0, v50  }
0x234: {  	vm5 =	vmand vm10, vm15;
	v11 =	vnsel vm12, $0x0, v11;
	v57 =	vpop (erf);
	v10 =	vadd.f32 v12, v10  }
0x235: {  	v9 =	vadd.f32 v11, v9;
	v11 =	vld [tilespmem:$0x8BE0];
	v58 =	vmul.f32 v57, v53;
	v8 =	vnsel vm3, $0x0, v8  }
0x236: {  	vm2 =	vmor vm2, vm5;
	s12 =	spop (v2sf);
	v8 =	vadd.f32 v8, v10;
	v10 =	vnsel vm3, $0x0, v55  }
0x237: {  	v59 =	vld [tilespmem:$0x8BF0];
	s0 =	sadd.s32 s12, s0;
	v9 =	vadd.f32 v10, v9;
	v10 =	vnsel vm2, $0x0, v58  }
0x238: {  	v62, _, _ =	vpop (xrf0);
	v61 =	vadd.s32 s0, v21;
	v8 =	vadd.f32 v10, v8;
	v10 =	vnsel vm2, $0x0, v57;
	s16 =	spop (v2sf)  }
0x239: {  	v60 =	vpop (erf);
	vm6 =	vle.s32 v61, s9;
	s0 =	sadd.s32 s16, s0  }
0x23a: {  	v11 =	vmul.f32 v60, v11;
	vm2 =	vmand vm7, vm6;
	v12 =	vadd.s32 s0, v62  }
0x23b: {  	v9 =	vadd.f32 v10, v9;
	vm1 =	vmor vm1, vm2;
	v10 =	vpop (erf);
	vm7 =	vle.s32 v12, s9  }
0x23c: {  	v11 =	vnsel vm1, $0x0, v11;
	v63 =	vmul.f32 v10, v59;
	vm2 =	vmand vm13, vm7  }
0x23d: {  	v8 =	vadd.f32 v11, v8;
	v11 =	vnsel vm1, $0x0, v60;
	vm0 =	vmor vm0, vm2  }
0x23e: {  	v9 =	vadd.f32 v11, v9;
	v11 =	vnsel vm0, $0x0, v63  }
0x23f: {  	v10 =	vnsel vm0, $0x0, v10;
	v8 =	vadd.f32 v11, v8  }
0x240: {  	v9 =	vadd.f32 v10, v9  }
0x241: {  	(xrf2) =	vadd.scan.msk.f32 $0xffff, v8  }
0x242: {  	(xrf2) =	vadd.scan.msk.f32 $0xffff, v9;
	_ =	sdelay $0x8  }
0x243: {  	v8, _, _ =	vpop (xrf2)  }
0x244: {  	v9, _, _ =	vpop (xrf2)  }
0x245: {  	v9 =	vbroadcast v9, $0xF;
	_ =	sdelay $0x1  }
0x246: {  	(erf) = vrcp.f32 v9;
	_ =	sdelay $0x7  }
0x247: {  	v8 =	vbroadcast v8, $0xF  }
0x248: {  	v9 =	vpop (erf)  }
0x249: {  	v8 =	vmul.f32 v9, v8;
	_ =	sdelay $0x1  }
0x24a: {  	[tilespmem:s31+$0x8D00] =	vst.msk $0x1, v8  }
0x24b: {  	_ =	swait.ge [sflag:s29], $0x2000  }
0x24c: {  	[sflag:s29] =	ssyncset.done $0x0  }
0x24d: {  	[sflag:s29] =	ssyncadd.s32 $0xFFFFE000  }
0x24e: {  	_ =	swait.ge [sflag:s30], $0x2000  }
0x24f: {  	[sflag:s30] =	ssyncset.done $0x0  }
0x250: {  	[sflag:s30] =	ssyncadd.s32 $0xFFFFE000  }
0x251: {  	[tilespmem:$0x8A80] =	vst v5  }
0x252: {  	[tilespmem:$0x8B80] =	vst v6  }
0x253: {  	[tilespmem:$0x8A90] =	vst v5  }
0x254: {  	[tilespmem:$0x8B90] =	vst v6  }
0x255: {  	[tilespmem:$0x8AA0] =	vst v5  }
0x256: {  	[tilespmem:$0x8BA0] =	vst v6  }
0x257: {  	[tilespmem:$0x8AB0] =	vst v5  }
0x258: {  	[tilespmem:$0x8BB0] =	vst v6  }
0x259: {  	[tilespmem:$0x8AC0] =	vst v5  }
0x25a: {  	[tilespmem:$0x8BC0] =	vst v6  }
0x25b: {  	[tilespmem:$0x8AD0] =	vst v5  }
0x25c: {  	[tilespmem:$0x8BD0] =	vst v6  }
0x25d: {  	[tilespmem:$0x8AE0] =	vst v5  }
0x25e: {  	[tilespmem:$0x8BE0] =	vst v6  }
0x25f: {  	[tilespmem:$0x8AF0] =	vst v5  }
0x260: {  	[tilespmem:$0x8BF0] =	vst v6  }
0x261: {  	[tilespmem:$0x8B00] =	vst v5  }
0x262: {  	s1 =	simm.s32 $0x0;
	[tilespmem:$0x8C00] =	vst v6  }
0x263: {  	v8 =	vld [tilespmem:s1+$0x2A80];
	_ =	sdelay $0x1  }
0x264: {  	v9 =	vld [tilespmem:s1+$0x6A80];
	_ =	sdelay $0x2  }
0x265: {  	s9 =	simm.s32 $0x0;
	vm8 =	vle.f32 v8, v7  }
0x266: {  	[tilespmem:s9+$0x8A80] =	vst.msk vm8, v8;
	v8 =	vsel vm8, $0x1, v3  }
0x267: {  	[tilespmem:s9+$0x8B80] =	vst.msk vm8, v9;
	(xrf0) =	vadd.scan.msk.s32 $0xffff, v8  }
0x268: {  	v8 =	vld [tilespmem:s1+$0x2A90];
	_ =	sdelay $0x4  }
0x269: {  	vm9 =	vle.f32 v8, v7;
	v9, _, _ =	vpop (xrf0)  }
0x26a: {  	v10 =	vsel vm9, $0x1, v3;
	(v2sf) =	vpush v9, $0xF  }
0x26b: {  	(xrf0) =	vadd.scan.msk.s32 $0xffff, v10;
	_ =	sdelay $0x5  }
0x26c: {  	v9, _, _ =	vpop (xrf0)  }
0x26d: {  	(v2sf) =	vpush v9, $0xF;
	_ =	sdelay $0x6  }
0x26e: {  	v9 =	vld [tilespmem:s1+$0x6A90];
	s10 =	spop (v2sf)  }
0x26f: {  	s0 =	sadd.s32 $0x0, s10  }
0x270: {  	p0 =	slt.s32 s0, $0x80  }
0x271: {  	s0 =	simm.s32 @!p0 $0x80  }
0x272: {  	[tilespmem:s0+$0x8A80] =	vst.msk vm9, v8  }
0x273: {  	[tilespmem:s0+$0x8B80] =	vst.msk vm9, v9  }
0x274: {  	v8 =	vld [tilespmem:s1+$0x2AA0];
	_ =	sdelay $0x1  }
0x275: {  	v9 =	vld [tilespmem:s1+$0x6AA0];
	s11 =	spop (v2sf)  }
0x276: {  	s0 =	sadd.s32 s0, s11  }
0x277: {  	p0 =	slt.s32 s0, $0x80  }
0x278: {  	s0 =	simm.s32 @!p0 $0x80;
	vm10 =	vle.f32 v8, v7  }
0x279: {  	[tilespmem:s0+$0x8A80] =	vst.msk vm10, v8;
	v8 =	vsel vm10, $0x1, v3  }
0x27a: {  	[tilespmem:s0+$0x8B80] =	vst.msk vm10, v9;
	(xrf0) =	vadd.scan.msk.s32 $0xffff, v8  }
0x27b: {  	v8 =	vld [tilespmem:s1+$0x2AB0];
	_ =	sdelay $0x4  }
0x27c: {  	vm11 =	vle.f32 v8, v7;
	v9, _, _ =	vpop (xrf0)  }
0x27d: {  	v10 =	vsel vm11, $0x1, v3;
	(v2sf) =	vpush v9, $0xF  }
0x27e: {  	(xrf0) =	vadd.scan.msk.s32 $0xffff, v10;
	_ =	sdelay $0x5  }
0x27f: {  	v9, _, _ =	vpop (xrf0)  }
0x280: {  	(v2sf) =	vpush v9, $0xF;
	_ =	sdelay $0x6  }
0x281: {  	v9 =	vld [tilespmem:s1+$0x6AB0];
	s12 =	spop (v2sf)  }
0x282: {  	s0 =	sadd.s32 s0, s12  }
0x283: {  	p0 =	slt.s32 s0, $0x80  }
0x284: {  	s0 =	simm.s32 @!p0 $0x80  }
0x285: {  	[tilespmem:s0+$0x8A80] =	vst.msk vm11, v8  }
0x286: {  	[tilespmem:s0+$0x8B80] =	vst.msk vm11, v9  }
0x287: {  	v8 =	vld [tilespmem:s1+$0x2AC0];
	_ =	sdelay $0x1  }
0x288: {  	v9 =	vld [tilespmem:s1+$0x6AC0];
	s16 =	spop (v2sf)  }
0x289: {  	s0 =	sadd.s32 s0, s16  }
0x28a: {  	p0 =	slt.s32 s0, $0x80  }
0x28b: {  	s0 =	simm.s32 @!p0 $0x80;
	vm12 =	vle.f32 v8, v7  }
0x28c: {  	[tilespmem:s0+$0x8A80] =	vst.msk vm12, v8;
	v8 =	vsel vm12, $0x1, v3  }
0x28d: {  	[tilespmem:s0+$0x8B80] =	vst.msk vm12, v9;
	(xrf0) =	vadd.scan.msk.s32 $0xffff, v8  }
0x28e: {  	v8 =	vld [tilespmem:s1+$0x2AD0];
	_ =	sdelay $0x4  }
0x28f: {  	vm13 =	vle.f32 v8, v7;
	v9, _, _ =	vpop (xrf0)  }
0x290: {  	v10 =	vsel vm13, $0x1, v3;
	(v2sf) =	vpush v9, $0xF  }
0x291: {  	(xrf0) =	vadd.scan.msk.s32 $0xffff, v10;
	_ =	sdelay $0x5  }
0x292: {  	v9, _, _ =	vpop (xrf0)  }
0x293: {  	(v2sf) =	vpush v9, $0xF;
	_ =	sdelay $0x6  }
0x294: {  	v9 =	vld [tilespmem:s1+$0x6AD0];
	s10 =	spop (v2sf)  }
0x295: {  	s0 =	sadd.s32 s0, s10  }
0x296: {  	p0 =	slt.s32 s0, $0x80  }
0x297: {  	s0 =	simm.s32 @!p0 $0x80  }
0x298: {  	[tilespmem:s0+$0x8A80] =	vst.msk vm13, v8  }
0x299: {  	[tilespmem:s0+$0x8B80] =	vst.msk vm13, v9  }
0x29a: {  	v8 =	vld [tilespmem:s1+$0x2AE0];
	_ =	sdelay $0x1  }
0x29b: {  	v9 =	vld [tilespmem:s1+$0x6AE0];
	s11 =	spop (v2sf)  }
0x29c: {  	s0 =	sadd.s32 s0, s11  }
0x29d: {  	p0 =	slt.s32 s0, $0x80  }
0x29e: {  	s0 =	simm.s32 @!p0 $0x80;
	vm14 =	vle.f32 v8, v7  }
0x29f: {  	[tilespmem:s0+$0x8A80] =	vst.msk vm14, v8  }
0x2a0: {  	[tilespmem:s0+$0x8B80] =	vst.msk vm14, v9  }
0x2a1: {  	v8 =	vld [tilespmem:s1+$0x2AF0];
	_ =	sdelay $0x1  }
0x2a2: {  	v9 =	vsel vm14, $0x1, v3  }
0x2a3: {  	(xrf0) =	vadd.scan.msk.s32 $0xffff, v9;
	_ =	sdelay $0x1  }
0x2a4: {  	vm15 =	vle.f32 v8, v7  }
0x2a5: {  	v9 =	vsel vm15, $0x1, v3;
	_ =	sdelay $0x2  }
0x2a6: {  	(xrf0) =	vadd.scan.msk.s32 $0xffff, v9;
	v9, _, _ =	vpop (xrf0)  }
0x2a7: {  	(v2sf) =	vpush v9, $0xF;
	_ =	sdelay $0x5  }
0x2a8: {  	v9, _, _ =	vpop (xrf0)  }
0x2a9: {  	(v2sf) =	vpush v9, $0xF;
	_ =	sdelay $0x7  }
0x2aa: {  	v9 =	vld [tilespmem:s1+$0x6AF0];
	s12 =	spop (v2sf)  }
0x2ab: {  	s0 =	sadd.s32 s0, s12  }
0x2ac: {  	p0 =	slt.s32 s0, $0x80  }
0x2ad: {  	s0 =	simm.s32 @!p0 $0x80  }
0x2ae: {  	[tilespmem:s0+$0x8A80] =	vst.msk vm15, v8  }
0x2af: {  	s1 =	simm.s32 $0x80;
	[tilespmem:s0+$0x8B80] =	vst.msk vm15, v9  }
0x2b0: {  	v8 =	vld [tilespmem:s1+$0x2A80]  }
0x2b1: {  	s16 =	spop (v2sf)  }
0x2b2: {  	s0 =	sadd.s32 s0, s16;
	v9 =	vld [tilespmem:s1+$0x6A80]  }
0x2b3: {  	s9 =	simm.s32 $0x400;
	p1 =	slt.s32 s0, $0x80  }
.LBB2_11:
0x2b4: {  	p0 =	sne.s32 s9, $0x7E00  }
0x2b5: {  	vm0 =	vle.f32 v8, v7;
	s0 =	simm.s32 @!p1 $0x80;
	s10 =	smov.u32 s9;
	s9 =	sadd.s32 $0x200, s9  }
0x2b6: {  	[tilespmem:s0+$0x8A80] =	vst.msk vm0, v8;
	v8 =	vsel vm0, $0x1, v3  }
0x2b7: {  	[tilespmem:s0+$0x8B80] =	vst.msk vm0, v9;
	(xrf0) =	vadd.scan.msk.s32 $0xffff, v8  }
0x2b8: {  	v8 =	vld [tilespmem:s1+$0x2A90];
	_ =	sdelay $0x4  }
0x2b9: {  	vm0 =	vle.f32 v8, v7;
	v9, _, _ =	vpop (xrf0)  }
0x2ba: {  	v10 =	vsel vm0, $0x1, v3;
	(v2sf) =	vpush v9, $0xF  }
0x2bb: {  	(xrf0) =	vadd.scan.msk.s32 $0xffff, v10;
	_ =	sdelay $0x5  }
0x2bc: {  	v9, _, _ =	vpop (xrf0)  }
0x2bd: {  	(v2sf) =	vpush v9, $0xF;
	_ =	sdelay $0x6  }
0x2be: {  	v9 =	vld [tilespmem:s1+$0x6A90];
	s11 =	spop (v2sf)  }
0x2bf: {  	s0 =	sadd.s32 s0, s11  }
0x2c0: {  	p1 =	slt.s32 s0, $0x80  }
0x2c1: {  	s0 =	simm.s32 @!p1 $0x80  }
0x2c2: {  	[tilespmem:s0+$0x8A80] =	vst.msk vm0, v8  }
0x2c3: {  	[tilespmem:s0+$0x8B80] =	vst.msk vm0, v9  }
0x2c4: {  	v8 =	vld [tilespmem:s1+$0x2AA0];
	_ =	sdelay $0x1  }
0x2c5: {  	v9 =	vld [tilespmem:s1+$0x6AA0];
	s11 =	spop (v2sf)  }
0x2c6: {  	s0 =	sadd.s32 s0, s11  }
0x2c7: {  	p1 =	slt.s32 s0, $0x80  }
0x2c8: {  	s0 =	simm.s32 @!p1 $0x80;
	vm0 =	vle.f32 v8, v7  }
0x2c9: {  	[tilespmem:s0+$0x8A80] =	vst.msk vm0, v8;
	v8 =	vsel vm0, $0x1, v3  }
0x2ca: {  	[tilespmem:s0+$0x8B80] =	vst.msk vm0, v9;
	(xrf0) =	vadd.scan.msk.s32 $0xffff, v8  }
0x2cb: {  	v8 =	vld [tilespmem:s1+$0x2AB0];
	_ =	sdelay $0x4  }
0x2cc: {  	vm0 =	vle.f32 v8, v7;
	v9, _, _ =	vpop (xrf0)  }
0x2cd: {  	v10 =	vsel vm0, $0x1, v3;
	(v2sf) =	vpush v9, $0xF  }
0x2ce: {  	(xrf0) =	vadd.scan.msk.s32 $0xffff, v10;
	_ =	sdelay $0x5  }
0x2cf: {  	v9, _, _ =	vpop (xrf0)  }
0x2d0: {  	(v2sf) =	vpush v9, $0xF;
	_ =	sdelay $0x6  }
0x2d1: {  	v9 =	vld [tilespmem:s1+$0x6AB0];
	s11 =	spop (v2sf)  }
0x2d2: {  	s0 =	sadd.s32 s0, s11  }
0x2d3: {  	p1 =	slt.s32 s0, $0x80  }
0x2d4: {  	s0 =	simm.s32 @!p1 $0x80  }
0x2d5: {  	[tilespmem:s0+$0x8A80] =	vst.msk vm0, v8  }
0x2d6: {  	[tilespmem:s0+$0x8B80] =	vst.msk vm0, v9  }
0x2d7: {  	v8 =	vld [tilespmem:s1+$0x2AC0];
	_ =	sdelay $0x1  }
0x2d8: {  	v9 =	vld [tilespmem:s1+$0x6AC0];
	s11 =	spop (v2sf)  }
0x2d9: {  	s0 =	sadd.s32 s0, s11  }
0x2da: {  	p1 =	slt.s32 s0, $0x80  }
0x2db: {  	s0 =	simm.s32 @!p1 $0x80;
	vm0 =	vle.f32 v8, v7  }
0x2dc: {  	[tilespmem:s0+$0x8A80] =	vst.msk vm0, v8;
	v8 =	vsel vm0, $0x1, v3  }
0x2dd: {  	[tilespmem:s0+$0x8B80] =	vst.msk vm0, v9;
	(xrf0) =	vadd.scan.msk.s32 $0xffff, v8  }
0x2de: {  	v8 =	vld [tilespmem:s1+$0x2AD0]  }
0x2df: {  	v9 =	vld [tilespmem:s1+$0x6AD0];
	_ =	sdelay $0x3  }
0x2e0: {  	vm0 =	vle.f32 v8, v7;
	v10, _, _ =	vpop (xrf0)  }
0x2e1: {  	v11 =	vsel vm0, $0x1, v3;
	(v2sf) =	vpush v10, $0xF  }
0x2e2: {  	(xrf0) =	vadd.scan.msk.s32 $0xffff, v11;
	_ =	sdelay $0x5  }
0x2e3: {  	v10, _, _ =	vpop (xrf0)  }
0x2e4: {  	(v2sf) =	vpush v10, $0xF;
	_ =	sdelay $0x6  }
0x2e5: {  	s11 =	spop (v2sf)  }
0x2e6: {  	s0 =	sadd.s32 s0, s11  }
0x2e7: {  	p1 =	slt.s32 s0, $0x80  }
0x2e8: {  	s0 =	simm.s32 @!p1 $0x80  }
0x2e9: {  	[tilespmem:s0+$0x8A80] =	vst.msk vm0, v8  }
0x2ea: {  	[tilespmem:s0+$0x8B80] =	vst.msk vm0, v9  }
0x2eb: {  	v8 =	vld [tilespmem:s1+$0x2AE0]  }
0x2ec: {  	v9 =	vld [tilespmem:s1+$0x6AE0]  }
0x2ed: {  	s11 =	spop (v2sf)  }
0x2ee: {  	s0 =	sadd.s32 s0, s11  }
0x2ef: {  	p1 =	slt.s32 s0, $0x80  }
0x2f0: {  	s0 =	simm.s32 @!p1 $0x80;
	vm0 =	vle.f32 v8, v7  }
0x2f1: {  	[tilespmem:s0+$0x8A80] =	vst.msk vm0, v8;
	v8 =	vsel vm0, $0x1, v3  }
0x2f2: {  	[tilespmem:s0+$0x8B80] =	vst.msk vm0, v9;
	(xrf0) =	vadd.scan.msk.s32 $0xffff, v8  }
0x2f3: {  	v8 =	vld [tilespmem:s1+$0x2AF0]  }
0x2f4: {  	v9 =	vld [tilespmem:s1+$0x6AF0];
	_ =	sdelay $0x3  }
0x2f5: {  	vm0 =	vle.f32 v8, v7;
	v10, _, _ =	vpop (xrf0)  }
0x2f6: {  	v11 =	vsel vm0, $0x1, v3;
	(v2sf) =	vpush v10, $0xF  }
0x2f7: {  	(xrf0) =	vadd.scan.msk.s32 $0xffff, v11;
	_ =	sdelay $0x5  }
0x2f8: {  	v10, _, _ =	vpop (xrf0)  }
0x2f9: {  	(v2sf) =	vpush v10, $0xF;
	_ =	sdelay $0x6  }
0x2fa: {  	s1 =	spop (v2sf)  }
0x2fb: {  	s0 =	sadd.s32 s0, s1  }
0x2fc: {  	p1 =	slt.s32 s0, $0x80  }
0x2fd: {  	s0 =	simm.s32 @!p1 $0x80  }
0x2fe: {  	[tilespmem:s0+$0x8A80] =	vst.msk vm0, v8  }
0x2ff: {  	s1 =	sshra.s32 s10, $0x2;
	[tilespmem:s0+$0x8B80] =	vst.msk vm0, v9  }
.Ltmp4:
0x300: {  	v8 =	vld [tilespmem:s1+$0x2A80];
	(pc) =	sbr.rel @p0 .LBB2_11-.Ltmp4, $4  }
0x301: {  	_ = 	snop  }
0x302: {  	v9 =	vld [tilespmem:s1+$0x6A80];
	s10 =	spop (v2sf)  }
0x303: {  	s0 =	sadd.s32 s0, s10  }
0x304: {  	p1 =	slt.s32 s0, $0x80  }
0x305: {  	vm0 =	vle.f32 v8, v7  }
0x306: {  	v10 =	vsel vm0, $0x1, v3  }
0x307: {  	(xrf0) =	vadd.scan.msk.s32 $0xffff, v10;
	_ =	sdelay $0x5  }
0x308: {  	v10, _, _ =	vpop (xrf0)  }
0x309: {  	(v2sf) =	vpush v10, $0xF;
	_ =	sdelay $0x2  }
0x30a: {  	s0 =	simm.s32 @!p1 $0x80  }
0x30b: {  	[tilespmem:s0+$0x8A80] =	vst.msk vm0, v8  }
0x30c: {  	[tilespmem:s0+$0x8B80] =	vst.msk vm0, v9  }
0x30d: {  	v8 =	vld [tilespmem:s1+$0x2A90];
	_ =	sdelay $0x4  }
0x30e: {  	vm13 =	vle.f32 v8, v7  }
0x30f: {  	v9 =	vsel vm13, $0x1, v3  }
0x310: {  	(xrf0) =	vadd.scan.msk.s32 $0xffff, v9;
	_ =	sdelay $0x1  }
0x311: {  	v9 =	vld [tilespmem:s1+$0x6A90];
	s9 =	spop (v2sf)  }
0x312: {  	s0 =	sadd.s32 s0, s9  }
0x313: {  	p0 =	slt.s32 s0, $0x80  }
0x314: {  	s0 =	simm.s32 @!p0 $0x80  }
0x315: {  	v10, _, _ =	vpop (xrf0);
	[tilespmem:s0+$0x8A80] =	vst.msk vm13, v8  }
0x316: {  	(v2sf) =	vpush v10, $0xF;
	[tilespmem:s0+$0x8B80] =	vst.msk vm13, v9  }
0x317: {  	v8 =	vld [tilespmem:s1+$0x2AA0];
	_ =	sdelay $0x4  }
0x318: {  	vm14 =	vle.f32 v8, v7  }
0x319: {  	v9 =	vsel vm14, $0x1, v3  }
0x31a: {  	(xrf0) =	vadd.scan.msk.s32 $0xffff, v9;
	_ =	sdelay $0x5  }
0x31b: {  	v9, _, _ =	vpop (xrf0)  }
0x31c: {  	v10 =	vld [tilespmem:s1+$0x6AA0];
	s10 =	spop (v2sf);
	(v2sf) =	vpush v9, $0xF  }
0x31d: {  	s0 =	sadd.s32 s0, s10  }
0x31e: {  	p0 =	slt.s32 s0, $0x80  }
0x31f: {  	s0 =	simm.s32 @!p0 $0x80  }
0x320: {  	[tilespmem:s0+$0x8A80] =	vst.msk vm14, v8  }
0x321: {  	[tilespmem:s0+$0x8B80] =	vst.msk vm14, v10  }
0x322: {  	v8 =	vld [tilespmem:s1+$0x2AB0];
	_ =	sdelay $0x4  }
0x323: {  	vm15 =	vle.f32 v8, v7  }
0x324: {  	v9 =	vsel vm15, $0x1, v3  }
0x325: {  	(xrf0) =	vadd.scan.msk.s32 $0xffff, v9;
	_ =	sdelay $0x1  }
0x326: {  	v9 =	vld [tilespmem:s1+$0x6AB0];
	s11 =	spop (v2sf)  }
0x327: {  	s0 =	sadd.s32 s0, s11  }
0x328: {  	p0 =	slt.s32 s0, $0x80  }
0x329: {  	s0 =	simm.s32 @!p0 $0x80  }
0x32a: {  	v10, _, _ =	vpop (xrf0);
	[tilespmem:s0+$0x8A80] =	vst.msk vm15, v8  }
0x32b: {  	(v2sf) =	vpush v10, $0xF;
	[tilespmem:s0+$0x8B80] =	vst.msk vm15, v9  }
0x32c: {  	v8 =	vld [tilespmem:s1+$0x2AC0];
	_ =	sdelay $0x4  }
0x32d: {  	vm4 =	vle.f32 v8, v7  }
0x32e: {  	v9 =	vsel vm4, $0x1, v3  }
0x32f: {  	(xrf0) =	vadd.scan.msk.s32 $0xffff, v9;
	_ =	sdelay $0x5  }
0x330: {  	v9, _, _ =	vpop (xrf0)  }
0x331: {  	v10 =	vld [tilespmem:s1+$0x6AC0];
	s12 =	spop (v2sf);
	(v2sf) =	vpush v9, $0xF  }
0x332: {  	s0 =	sadd.s32 s0, s12  }
0x333: {  	p0 =	slt.s32 s0, $0x80  }
0x334: {  	s0 =	simm.s32 @!p0 $0x80  }
0x335: {  	[tilespmem:s0+$0x8A80] =	vst.msk vm4, v8  }
0x336: {  	[tilespmem:s0+$0x8B80] =	vst.msk vm4, v10  }
0x337: {  	v8 =	vld [tilespmem:s1+$0x2AD0];
	_ =	sdelay $0x4  }
0x338: {  	vm5 =	vle.f32 v8, v7  }
0x339: {  	v9 =	vsel vm5, $0x1, v3  }
0x33a: {  	(xrf0) =	vadd.scan.msk.s32 $0xffff, v9;
	_ =	sdelay $0x1  }
0x33b: {  	v9 =	vld [tilespmem:s1+$0x6AD0];
	s16 =	spop (v2sf)  }
0x33c: {  	s0 =	sadd.s32 s0, s16  }
0x33d: {  	p0 =	slt.s32 s0, $0x80  }
0x33e: {  	s0 =	simm.s32 @!p0 $0x80  }
0x33f: {  	v10, _, _ =	vpop (xrf0);
	[tilespmem:s0+$0x8A80] =	vst.msk vm5, v8  }
0x340: {  	(v2sf) =	vpush v10, $0xF;
	[tilespmem:s0+$0x8B80] =	vst.msk vm5, v9  }
0x341: {  	v8 =	vld [tilespmem:s1+$0x2AE0];
	_ =	sdelay $0x4  }
0x342: {  	vm6 =	vle.f32 v8, v7  }
0x343: {  	v9 =	vsel vm6, $0x1, v3  }
0x344: {  	(xrf0) =	vadd.scan.msk.s32 $0xffff, v9;
	_ =	sdelay $0x5  }
0x345: {  	v9, _, _ =	vpop (xrf0)  }
0x346: {  	v10 =	vld [tilespmem:s1+$0x6AE0];
	s10 =	spop (v2sf);
	(v2sf) =	vpush v9, $0xF  }
0x347: {  	s0 =	sadd.s32 s0, s10  }
0x348: {  	p0 =	slt.s32 s0, $0x80  }
0x349: {  	s0 =	simm.s32 @!p0 $0x80  }
0x34a: {  	[tilespmem:s0+$0x8A80] =	vst.msk vm6, v8  }
0x34b: {  	[tilespmem:s0+$0x8B80] =	vst.msk vm6, v10  }
0x34c: {  	v8 =	vld [tilespmem:s1+$0x2AF0];
	_ =	sdelay $0x4  }
0x34d: {  	vm7 =	vle.f32 v8, v7  }
0x34e: {  	v7 =	vsel vm7, $0x1, v3  }
0x34f: {  	(xrf0) =	vadd.scan.msk.s32 $0xffff, v7;
	_ =	sdelay $0x1  }
0x350: {  	v7 =	vld [tilespmem:s1+$0x6AF0];
	s11 =	spop (v2sf)  }
0x351: {  	s0 =	sadd.s32 s0, s11  }
0x352: {  	p0 =	slt.s32 s0, $0x80  }
0x353: {  	s0 =	simm.s32 @!p0 $0x80  }
0x354: {  	v9, _, _ =	vpop (xrf0);
	[tilespmem:s0+$0x8A80] =	vst.msk vm7, v8  }
0x355: {  	(v2sf) =	vpush v9, $0xF;
	[tilespmem:s0+$0x8B80] =	vst.msk vm7, v7  }
0x356: {  	v7 =	vld [tilespmem:$0x8A80]  }
0x357: {  	v8 =	vld [tilespmem:$0x8A90]  }
0x358: {  	v9 =	vld [tilespmem:$0x8AA0]  }
0x359: {  	v10 =	vld [tilespmem:$0x8AB0]  }
0x35a: {  	v15 =	vld [tilespmem:$0x8AC0]  }
0x35b: {  	v16 =	vld [tilespmem:$0x8AD0];
	vm8 =	vlt.s32 v7, $0x0;
	v11 =	vxor.u32 $0x7FFFFFFF, v7  }
0x35c: {  	v17 =	vld [tilespmem:$0x8AE0];
	vm9 =	vlt.s32 v8, $0x0;
	v12 =	vsel vm8, v11, v7;
	v7 =	vxor.u32 $0x7FFFFFFF, v8  }
0x35d: {  	v18 =	vld [tilespmem:$0x8AF0];
	vm10 =	vlt.s32 v9, $0x0;
	[tilespmem:$0x8C80] =	vst v12;
	v13 =	vsel vm9, v7, v8;
	v7 =	vxor.u32 $0x7FFFFFFF, v9  }
0x35e: {  	vm11 =	vlt.s32 v10, $0x0;
	[tilespmem:$0x8C90] =	vst v13;
	v14 =	vsel vm10, v7, v9;
	v7 =	vxor.u32 $0x7FFFFFFF, v10  }
0x35f: {  	vm12 =	vlt.s32 v15, $0x0;
	[tilespmem:$0x8CA0] =	vst v14;
	v11 =	vsel vm11, v7, v10;
	v7 =	vxor.u32 $0x7FFFFFFF, v15  }
0x360: {  	vm13 =	vlt.s32 v16, $0x0;
	[tilespmem:$0x8CB0] =	vst v11;
	v10 =	vsel vm12, v7, v15;
	v7 =	vxor.u32 $0x7FFFFFFF, v16  }
0x361: {  	vm14 =	vlt.s32 v17, $0x0;
	[tilespmem:$0x8CC0] =	vst v10;
	v9 =	vsel vm13, v7, v16;
	v7 =	vxor.u32 $0x7FFFFFFF, v17  }
0x362: {  	vm15 =	vlt.s32 v18, $0x0;
	[tilespmem:$0x8CD0] =	vst v9;
	v8 =	vsel vm14, v7, v17;
	v7 =	vxor.u32 $0x7FFFFFFF, v18  }
0x363: {  	s12 =	simm.s32 $0x80000000;
	s0 =	simm.s32 $0x0;
	[tilespmem:$0x8CE0] =	vst v8;
	v7 =	vsel vm15, v7, v18  }
0x364: {  	s9 =	simm.s32 $0x1;
	s1 =	sor.u32 s12, s0;
	s16 =	spop (v2sf);
	[tilespmem:$0x8CF0] =	vst v7  }
.LBB2_13:
0x365: {  	s10 =	smov.u32 s0  }
0x366: {  	p0 =	sne.s32 s9, $0x1F;
	s0 =	sxor.u32 $0x80000000, s1  }
0x367: {  	vm0 =	vlt.s32 v12, s0  }
0x368: {  	v15 =	vsel vm0, $0x1, v3;
	vm0 =	vlt.s32 v13, s0  }
0x369: {  	v16 =	vsel vm0, $0x1, v3;
	vm0 =	vlt.s32 v14, s0;
	(xrf0) =	vadd.scan.msk.s32 $0xffff, v15  }
0x36a: {  	v15 =	vsel vm0, $0x1, v3;
	vm0 =	vlt.s32 v11, s0;
	(xrf0) =	vadd.scan.msk.s32 $0xffff, v16  }
0x36b: {  	v16 =	vsel vm0, $0x1, v3;
	vm0 =	vlt.s32 v10, s0;
	(xrf0) =	vadd.scan.msk.s32 $0xffff, v15  }
0x36c: {  	v15 =	vsel vm0, $0x1, v3;
	vm0 =	vlt.s32 v9, s0;
	(xrf0) =	vadd.scan.msk.s32 $0xffff, v16  }
0x36d: {  	v16 =	vsel vm0, $0x1, v3;
	vm0 =	vlt.s32 v8, s0;
	(xrf0) =	vadd.scan.msk.s32 $0xffff, v15  }
0x36e: {  	v18 =	vsel vm0, $0x1, v3;
	vm0 =	vlt.s32 v7, s0;
	(xrf0) =	vadd.scan.msk.s32 $0xffff, v16  }
0x36f: {  	v16 =	vsel vm0, $0x1, v3;
	v17, _, _ =	vpop (xrf0);
	(xrf0) =	vadd.scan.msk.s32 $0xffff, v18  }
0x370: {  	(v2sf) =	vpush v17, $0xF;
	v15, _, _ =	vpop (xrf0);
	(xrf0) =	vadd.scan.msk.s32 $0xffff, v16  }
0x371: {  	(v2sf) =	vpush v15, $0xF;
	v15, _, _ =	vpop (xrf0)  }
0x372: {  	(v2sf) =	vpush v15, $0xF;
	v15, _, _ =	vpop (xrf0)  }
0x373: {  	(v2sf) =	vpush v15, $0xF;
	v15, _, _ =	vpop (xrf0)  }
0x374: {  	(v2sf) =	vpush v15, $0xF;
	v15, _, _ =	vpop (xrf0)  }
0x375: {  	(v2sf) =	vpush v15, $0xF;
	v15, _, _ =	vpop (xrf0)  }
0x376: {  	(v2sf) =	vpush v15, $0xF;
	v15, _, _ =	vpop (xrf0)  }
0x377: {  	(v2sf) =	vpush v15, $0xF;
	_ =	sdelay $0x7  }
0x378: {  	s0 =	spop (v2sf)  }
0x379: {  	s11 =	spop (v2sf)  }
0x37a: {  	s0 =	sadd.s32 s11, s0;
	s11 =	spop (v2sf)  }
0x37b: {  	s0 =	sadd.s32 s11, s0;
	s11 =	spop (v2sf)  }
0x37c: {  	s0 =	sadd.s32 s11, s0;
	s11 =	spop (v2sf)  }
0x37d: {  	s0 =	sadd.s32 s11, s0;
	s11 =	spop (v2sf)  }
0x37e: {  	s0 =	sadd.s32 s11, s0;
	s11 =	spop (v2sf)  }
.Ltmp5:
0x37f: {  	s0 =	sadd.s32 s11, s0;
	s11 =	spop (v2sf);
	(pc) =	sbr.rel @p0 .LBB2_13-.Ltmp5, $4  }
0x380: {  	s0 =	sadd.s32 s11, s0  }
0x381: {  	p1 =	sgt.s32 s0, $0x31;
	s0 =	smov.u32 s1  }
0x382: {  	s11 =	sshrl.u32 s28, s9;
	s0 =	smov.u32 @p1 s10  }
0x383: {  	s9 =	sadd.s32 $0x1, s9;
	s1 =	sor.u32 s11, s0  }
0x384: {  	s9 =	sxor.u32 $0x80000000, s1  }
0x385: {  	vm0 =	vlt.s32 v12, s9  }
0x386: {  	vm6 =	vlt.s32 v13, s9;
	v15 =	vsel vm0, $0x1, v3  }
0x387: {  	vm7 =	vlt.s32 v14, s9;
	v16 =	vsel vm6, $0x1, v3;
	(xrf0) =	vadd.scan.msk.s32 $0xffff, v15  }
0x388: {  	vm8 =	vlt.s32 v11, s9;
	v28 =	vsel vm7, $0x1, v3;
	(xrf0) =	vadd.scan.msk.s32 $0xffff, v16  }
0x389: {  	vm9 =	vlt.s32 v10, s9;
	v29 =	vsel vm8, $0x1, v3;
	(xrf0) =	vadd.scan.msk.s32 $0xffff, v28  }
0x38a: {  	vm10 =	vlt.s32 v9, s9;
	v30 =	vsel vm9, $0x1, v3;
	(xrf0) =	vadd.scan.msk.s32 $0xffff, v29  }
0x38b: {  	vm11 =	vlt.s32 v8, s9;
	v31 =	vsel vm10, $0x1, v3;
	(xrf0) =	vadd.scan.msk.s32 $0xffff, v30  }
0x38c: {  	vm12 =	vlt.s32 v7, s9;
	v32 =	vsel vm11, $0x1, v3;
	(xrf0) =	vadd.scan.msk.s32 $0xffff, v31  }
0x38d: {  	v33 =	vsel vm12, $0x1, v3;
	v17, _, _ =	vpop (xrf0);
	(xrf0) =	vadd.scan.msk.s32 $0xffff, v32  }
0x38e: {  	(v2sf) =	vpush v17, $0xF;
	v34, _, _ =	vpop (xrf0);
	(xrf0) =	vadd.scan.msk.s32 $0xffff, v33  }
0x38f: {  	(v2sf) =	vpush v34, $0xF;
	v35, _, _ =	vpop (xrf0)  }
0x390: {  	(v2sf) =	vpush v35, $0xF;
	v36, _, _ =	vpop (xrf0)  }
0x391: {  	(v2sf) =	vpush v36, $0xF;
	v37, _, _ =	vpop (xrf0)  }
0x392: {  	(v2sf) =	vpush v37, $0xF;
	v38, _, _ =	vpop (xrf0)  }
0x393: {  	(v2sf) =	vpush v38, $0xF;
	v39, _, _ =	vpop (xrf0)  }
0x394: {  	(v2sf) =	vpush v39, $0xF;
	v40, _, _ =	vpop (xrf0)  }
0x395: {  	(v2sf) =	vpush v40, $0xF;
	_ =	sdelay $0x7  }
0x396: {  	s16 =	spop (v2sf)  }
0x397: {  	s10 =	spop (v2sf)  }
0x398: {  	s9 =	sadd.s32 s10, s16;
	s11 =	spop (v2sf)  }
0x399: {  	s9 =	sadd.s32 s11, s9;
	s12 =	spop (v2sf)  }
0x39a: {  	s9 =	sadd.s32 s12, s9;
	s16 =	spop (v2sf)  }
0x39b: {  	s9 =	sadd.s32 s16, s9;
	s11 =	spop (v2sf)  }
0x39c: {  	s9 =	sadd.s32 s11, s9;
	s12 =	spop (v2sf)  }
0x39d: {  	s9 =	sadd.s32 s12, s9;
	s16 =	spop (v2sf)  }
0x39e: {  	s9 =	sadd.s32 s16, s9  }
0x39f: {  	p0 =	sgt.s32 s9, $0x31  }
0x3a0: {  	s1 =	smov.u32 @p0 s0  }
0x3a1: {  	s1 =	sxor.u32 $0x80000000, s1  }
0x3a2: {  	vm9 =	vlt.s32 v12, s1  }
0x3a3: {  	vm6 =	vlt.s32 v13, s1;
	v41 =	vsel vm9, $0x1, v3  }
0x3a4: {  	vm5 =	vlt.s32 v14, s1;
	v42 =	vsel vm6, $0x1, v3;
	(xrf0) =	vadd.scan.msk.s32 $0xffff, v41  }
0x3a5: {  	vm4 =	vlt.s32 v11, s1;
	v43 =	vsel vm5, $0x1, v3;
	(xrf0) =	vadd.scan.msk.s32 $0xffff, v42  }
0x3a6: {  	vm3 =	vlt.s32 v10, s1;
	v44 =	vsel vm4, $0x1, v3;
	(xrf0) =	vadd.scan.msk.s32 $0xffff, v43  }
0x3a7: {  	vm2 =	vlt.s32 v9, s1;
	v45 =	vsel vm3, $0x1, v3;
	(xrf0) =	vadd.scan.msk.s32 $0xffff, v44  }
0x3a8: {  	vm1 =	vlt.s32 v8, s1;
	v46 =	vsel vm2, $0x1, v3;
	(xrf0) =	vadd.scan.msk.s32 $0xffff, v45  }
0x3a9: {  	vm0 =	vlt.s32 v7, s1;
	v47 =	vsel vm1, $0x1, v3;
	(xrf0) =	vadd.scan.msk.s32 $0xffff, v46  }
0x3aa: {  	v49 =	vsel vm0, $0x1, v3;
	v48, _, _ =	vpop (xrf0);
	(xrf0) =	vadd.scan.msk.s32 $0xffff, v47  }
0x3ab: {  	(v2sf) =	vpush v48, $0xF;
	v50, _, _ =	vpop (xrf0);
	(xrf0) =	vadd.scan.msk.s32 $0xffff, v49  }
0x3ac: {  	(v2sf) =	vpush v50, $0xF;
	v51, _, _ =	vpop (xrf0)  }
0x3ad: {  	(v2sf) =	vpush v51, $0xF;
	v52, _, _ =	vpop (xrf0)  }
0x3ae: {  	(v2sf) =	vpush v52, $0xF;
	v53, _, _ =	vpop (xrf0)  }
0x3af: {  	(v2sf) =	vpush v53, $0xF;
	v54, _, _ =	vpop (xrf0)  }
0x3b0: {  	(v2sf) =	vpush v54, $0xF;
	v55, _, _ =	vpop (xrf0)  }
0x3b1: {  	(v2sf) =	vpush v55, $0xF;
	v56, _, _ =	vpop (xrf0)  }
0x3b2: {  	(v2sf) =	vpush v56, $0xF;
	_ =	sdelay $0x1  }
0x3b3: {  	vm7 =	veq.s32 v12, s1  }
0x3b4: {  	v12 =	vsel vm7, $0x1, v3  }
0x3b5: {  	vm13 =	veq.s32 v13, s1;
	(xrf0) =	vadd.scan.msk.s32 $0xffff, v12  }
0x3b6: {  	v57 =	vsel vm13, $0x1, v3  }
0x3b7: {  	vm11 =	veq.s32 v14, s1;
	(xrf0) =	vadd.scan.msk.s32 $0xffff, v57  }
0x3b8: {  	v58 =	vld [tilespmem:$0x8A80];
	v14 =	vsel vm11, $0x1, v3  }
0x3b9: {  	vm12 =	veq.s32 v11, s1;
	(xrf0) =	vadd.scan.msk.s32 $0xffff, v14;
	s9 =	spop (v2sf)  }
0x3ba: {  	v59 =	vld [tilespmem:$0x8A90];
	v20 =	vsel vm12, $0x1, v3;
	s10 =	spop (v2sf)  }
0x3bb: {  	vm8 =	veq.s32 v10, s1;
	v60, _, _ =	vpop (xrf0);
	(xrf0) =	vadd.scan.msk.s32 $0xffff, v20;
	s11 =	spop (v2sf);
	s0 =	sadd.s32 s9, s10  }
0x3bc: {  	v10 =	vsel vm8, $0x1, v3;
	(v2sf) =	vpush v60, $0xF;
	s12 =	spop (v2sf);
	s0 =	sadd.s32 s11, s0  }
0x3bd: {  	v13 =	vmax.f32 v58, $0.0e+00;
	v61, _, _ =	vpop (xrf0);
	(xrf0) =	vadd.scan.msk.s32 $0xffff, v10;
	s16 =	spop (v2sf);
	s0 =	sadd.s32 s12, s0  }
0x3be: {  	v63 =	vld [tilespmem:$0x8AA0];
	v13 =	vadd.f32 $1.000000050e-03, v13;
	(v2sf) =	vpush v61, $0xF;
	s11 =	spop (v2sf);
	s0 =	sadd.s32 s16, s0  }
0x3bf: {  	v12 =	vmax.f32 v59, $0.0e+00;
	v21, _, _ =	vpop (xrf0);
	s12 =	spop (v2sf);
	s0 =	sadd.s32 s11, s0  }
0x3c0: {  	v23 =	vld [tilespmem:$0x8AB0];
	(erf) = vrcp.f32 v13;
	v62 =	vadd.f32 $1.000000050e-03, v12;
	(v2sf) =	vpush v21, $0xF;
	s16 =	spop (v2sf);
	s0 =	sadd.s32 s12, s0  }
0x3c1: {  	v29 =	vld [tilespmem:$0x8AC0];
	v27, _, _ =	vpop (xrf0);
	s0 =	sadd.s32 s16, s0  }
0x3c2: {  	v19 =	vld [tilespmem:$0x8AE0];
	vm10 =	veq.s32 v9, s1;
	(erf) = vrcp.f32 v62;
	(v2sf) =	vpush v27, $0xF;
	s9 =	ssub.s32 $0x32, s0  }
0x3c3: {  	v31 =	vld [tilespmem:$0x8AD0];
	v25 =	vsel vm10, $0x1, v3;
	v12 =	vmax.f32 v63, $0.0e+00;
	v18, _, _ =	vpop (xrf0);
	vm14 =	vle.s32 v60, s9  }
0x3c4: {  	v22 =	vld [tilespmem:$0x8B80];
	(xrf0) =	vadd.scan.msk.s32 $0xffff, v25;
	(v2sf) =	vpush v18, $0xF;
	vm14 =	vmand vm7, vm14;
	vm7 =	veq.s32 v8, s1  }
0x3c5: {  	v37 =	vld [tilespmem:$0x8AF0];
	v24 =	vadd.f32 $1.000000050e-03, v12;
	v10 =	vmax.f32 v23, $0.0e+00;
	v28 =	vsel vm7, $0x1, v3  }
0x3c6: {  	v12 =	vmax.f32 v29, $0.0e+00;
	v14 =	vbroadcast v60, $0xF;
	v10 =	vadd.f32 $1.000000050e-03, v10;
	(xrf0) =	vadd.scan.msk.s32 $0xffff, v28  }
0x3c7: {  	v26 =	vld [tilespmem:$0x8B90];
	v39 =	vmax.f32 v19, $0.0e+00;
	v12 =	vadd.f32 $1.000000050e-03, v12;
	(erf) = vrcp.f32 v24  }
0x3c8: {  	v30 =	vadd.s32 v61, v14;
	v14 =	vmax.f32 v31, $0.0e+00;
	(erf) = vrcp.f32 v10  }
0x3c9: {  	v40 =	vadd.f32 $1.000000050e-03, v39;
	v14 =	vadd.f32 $1.000000050e-03, v14;
	v8 =	vpop (erf);
	(erf) = vrcp.f32 v12  }
0x3ca: {  	v35, _, _ =	vpop (xrf0);
	v12 =	vmax.f32 v37, $0.0e+00;
	vm9 =	vmor vm9, vm14;
	v11 =	vmul.f32 v8, v22  }
0x3cb: {  	v8 =	vadd.f32 $0.0e+00, v8;
	vm14 =	vle.s32 v30, s9;
	v32 =	vpop (erf);
	s10 =	spop (v2sf);
	(v2sf) =	vpush v35, $0xF  }
0x3cc: {  	v34 =	vld [tilespmem:$0x8BA0];
	v12 =	vadd.f32 $1.000000050e-03, v12;
	vm13 =	vmand vm13, vm14;
	v13 =	vmul.f32 v32, v26;
	v20, _, _ =	vpop (xrf0)  }
0x3cd: {  	v36 =	vld [tilespmem:$0x8BB0];
	v11 =	vadd.f32 $0.0e+00, v11;
	vm6 =	vmor vm6, vm13;
	s11 =	spop (v2sf);
	(v2sf) =	vpush v20, $0xF  }
0x3ce: {  	v8 =	vnsel vm9, $0x0, v8;
	v13 =	vnsel vm6, $0x0, v13;
	v9 =	vnsel vm6, $0x0, v32;
	s0 =	sadd.s32 s11, s10  }
0x3cf: {  	v33 =	vnsel vm9, $0x0, v11;
	v8 =	vadd.f32 v9, v8;
	s12 =	spop (v2sf);
	v16 =	vadd.s32 s0, v21  }
0x3d0: {  	v44 =	vld [tilespmem:$0x8BC0];
	v10 =	vadd.f32 v13, v33;
	v21 =	vpop (erf);
	(erf) = vrcp.f32 v14;
	s0 =	sadd.s32 s12, s0;
	vm13 =	vle.s32 v16, s9  }
0x3d1: {  	s16 =	spop (v2sf);
	v11 =	vmul.f32 v21, v34;
	v38 =	vadd.s32 s0, v27;
	v42 =	vpop (erf);
	(erf) = vrcp.f32 v40  }
0x3d2: {  	s0 =	sadd.s32 s16, s0;
	vm14 =	vmand vm11, vm13;
	vm15 =	vle.s32 v38, s9;
	v43 =	vmul.f32 v42, v36  }
0x3d3: {  	s11 =	spop (v2sf);
	vm11 =	veq.s32 v7, s1;
	v7 =	vadd.s32 s0, v18;
	(erf) = vrcp.f32 v12  }
0x3d4: {  	v48 =	vpop (erf);
	s0 =	sadd.s32 s11, s0;
	vm5 =	vmor vm5, vm14;
	vm6 =	vmand vm12, vm15;
	v47 =	vsel vm11, $0x1, v3  }
0x3d5: {  	vm12 =	vle.s32 v7, s9;
	v7 =	vmul.f32 v48, v44;
	v49 =	vadd.s32 s0, v35  }
0x3d6: {  	v11 =	vnsel vm5, $0x0, v11;
	v45 =	vnsel vm5, $0x0, v21;
	vm9 =	vmor vm4, vm6  }
0x3d7: {  	v46 =	vld [tilespmem:$0x8BD0];
	(xrf0) =	vadd.scan.msk.s32 $0xffff, v47;
	vm5 =	vmand vm8, vm12;
	v41 =	vadd.f32 v11, v10;
	v8 =	vadd.f32 v45, v8  }
0x3d8: {  	v51 =	vld [tilespmem:$0x8BE0];
	vm13 =	vle.s32 v49, s9;
	v11 =	vnsel vm9, $0x0, v43;
	v10 =	vnsel vm9, $0x0, v42  }
0x3d9: {  	vm3 =	vmor vm3, vm5;
	v9 =	vadd.f32 v11, v41;
	v8 =	vadd.f32 v10, v8  }
0x3da: {  	vm5 =	vmand vm10, vm13;
	v7 =	vnsel vm3, $0x0, v7;
	v53 =	vnsel vm3, $0x0, v48;
	s12 =	spop (v2sf)  }
0x3db: {  	v54 =	vld [tilespmem:$0x8BF0];
	vm2 =	vmor vm2, vm5;
	v50 =	vpop (erf);
	v7 =	vadd.f32 v7, v9;
	v8 =	vadd.f32 v53, v8;
	s0 =	sadd.s32 s12, s0  }
0x3dc: {  	v52 =	vmul.f32 v50, v46;
	v55 =	vpop (erf);
	v58 =	vnsel vm2, $0x0, v50;
	v57 =	vadd.s32 s0, v20;
	s16 =	spop (v2sf)  }
0x3dd: {  	v59, _, _ =	vpop (xrf0);
	v10 =	vmul.f32 v55, v51;
	v8 =	vadd.f32 v58, v8;
	vm14 =	vle.s32 v57, s9;
	s0 =	sadd.s32 s16, s0  }
0x3de: {  	v56 =	vnsel vm2, $0x0, v52;
	vm2 =	vmand vm7, vm14;
	v11 =	vadd.s32 s0, v59  }
0x3df: {  	v60 =	vpop (erf);
	v7 =	vadd.f32 v56, v7;
	vm1 =	vmor vm1, vm2;
	vm15 =	vle.s32 v11, s9  }
0x3e0: {  	v61 =	vmul.f32 v60, v54;
	v10 =	vnsel vm1, $0x0, v10;
	vm2 =	vmand vm11, vm15  }
0x3e1: {  	v62 =	vnsel vm1, $0x0, v55;
	v7 =	vadd.f32 v10, v7;
	vm0 =	vmor vm0, vm2  }
0x3e2: {  	v8 =	vadd.f32 v62, v8;
	v63 =	vnsel vm0, $0x0, v61  }
0x3e3: {  	v9 =	vnsel vm0, $0x0, v60;
	v7 =	vadd.f32 v63, v7  }
0x3e4: {  	v8 =	vadd.f32 v9, v8  }
0x3e5: {  	(xrf2) =	vadd.scan.msk.f32 $0xffff, v7  }
0x3e6: {  	(xrf2) =	vadd.scan.msk.f32 $0xffff, v8;
	_ =	sdelay $0x8  }
0x3e7: {  	v7, _, _ =	vpop (xrf2)  }
0x3e8: {  	v8, _, _ =	vpop (xrf2)  }
0x3e9: {  	v8 =	vbroadcast v8, $0xF;
	_ =	sdelay $0x1  }
0x3ea: {  	(erf) = vrcp.f32 v8;
	_ =	sdelay $0x5  }
0x3eb: {  	s2 =	sadd.s32 $0x1, s2  }
0x3ec: {  	p0 =	sne.s32 s2, $0x80  }
.Ltmp6:
0x3ed: {  	v7 =	vbroadcast v7, $0xF;
	(pc) =	sbr.rel @p0 .LBB2_2-.Ltmp6, $3  }
0x3ee: {  	v8 =	vpop (erf)  }
0x3ef: {  	v7 =	vmul.f32 v8, v7;
	_ =	sdelay $0x1  }
0x3f0: {  	[tilespmem:s31+$0x8D01] =	vst.msk $0x1, v7  }
0x3f1: {  	s0 =	simm.s32 $0x0;
	s1 =	rddreg [dreg:$0x2];
	s2 =	simm.s32 $0x8D00  }
0x3f2: {  	[hbm4b:s1+s0] =	stream.linear.scatter [tilespmem:s2], [sflag:$0x7], $0x100, $0x38;
	[tilespmem:$0x8E80] =	vst v63  }
0x3f3: {  	_ =	swait.ge [sflag:s13], $0x100  }
0x3f4: {  	s16 =	rddreg [dreg:$0x4]  }
0x3f5: {  	s31 =	rddreg [dreg:$0x3];
	s1 =	sadd.s32 $0x1, s16  }
0x3f6: {  	p0 =	sne.s32 s1, s31  }
.Ltmp7:
0x3f7: {  	_ = 	snop;
	(pc) =	sbr.rel @p0 .LBB2_1-.Ltmp7, $3  }
0x3f8: {  	_ =	sdelay $0x1  }
0x3f9: {  	[sflag:s13] =	ssyncset.done $0x0  }
0x3fa: {  	[sflag:s13] =	ssyncadd.s32 $0xFFFFFF00  }
0x3fb: {  	_ =	sfence.sel $0x180000  }
0x3fc: {  	[bflag:$0x0] =	sbarrier.arrive $0xFFFF  }
0x3fd: {  	_ =	strace $0x90000047  }
0x3fe: {  	s0 =	stileid.u32;
	[bflag:$0x2] =	sbarrier.arrive $0xFFFF  }
0x3ff: {  	p0 =	sne.s32 s0, $0x0;
	s0 =	rddreg [dreg:$0x1]  }
0x400: {  	s0 =	sadd.s32 @!p0 $0x100000, s0  }
0x401: {  	[sflag:s0] =	ssyncadd.tile.s32 @!p0 $0x1;
	_ =	shalt  }
.Lfunc_end2:
_tile_overlayer_lowered:
.L_overlay_start_2:
0x402: {  	(tag) =	ssettag $0x2  }
0x403: {  	s0 =	rddreg [dreg:$0x0];
	s2 =	stileid.u32  }
0x404: {  	s1 =	rddreg [dreg:$0x1];
	p0 =	sne.s32 s2, $0x0  }
0x405: {  	s3 =	rddreg [dreg:$0x2];
	[bflag:$0x3] =	sbarrier.arrive $0xFFFF;
	s2 =	simm.s32 @!p0 $0x1C07  }
0x406: {  	[timem:s3], [sflag:s2] =	dma.local @!p0 [hbm:s0], s1  }
0x407: {  	s0 =	simm.s32 @!p0 $0x7  }
0x408: {  	_ =	swait.ge @!p0 [sflag:s0], s1  }
0x409: {  	s1 =	ssub.s32 @!p0 $0x0, s1;
	[sflag:s0] =	ssyncset.done @!p0 $0x0  }
0x40a: {  	[sflag:s0] =	ssyncadd.s32 @!p0 s1  }
0x40b: {  	[bflag:$0x3] =	sbarrier.arrive $0xFFFF  }
0x40c: {  	_ =	shalt  }

</sc_bundles>
